<compile_context>
chip_gen: v7x
topology: tpu7x:2x2x1
jax: 0.10.2.dev20260603
libtpu: 0.0.44.dev20260713+nightly
codegen_flags: <defaults>
</compile_context>

<pallas_src>
import jax
import jax.numpy as jnp
from jax import lax
from jax.experimental import pallas as pl
from jax.experimental.pallas import tpu as pltpu
from jax.experimental.pallas import tpu_sc as plsc

STEPS = 16
L = STEPS + 1
WIN = 8
N = 100000
DEG = 16
E = N * DEG
D = 128

NT = 32
W = 3200
NP = NT * W
CK = 64
CH = W // CK
RING = 4


def _mesh():
    return plsc.VectorSubcoreMesh(core_axis_name="c", subcore_axis_name="s",
                                  num_cores=2, num_subcores=16)


def _tile_base():
    cid = lax.axis_index("c")
    sid = lax.axis_index("s")
    return (sid * 2 + cid) * W


def _sc_walk_body(adjn_h, pk_h, cho_h,
                  walks_h,
                  startb, rowa, rowb, pkb, chsb, chb, altb, newb, anewb,
                  gsem, wsem):
    base = _tile_base()

    def init_v(v, carry):
        ids = base + v * 16 + lax.iota(jnp.int32, 16)
        ids = jnp.minimum(ids, N - 1)
        startb[pl.ds(v * 16, 16)] = ids
        return carry
    lax.fori_loop(0, W // 16, init_v, 0)
    pltpu.async_copy(startb, walks_h.at[pl.ds(base, W)], wsem)

    def do_step(i, cur, prev, dst, with_bt, wait_dst_row):
        cho_sl = cho_h.at[pl.ds(i * N + base, W)]
        pltpu.async_copy(pk_h.at[cur], pkb, gsem)
        pltpu.async_copy(cho_sl, chsb, gsem)
        pltpu.make_async_copy(pk_h.at[cur], pkb, gsem).wait()
        pltpu.make_async_copy(cho_sl, chsb, gsem).wait()

        def comp1(v, carry):
            sl = pl.ds(v * 16, 16)
            pk = pkb[sl]
            d = lax.bitwise_and(pk, 31)
            off = lax.shift_right_logical(pk, 5)
            ch = chsb[sl]
            ei = lax.rem(ch, d)
            nbd = jnp.maximum(d - 1, 1)
            ai = lax.rem(ei + 1 + lax.rem(ch, nbd), d)
            chb[sl] = off + ei
            altb[sl] = off + ai
            return carry
        lax.fori_loop(0, W // 16, comp1, 0)

        pltpu.async_copy(adjn_h.at[chb], newb, gsem)
        if with_bt:
            pltpu.async_copy(adjn_h.at[altb], anewb, gsem)
        pltpu.make_async_copy(adjn_h.at[chb], newb, gsem).wait()
        if with_bt:
            pltpu.make_async_copy(adjn_h.at[altb], anewb, gsem).wait()

        if wait_dst_row:
            pltpu.make_async_copy(
                dst, walks_h.at[pl.ds((i - 1) * NP + base, W)], wsem).wait()

        def comp2(v, carry):
            sl = pl.ds(v * 16, 16)
            nw = newb[sl]
            if with_bt:
                an = anewb[sl]
                pv = prev[sl]
                dst[sl] = jnp.where(nw == pv, an, nw)
            else:
                dst[sl] = nw
            return carry
        lax.fori_loop(0, W // 16, comp2, 0)

        pltpu.async_copy(dst, walks_h.at[pl.ds((i + 1) * NP + base, W)],
                         wsem)

    do_step(0, startb, None, rowb, False, False)
    do_step(1, rowb, startb, rowa, True, False)

    def pair(t, carry):
        do_step(2 * t, rowa, rowb, rowb, True, True)
        do_step(2 * t + 1, rowb, rowa, rowa, True, True)
        return carry
    lax.fori_loop(1, STEPS // 2, pair, 0)

    pltpu.make_async_copy(startb, walks_h.at[pl.ds(base, W)], wsem).wait()
    pltpu.make_async_copy(rowb, walks_h.at[pl.ds(15 * NP + base, W)],
                          wsem).wait()
    pltpu.make_async_copy(rowa, walks_h.at[pl.ds(16 * NP + base, W)],
                          wsem).wait()


def _sc_pool_body(x_h, walks_h,
                  pooled_h,
                  wk, ring, idxb, accS,
                  lsem, gs0, gs1, gs2, gs3, ss0, ss1, ss2, ss3, psem):
    base = _tile_base()
    sid = lax.axis_index("s")
    rstart = sid * CK
    gs = [gs0, gs1, gs2, gs3]
    ss = [ss0, ss1, ss2, ss3]

    def lin(j, carry):
        pltpu.async_copy(walks_h.at[pl.ds(j * NP + base, W)], wk.at[j], lsem)
        return carry
    lax.fori_loop(0, L, lin, 0)

    def idx_init(v, carry):
        idxb[pl.ds(v * 16, 16)] = rstart + v * 16 + lax.iota(jnp.int32, 16)
        return carry
    lax.fori_loop(0, CK // 16, idx_init, 0)

    def lwait(j, carry):
        pltpu.make_async_copy(walks_h.at[pl.ds(j * NP + base, W)],
                              wk.at[j], lsem).wait()
        return carry
    lax.fori_loop(0, L, lwait, 0)

    def chunkloop(c, carry):
        ck0 = pl.ds(c * CK, CK)
        for j in range(RING - 1):
            pltpu.async_copy(x_h.at[wk.at[j, ck0]], ring.at[j], gs[j])
        for j in range(L):
            b = j % RING
            pltpu.make_async_copy(x_h.at[wk.at[j, ck0]],
                                  ring.at[b], gs[b]).wait()
            pltpu.async_copy(ring.at[b], accS.at[idxb], ss[b],
                             add=(j > 0))
            if j == 0:
                pltpu.make_async_copy(ring.at[0], accS.at[idxb],
                                      ss[0]).wait()
            jn = j + RING - 1
            if jn < L:
                if j >= 2:
                    pb = (j - 1) % RING
                    pltpu.make_async_copy(ring.at[pb], accS.at[idxb],
                                          ss[pb]).wait()
                pltpu.async_copy(x_h.at[wk.at[jn, ck0]],
                                 ring.at[jn % RING], gs[jn % RING])
        for j in range(L - RING, L):
            b = j % RING
            pltpu.make_async_copy(ring.at[b], accS.at[idxb], ss[b]).wait()
        cpw = pltpu.async_copy(accS.at[pl.ds(rstart, CK), :],
                               pooled_h.at[pl.ds(base + c * CK, CK), :],
                               psem)
        cpw.wait()
        return carry
    lax.fori_loop(0, CH, chunkloop, 0)


def _sc_walk(adj_nodes, packed, choices_flat):
    kfn = pl.kernel(
        _sc_walk_body,
        out_type=[jax.ShapeDtypeStruct((L * NP,), jnp.int32)],
        mesh=_mesh(),
        scratch_types=[
            pltpu.VMEM((W,), jnp.int32),
            pltpu.VMEM((W,), jnp.int32),
            pltpu.VMEM((W,), jnp.int32),
            pltpu.VMEM((W,), jnp.int32),
            pltpu.VMEM((W,), jnp.int32),
            pltpu.VMEM((W,), jnp.int32),
            pltpu.VMEM((W,), jnp.int32),
            pltpu.VMEM((W,), jnp.int32),
            pltpu.VMEM((W,), jnp.int32),
            pltpu.SemaphoreType.DMA,
            pltpu.SemaphoreType.DMA,
        ],
    )
    return kfn(adj_nodes, packed, choices_flat)[0]


def _sc_pool(x, walks_flat):
    kfn = pl.kernel(
        _sc_pool_body,
        out_type=[jax.ShapeDtypeStruct((NP, D), jnp.float32)],
        mesh=_mesh(),
        scratch_types=[
            pltpu.VMEM((L, W), jnp.int32),
            pltpu.VMEM((RING, CK, D), jnp.float32),
            pltpu.VMEM((CK,), jnp.int32),
            pltpu.VMEM_SHARED((16 * CK, D), jnp.float32),
            pltpu.SemaphoreType.DMA,
            pltpu.SemaphoreType.DMA,
            pltpu.SemaphoreType.DMA,
            pltpu.SemaphoreType.DMA,
            pltpu.SemaphoreType.DMA,
            pltpu.SemaphoreType.DMA,
            pltpu.SemaphoreType.DMA,
            pltpu.SemaphoreType.DMA,
            pltpu.SemaphoreType.DMA,
            pltpu.SemaphoreType.DMA,
        ],
    )
    return kfn(x, walks_flat)[0]


def _scale_body(x_ref, o_ref):
    o_ref[...] = x_ref[...] * jnp.float32(1.0 / L)


def _scale_tc(x):
    BR = 2000
    return pl.pallas_call(
        _scale_body,
        grid=(N // BR,),
        in_specs=[pl.BlockSpec((BR, D), lambda i: (i, 0))],
        out_specs=pl.BlockSpec((BR, D), lambda i: (i, 0)),
        out_shape=jax.ShapeDtypeStruct((N, D), jnp.float32),
    )(x)


def _idenc_body(w_ref, o_ref):
    w = w_ref[...]
    bn = w.shape[1]
    rows = []
    for t in range(WIN):
        d = WIN - t
        eq = (w[d:, :] == w[:-d, :]).astype(jnp.int32)
        z = jnp.zeros((d, bn), jnp.int32)
        rows.append(jnp.concatenate([z, eq], axis=0))
    o_ref[...] = jnp.stack(rows, axis=1) != 0


def _idenc_tc(walks_pad):
    BN = 2048
    grid = (NP // BN,)
    return pl.pallas_call(
        _idenc_body,
        grid=grid,
        in_specs=[pl.BlockSpec((L, BN), lambda i: (0, i))],
        out_specs=pl.BlockSpec((L, WIN, BN), lambda i: (0, 0, i)),
        out_shape=jax.ShapeDtypeStruct((L, WIN, NP), jnp.bool_),
    )(walks_pad)


def kernel(x, adj_nodes, adj_offset, degrees, choices):
    xs = _scale_tc(x)
    packed = adj_offset * 32 + degrees
    walks_flat = _sc_walk(adj_nodes, packed, choices.reshape(-1))
    pooled_pad = _sc_pool(xs, walks_flat)
    walks_pad = walks_flat.reshape(L, NP)
    walks = walks_pad[:, :N]
    pooled = pooled_pad[:N]
    id_enc = _idenc_tc(walks_pad)[:, :, :N]
    return pooled, walks, id_enc

# --- scband reference (transcript-rebuilt; emitter-appended) ---
"""Pipeline reference for scband-walker-17927193494330 (READ-ONLY COPY).

The authoritative reference and input builder live on the scoring server;
editing this copy changes nothing except your own understanding.
"""

import jax, jax.numpy as jnp
import numpy as np

STEPS = 16
WIN = 8
N_NODES = 100000
DEG = 16
E = N_NODES * DEG
D_FEAT = 128


def setup_inputs(seed: int = 0) -> dict:
    key = jax.random.key(seed)
    k1, k2, k3, k4, k5 = jax.random.split(key, 5)
    x = jax.random.normal(k1, (N_NODES, D_FEAT), dtype=jnp.float32)
    adj_nodes = jax.random.randint(k2, (E,), 0, N_NODES, dtype=jnp.int32)
    adj_offset = jnp.sort(jax.random.randint(k3, (N_NODES,), 0, E - DEG, dtype=jnp.int32))
    degrees = jax.random.randint(k4, (N_NODES,), 1, DEG + 1, dtype=jnp.int32)
    choices = jax.random.randint(k5, (STEPS, N_NODES), 0, 2147483647, dtype=jnp.int32)
    return {"x": x, "adj_nodes": adj_nodes, "adj_offset": adj_offset, "degrees": degrees, "choices": choices}


def _sample_walks(adj_nodes, adj_offset, degrees, choices):
    # non-backtracking random walks, start at every node (eval path, start_p=1.0)
    n = degrees.shape[0]
    l = STEPS + 1
    s = WIN
    nb_degree_mask = degrees == 1
    nb_degrees = jnp.where(nb_degree_mask, degrees, degrees - 1)
    walks = [jnp.arange(n, dtype=adj_nodes.dtype)]
    for i in range(STEPS):
        cur_nodes = walks[i]
        edge_idx = choices[i] % degrees[cur_nodes]
        chosen_edges = adj_offset[cur_nodes] + edge_idx
        if i > 0:
            new_nodes = adj_nodes[chosen_edges]
            bt = new_nodes == walks[i - 1]
            alt = adj_offset[cur_nodes] + (edge_idx + 1 + choices[i] % nb_degrees[cur_nodes]) % degrees[cur_nodes]
            chosen_edges = jnp.where(bt, alt, chosen_edges)
        walks.append(adj_nodes[chosen_edges])
    walks = jnp.stack(walks, 0)  # [l, w]
    # windowed identity encoding: id_enc[i+1, s-o:] = eq(walks[i+1-o:i+1], walks[i+1])
    id_enc = jnp.zeros((l, s, n), dtype=bool)
    for j in range(1, l):
        o = min(s, j)
        for t in range(o):
            id_enc = id_enc.at[j, s - o + t].set(walks[j - o + t] == walks[j])
    return walks, id_enc


def reference(x, adj_nodes, adj_offset, degrees, choices):
    walks, id_enc = _sample_walks(adj_nodes, adj_offset, degrees, choices)
    l = walks.shape[0]
    acc = jnp.zeros((walks.shape[1], x.shape[1]), dtype=x.dtype)
    for j in range(l):
        acc = acc + x[walks[j]]
    pooled = acc / l
    return pooled, walks, id_enc

if __name__ == "__main__":
    import jax
    _d = setup_inputs()
    print(jax.jit(kernel)(*tuple(_d.values())))

</pallas_src>

<mosaic_0001>
#map = affine_map<(d0, d1) -> (0, 0)>
#map1 = affine_map<(d0, d1) -> (0)>
module attributes {stable_mosaic.version = 14 : i64} {
  func.func @_sc_pool_body(%arg0: i32, %arg1: i32, %arg2: memref<100000x128xf32, #tpu.memory_space<hbm>>, %arg3: memref<1740800xi32, #tpu.memory_space<hbm>>, %arg4: memref<102400x128xf32, #tpu.memory_space<hbm>>, %arg5: memref<17x3200xi32, #tpu.memory_space<vmem>>, %arg6: memref<4x64x128xf32, #tpu.memory_space<vmem>>, %arg7: memref<64xi32, #tpu.memory_space<vmem>>, %arg8: memref<1024x128xf32, #tpu.memory_space<vmem_shared>>, %arg9: memref<!tpu.dma_semaphore, #tpu.memory_space<semaphore_mem>>, %arg10: memref<!tpu.dma_semaphore, #tpu.memory_space<semaphore_mem>>, %arg11: memref<!tpu.dma_semaphore, #tpu.memory_space<semaphore_mem>>, %arg12: memref<!tpu.dma_semaphore, #tpu.memory_space<semaphore_mem>>, %arg13: memref<!tpu.dma_semaphore, #tpu.memory_space<semaphore_mem>>, %arg14: memref<!tpu.dma_semaphore, #tpu.memory_space<semaphore_mem>>, %arg15: memref<!tpu.dma_semaphore, #tpu.memory_space<semaphore_mem>>, %arg16: memref<!tpu.dma_semaphore, #tpu.memory_space<semaphore_mem>>, %arg17: memref<!tpu.dma_semaphore, #tpu.memory_space<semaphore_mem>>, %arg18: memref<!tpu.dma_semaphore, #tpu.memory_space<semaphore_mem>>) attributes {dimension_semantics = [#tpu.dimension_semantics<core_parallel>, #tpu.dimension_semantics<subcore_parallel>], iteration_bounds = array<i64: 2, 16>, scalar_prefetch = 0 : i64, scratch_operands = 14 : i64, tpu.core_type = #tpu.core_type<sc_vector_subcore>, window_params = [{transform_indices = #map}, {transform_indices = #map1}, {transform_indices = #map}]} {
    %mul3A = arith.constant 2 : i32
    %mul3A_0 = arith.muli %arg1, %mul3A : i32
    %add3A = arith.addi %mul3A_0, %arg0 : i32
    %mul3A_1 = arith.constant 3200 : i32
    %mul3A_2 = arith.muli %add3A, %mul3A_1 : i32
    %mul3A_3 = arith.constant 64 : i32
    %mul3A_4 = arith.muli %arg1, %mul3A_3 : i32
    %scan3A = arith.constant 0 : i32
    %scan3A_5 = arith.constant 0 : i32
    %scan3A_6 = arith.constant 17 : i32
    %scan3A_7 = arith.addi %scan3A_5, %scan3A_6 : i32
    %scan3A_8 = arith.constant 1 : i32
    scf.for %scan3A_28 = %scan3A_5 to %scan3A_7 step %scan3A_8  : i32 {
      %mul3A_29 = arith.constant 102400 : i32
      %mul3A_30 = arith.muli %scan3A_28, %mul3A_29 : i32
      %add3A_31 = arith.addi %mul3A_30, %mul3A_2 : i32
      %dma_start3A = arith.constant 0 : i32
      %dma_start3A_32 = tpu.memref_slice %arg5[%scan3A_28, %dma_start3A] : memref<17x3200xi32, #tpu.memory_space<vmem>> -> memref<1x3200xi32, #tpu.memory_space<vmem>>
      %dma_start3A_33 = tpu.memref_squeeze %dma_start3A_32 : memref<1x3200xi32, #tpu.memory_space<vmem>> -> memref<3200xi32, #tpu.memory_space<vmem>>
      %dma_start3A_34 = tpu.memref_slice %arg3[%add3A_31] : memref<1740800xi32, #tpu.memory_space<hbm>> -> memref<3200xi32, #tpu.memory_space<hbm>>
      %dma_start3A_35 = arith.constant 0 : i32
      %dma_start3A_36 = tpu.memref_slice %arg5[%scan3A_28, %dma_start3A_35] : memref<17x3200xi32, #tpu.memory_space<vmem>> -> memref<1x3200xi32, #tpu.memory_space<vmem>>
      %dma_start3A_37 = tpu.memref_squeeze %dma_start3A_36 : memref<1x3200xi32, #tpu.memory_space<vmem>> -> memref<3200xi32, #tpu.memory_space<vmem>>
      %dma_start3A_38 = tpu.memref_slice %arg3[%add3A_31] : memref<1740800xi32, #tpu.memory_space<hbm>> -> memref<3200xi32, #tpu.memory_space<hbm>>
      tpu.enqueue_dma source(%dma_start3A_38 : memref<3200xi32, #tpu.memory_space<hbm>>) target(%dma_start3A_37 : memref<3200xi32, #tpu.memory_space<vmem>>) target_semaphore(%arg9 : memref<!tpu.dma_semaphore, #tpu.memory_space<semaphore_mem>>)
    }
    %scan3A_9 = arith.constant 17 : i32
    %scan3A_10 = arith.constant 0 : i32
    %scan3A_11 = arith.constant 0 : i32
    %scan3A_12 = arith.constant 4 : i32
    %scan3A_13 = arith.addi %scan3A_11, %scan3A_12 : i32
    %scan3A_14 = arith.constant 1 : i32
    scf.for %scan3A_28 = %scan3A_11 to %scan3A_13 step %scan3A_14  : i32 {
      %mul3A_29 = arith.constant 16 : i32
      %mul3A_30 = arith.muli %scan3A_28, %mul3A_29 : i32
      %add3A_31 = arith.addi %mul3A_4, %mul3A_30 : i32
      %iota3A = tpu.iota {dimensions = array<i32: 0>} : vector<16xi32>
      %add3A_32 = vector.broadcast %add3A_31 : i32 to vector<16xi32>
      %add3A_33 = arith.addi %add3A_32, %iota3A : vector<16xi32>
      %mul3A_34 = arith.constant 16 : i32
      %mul3A_35 = arith.muli %scan3A_28, %mul3A_34 : i32
      %swap3A = arith.index_cast %mul3A_35 : i32 to index
      %swap3A_36 = tpu.vector_load %arg7[%swap3A] {strides = array<i32>} : memref<64xi32, #tpu.memory_space<vmem>>, vector<16xi32>,
      %swap3A_37 = vector.shape_cast %swap3A_36 : vector<16xi32> to vector<16xi32>
      %swap3A_38 = vector.shape_cast %add3A_33 : vector<16xi32> to vector<16xi32>
      tpu.vector_store %arg7[%swap3A], %swap3A_38 {strides = array<i32>} : memref<64xi32, #tpu.memory_space<vmem>>, vector<16xi32>,
    }
    %scan3A_15 = arith.constant 4 : i32
    %scan3A_16 = arith.constant 0 : i32
    %scan3A_17 = arith.constant 0 : i32
    %scan3A_18 = arith.constant 17 : i32
    %scan3A_19 = arith.addi %scan3A_17, %scan3A_18 : i32
    %scan3A_20 = arith.constant 1 : i32
    scf.for %scan3A_28 = %scan3A_17 to %scan3A_19 step %scan3A_20  : i32 {
      %mul3A_29 = arith.constant 102400 : i32
      %mul3A_30 = arith.muli %scan3A_28, %mul3A_29 : i32
      %add3A_31 = arith.addi %mul3A_30, %mul3A_2 : i32
      %dma_wait3A = arith.constant 0 : i32
      %dma_wait3A_32 = tpu.memref_slice %arg5[%scan3A_28, %dma_wait3A] : memref<17x3200xi32, #tpu.memory_space<vmem>> -> memref<1x3200xi32, #tpu.memory_space<vmem>>
      %dma_wait3A_33 = tpu.memref_squeeze %dma_wait3A_32 : memref<1x3200xi32, #tpu.memory_space<vmem>> -> memref<3200xi32, #tpu.memory_space<vmem>>
      %dma_wait3A_34 = tpu.memref_slice %arg3[%add3A_31] : memref<1740800xi32, #tpu.memory_space<hbm>> -> memref<3200xi32, #tpu.memory_space<hbm>>
      %dma_wait3A_35 = arith.constant 0 : i32
      %dma_wait3A_36 = tpu.memref_slice %arg5[%scan3A_28, %dma_wait3A_35] : memref<17x3200xi32, #tpu.memory_space<vmem>> -> memref<1x3200xi32, #tpu.memory_space<vmem>>
      %dma_wait3A_37 = tpu.memref_squeeze %dma_wait3A_36 : memref<1x3200xi32, #tpu.memory_space<vmem>> -> memref<3200xi32, #tpu.memory_space<vmem>>
      %dma_wait3A_38 = tpu.memref_slice %arg3[%add3A_31] : memref<1740800xi32, #tpu.memory_space<hbm>> -> memref<3200xi32, #tpu.memory_space<hbm>>
      tpu.wait_dma2 semaphore(%arg9 : memref<!tpu.dma_semaphore, #tpu.memory_space<semaphore_mem>>) src(%dma_wait3A_38 : memref<3200xi32, #tpu.memory_space<hbm>>) dst(%dma_wait3A_37 : memref<3200xi32, #tpu.memory_space<vmem>>)
    }
    %scan3A_21 = arith.constant 17 : i32
    %scan3A_22 = arith.constant 0 : i32
    %scan3A_23 = arith.constant 0 : i32
    %scan3A_24 = arith.constant 50 : i32
    %scan3A_25 = arith.addi %scan3A_23, %scan3A_24 : i32
    %scan3A_26 = arith.constant 1 : i32
    scf.for %scan3A_28 = %scan3A_23 to %scan3A_25 step %scan3A_26  : i32 {
      %mul3A_29 = arith.constant 64 : i32
      %mul3A_30 = arith.muli %scan3A_28, %mul3A_29 : i32
      %dma_start3A = arith.constant 0 : i32
      %dma_start3A_31 = arith.constant 0 : i32
      %dma_start3A_32 = arith.constant 0 : i32
      %dma_start3A_33 = arith.constant 0 : i32
      %dma_start3A_34 = tpu.memref_slice %arg6[%dma_start3A_31, %dma_start3A_32, %dma_start3A_33] : memref<4x64x128xf32, #tpu.memory_space<vmem>> -> memref<1x64x128xf32, #tpu.memory_space<vmem>>
      %dma_start3A_35 = tpu.memref_squeeze %dma_start3A_34 : memref<1x64x128xf32, #tpu.memory_space<vmem>> -> memref<64x128xf32, #tpu.memory_space<vmem>>
      %dma_start3A_36 = tpu.memref_slice %arg5[%dma_start3A, %mul3A_30] : memref<17x3200xi32, #tpu.memory_space<vmem>> -> memref<1x64xi32, #tpu.memory_space<vmem>>
      %dma_start3A_37 = tpu.memref_squeeze %dma_start3A_36 : memref<1x64xi32, #tpu.memory_space<vmem>> -> memref<64xi32, #tpu.memory_space<vmem>>
      %dma_start3A_38 = arith.constant 0 : i32
      %dma_start3A_39 = arith.constant 0 : i32
      %dma_start3A_40 = tpu.memref_slice %arg2[%dma_start3A_38, %dma_start3A_39] : memref<100000x128xf32, #tpu.memory_space<hbm>> -> memref<100000x128xf32, #tpu.memory_space<hbm>>
      tpu.enqueue_indirect_dma source(%dma_start3A_40 : memref<100000x128xf32, #tpu.memory_space<hbm>>) target(%dma_start3A_35 : memref<64x128xf32, #tpu.memory_space<vmem>>) offsets(%dma_start3A_37 : memref<64xi32, #tpu.memory_space<vmem>>) semaphore(%arg10 : memref<!tpu.dma_semaphore, #tpu.memory_space<semaphore_mem>>)
      %dma_start3A_41 = arith.constant 1 : i32
      %dma_start3A_42 = arith.constant 1 : i32
      %dma_start3A_43 = arith.constant 0 : i32
      %dma_start3A_44 = arith.constant 0 : i32
      %dma_start3A_45 = tpu.memref_slice %arg6[%dma_start3A_42, %dma_start3A_43, %dma_start3A_44] : memref<4x64x128xf32, #tpu.memory_space<vmem>> -> memref<1x64x128xf32, #tpu.memory_space<vmem>>
      %dma_start3A_46 = tpu.memref_squeeze %dma_start3A_45 : memref<1x64x128xf32, #tpu.memory_space<vmem>> -> memref<64x128xf32, #tpu.memory_space<vmem>>
      %dma_start3A_47 = tpu.memref_slice %arg5[%dma_start3A_41, %mul3A_30] : memref<17x3200xi32, #tpu.memory_space<vmem>> -> memref<1x64xi32, #tpu.memory_space<vmem>>
      %dma_start3A_48 = tpu.memref_squeeze %dma_start3A_47 : memref<1x64xi32, #tpu.memory_space<vmem>> -> memref<64xi32, #tpu.memory_space<vmem>>
      %dma_start3A_49 = arith.constant 0 : i32
      %dma_start3A_50 = arith.constant 0 : i32
      %dma_start3A_51 = tpu.memref_slice %arg2[%dma_start3A_49, %dma_start3A_50] : memref<100000x128xf32, #tpu.memory_space<hbm>> -> memref<100000x128xf32, #tpu.memory_space<hbm>>
      tpu.enqueue_indirect_dma source(%dma_start3A_51 : memref<100000x128xf32, #tpu.memory_space<hbm>>) target(%dma_start3A_46 : memref<64x128xf32, #tpu.memory_space<vmem>>) offsets(%dma_start3A_48 : memref<64xi32, #tpu.memory_space<vmem>>) semaphore(%arg11 : memref<!tpu.dma_semaphore, #tpu.memory_space<semaphore_mem>>)
      %dma_start3A_52 = arith.constant 2 : i32
      %dma_start3A_53 = arith.constant 2 : i32
      %dma_start3A_54 = arith.constant 0 : i32
      %dma_start3A_55 = arith.constant 0 : i32
      %dma_start3A_56 = tpu.memref_slice %arg6[%dma_start3A_53, %dma_start3A_54, %dma_start3A_55] : memref<4x64x128xf32, #tpu.memory_space<vmem>> -> memref<1x64x128xf32, #tpu.memory_space<vmem>>
      %dma_start3A_57 = tpu.memref_squeeze %dma_start3A_56 : memref<1x64x128xf32, #tpu.memory_space<vmem>> -> memref<64x128xf32, #tpu.memory_space<vmem>>
      %dma_start3A_58 = tpu.memref_slice %arg5[%dma_start3A_52, %mul3A_30] : memref<17x3200xi32, #tpu.memory_space<vmem>> -> memref<1x64xi32, #tpu.memory_space<vmem>>
      %dma_start3A_59 = tpu.memref_squeeze %dma_start3A_58 : memref<1x64xi32, #tpu.memory_space<vmem>> -> memref<64xi32, #tpu.memory_space<vmem>>
      %dma_start3A_60 = arith.constant 0 : i32
      %dma_start3A_61 = arith.constant 0 : i32
      %dma_start3A_62 = tpu.memref_slice %arg2[%dma_start3A_60, %dma_start3A_61] : memref<100000x128xf32, #tpu.memory_space<hbm>> -> memref<100000x128xf32, #tpu.memory_space<hbm>>
      tpu.enqueue_indirect_dma source(%dma_start3A_62 : memref<100000x128xf32, #tpu.memory_space<hbm>>) target(%dma_start3A_57 : memref<64x128xf32, #tpu.memory_space<vmem>>) offsets(%dma_start3A_59 : memref<64xi32, #tpu.memory_space<vmem>>) semaphore(%arg12 : memref<!tpu.dma_semaphore, #tpu.memory_space<semaphore_mem>>)
      %dma_wait3A = arith.constant 0 : i32
      %dma_wait3A_63 = arith.constant 0 : i32
      %dma_wait3A_64 = arith.constant 0 : i32
      %dma_wait3A_65 = arith.constant 0 : i32
      %dma_wait3A_66 = tpu.memref_slice %arg6[%dma_wait3A_63, %dma_wait3A_64, %dma_wait3A_65] : memref<4x64x128xf32, #tpu.memory_space<vmem>> -> memref<1x64x128xf32, #tpu.memory_space<vmem>>
      %dma_wait3A_67 = tpu.memref_squeeze %dma_wait3A_66 : memref<1x64x128xf32, #tpu.memory_space<vmem>> -> memref<64x128xf32, #tpu.memory_space<vmem>>
      %dma_wait3A_68 = tpu.memref_slice %arg5[%dma_wait3A, %mul3A_30] : memref<17x3200xi32, #tpu.memory_space<vmem>> -> memref<1x64xi32, #tpu.memory_space<vmem>>
      %dma_wait3A_69 = tpu.memref_squeeze %dma_wait3A_68 : memref<1x64xi32, #tpu.memory_space<vmem>> -> memref<64xi32, #tpu.memory_space<vmem>>
      %dma_wait3A_70 = arith.constant 0 : i32
      %dma_wait3A_71 = arith.constant 0 : i32
      %dma_wait3A_72 = tpu.memref_slice %arg2[%dma_wait3A_70, %dma_wait3A_71] : memref<100000x128xf32, #tpu.memory_space<hbm>> -> memref<100000x128xf32, #tpu.memory_space<hbm>>
      tpu.wait_indirect_dma semaphore(%arg10 : memref<!tpu.dma_semaphore, #tpu.memory_space<semaphore_mem>>) src(%dma_wait3A_72 : memref<100000x128xf32, #tpu.memory_space<hbm>>) dst(%dma_wait3A_67 : memref<64x128xf32, #tpu.memory_space<vmem>>)
      %dma_start3A_73 = arith.constant 0 : i32
      %dma_start3A_74 = arith.constant 0 : i32
      %dma_start3A_75 = arith.constant 0 : i32
      %dma_start3A_76 = tpu.memref_slice %arg6[%dma_start3A_73, %dma_start3A_74, %dma_start3A_75] : memref<4x64x128xf32, #tpu.memory_space<vmem>> -> memref<1x64x128xf32, #tpu.memory_space<vmem>>
      %dma_start3A_77 = tpu.memref_squeeze %dma_start3A_76 : memref<1x64x128xf32, #tpu.memory_space<vmem>> -> memref<64x128xf32, #tpu.memory_space<vmem>>
      %dma_start3A_78 = arith.constant 0 : i32
      %dma_start3A_79 = arith.constant 0 : i32
      %dma_start3A_80 = tpu.memref_slice %arg8[%dma_start3A_78, %dma_start3A_79] : memref<1024x128xf32, #tpu.memory_space<vmem_shared>> -> memref<1024x128xf32, #tpu.memory_space<vmem_shared>>
      tpu.enqueue_indirect_dma source(%dma_start3A_77 : memref<64x128xf32, #tpu.memory_space<vmem>>) target(%dma_start3A_80 : memref<1024x128xf32, #tpu.memory_space<vmem_shared>>) offsets(%arg7 : memref<64xi32, #tpu.memory_space<vmem>>) semaphore(%arg14 : memref<!tpu.dma_semaphore, #tpu.memory_space<semaphore_mem>>)
      %dma_wait3A_81 = arith.constant 0 : i32
      %dma_wait3A_82 = arith.constant 0 : i32
      %dma_wait3A_83 = arith.constant 0 : i32
      %dma_wait3A_84 = tpu.memref_slice %arg6[%dma_wait3A_81, %dma_wait3A_82, %dma_wait3A_83] : memref<4x64x128xf32, #tpu.memory_space<vmem>> -> memref<1x64x128xf32, #tpu.memory_space<vmem>>
      %dma_wait3A_85 = tpu.memref_squeeze %dma_wait3A_84 : memref<1x64x128xf32, #tpu.memory_space<vmem>> -> memref<64x128xf32, #tpu.memory_space<vmem>>
      %dma_wait3A_86 = arith.constant 0 : i32
      %dma_wait3A_87 = arith.constant 0 : i32
      %dma_wait3A_88 = tpu.memref_slice %arg8[%dma_wait3A_86, %dma_wait3A_87] : memref<1024x128xf32, #tpu.memory_space<vmem_shared>> -> memref<1024x128xf32, #tpu.memory_space<vmem_shared>>
      tpu.wait_indirect_dma semaphore(%arg14 : memref<!tpu.dma_semaphore, #tpu.memory_space<semaphore_mem>>) src(%dma_wait3A_85 : memref<64x128xf32, #tpu.memory_space<vmem>>) dst(%dma_wait3A_88 : memref<1024x128xf32, #tpu.memory_space<vmem_shared>>)
      %dma_start3A_89 = arith.constant 3 : i32
      %dma_start3A_90 = arith.constant 3 : i32
      %dma_start3A_91 = arith.constant 0 : i32
      %dma_start3A_92 = arith.constant 0 : i32
      %dma_start3A_93 = tpu.memref_slice %arg6[%dma_start3A_90, %dma_start3A_91, %dma_start3A_92] : memref<4x64x128xf32, #tpu.memory_space<vmem>> -> memref<1x64x128xf32, #tpu.memory_space<vmem>>
      %dma_start3A_94 = tpu.memref_squeeze %dma_start3A_93 : memref<1x64x128xf32, #tpu.memory_space<vmem>> -> memref<64x128xf32, #tpu.memory_space<vmem>>
      %dma_start3A_95 = tpu.memref_slice %arg5[%dma_start3A_89, %mul3A_30] : memref<17x3200xi32, #tpu.memory_space<vmem>> -> memref<1x64xi32, #tpu.memory_space<vmem>>
      %dma_start3A_96 = tpu.memref_squeeze %dma_start3A_95 : memref<1x64xi32, #tpu.memory_space<vmem>> -> memref<64xi32, #tpu.memory_space<vmem>>
      %dma_start3A_97 = arith.constant 0 : i32
      %dma_start3A_98 = arith.constant 0 : i32
      %dma_start3A_99 = tpu.memref_slice %arg2[%dma_start3A_97, %dma_start3A_98] : memref<100000x128xf32, #tpu.memory_space<hbm>> -> memref<100000x128xf32, #tpu.memory_space<hbm>>
      tpu.enqueue_indirect_dma source(%dma_start3A_99 : memref<100000x128xf32, #tpu.memory_space<hbm>>) target(%dma_start3A_94 : memref<64x128xf32, #tpu.memory_space<vmem>>) offsets(%dma_start3A_96 : memref<64xi32, #tpu.memory_space<vmem>>) semaphore(%arg13 : memref<!tpu.dma_semaphore, #tpu.memory_space<semaphore_mem>>)
      %dma_wait3A_100 = arith.constant 1 : i32
      %dma_wait3A_101 = arith.constant 1 : i32
      %dma_wait3A_102 = arith.constant 0 : i32
      %dma_wait3A_103 = arith.constant 0 : i32
      %dma_wait3A_104 = tpu.memref_slice %arg6[%dma_wait3A_101, %dma_wait3A_102, %dma_wait3A_103] : memref<4x64x128xf32, #tpu.memory_space<vmem>> -> memref<1x64x128xf32, #tpu.memory_space<vmem>>
      %dma_wait3A_105 = tpu.memref_squeeze %dma_wait3A_104 : memref<1x64x128xf32, #tpu.memory_space<vmem>> -> memref<64x128xf32, #tpu.memory_space<vmem>>
      %dma_wait3A_106 = tpu.memref_slice %arg5[%dma_wait3A_100, %mul3A_30] : memref<17x3200xi32, #tpu.memory_space<vmem>> -> memref<1x64xi32, #tpu.memory_space<vmem>>
      %dma_wait3A_107 = tpu.memref_squeeze %dma_wait3A_106 : memref<1x64xi32, #tpu.memory_space<vmem>> -> memref<64xi32, #tpu.memory_space<vmem>>
      %dma_wait3A_108 = arith.constant 0 : i32
      %dma_wait3A_109 = arith.constant 0 : i32
      %dma_wait3A_110 = tpu.memref_slice %arg2[%dma_wait3A_108, %dma_wait3A_109] : memref<100000x128xf32, #tpu.memory_space<hbm>> -> memref<100000x128xf32, #tpu.memory_space<hbm>>
      tpu.wait_indirect_dma semaphore(%arg11 : memref<!tpu.dma_semaphore, #tpu.memory_space<semaphore_mem>>) src(%dma_wait3A_110 : memref<100000x128xf32, #tpu.memory_space<hbm>>) dst(%dma_wait3A_105 : memref<64x128xf32, #tpu.memory_space<vmem>>)
      %dma_start3A_111 = arith.constant 1 : i32
      %dma_start3A_112 = arith.constant 0 : i32
      %dma_start3A_113 = arith.constant 0 : i32
      %dma_start3A_114 = tpu.memref_slice %arg6[%dma_start3A_111, %dma_start3A_112, %dma_start3A_113] : memref<4x64x128xf32, #tpu.memory_space<vmem>> -> memref<1x64x128xf32, #tpu.memory_space<vmem>>
      %dma_start3A_115 = tpu.memref_squeeze %dma_start3A_114 : memref<1x64x128xf32, #tpu.memory_space<vmem>> -> memref<64x128xf32, #tpu.memory_space<vmem>>
      %dma_start3A_116 = arith.constant 0 : i32
      %dma_start3A_117 = arith.constant 0 : i32
      %dma_start3A_118 = tpu.memref_slice %arg8[%dma_start3A_116, %dma_start3A_117] : memref<1024x128xf32, #tpu.memory_space<vmem_shared>> -> memref<1024x128xf32, #tpu.memory_space<vmem_shared>>
      tpu.enqueue_indirect_dma source(%dma_start3A_115 : memref<64x128xf32, #tpu.memory_space<vmem>>) target(%dma_start3A_118 : memref<1024x128xf32, #tpu.memory_space<vmem_shared>>) offsets(%arg7 : memref<64xi32, #tpu.memory_space<vmem>>) semaphore(%arg15 : memref<!tpu.dma_semaphore, #tpu.memory_space<semaphore_mem>>) {add = true}
      %dma_start3A_119 = arith.constant 4 : i32
      %dma_start3A_120 = arith.constant 0 : i32
      %dma_start3A_121 = arith.constant 0 : i32
      %dma_start3A_122 = arith.constant 0 : i32
      %dma_start3A_123 = tpu.memref_slice %arg6[%dma_start3A_120, %dma_start3A_121, %dma_start3A_122] : memref<4x64x128xf32, #tpu.memory_space<vmem>> -> memref<1x64x128xf32, #tpu.memory_space<vmem>>
      %dma_start3A_124 = tpu.memref_squeeze %dma_start3A_123 : memref<1x64x128xf32, #tpu.memory_space<vmem>> -> memref<64x128xf32, #tpu.memory_space<vmem>>
      %dma_start3A_125 = tpu.memref_slice %arg5[%dma_start3A_119, %mul3A_30] : memref<17x3200xi32, #tpu.memory_space<vmem>> -> memref<1x64xi32, #tpu.memory_space<vmem>>
      %dma_start3A_126 = tpu.memref_squeeze %dma_start3A_125 : memref<1x64xi32, #tpu.memory_space<vmem>> -> memref<64xi32, #tpu.memory_space<vmem>>
      %dma_start3A_127 = arith.constant 0 : i32
      %dma_start3A_128 = arith.constant 0 : i32
      %dma_start3A_129 = tpu.memref_slice %arg2[%dma_start3A_127, %dma_start3A_128] : memref<100000x128xf32, #tpu.memory_space<hbm>> -> memref<100000x128xf32, #tpu.memory_space<hbm>>
      tpu.enqueue_indirect_dma source(%dma_start3A_129 : memref<100000x128xf32, #tpu.memory_space<hbm>>) target(%dma_start3A_124 : memref<64x128xf32, #tpu.memory_space<vmem>>) offsets(%dma_start3A_126 : memref<64xi32, #tpu.memory_space<vmem>>) semaphore(%arg10 : memref<!tpu.dma_semaphore, #tpu.memory_space<semaphore_mem>>)
      %dma_wait3A_130 = arith.constant 2 : i32
      %dma_wait3A_131 = arith.constant 2 : i32
      %dma_wait3A_132 = arith.constant 0 : i32
      %dma_wait3A_133 = arith.constant 0 : i32
      %dma_wait3A_134 = tpu.memref_slice %arg6[%dma_wait3A_131, %dma_wait3A_132, %dma_wait3A_133] : memref<4x64x128xf32, #tpu.memory_space<vmem>> -> memref<1x64x128xf32, #tpu.memory_space<vmem>>
      %dma_wait3A_135 = tpu.memref_squeeze %dma_wait3A_134 : memref<1x64x128xf32, #tpu.memory_space<vmem>> -> memref<64x128xf32, #tpu.memory_space<vmem>>
      %dma_wait3A_136 = tpu.memref_slice %arg5[%dma_wait3A_130, %mul3A_30] : memref<17x3200xi32, #tpu.memory_space<vmem>> -> memref<1x64xi32, #tpu.memory_space<vmem>>
      %dma_wait3A_137 = tpu.memref_squeeze %dma_wait3A_136 : memref<1x64xi32, #tpu.memory_space<vmem>> -> memref<64xi32, #tpu.memory_space<vmem>>
      %dma_wait3A_138 = arith.constant 0 : i32
      %dma_wait3A_139 = arith.constant 0 : i32
      %dma_wait3A_140 = tpu.memref_slice %arg2[%dma_wait3A_138, %dma_wait3A_139] : memref<100000x128xf32, #tpu.memory_space<hbm>> -> memref<100000x128xf32, #tpu.memory_space<hbm>>
      tpu.wait_indirect_dma semaphore(%arg12 : memref<!tpu.dma_semaphore, #tpu.memory_space<semaphore_mem>>) src(%dma_wait3A_140 : memref<100000x128xf32, #tpu.memory_space<hbm>>) dst(%dma_wait3A_135 : memref<64x128xf32, #tpu.memory_space<vmem>>)
      %dma_start3A_141 = arith.constant 2 : i32
      %dma_start3A_142 = arith.constant 0 : i32
      %dma_start3A_143 = arith.constant 0 : i32
      %dma_start3A_144 = tpu.memref_slice %arg6[%dma_start3A_141, %dma_start3A_142, %dma_start3A_143] : memref<4x64x128xf32, #tpu.memory_space<vmem>> -> memref<1x64x128xf32, #tpu.memory_space<vmem>>
      %dma_start3A_145 = tpu.memref_squeeze %dma_start3A_144 : memref<1x64x128xf32, #tpu.memory_space<vmem>> -> memref<64x128xf32, #tpu.memory_space<vmem>>
      %dma_start3A_146 = arith.constant 0 : i32
      %dma_start3A_147 = arith.constant 0 : i32
      %dma_start3A_148 = tpu.memref_slice %arg8[%dma_start3A_146, %dma_start3A_147] : memref<1024x128xf32, #tpu.memory_space<vmem_shared>> -> memref<1024x128xf32, #tpu.memory_space<vmem_shared>>
      tpu.enqueue_indirect_dma source(%dma_start3A_145 : memref<64x128xf32, #tpu.memory_space<vmem>>) target(%dma_start3A_148 : memref<1024x128xf32, #tpu.memory_space<vmem_shared>>) offsets(%arg7 : memref<64xi32, #tpu.memory_space<vmem>>) semaphore(%arg16 : memref<!tpu.dma_semaphore, #tpu.memory_space<semaphore_mem>>) {add = true}
      %dma_wait3A_149 = arith.constant 1 : i32
      %dma_wait3A_150 = arith.constant 0 : i32
      %dma_wait3A_151 = arith.constant 0 : i32
      %dma_wait3A_152 = tpu.memref_slice %arg6[%dma_wait3A_149, %dma_wait3A_150, %dma_wait3A_151] : memref<4x64x128xf32, #tpu.memory_space<vmem>> -> memref<1x64x128xf32, #tpu.memory_space<vmem>>
      %dma_wait3A_153 = tpu.memref_squeeze %dma_wait3A_152 : memref<1x64x128xf32, #tpu.memory_space<vmem>> -> memref<64x128xf32, #tpu.memory_space<vmem>>
      %dma_wait3A_154 = arith.constant 0 : i32
      %dma_wait3A_155 = arith.constant 0 : i32
      %dma_wait3A_156 = tpu.memref_slice %arg8[%dma_wait3A_154, %dma_wait3A_155] : memref<1024x128xf32, #tpu.memory_space<vmem_shared>> -> memref<1024x128xf32, #tpu.memory_space<vmem_shared>>
      tpu.wait_indirect_dma semaphore(%arg15 : memref<!tpu.dma_semaphore, #tpu.memory_space<semaphore_mem>>) src(%dma_wait3A_153 : memref<64x128xf32, #tpu.memory_space<vmem>>) dst(%dma_wait3A_156 : memref<1024x128xf32, #tpu.memory_space<vmem_shared>>)
      %dma_start3A_157 = arith.constant 5 : i32
      %dma_start3A_158 = arith.constant 1 : i32
      %dma_start3A_159 = arith.constant 0 : i32
      %dma_start3A_160 = arith.constant 0 : i32
      %dma_start3A_161 = tpu.memref_slice %arg6[%dma_start3A_158, %dma_start3A_159, %dma_start3A_160] : memref<4x64x128xf32, #tpu.memory_space<vmem>> -> memref<1x64x128xf32, #tpu.memory_space<vmem>>
      %dma_start3A_162 = tpu.memref_squeeze %dma_start3A_161 : memref<1x64x128xf32, #tpu.memory_space<vmem>> -> memref<64x128xf32, #tpu.memory_space<vmem>>
      %dma_start3A_163 = tpu.memref_slice %arg5[%dma_start3A_157, %mul3A_30] : memref<17x3200xi32, #tpu.memory_space<vmem>> -> memref<1x64xi32, #tpu.memory_space<vmem>>
      %dma_start3A_164 = tpu.memref_squeeze %dma_start3A_163 : memref<1x64xi32, #tpu.memory_space<vmem>> -> memref<64xi32, #tpu.memory_space<vmem>>
      %dma_start3A_165 = arith.constant 0 : i32
      %dma_start3A_166 = arith.constant 0 : i32
      %dma_start3A_167 = tpu.memref_slice %arg2[%dma_start3A_165, %dma_start3A_166] : memref<100000x128xf32, #tpu.memory_space<hbm>> -> memref<100000x128xf32, #tpu.memory_space<hbm>>
      tpu.enqueue_indirect_dma source(%dma_start3A_167 : memref<100000x128xf32, #tpu.memory_space<hbm>>) target(%dma_start3A_162 : memref<64x128xf32, #tpu.memory_space<vmem>>) offsets(%dma_start3A_164 : memref<64xi32, #tpu.memory_space<vmem>>) semaphore(%arg11 : memref<!tpu.dma_semaphore, #tpu.memory_space<semaphore_mem>>)
      %dma_wait3A_168 = arith.constant 3 : i32
      %dma_wait3A_169 = arith.constant 3 : i32
      %dma_wait3A_170 = arith.constant 0 : i32
      %dma_wait3A_171 = arith.constant 0 : i32
      %dma_wait3A_172 = tpu.memref_slice %arg6[%dma_wait3A_169, %dma_wait3A_170, %dma_wait3A_171] : memref<4x64x128xf32, #tpu.memory_space<vmem>> -> memref<1x64x128xf32, #tpu.memory_space<vmem>>
      %dma_wait3A_173 = tpu.memref_squeeze %dma_wait3A_172 : memref<1x64x128xf32, #tpu.memory_space<vmem>> -> memref<64x128xf32, #tpu.memory_space<vmem>>
      %dma_wait3A_174 = tpu.memref_slice %arg5[%dma_wait3A_168, %mul3A_30] : memref<17x3200xi32, #tpu.memory_space<vmem>> -> memref<1x64xi32, #tpu.memory_space<vmem>>
      %dma_wait3A_175 = tpu.memref_squeeze %dma_wait3A_174 : memref<1x64xi32, #tpu.memory_space<vmem>> -> memref<64xi32, #tpu.memory_space<vmem>>
      %dma_wait3A_176 = arith.constant 0 : i32
      %dma_wait3A_177 = arith.constant 0 : i32
      %dma_wait3A_178 = tpu.memref_slice %arg2[%dma_wait3A_176, %dma_wait3A_177] : memref<100000x128xf32, #tpu.memory_space<hbm>> -> memref<100000x128xf32, #tpu.memory_space<hbm>>
      tpu.wait_indirect_dma semaphore(%arg13 : memref<!tpu.dma_semaphore, #tpu.memory_space<semaphore_mem>>) src(%dma_wait3A_178 : memref<100000x128xf32, #tpu.memory_space<hbm>>) dst(%dma_wait3A_173 : memref<64x128xf32, #tpu.memory_space<vmem>>)
      %dma_start3A_179 = arith.constant 3 : i32
      %dma_start3A_180 = arith.constant 0 : i32
      %dma_start3A_181 = arith.constant 0 : i32
      %dma_start3A_182 = tpu.memref_slice %arg6[%dma_start3A_179, %dma_start3A_180, %dma_start3A_181] : memref<4x64x128xf32, #tpu.memory_space<vmem>> -> memref<1x64x128xf32, #tpu.memory_space<vmem>>
      %dma_start3A_183 = tpu.memref_squeeze %dma_start3A_182 : memref<1x64x128xf32, #tpu.memory_space<vmem>> -> memref<64x128xf32, #tpu.memory_space<vmem>>
      %dma_start3A_184 = arith.constant 0 : i32
      %dma_start3A_185 = arith.constant 0 : i32
      %dma_start3A_186 = tpu.memref_slice %arg8[%dma_start3A_184, %dma_start3A_185] : memref<1024x128xf32, #tpu.memory_space<vmem_shared>> -> memref<1024x128xf32, #tpu.memory_space<vmem_shared>>
      tpu.enqueue_indirect_dma source(%dma_start3A_183 : memref<64x128xf32, #tpu.memory_space<vmem>>) target(%dma_start3A_186 : memref<1024x128xf32, #tpu.memory_space<vmem_shared>>) offsets(%arg7 : memref<64xi32, #tpu.memory_space<vmem>>) semaphore(%arg17 : memref<!tpu.dma_semaphore, #tpu.memory_space<semaphore_mem>>) {add = true}
      %dma_wait3A_187 = arith.constant 2 : i32
      %dma_wait3A_188 = arith.constant 0 : i32
      %dma_wait3A_189 = arith.constant 0 : i32
      %dma_wait3A_190 = tpu.memref_slice %arg6[%dma_wait3A_187, %dma_wait3A_188, %dma_wait3A_189] : memref<4x64x128xf32, #tpu.memory_space<vmem>> -> memref<1x64x128xf32, #tpu.memory_space<vmem>>
      %dma_wait3A_191 = tpu.memref_squeeze %dma_wait3A_190 : memref<1x64x128xf32, #tpu.memory_space<vmem>> -> memref<64x128xf32, #tpu.memory_space<vmem>>
      %dma_wait3A_192 = arith.constant 0 : i32
      %dma_wait3A_193 = arith.constant 0 : i32
      %dma_wait3A_194 = tpu.memref_slice %arg8[%dma_wait3A_192, %dma_wait3A_193] : memref<1024x128xf32, #tpu.memory_space<vmem_shared>> -> memref<1024x128xf32, #tpu.memory_space<vmem_shared>>
      tpu.wait_indirect_dma semaphore(%arg16 : memref<!tpu.dma_semaphore, #tpu.memory_space<semaphore_mem>>) src(%dma_wait3A_191 : memref<64x128xf32, #tpu.memory_space<vmem>>) dst(%dma_wait3A_194 : memref<1024x128xf32, #tpu.memory_space<vmem_shared>>)
      %dma_start3A_195 = arith.constant 6 : i32
      %dma_start3A_196 = arith.constant 2 : i32
      %dma_start3A_197 = arith.constant 0 : i32
      %dma_start3A_198 = arith.constant 0 : i32
      %dma_start3A_199 = tpu.memref_slice %arg6[%dma_start3A_196, %dma_start3A_197, %dma_start3A_198] : memref<4x64x128xf32, #tpu.memory_space<vmem>> -> memref<1x64x128xf32, #tpu.memory_space<vmem>>
      %dma_start3A_200 = tpu.memref_squeeze %dma_start3A_199 : memref<1x64x128xf32, #tpu.memory_space<vmem>> -> memref<64x128xf32, #tpu.memory_space<vmem>>
      %dma_start3A_201 = tpu.memref_slice %arg5[%dma_start3A_195, %mul3A_30] : memref<17x3200xi32, #tpu.memory_space<vmem>> -> memref<1x64xi32, #tpu.memory_space<vmem>>
      %dma_start3A_202 = tpu.memref_squeeze %dma_start3A_201 : memref<1x64xi32, #tpu.memory_space<vmem>> -> memref<64xi32, #tpu.memory_space<vmem>>
      %dma_start3A_203 = arith.constant 0 : i32
      %dma_start3A_204 = arith.constant 0 : i32
      %dma_start3A_205 = tpu.memref_slice %arg2[%dma_start3A_203, %dma_start3A_204] : memref<100000x128xf32, #tpu.memory_space<hbm>> -> memref<100000x128xf32, #tpu.memory_space<hbm>>
      tpu.enqueue_indirect_dma source(%dma_start3A_205 : memref<100000x128xf32, #tpu.memory_space<hbm>>) target(%dma_start3A_200 : memref<64x128xf32, #tpu.memory_space<vmem>>) offsets(%dma_start3A_202 : memref<64xi32, #tpu.memory_space<vmem>>) semaphore(%arg12 : memref<!tpu.dma_semaphore, #tpu.memory_space<semaphore_mem>>)
      %dma_wait3A_206 = arith.constant 4 : i32
      %dma_wait3A_207 = arith.constant 0 : i32
      %dma_wait3A_208 = arith.constant 0 : i32
      %dma_wait3A_209 = arith.constant 0 : i32
      %dma_wait3A_210 = tpu.memref_slice %arg6[%dma_wait3A_207, %dma_wait3A_208, %dma_wait3A_209] : memref<4x64x128xf32, #tpu.memory_space<vmem>> -> memref<1x64x128xf32, #tpu.memory_space<vmem>>
      %dma_wait3A_211 = tpu.memref_squeeze %dma_wait3A_210 : memref<1x64x128xf32, #tpu.memory_space<vmem>> -> memref<64x128xf32, #tpu.memory_space<vmem>>
      %dma_wait3A_212 = tpu.memref_slice %arg5[%dma_wait3A_206, %mul3A_30] : memref<17x3200xi32, #tpu.memory_space<vmem>> -> memref<1x64xi32, #tpu.memory_space<vmem>>
      %dma_wait3A_213 = tpu.memref_squeeze %dma_wait3A_212 : memref<1x64xi32, #tpu.memory_space<vmem>> -> memref<64xi32, #tpu.memory_space<vmem>>
      %dma_wait3A_214 = arith.constant 0 : i32
      %dma_wait3A_215 = arith.constant 0 : i32
      %dma_wait3A_216 = tpu.memref_slice %arg2[%dma_wait3A_214, %dma_wait3A_215] : memref<100000x128xf32, #tpu.memory_space<hbm>> -> memref<100000x128xf32, #tpu.memory_space<hbm>>
      tpu.wait_indirect_dma semaphore(%arg10 : memref<!tpu.dma_semaphore, #tpu.memory_space<semaphore_mem>>) src(%dma_wait3A_216 : memref<100000x128xf32, #tpu.memory_space<hbm>>) dst(%dma_wait3A_211 : memref<64x128xf32, #tpu.memory_space<vmem>>)
      %dma_start3A_217 = arith.constant 0 : i32
      %dma_start3A_218 = arith.constant 0 : i32
      %dma_start3A_219 = arith.constant 0 : i32
      %dma_start3A_220 = tpu.memref_slice %arg6[%dma_start3A_217, %dma_start3A_218, %dma_start3A_219] : memref<4x64x128xf32, #tpu.memory_space<vmem>> -> memref<1x64x128xf32, #tpu.memory_space<vmem>>
      %dma_start3A_221 = tpu.memref_squeeze %dma_start3A_220 : memref<1x64x128xf32, #tpu.memory_space<vmem>> -> memref<64x128xf32, #tpu.memory_space<vmem>>
      %dma_start3A_222 = arith.constant 0 : i32
      %dma_start3A_223 = arith.constant 0 : i32
      %dma_start3A_224 = tpu.memref_slice %arg8[%dma_start3A_222, %dma_start3A_223] : memref<1024x128xf32, #tpu.memory_space<vmem_shared>> -> memref<1024x128xf32, #tpu.memory_space<vmem_shared>>
      tpu.enqueue_indirect_dma source(%dma_start3A_221 : memref<64x128xf32, #tpu.memory_space<vmem>>) target(%dma_start3A_224 : memref<1024x128xf32, #tpu.memory_space<vmem_shared>>) offsets(%arg7 : memref<64xi32, #tpu.memory_space<vmem>>) semaphore(%arg14 : memref<!tpu.dma_semaphore, #tpu.memory_space<semaphore_mem>>) {add = true}
      %dma_wait3A_225 = arith.constant 3 : i32
      %dma_wait3A_226 = arith.constant 0 : i32
      %dma_wait3A_227 = arith.constant 0 : i32
      %dma_wait3A_228 = tpu.memref_slice %arg6[%dma_wait3A_225, %dma_wait3A_226, %dma_wait3A_227] : memref<4x64x128xf32, #tpu.memory_space<vmem>> -> memref<1x64x128xf32, #tpu.memory_space<vmem>>
      %dma_wait3A_229 = tpu.memref_squeeze %dma_wait3A_228 : memref<1x64x128xf32, #tpu.memory_space<vmem>> -> memref<64x128xf32, #tpu.memory_space<vmem>>
      %dma_wait3A_230 = arith.constant 0 : i32
      %dma_wait3A_231 = arith.constant 0 : i32
      %dma_wait3A_232 = tpu.memref_slice %arg8[%dma_wait3A_230, %dma_wait3A_231] : memref<1024x128xf32, #tpu.memory_space<vmem_shared>> -> memref<1024x128xf32, #tpu.memory_space<vmem_shared>>
      tpu.wait_indirect_dma semaphore(%arg17 : memref<!tpu.dma_semaphore, #tpu.memory_space<semaphore_mem>>) src(%dma_wait3A_229 : memref<64x128xf32, #tpu.memory_space<vmem>>) dst(%dma_wait3A_232 : memref<1024x128xf32, #tpu.memory_space<vmem_shared>>)
      %dma_start3A_233 = arith.constant 7 : i32
      %dma_start3A_234 = arith.constant 3 : i32
      %dma_start3A_235 = arith.constant 0 : i32
      %dma_start3A_236 = arith.constant 0 : i32
      %dma_start3A_237 = tpu.memref_slice %arg6[%dma_start3A_234, %dma_start3A_235, %dma_start3A_236] : memref<4x64x128xf32, #tpu.memory_space<vmem>> -> memref<1x64x128xf32, #tpu.memory_space<vmem>>
      %dma_start3A_238 = tpu.memref_squeeze %dma_start3A_237 : memref<1x64x128xf32, #tpu.memory_space<vmem>> -> memref<64x128xf32, #tpu.memory_space<vmem>>
      %dma_start3A_239 = tpu.memref_slice %arg5[%dma_start3A_233, %mul3A_30] : memref<17x3200xi32, #tpu.memory_space<vmem>> -> memref<1x64xi32, #tpu.memory_space<vmem>>
      %dma_start3A_240 = tpu.memref_squeeze %dma_start3A_239 : memref<1x64xi32, #tpu.memory_space<vmem>> -> memref<64xi32, #tpu.memory_space<vmem>>
      %dma_start3A_241 = arith.constant 0 : i32
      %dma_start3A_242 = arith.constant 0 : i32
      %dma_start3A_243 = tpu.memref_slice %arg2[%dma_start3A_241, %dma_start3A_242] : memref<100000x128xf32, #tpu.memory_space<hbm>> -> memref<100000x128xf32, #tpu.memory_space<hbm>>
      tpu.enqueue_indirect_dma source(%dma_start3A_243 : memref<100000x128xf32, #tpu.memory_space<hbm>>) target(%dma_start3A_238 : memref<64x128xf32, #tpu.memory_space<vmem>>) offsets(%dma_start3A_240 : memref<64xi32, #tpu.memory_space<vmem>>) semaphore(%arg13 : memref<!tpu.dma_semaphore, #tpu.memory_space<semaphore_mem>>)
      %dma_wait3A_244 = arith.constant 5 : i32
      %dma_wait3A_245 = arith.constant 1 : i32
      %dma_wait3A_246 = arith.constant 0 : i32
      %dma_wait3A_247 = arith.constant 0 : i32
      %dma_wait3A_248 = tpu.memref_slice %arg6[%dma_wait3A_245, %dma_wait3A_246, %dma_wait3A_247] : memref<4x64x128xf32, #tpu.memory_space<vmem>> -> memref<1x64x128xf32, #tpu.memory_space<vmem>>
      %dma_wait3A_249 = tpu.memref_squeeze %dma_wait3A_248 : memref<1x64x128xf32, #tpu.memory_space<vmem>> -> memref<64x128xf32, #tpu.memory_space<vmem>>
      %dma_wait3A_250 = tpu.memref_slice %arg5[%dma_wait3A_244, %mul3A_30] : memref<17x3200xi32, #tpu.memory_space<vmem>> -> memref<1x64xi32, #tpu.memory_space<vmem>>
      %dma_wait3A_251 = tpu.memref_squeeze %dma_wait3A_250 : memref<1x64xi32, #tpu.memory_space<vmem>> -> memref<64xi32, #tpu.memory_space<vmem>>
      %dma_wait3A_252 = arith.constant 0 : i32
      %dma_wait3A_253 = arith.constant 0 : i32
      %dma_wait3A_254 = tpu.memref_slice %arg2[%dma_wait3A_252, %dma_wait3A_253] : memref<100000x128xf32, #tpu.memory_space<hbm>> -> memref<100000x128xf32, #tpu.memory_space<hbm>>
      tpu.wait_indirect_dma semaphore(%arg11 : memref<!tpu.dma_semaphore, #tpu.memory_space<semaphore_mem>>) src(%dma_wait3A_254 : memref<100000x128xf32, #tpu.memory_space<hbm>>) dst(%dma_wait3A_249 : memref<64x128xf32, #tpu.memory_space<vmem>>)
      %dma_start3A_255 = arith.constant 1 : i32
      %dma_start3A_256 = arith.constant 0 : i32
      %dma_start3A_257 = arith.constant 0 : i32
      %dma_start3A_258 = tpu.memref_slice %arg6[%dma_start3A_255, %dma_start3A_256, %dma_start3A_257] : memref<4x64x128xf32, #tpu.memory_space<vmem>> -> memref<1x64x128xf32, #tpu.memory_space<vmem>>
      %dma_start3A_259 = tpu.memref_squeeze %dma_start3A_258 : memref<1x64x128xf32, #tpu.memory_space<vmem>> -> memref<64x128xf32, #tpu.memory_space<vmem>>
      %dma_start3A_260 = arith.constant 0 : i32
      %dma_start3A_261 = arith.constant 0 : i32
      %dma_start3A_262 = tpu.memref_slice %arg8[%dma_start3A_260, %dma_start3A_261] : memref<1024x128xf32, #tpu.memory_space<vmem_shared>> -> memref<1024x128xf32, #tpu.memory_space<vmem_shared>>
      tpu.enqueue_indirect_dma source(%dma_start3A_259 : memref<64x128xf32, #tpu.memory_space<vmem>>) target(%dma_start3A_262 : memref<1024x128xf32, #tpu.memory_space<vmem_shared>>) offsets(%arg7 : memref<64xi32, #tpu.memory_space<vmem>>) semaphore(%arg15 : memref<!tpu.dma_semaphore, #tpu.memory_space<semaphore_mem>>) {add = true}
      %dma_wait3A_263 = arith.constant 0 : i32
      %dma_wait3A_264 = arith.constant 0 : i32
      %dma_wait3A_265 = arith.constant 0 : i32
      %dma_wait3A_266 = tpu.memref_slice %arg6[%dma_wait3A_263, %dma_wait3A_264, %dma_wait3A_265] : memref<4x64x128xf32, #tpu.memory_space<vmem>> -> memref<1x64x128xf32, #tpu.memory_space<vmem>>
      %dma_wait3A_267 = tpu.memref_squeeze %dma_wait3A_266 : memref<1x64x128xf32, #tpu.memory_space<vmem>> -> memref<64x128xf32, #tpu.memory_space<vmem>>
      %dma_wait3A_268 = arith.constant 0 : i32
      %dma_wait3A_269 = arith.constant 0 : i32
      %dma_wait3A_270 = tpu.memref_slice %arg8[%dma_wait3A_268, %dma_wait3A_269] : memref<1024x128xf32, #tpu.memory_space<vmem_shared>> -> memref<1024x128xf32, #tpu.memory_space<vmem_shared>>
      tpu.wait_indirect_dma semaphore(%arg14 : memref<!tpu.dma_semaphore, #tpu.memory_space<semaphore_mem>>) src(%dma_wait3A_267 : memref<64x128xf32, #tpu.memory_space<vmem>>) dst(%dma_wait3A_270 : memref<1024x128xf32, #tpu.memory_space<vmem_shared>>)
      %dma_start3A_271 = arith.constant 8 : i32
      %dma_start3A_272 = arith.constant 0 : i32
      %dma_start3A_273 = arith.constant 0 : i32
      %dma_start3A_274 = arith.constant 0 : i32
      %dma_start3A_275 = tpu.memref_slice %arg6[%dma_start3A_272, %dma_start3A_273, %dma_start3A_274] : memref<4x64x128xf32, #tpu.memory_space<vmem>> -> memref<1x64x128xf32, #tpu.memory_space<vmem>>
      %dma_start3A_276 = tpu.memref_squeeze %dma_start3A_275 : memref<1x64x128xf32, #tpu.memory_space<vmem>> -> memref<64x128xf32, #tpu.memory_space<vmem>>
      %dma_start3A_277 = tpu.memref_slice %arg5[%dma_start3A_271, %mul3A_30] : memref<17x3200xi32, #tpu.memory_space<vmem>> -> memref<1x64xi32, #tpu.memory_space<vmem>>
      %dma_start3A_278 = tpu.memref_squeeze %dma_start3A_277 : memref<1x64xi32, #tpu.memory_space<vmem>> -> memref<64xi32, #tpu.memory_space<vmem>>
      %dma_start3A_279 = arith.constant 0 : i32
      %dma_start3A_280 = arith.constant 0 : i32
      %dma_start3A_281 = tpu.memref_slice %arg2[%dma_start3A_279, %dma_start3A_280] : memref<100000x128xf32, #tpu.memory_space<hbm>> -> memref<100000x128xf32, #tpu.memory_space<hbm>>
      tpu.enqueue_indirect_dma source(%dma_start3A_281 : memref<100000x128xf32, #tpu.memory_space<hbm>>) target(%dma_start3A_276 : memref<64x128xf32, #tpu.memory_space<vmem>>) offsets(%dma_start3A_278 : memref<64xi32, #tpu.memory_space<vmem>>) semaphore(%arg10 : memref<!tpu.dma_semaphore, #tpu.memory_space<semaphore_mem>>)
      %dma_wait3A_282 = arith.constant 6 : i32
      %dma_wait3A_283 = arith.constant 2 : i32
      %dma_wait3A_284 = arith.constant 0 : i32
      %dma_wait3A_285 = arith.constant 0 : i32
      %dma_wait3A_286 = tpu.memref_slice %arg6[%dma_wait3A_283, %dma_wait3A_284, %dma_wait3A_285] : memref<4x64x128xf32, #tpu.memory_space<vmem>> -> memref<1x64x128xf32, #tpu.memory_space<vmem>>
      %dma_wait3A_287 = tpu.memref_squeeze %dma_wait3A_286 : memref<1x64x128xf32, #tpu.memory_space<vmem>> -> memref<64x128xf32, #tpu.memory_space<vmem>>
      %dma_wait3A_288 = tpu.memref_slice %arg5[%dma_wait3A_282, %mul3A_30] : memref<17x3200xi32, #tpu.memory_space<vmem>> -> memref<1x64xi32, #tpu.memory_space<vmem>>
      %dma_wait3A_289 = tpu.memref_squeeze %dma_wait3A_288 : memref<1x64xi32, #tpu.memory_space<vmem>> -> memref<64xi32, #tpu.memory_space<vmem>>
      %dma_wait3A_290 = arith.constant 0 : i32
      %dma_wait3A_291 = arith.constant 0 : i32
      %dma_wait3A_292 = tpu.memref_slice %arg2[%dma_wait3A_290, %dma_wait3A_291] : memref<100000x128xf32, #tpu.memory_space<hbm>> -> memref<100000x128xf32, #tpu.memory_space<hbm>>
      tpu.wait_indirect_dma semaphore(%arg12 : memref<!tpu.dma_semaphore, #tpu.memory_space<semaphore_mem>>) src(%dma_wait3A_292 : memref<100000x128xf32, #tpu.memory_space<hbm>>) dst(%dma_wait3A_287 : memref<64x128xf32, #tpu.memory_space<vmem>>)
      %dma_start3A_293 = arith.constant 2 : i32
      %dma_start3A_294 = arith.constant 0 : i32
      %dma_start3A_295 = arith.constant 0 : i32
      %dma_start3A_296 = tpu.memref_slice %arg6[%dma_start3A_293, %dma_start3A_294, %dma_start3A_295] : memref<4x64x128xf32, #tpu.memory_space<vmem>> -> memref<1x64x128xf32, #tpu.memory_space<vmem>>
      %dma_start3A_297 = tpu.memref_squeeze %dma_start3A_296 : memref<1x64x128xf32, #tpu.memory_space<vmem>> -> memref<64x128xf32, #tpu.memory_space<vmem>>
      %dma_start3A_298 = arith.constant 0 : i32
      %dma_start3A_299 = arith.constant 0 : i32
      %dma_start3A_300 = tpu.memref_slice %arg8[%dma_start3A_298, %dma_start3A_299] : memref<1024x128xf32, #tpu.memory_space<vmem_shared>> -> memref<1024x128xf32, #tpu.memory_space<vmem_shared>>
      tpu.enqueue_indirect_dma source(%dma_start3A_297 : memref<64x128xf32, #tpu.memory_space<vmem>>) target(%dma_start3A_300 : memref<1024x128xf32, #tpu.memory_space<vmem_shared>>) offsets(%arg7 : memref<64xi32, #tpu.memory_space<vmem>>) semaphore(%arg16 : memref<!tpu.dma_semaphore, #tpu.memory_space<semaphore_mem>>) {add = true}
      %dma_wait3A_301 = arith.constant 1 : i32
      %dma_wait3A_302 = arith.constant 0 : i32
      %dma_wait3A_303 = arith.constant 0 : i32
      %dma_wait3A_304 = tpu.memref_slice %arg6[%dma_wait3A_301, %dma_wait3A_302, %dma_wait3A_303] : memref<4x64x128xf32, #tpu.memory_space<vmem>> -> memref<1x64x128xf32, #tpu.memory_space<vmem>>
      %dma_wait3A_305 = tpu.memref_squeeze %dma_wait3A_304 : memref<1x64x128xf32, #tpu.memory_space<vmem>> -> memref<64x128xf32, #tpu.memory_space<vmem>>
      %dma_wait3A_306 = arith.constant 0 : i32
      %dma_wait3A_307 = arith.constant 0 : i32
      %dma_wait3A_308 = tpu.memref_slice %arg8[%dma_wait3A_306, %dma_wait3A_307] : memref<1024x128xf32, #tpu.memory_space<vmem_shared>> -> memref<1024x128xf32, #tpu.memory_space<vmem_shared>>
      tpu.wait_indirect_dma semaphore(%arg15 : memref<!tpu.dma_semaphore, #tpu.memory_space<semaphore_mem>>) src(%dma_wait3A_305 : memref<64x128xf32, #tpu.memory_space<vmem>>) dst(%dma_wait3A_308 : memref<1024x128xf32, #tpu.memory_space<vmem_shared>>)
      %dma_start3A_309 = arith.constant 9 : i32
      %dma_start3A_310 = arith.constant 1 : i32
      %dma_start3A_311 = arith.constant 0 : i32
      %dma_start3A_312 = arith.constant 0 : i32
      %dma_start3A_313 = tpu.memref_slice %arg6[%dma_start3A_310, %dma_start3A_311, %dma_start3A_312] : memref<4x64x128xf32, #tpu.memory_space<vmem>> -> memref<1x64x128xf32, #tpu.memory_space<vmem>>
      %dma_start3A_314 = tpu.memref_squeeze %dma_start3A_313 : memref<1x64x128xf32, #tpu.memory_space<vmem>> -> memref<64x128xf32, #tpu.memory_space<vmem>>
      %dma_start3A_315 = tpu.memref_slice %arg5[%dma_start3A_309, %mul3A_30] : memref<17x3200xi32, #tpu.memory_space<vmem>> -> memref<1x64xi32, #tpu.memory_space<vmem>>
      %dma_start3A_316 = tpu.memref_squeeze %dma_start3A_315 : memref<1x64xi32, #tpu.memory_space<vmem>> -> memref<64xi32, #tpu.memory_space<vmem>>
      %dma_start3A_317 = arith.constant 0 : i32
      %dma_start3A_318 = arith.constant 0 : i32
      %dma_start3A_319 = tpu.memref_slice %arg2[%dma_start3A_317, %dma_start3A_318] : memref<100000x128xf32, #tpu.memory_space<hbm>> -> memref<100000x128xf32, #tpu.memory_space<hbm>>
      tpu.enqueue_indirect_dma source(%dma_start3A_319 : memref<100000x128xf32, #tpu.memory_space<hbm>>) target(%dma_start3A_314 : memref<64x128xf32, #tpu.memory_space<vmem>>) offsets(%dma_start3A_316 : memref<64xi32, #tpu.memory_space<vmem>>) semaphore(%arg11 : memref<!tpu.dma_semaphore, #tpu.memory_space<semaphore_mem>>)
      %dma_wait3A_320 = arith.constant 7 : i32
      %dma_wait3A_321 = arith.constant 3 : i32
      %dma_wait3A_322 = arith.constant 0 : i32
      %dma_wait3A_323 = arith.constant 0 : i32
      %dma_wait3A_324 = tpu.memref_slice %arg6[%dma_wait3A_321, %dma_wait3A_322, %dma_wait3A_323] : memref<4x64x128xf32, #tpu.memory_space<vmem>> -> memref<1x64x128xf32, #tpu.memory_space<vmem>>
      %dma_wait3A_325 = tpu.memref_squeeze %dma_wait3A_324 : memref<1x64x128xf32, #tpu.memory_space<vmem>> -> memref<64x128xf32, #tpu.memory_space<vmem>>
      %dma_wait3A_326 = tpu.memref_slice %arg5[%dma_wait3A_320, %mul3A_30] : memref<17x3200xi32, #tpu.memory_space<vmem>> -> memref<1x64xi32, #tpu.memory_space<vmem>>
      %dma_wait3A_327 = tpu.memref_squeeze %dma_wait3A_326 : memref<1x64xi32, #tpu.memory_space<vmem>> -> memref<64xi32, #tpu.memory_space<vmem>>
      %dma_wait3A_328 = arith.constant 0 : i32
      %dma_wait3A_329 = arith.constant 0 : i32
      %dma_wait3A_330 = tpu.memref_slice %arg2[%dma_wait3A_328, %dma_wait3A_329] : memref<100000x128xf32, #tpu.memory_space<hbm>> -> memref<100000x128xf32, #tpu.memory_space<hbm>>
      tpu.wait_indirect_dma semaphore(%arg13 : memref<!tpu.dma_semaphore, #tpu.memory_space<semaphore_mem>>) src(%dma_wait3A_330 : memref<100000x128xf32, #tpu.memory_space<hbm>>) dst(%dma_wait3A_325 : memref<64x128xf32, #tpu.memory_space<vmem>>)
      %dma_start3A_331 = arith.constant 3 : i32
      %dma_start3A_332 = arith.constant 0 : i32
      %dma_start3A_333 = arith.constant 0 : i32
      %dma_start3A_334 = tpu.memref_slice %arg6[%dma_start3A_331, %dma_start3A_332, %dma_start3A_333] : memref<4x64x128xf32, #tpu.memory_space<vmem>> -> memref<1x64x128xf32, #tpu.memory_space<vmem>>
      %dma_start3A_335 = tpu.memref_squeeze %dma_start3A_334 : memref<1x64x128xf32, #tpu.memory_space<vmem>> -> memref<64x128xf32, #tpu.memory_space<vmem>>
      %dma_start3A_336 = arith.constant 0 : i32
      %dma_start3A_337 = arith.constant 0 : i32
      %dma_start3A_338 = tpu.memref_slice %arg8[%dma_start3A_336, %dma_start3A_337] : memref<1024x128xf32, #tpu.memory_space<vmem_shared>> -> memref<1024x128xf32, #tpu.memory_space<vmem_shared>>
      tpu.enqueue_indirect_dma source(%dma_start3A_335 : memref<64x128xf32, #tpu.memory_space<vmem>>) target(%dma_start3A_338 : memref<1024x128xf32, #tpu.memory_space<vmem_shared>>) offsets(%arg7 : memref<64xi32, #tpu.memory_space<vmem>>) semaphore(%arg17 : memref<!tpu.dma_semaphore, #tpu.memory_space<semaphore_mem>>) {add = true}
      %dma_wait3A_339 = arith.constant 2 : i32
      %dma_wait3A_340 = arith.constant 0 : i32
      %dma_wait3A_341 = arith.constant 0 : i32
      %dma_wait3A_342 = tpu.memref_slice %arg6[%dma_wait3A_339, %dma_wait3A_340, %dma_wait3A_341] : memref<4x64x128xf32, #tpu.memory_space<vmem>> -> memref<1x64x128xf32, #tpu.memory_space<vmem>>
      %dma_wait3A_343 = tpu.memref_squeeze %dma_wait3A_342 : memref<1x64x128xf32, #tpu.memory_space<vmem>> -> memref<64x128xf32, #tpu.memory_space<vmem>>
      %dma_wait3A_344 = arith.constant 0 : i32
      %dma_wait3A_345 = arith.constant 0 : i32
      %dma_wait3A_346 = tpu.memref_slice %arg8[%dma_wait3A_344, %dma_wait3A_345] : memref<1024x128xf32, #tpu.memory_space<vmem_shared>> -> memref<1024x128xf32, #tpu.memory_space<vmem_shared>>
      tpu.wait_indirect_dma semaphore(%arg16 : memref<!tpu.dma_semaphore, #tpu.memory_space<semaphore_mem>>) src(%dma_wait3A_343 : memref<64x128xf32, #tpu.memory_space<vmem>>) dst(%dma_wait3A_346 : memref<1024x128xf32, #tpu.memory_space<vmem_shared>>)
      %dma_start3A_347 = arith.constant 10 : i32
      %dma_start3A_348 = arith.constant 2 : i32
      %dma_start3A_349 = arith.constant 0 : i32
      %dma_start3A_350 = arith.constant 0 : i32
      %dma_start3A_351 = tpu.memref_slice %arg6[%dma_start3A_348, %dma_start3A_349, %dma_start3A_350] : memref<4x64x128xf32, #tpu.memory_space<vmem>> -> memref<1x64x128xf32, #tpu.memory_space<vmem>>
      %dma_start3A_352 = tpu.memref_squeeze %dma_start3A_351 : memref<1x64x128xf32, #tpu.memory_space<vmem>> -> memref<64x128xf32, #tpu.memory_space<vmem>>
      %dma_start3A_353 = tpu.memref_slice %arg5[%dma_start3A_347, %mul3A_30] : memref<17x3200xi32, #tpu.memory_space<vmem>> -> memref<1x64xi32, #tpu.memory_space<vmem>>
      %dma_start3A_354 = tpu.memref_squeeze %dma_start3A_353 : memref<1x64xi32, #tpu.memory_space<vmem>> -> memref<64xi32, #tpu.memory_space<vmem>>
      %dma_start3A_355 = arith.constant 0 : i32
      %dma_start3A_356 = arith.constant 0 : i32
      %dma_start3A_357 = tpu.memref_slice %arg2[%dma_start3A_355, %dma_start3A_356] : memref<100000x128xf32, #tpu.memory_space<hbm>> -> memref<100000x128xf32, #tpu.memory_space<hbm>>
      tpu.enqueue_indirect_dma source(%dma_start3A_357 : memref<100000x128xf32, #tpu.memory_space<hbm>>) target(%dma_start3A_352 : memref<64x128xf32, #tpu.memory_space<vmem>>) offsets(%dma_start3A_354 : memref<64xi32, #tpu.memory_space<vmem>>) semaphore(%arg12 : memref<!tpu.dma_semaphore, #tpu.memory_space<semaphore_mem>>)
      %dma_wait3A_358 = arith.constant 8 : i32
      %dma_wait3A_359 = arith.constant 0 : i32
      %dma_wait3A_360 = arith.constant 0 : i32
      %dma_wait3A_361 = arith.constant 0 : i32
      %dma_wait3A_362 = tpu.memref_slice %arg6[%dma_wait3A_359, %dma_wait3A_360, %dma_wait3A_361] : memref<4x64x128xf32, #tpu.memory_space<vmem>> -> memref<1x64x128xf32, #tpu.memory_space<vmem>>
      %dma_wait3A_363 = tpu.memref_squeeze %dma_wait3A_362 : memref<1x64x128xf32, #tpu.memory_space<vmem>> -> memref<64x128xf32, #tpu.memory_space<vmem>>
      %dma_wait3A_364 = tpu.memref_slice %arg5[%dma_wait3A_358, %mul3A_30] : memref<17x3200xi32, #tpu.memory_space<vmem>> -> memref<1x64xi32, #tpu.memory_space<vmem>>
      %dma_wait3A_365 = tpu.memref_squeeze %dma_wait3A_364 : memref<1x64xi32, #tpu.memory_space<vmem>> -> memref<64xi32, #tpu.memory_space<vmem>>
      %dma_wait3A_366 = arith.constant 0 : i32
      %dma_wait3A_367 = arith.constant 0 : i32
      %dma_wait3A_368 = tpu.memref_slice %arg2[%dma_wait3A_366, %dma_wait3A_367] : memref<100000x128xf32, #tpu.memory_space<hbm>> -> memref<100000x128xf32, #tpu.memory_space<hbm>>
      tpu.wait_indirect_dma semaphore(%arg10 : memref<!tpu.dma_semaphore, #tpu.memory_space<semaphore_mem>>) src(%dma_wait3A_368 : memref<100000x128xf32, #tpu.memory_space<hbm>>) dst(%dma_wait3A_363 : memref<64x128xf32, #tpu.memory_space<vmem>>)
      %dma_start3A_369 = arith.constant 0 : i32
      %dma_start3A_370 = arith.constant 0 : i32
      %dma_start3A_371 = arith.constant 0 : i32
      %dma_start3A_372 = tpu.memref_slice %arg6[%dma_start3A_369, %dma_start3A_370, %dma_start3A_371] : memref<4x64x128xf32, #tpu.memory_space<vmem>> -> memref<1x64x128xf32, #tpu.memory_space<vmem>>
      %dma_start3A_373 = tpu.memref_squeeze %dma_start3A_372 : memref<1x64x128xf32, #tpu.memory_space<vmem>> -> memref<64x128xf32, #tpu.memory_space<vmem>>
      %dma_start3A_374 = arith.constant 0 : i32
      %dma_start3A_375 = arith.constant 0 : i32
      %dma_start3A_376 = tpu.memref_slice %arg8[%dma_start3A_374, %dma_start3A_375] : memref<1024x128xf32, #tpu.memory_space<vmem_shared>> -> memref<1024x128xf32, #tpu.memory_space<vmem_shared>>
      tpu.enqueue_indirect_dma source(%dma_start3A_373 : memref<64x128xf32, #tpu.memory_space<vmem>>) target(%dma_start3A_376 : memref<1024x128xf32, #tpu.memory_space<vmem_shared>>) offsets(%arg7 : memref<64xi32, #tpu.memory_space<vmem>>) semaphore(%arg14 : memref<!tpu.dma_semaphore, #tpu.memory_space<semaphore_mem>>) {add = true}
      %dma_wait3A_377 = arith.constant 3 : i32
      %dma_wait3A_378 = arith.constant 0 : i32
      %dma_wait3A_379 = arith.constant 0 : i32
      %dma_wait3A_380 = tpu.memref_slice %arg6[%dma_wait3A_377, %dma_wait3A_378, %dma_wait3A_379] : memref<4x64x128xf32, #tpu.memory_space<vmem>> -> memref<1x64x128xf32, #tpu.memory_space<vmem>>
      %dma_wait3A_381 = tpu.memref_squeeze %dma_wait3A_380 : memref<1x64x128xf32, #tpu.memory_space<vmem>> -> memref<64x128xf32, #tpu.memory_space<vmem>>
      %dma_wait3A_382 = arith.constant 0 : i32
      %dma_wait3A_383 = arith.constant 0 : i32
      %dma_wait3A_384 = tpu.memref_slice %arg8[%dma_wait3A_382, %dma_wait3A_383] : memref<1024x128xf32, #tpu.memory_space<vmem_shared>> -> memref<1024x128xf32, #tpu.memory_space<vmem_shared>>
      tpu.wait_indirect_dma semaphore(%arg17 : memref<!tpu.dma_semaphore, #tpu.memory_space<semaphore_mem>>) src(%dma_wait3A_381 : memref<64x128xf32, #tpu.memory_space<vmem>>) dst(%dma_wait3A_384 : memref<1024x128xf32, #tpu.memory_space<vmem_shared>>)
      %dma_start3A_385 = arith.constant 11 : i32
      %dma_start3A_386 = arith.constant 3 : i32
      %dma_start3A_387 = arith.constant 0 : i32
      %dma_start3A_388 = arith.constant 0 : i32
      %dma_start3A_389 = tpu.memref_slice %arg6[%dma_start3A_386, %dma_start3A_387, %dma_start3A_388] : memref<4x64x128xf32, #tpu.memory_space<vmem>> -> memref<1x64x128xf32, #tpu.memory_space<vmem>>
      %dma_start3A_390 = tpu.memref_squeeze %dma_start3A_389 : memref<1x64x128xf32, #tpu.memory_space<vmem>> -> memref<64x128xf32, #tpu.memory_space<vmem>>
      %dma_start3A_391 = tpu.memref_slice %arg5[%dma_start3A_385, %mul3A_30] : memref<17x3200xi32, #tpu.memory_space<vmem>> -> memref<1x64xi32, #tpu.memory_space<vmem>>
      %dma_start3A_392 = tpu.memref_squeeze %dma_start3A_391 : memref<1x64xi32, #tpu.memory_space<vmem>> -> memref<64xi32, #tpu.memory_space<vmem>>
      %dma_start3A_393 = arith.constant 0 : i32
      %dma_start3A_394 = arith.constant 0 : i32
      %dma_start3A_395 = tpu.memref_slice %arg2[%dma_start3A_393, %dma_start3A_394] : memref<100000x128xf32, #tpu.memory_space<hbm>> -> memref<100000x128xf32, #tpu.memory_space<hbm>>
      tpu.enqueue_indirect_dma source(%dma_start3A_395 : memref<100000x128xf32, #tpu.memory_space<hbm>>) target(%dma_start3A_390 : memref<64x128xf32, #tpu.memory_space<vmem>>) offsets(%dma_start3A_392 : memref<64xi32, #tpu.memory_space<vmem>>) semaphore(%arg13 : memref<!tpu.dma_semaphore, #tpu.memory_space<semaphore_mem>>)
      %dma_wait3A_396 = arith.constant 9 : i32
      %dma_wait3A_397 = arith.constant 1 : i32
      %dma_wait3A_398 = arith.constant 0 : i32
      %dma_wait3A_399 = arith.constant 0 : i32
      %dma_wait3A_400 = tpu.memref_slice %arg6[%dma_wait3A_397, %dma_wait3A_398, %dma_wait3A_399] : memref<4x64x128xf32, #tpu.memory_space<vmem>> -> memref<1x64x128xf32, #tpu.memory_space<vmem>>
      %dma_wait3A_401 = tpu.memref_squeeze %dma_wait3A_400 : memref<1x64x128xf32, #tpu.memory_space<vmem>> -> memref<64x128xf32, #tpu.memory_space<vmem>>
      %dma_wait3A_402 = tpu.memref_slice %arg5[%dma_wait3A_396, %mul3A_30] : memref<17x3200xi32, #tpu.memory_space<vmem>> -> memref<1x64xi32, #tpu.memory_space<vmem>>
      %dma_wait3A_403 = tpu.memref_squeeze %dma_wait3A_402 : memref<1x64xi32, #tpu.memory_space<vmem>> -> memref<64xi32, #tpu.memory_space<vmem>>
      %dma_wait3A_404 = arith.constant 0 : i32
      %dma_wait3A_405 = arith.constant 0 : i32
      %dma_wait3A_406 = tpu.memref_slice %arg2[%dma_wait3A_404, %dma_wait3A_405] : memref<100000x128xf32, #tpu.memory_space<hbm>> -> memref<100000x128xf32, #tpu.memory_space<hbm>>
      tpu.wait_indirect_dma semaphore(%arg11 : memref<!tpu.dma_semaphore, #tpu.memory_space<semaphore_mem>>) src(%dma_wait3A_406 : memref<100000x128xf32, #tpu.memory_space<hbm>>) dst(%dma_wait3A_401 : memref<64x128xf32, #tpu.memory_space<vmem>>)
      %dma_start3A_407 = arith.constant 1 : i32
      %dma_start3A_408 = arith.constant 0 : i32
      %dma_start3A_409 = arith.constant 0 : i32
      %dma_start3A_410 = tpu.memref_slice %arg6[%dma_start3A_407, %dma_start3A_408, %dma_start3A_409] : memref<4x64x128xf32, #tpu.memory_space<vmem>> -> memref<1x64x128xf32, #tpu.memory_space<vmem>>
      %dma_start3A_411 = tpu.memref_squeeze %dma_start3A_410 : memref<1x64x128xf32, #tpu.memory_space<vmem>> -> memref<64x128xf32, #tpu.memory_space<vmem>>
      %dma_start3A_412 = arith.constant 0 : i32
      %dma_start3A_413 = arith.constant 0 : i32
      %dma_start3A_414 = tpu.memref_slice %arg8[%dma_start3A_412, %dma_start3A_413] : memref<1024x128xf32, #tpu.memory_space<vmem_shared>> -> memref<1024x128xf32, #tpu.memory_space<vmem_shared>>
      tpu.enqueue_indirect_dma source(%dma_start3A_411 : memref<64x128xf32, #tpu.memory_space<vmem>>) target(%dma_start3A_414 : memref<1024x128xf32, #tpu.memory_space<vmem_shared>>) offsets(%arg7 : memref<64xi32, #tpu.memory_space<vmem>>) semaphore(%arg15 : memref<!tpu.dma_semaphore, #tpu.memory_space<semaphore_mem>>) {add = true}
      %dma_wait3A_415 = arith.constant 0 : i32
      %dma_wait3A_416 = arith.constant 0 : i32
      %dma_wait3A_417 = arith.constant 0 : i32
      %dma_wait3A_418 = tpu.memref_slice %arg6[%dma_wait3A_415, %dma_wait3A_416, %dma_wait3A_417] : memref<4x64x128xf32, #tpu.memory_space<vmem>> -> memref<1x64x128xf32, #tpu.memory_space<vmem>>
      %dma_wait3A_419 = tpu.memref_squeeze %dma_wait3A_418 : memref<1x64x128xf32, #tpu.memory_space<vmem>> -> memref<64x128xf32, #tpu.memory_space<vmem>>
      %dma_wait3A_420 = arith.constant 0 : i32
      %dma_wait3A_421 = arith.constant 0 : i32
      %dma_wait3A_422 = tpu.memref_slice %arg8[%dma_wait3A_420, %dma_wait3A_421] : memref<1024x128xf32, #tpu.memory_space<vmem_shared>> -> memref<1024x128xf32, #tpu.memory_space<vmem_shared>>
      tpu.wait_indirect_dma semaphore(%arg14 : memref<!tpu.dma_semaphore, #tpu.memory_space<semaphore_mem>>) src(%dma_wait3A_419 : memref<64x128xf32, #tpu.memory_space<vmem>>) dst(%dma_wait3A_422 : memref<1024x128xf32, #tpu.memory_space<vmem_shared>>)
      %dma_start3A_423 = arith.constant 12 : i32
      %dma_start3A_424 = arith.constant 0 : i32
      %dma_start3A_425 = arith.constant 0 : i32
      %dma_start3A_426 = arith.constant 0 : i32
      %dma_start3A_427 = tpu.memref_slice %arg6[%dma_start3A_424, %dma_start3A_425, %dma_start3A_426] : memref<4x64x128xf32, #tpu.memory_space<vmem>> -> memref<1x64x128xf32, #tpu.memory_space<vmem>>
      %dma_start3A_428 = tpu.memref_squeeze %dma_start3A_427 : memref<1x64x128xf32, #tpu.memory_space<vmem>> -> memref<64x128xf32, #tpu.memory_space<vmem>>
      %dma_start3A_429 = tpu.memref_slice %arg5[%dma_start3A_423, %mul3A_30] : memref<17x3200xi32, #tpu.memory_space<vmem>> -> memref<1x64xi32, #tpu.memory_space<vmem>>
      %dma_start3A_430 = tpu.memref_squeeze %dma_start3A_429 : memref<1x64xi32, #tpu.memory_space<vmem>> -> memref<64xi32, #tpu.memory_space<vmem>>
      %dma_start3A_431 = arith.constant 0 : i32
      %dma_start3A_432 = arith.constant 0 : i32
      %dma_start3A_433 = tpu.memref_slice %arg2[%dma_start3A_431, %dma_start3A_432] : memref<100000x128xf32, #tpu.memory_space<hbm>> -> memref<100000x128xf32, #tpu.memory_space<hbm>>
      tpu.enqueue_indirect_dma source(%dma_start3A_433 : memref<100000x128xf32, #tpu.memory_space<hbm>>) target(%dma_start3A_428 : memref<64x128xf32, #tpu.memory_space<vmem>>) offsets(%dma_start3A_430 : memref<64xi32, #tpu.memory_space<vmem>>) semaphore(%arg10 : memref<!tpu.dma_semaphore, #tpu.memory_space<semaphore_mem>>)
      %dma_wait3A_434 = arith.constant 10 : i32
      %dma_wait3A_435 = arith.constant 2 : i32
      %dma_wait3A_436 = arith.constant 0 : i32
      %dma_wait3A_437 = arith.constant 0 : i32
      %dma_wait3A_438 = tpu.memref_slice %arg6[%dma_wait3A_435, %dma_wait3A_436, %dma_wait3A_437] : memref<4x64x128xf32, #tpu.memory_space<vmem>> -> memref<1x64x128xf32, #tpu.memory_space<vmem>>
      %dma_wait3A_439 = tpu.memref_squeeze %dma_wait3A_438 : memref<1x64x128xf32, #tpu.memory_space<vmem>> -> memref<64x128xf32, #tpu.memory_space<vmem>>
      %dma_wait3A_440 = tpu.memref_slice %arg5[%dma_wait3A_434, %mul3A_30] : memref<17x3200xi32, #tpu.memory_space<vmem>> -> memref<1x64xi32, #tpu.memory_space<vmem>>
      %dma_wait3A_441 = tpu.memref_squeeze %dma_wait3A_440 : memref<1x64xi32, #tpu.memory_space<vmem>> -> memref<64xi32, #tpu.memory_space<vmem>>
      %dma_wait3A_442 = arith.constant 0 : i32
      %dma_wait3A_443 = arith.constant 0 : i32
      %dma_wait3A_444 = tpu.memref_slice %arg2[%dma_wait3A_442, %dma_wait3A_443] : memref<100000x128xf32, #tpu.memory_space<hbm>> -> memref<100000x128xf32, #tpu.memory_space<hbm>>
      tpu.wait_indirect_dma semaphore(%arg12 : memref<!tpu.dma_semaphore, #tpu.memory_space<semaphore_mem>>) src(%dma_wait3A_444 : memref<100000x128xf32, #tpu.memory_space<hbm>>) dst(%dma_wait3A_439 : memref<64x128xf32, #tpu.memory_space<vmem>>)
      %dma_start3A_445 = arith.constant 2 : i32
      %dma_start3A_446 = arith.constant 0 : i32
      %dma_start3A_447 = arith.constant 0 : i32
      %dma_start3A_448 = tpu.memref_slice %arg6[%dma_start3A_445, %dma_start3A_446, %dma_start3A_447] : memref<4x64x128xf32, #tpu.memory_space<vmem>> -> memref<1x64x128xf32, #tpu.memory_space<vmem>>
      %dma_start3A_449 = tpu.memref_squeeze %dma_start3A_448 : memref<1x64x128xf32, #tpu.memory_space<vmem>> -> memref<64x128xf32, #tpu.memory_space<vmem>>
      %dma_start3A_450 = arith.constant 0 : i32
      %dma_start3A_451 = arith.constant 0 : i32
      %dma_start3A_452 = tpu.memref_slice %arg8[%dma_start3A_450, %dma_start3A_451] : memref<1024x128xf32, #tpu.memory_space<vmem_shared>> -> memref<1024x128xf32, #tpu.memory_space<vmem_shared>>
      tpu.enqueue_indirect_dma source(%dma_start3A_449 : memref<64x128xf32, #tpu.memory_space<vmem>>) target(%dma_start3A_452 : memref<1024x128xf32, #tpu.memory_space<vmem_shared>>) offsets(%arg7 : memref<64xi32, #tpu.memory_space<vmem>>) semaphore(%arg16 : memref<!tpu.dma_semaphore, #tpu.memory_space<semaphore_mem>>) {add = true}
      %dma_wait3A_453 = arith.constant 1 : i32
      %dma_wait3A_454 = arith.constant 0 : i32
      %dma_wait3A_455 = arith.constant 0 : i32
      %dma_wait3A_456 = tpu.memref_slice %arg6[%dma_wait3A_453, %dma_wait3A_454, %dma_wait3A_455] : memref<4x64x128xf32, #tpu.memory_space<vmem>> -> memref<1x64x128xf32, #tpu.memory_space<vmem>>
      %dma_wait3A_457 = tpu.memref_squeeze %dma_wait3A_456 : memref<1x64x128xf32, #tpu.memory_space<vmem>> -> memref<64x128xf32, #tpu.memory_space<vmem>>
      %dma_wait3A_458 = arith.constant 0 : i32
      %dma_wait3A_459 = arith.constant 0 : i32
      %dma_wait3A_460 = tpu.memref_slice %arg8[%dma_wait3A_458, %dma_wait3A_459] : memref<1024x128xf32, #tpu.memory_space<vmem_shared>> -> memref<1024x128xf32, #tpu.memory_space<vmem_shared>>
      tpu.wait_indirect_dma semaphore(%arg15 : memref<!tpu.dma_semaphore, #tpu.memory_space<semaphore_mem>>) src(%dma_wait3A_457 : memref<64x128xf32, #tpu.memory_space<vmem>>) dst(%dma_wait3A_460 : memref<1024x128xf32, #tpu.memory_space<vmem_shared>>)
      %dma_start3A_461 = arith.constant 13 : i32
      %dma_start3A_462 = arith.constant 1 : i32
      %dma_start3A_463 = arith.constant 0 : i32
      %dma_start3A_464 = arith.constant 0 : i32
      %dma_start3A_465 = tpu.memref_slice %arg6[%dma_start3A_462, %dma_start3A_463, %dma_start3A_464] : memref<4x64x128xf32, #tpu.memory_space<vmem>> -> memref<1x64x128xf32, #tpu.memory_space<vmem>>
      %dma_start3A_466 = tpu.memref_squeeze %dma_start3A_465 : memref<1x64x128xf32, #tpu.memory_space<vmem>> -> memref<64x128xf32, #tpu.memory_space<vmem>>
      %dma_start3A_467 = tpu.memref_slice %arg5[%dma_start3A_461, %mul3A_30] : memref<17x3200xi32, #tpu.memory_space<vmem>> -> memref<1x64xi32, #tpu.memory_space<vmem>>
      %dma_start3A_468 = tpu.memref_squeeze %dma_start3A_467 : memref<1x64xi32, #tpu.memory_space<vmem>> -> memref<64xi32, #tpu.memory_space<vmem>>
      %dma_start3A_469 = arith.constant 0 : i32
      %dma_start3A_470 = arith.constant 0 : i32
      %dma_start3A_471 = tpu.memref_slice %arg2[%dma_start3A_469, %dma_start3A_470] : memref<100000x128xf32, #tpu.memory_space<hbm>> -> memref<100000x128xf32, #tpu.memory_space<hbm>>
      tpu.enqueue_indirect_dma source(%dma_start3A_471 : memref<100000x128xf32, #tpu.memory_space<hbm>>) target(%dma_start3A_466 : memref<64x128xf32, #tpu.memory_space<vmem>>) offsets(%dma_start3A_468 : memref<64xi32, #tpu.memory_space<vmem>>) semaphore(%arg11 : memref<!tpu.dma_semaphore, #tpu.memory_space<semaphore_mem>>)
      %dma_wait3A_472 = arith.constant 11 : i32
      %dma_wait3A_473 = arith.constant 3 : i32
      %dma_wait3A_474 = arith.constant 0 : i32
      %dma_wait3A_475 = arith.constant 0 : i32
      %dma_wait3A_476 = tpu.memref_slice %arg6[%dma_wait3A_473, %dma_wait3A_474, %dma_wait3A_475] : memref<4x64x128xf32, #tpu.memory_space<vmem>> -> memref<1x64x128xf32, #tpu.memory_space<vmem>>
      %dma_wait3A_477 = tpu.memref_squeeze %dma_wait3A_476 : memref<1x64x128xf32, #tpu.memory_space<vmem>> -> memref<64x128xf32, #tpu.memory_space<vmem>>
      %dma_wait3A_478 = tpu.memref_slice %arg5[%dma_wait3A_472, %mul3A_30] : memref<17x3200xi32, #tpu.memory_space<vmem>> -> memref<1x64xi32, #tpu.memory_space<vmem>>
      %dma_wait3A_479 = tpu.memref_squeeze %dma_wait3A_478 : memref<1x64xi32, #tpu.memory_space<vmem>> -> memref<64xi32, #tpu.memory_space<vmem>>
      %dma_wait3A_480 = arith.constant 0 : i32
      %dma_wait3A_481 = arith.constant 0 : i32
      %dma_wait3A_482 = tpu.memref_slice %arg2[%dma_wait3A_480, %dma_wait3A_481] : memref<100000x128xf32, #tpu.memory_space<hbm>> -> memref<100000x128xf32, #tpu.memory_space<hbm>>
      tpu.wait_indirect_dma semaphore(%arg13 : memref<!tpu.dma_semaphore, #tpu.memory_space<semaphore_mem>>) src(%dma_wait3A_482 : memref<100000x128xf32, #tpu.memory_space<hbm>>) dst(%dma_wait3A_477 : memref<64x128xf32, #tpu.memory_space<vmem>>)
      %dma_start3A_483 = arith.constant 3 : i32
      %dma_start3A_484 = arith.constant 0 : i32
      %dma_start3A_485 = arith.constant 0 : i32
      %dma_start3A_486 = tpu.memref_slice %arg6[%dma_start3A_483, %dma_start3A_484, %dma_start3A_485] : memref<4x64x128xf32, #tpu.memory_space<vmem>> -> memref<1x64x128xf32, #tpu.memory_space<vmem>>
      %dma_start3A_487 = tpu.memref_squeeze %dma_start3A_486 : memref<1x64x128xf32, #tpu.memory_space<vmem>> -> memref<64x128xf32, #tpu.memory_space<vmem>>
      %dma_start3A_488 = arith.constant 0 : i32
      %dma_start3A_489 = arith.constant 0 : i32
      %dma_start3A_490 = tpu.memref_slice %arg8[%dma_start3A_488, %dma_start3A_489] : memref<1024x128xf32, #tpu.memory_space<vmem_shared>> -> memref<1024x128xf32, #tpu.memory_space<vmem_shared>>
      tpu.enqueue_indirect_dma source(%dma_start3A_487 : memref<64x128xf32, #tpu.memory_space<vmem>>) target(%dma_start3A_490 : memref<1024x128xf32, #tpu.memory_space<vmem_shared>>) offsets(%arg7 : memref<64xi32, #tpu.memory_space<vmem>>) semaphore(%arg17 : memref<!tpu.dma_semaphore, #tpu.memory_space<semaphore_mem>>) {add = true}
      %dma_wait3A_491 = arith.constant 2 : i32
      %dma_wait3A_492 = arith.constant 0 : i32
      %dma_wait3A_493 = arith.constant 0 : i32
      %dma_wait3A_494 = tpu.memref_slice %arg6[%dma_wait3A_491, %dma_wait3A_492, %dma_wait3A_493] : memref<4x64x128xf32, #tpu.memory_space<vmem>> -> memref<1x64x128xf32, #tpu.memory_space<vmem>>
      %dma_wait3A_495 = tpu.memref_squeeze %dma_wait3A_494 : memref<1x64x128xf32, #tpu.memory_space<vmem>> -> memref<64x128xf32, #tpu.memory_space<vmem>>
      %dma_wait3A_496 = arith.constant 0 : i32
      %dma_wait3A_497 = arith.constant 0 : i32
      %dma_wait3A_498 = tpu.memref_slice %arg8[%dma_wait3A_496, %dma_wait3A_497] : memref<1024x128xf32, #tpu.memory_space<vmem_shared>> -> memref<1024x128xf32, #tpu.memory_space<vmem_shared>>
      tpu.wait_indirect_dma semaphore(%arg16 : memref<!tpu.dma_semaphore, #tpu.memory_space<semaphore_mem>>) src(%dma_wait3A_495 : memref<64x128xf32, #tpu.memory_space<vmem>>) dst(%dma_wait3A_498 : memref<1024x128xf32, #tpu.memory_space<vmem_shared>>)
      %dma_start3A_499 = arith.constant 14 : i32
      %dma_start3A_500 = arith.constant 2 : i32
      %dma_start3A_501 = arith.constant 0 : i32
      %dma_start3A_502 = arith.constant 0 : i32
      %dma_start3A_503 = tpu.memref_slice %arg6[%dma_start3A_500, %dma_start3A_501, %dma_start3A_502] : memref<4x64x128xf32, #tpu.memory_space<vmem>> -> memref<1x64x128xf32, #tpu.memory_space<vmem>>
      %dma_start3A_504 = tpu.memref_squeeze %dma_start3A_503 : memref<1x64x128xf32, #tpu.memory_space<vmem>> -> memref<64x128xf32, #tpu.memory_space<vmem>>
      %dma_start3A_505 = tpu.memref_slice %arg5[%dma_start3A_499, %mul3A_30] : memref<17x3200xi32, #tpu.memory_space<vmem>> -> memref<1x64xi32, #tpu.memory_space<vmem>>
      %dma_start3A_506 = tpu.memref_squeeze %dma_start3A_505 : memref<1x64xi32, #tpu.memory_space<vmem>> -> memref<64xi32, #tpu.memory_space<vmem>>
      %dma_start3A_507 = arith.constant 0 : i32
      %dma_start3A_508 = arith.constant 0 : i32
      %dma_start3A_509 = tpu.memref_slice %arg2[%dma_start3A_507, %dma_start3A_508] : memref<100000x128xf32, #tpu.memory_space<hbm>> -> memref<100000x128xf32, #tpu.memory_space<hbm>>
      tpu.enqueue_indirect_dma source(%dma_start3A_509 : memref<100000x128xf32, #tpu.memory_space<hbm>>) target(%dma_start3A_504 : memref<64x128xf32, #tpu.memory_space<vmem>>) offsets(%dma_start3A_506 : memref<64xi32, #tpu.memory_space<vmem>>) semaphore(%arg12 : memref<!tpu.dma_semaphore, #tpu.memory_space<semaphore_mem>>)
      %dma_wait3A_510 = arith.constant 12 : i32
      %dma_wait3A_511 = arith.constant 0 : i32
      %dma_wait3A_512 = arith.constant 0 : i32
      %dma_wait3A_513 = arith.constant 0 : i32
      %dma_wait3A_514 = tpu.memref_slice %arg6[%dma_wait3A_511, %dma_wait3A_512, %dma_wait3A_513] : memref<4x64x128xf32, #tpu.memory_space<vmem>> -> memref<1x64x128xf32, #tpu.memory_space<vmem>>
      %dma_wait3A_515 = tpu.memref_squeeze %dma_wait3A_514 : memref<1x64x128xf32, #tpu.memory_space<vmem>> -> memref<64x128xf32, #tpu.memory_space<vmem>>
      %dma_wait3A_516 = tpu.memref_slice %arg5[%dma_wait3A_510, %mul3A_30] : memref<17x3200xi32, #tpu.memory_space<vmem>> -> memref<1x64xi32, #tpu.memory_space<vmem>>
      %dma_wait3A_517 = tpu.memref_squeeze %dma_wait3A_516 : memref<1x64xi32, #tpu.memory_space<vmem>> -> memref<64xi32, #tpu.memory_space<vmem>>
      %dma_wait3A_518 = arith.constant 0 : i32
      %dma_wait3A_519 = arith.constant 0 : i32
      %dma_wait3A_520 = tpu.memref_slice %arg2[%dma_wait3A_518, %dma_wait3A_519] : memref<100000x128xf32, #tpu.memory_space<hbm>> -> memref<100000x128xf32, #tpu.memory_space<hbm>>
      tpu.wait_indirect_dma semaphore(%arg10 : memref<!tpu.dma_semaphore, #tpu.memory_space<semaphore_mem>>) src(%dma_wait3A_520 : memref<100000x128xf32, #tpu.memory_space<hbm>>) dst(%dma_wait3A_515 : memref<64x128xf32, #tpu.memory_space<vmem>>)
      %dma_start3A_521 = arith.constant 0 : i32
      %dma_start3A_522 = arith.constant 0 : i32
      %dma_start3A_523 = arith.constant 0 : i32
      %dma_start3A_524 = tpu.memref_slice %arg6[%dma_start3A_521, %dma_start3A_522, %dma_start3A_523] : memref<4x64x128xf32, #tpu.memory_space<vmem>> -> memref<1x64x128xf32, #tpu.memory_space<vmem>>
      %dma_start3A_525 = tpu.memref_squeeze %dma_start3A_524 : memref<1x64x128xf32, #tpu.memory_space<vmem>> -> memref<64x128xf32, #tpu.memory_space<vmem>>
      %dma_start3A_526 = arith.constant 0 : i32
      %dma_start3A_527 = arith.constant 0 : i32
      %dma_start3A_528 = tpu.memref_slice %arg8[%dma_start3A_526, %dma_start3A_527] : memref<1024x128xf32, #tpu.memory_space<vmem_shared>> -> memref<1024x128xf32, #tpu.memory_space<vmem_shared>>
      tpu.enqueue_indirect_dma source(%dma_start3A_525 : memref<64x128xf32, #tpu.memory_space<vmem>>) target(%dma_start3A_528 : memref<1024x128xf32, #tpu.memory_space<vmem_shared>>) offsets(%arg7 : memref<64xi32, #tpu.memory_space<vmem>>) semaphore(%arg14 : memref<!tpu.dma_semaphore, #tpu.memory_space<semaphore_mem>>) {add = true}
      %dma_wait3A_529 = arith.constant 3 : i32
      %dma_wait3A_530 = arith.constant 0 : i32
      %dma_wait3A_531 = arith.constant 0 : i32
      %dma_wait3A_532 = tpu.memref_slice %arg6[%dma_wait3A_529, %dma_wait3A_530, %dma_wait3A_531] : memref<4x64x128xf32, #tpu.memory_space<vmem>> -> memref<1x64x128xf32, #tpu.memory_space<vmem>>
      %dma_wait3A_533 = tpu.memref_squeeze %dma_wait3A_532 : memref<1x64x128xf32, #tpu.memory_space<vmem>> -> memref<64x128xf32, #tpu.memory_space<vmem>>
      %dma_wait3A_534 = arith.constant 0 : i32
      %dma_wait3A_535 = arith.constant 0 : i32
      %dma_wait3A_536 = tpu.memref_slice %arg8[%dma_wait3A_534, %dma_wait3A_535] : memref<1024x128xf32, #tpu.memory_space<vmem_shared>> -> memref<1024x128xf32, #tpu.memory_space<vmem_shared>>
      tpu.wait_indirect_dma semaphore(%arg17 : memref<!tpu.dma_semaphore, #tpu.memory_space<semaphore_mem>>) src(%dma_wait3A_533 : memref<64x128xf32, #tpu.memory_space<vmem>>) dst(%dma_wait3A_536 : memref<1024x128xf32, #tpu.memory_space<vmem_shared>>)
      %dma_start3A_537 = arith.constant 15 : i32
      %dma_start3A_538 = arith.constant 3 : i32
      %dma_start3A_539 = arith.constant 0 : i32
      %dma_start3A_540 = arith.constant 0 : i32
      %dma_start3A_541 = tpu.memref_slice %arg6[%dma_start3A_538, %dma_start3A_539, %dma_start3A_540] : memref<4x64x128xf32, #tpu.memory_space<vmem>> -> memref<1x64x128xf32, #tpu.memory_space<vmem>>
      %dma_start3A_542 = tpu.memref_squeeze %dma_start3A_541 : memref<1x64x128xf32, #tpu.memory_space<vmem>> -> memref<64x128xf32, #tpu.memory_space<vmem>>
      %dma_start3A_543 = tpu.memref_slice %arg5[%dma_start3A_537, %mul3A_30] : memref<17x3200xi32, #tpu.memory_space<vmem>> -> memref<1x64xi32, #tpu.memory_space<vmem>>
      %dma_start3A_544 = tpu.memref_squeeze %dma_start3A_543 : memref<1x64xi32, #tpu.memory_space<vmem>> -> memref<64xi32, #tpu.memory_space<vmem>>
      %dma_start3A_545 = arith.constant 0 : i32
      %dma_start3A_546 = arith.constant 0 : i32
      %dma_start3A_547 = tpu.memref_slice %arg2[%dma_start3A_545, %dma_start3A_546] : memref<100000x128xf32, #tpu.memory_space<hbm>> -> memref<100000x128xf32, #tpu.memory_space<hbm>>
      tpu.enqueue_indirect_dma source(%dma_start3A_547 : memref<100000x128xf32, #tpu.memory_space<hbm>>) target(%dma_start3A_542 : memref<64x128xf32, #tpu.memory_space<vmem>>) offsets(%dma_start3A_544 : memref<64xi32, #tpu.memory_space<vmem>>) semaphore(%arg13 : memref<!tpu.dma_semaphore, #tpu.memory_space<semaphore_mem>>)
      %dma_wait3A_548 = arith.constant 13 : i32
      %dma_wait3A_549 = arith.constant 1 : i32
      %dma_wait3A_550 = arith.constant 0 : i32
      %dma_wait3A_551 = arith.constant 0 : i32
      %dma_wait3A_552 = tpu.memref_slice %arg6[%dma_wait3A_549, %dma_wait3A_550, %dma_wait3A_551] : memref<4x64x128xf32, #tpu.memory_space<vmem>> -> memref<1x64x128xf32, #tpu.memory_space<vmem>>
      %dma_wait3A_553 = tpu.memref_squeeze %dma_wait3A_552 : memref<1x64x128xf32, #tpu.memory_space<vmem>> -> memref<64x128xf32, #tpu.memory_space<vmem>>
      %dma_wait3A_554 = tpu.memref_slice %arg5[%dma_wait3A_548, %mul3A_30] : memref<17x3200xi32, #tpu.memory_space<vmem>> -> memref<1x64xi32, #tpu.memory_space<vmem>>
      %dma_wait3A_555 = tpu.memref_squeeze %dma_wait3A_554 : memref<1x64xi32, #tpu.memory_space<vmem>> -> memref<64xi32, #tpu.memory_space<vmem>>
      %dma_wait3A_556 = arith.constant 0 : i32
      %dma_wait3A_557 = arith.constant 0 : i32
      %dma_wait3A_558 = tpu.memref_slice %arg2[%dma_wait3A_556, %dma_wait3A_557] : memref<100000x128xf32, #tpu.memory_space<hbm>> -> memref<100000x128xf32, #tpu.memory_space<hbm>>
      tpu.wait_indirect_dma semaphore(%arg11 : memref<!tpu.dma_semaphore, #tpu.memory_space<semaphore_mem>>) src(%dma_wait3A_558 : memref<100000x128xf32, #tpu.memory_space<hbm>>) dst(%dma_wait3A_553 : memref<64x128xf32, #tpu.memory_space<vmem>>)
      %dma_start3A_559 = arith.constant 1 : i32
      %dma_start3A_560 = arith.constant 0 : i32
      %dma_start3A_561 = arith.constant 0 : i32
      %dma_start3A_562 = tpu.memref_slice %arg6[%dma_start3A_559, %dma_start3A_560, %dma_start3A_561] : memref<4x64x128xf32, #tpu.memory_space<vmem>> -> memref<1x64x128xf32, #tpu.memory_space<vmem>>
      %dma_start3A_563 = tpu.memref_squeeze %dma_start3A_562 : memref<1x64x128xf32, #tpu.memory_space<vmem>> -> memref<64x128xf32, #tpu.memory_space<vmem>>
      %dma_start3A_564 = arith.constant 0 : i32
      %dma_start3A_565 = arith.constant 0 : i32
      %dma_start3A_566 = tpu.memref_slice %arg8[%dma_start3A_564, %dma_start3A_565] : memref<1024x128xf32, #tpu.memory_space<vmem_shared>> -> memref<1024x128xf32, #tpu.memory_space<vmem_shared>>
      tpu.enqueue_indirect_dma source(%dma_start3A_563 : memref<64x128xf32, #tpu.memory_space<vmem>>) target(%dma_start3A_566 : memref<1024x128xf32, #tpu.memory_space<vmem_shared>>) offsets(%arg7 : memref<64xi32, #tpu.memory_space<vmem>>) semaphore(%arg15 : memref<!tpu.dma_semaphore, #tpu.memory_space<semaphore_mem>>) {add = true}
      %dma_wait3A_567 = arith.constant 0 : i32
      %dma_wait3A_568 = arith.constant 0 : i32
      %dma_wait3A_569 = arith.constant 0 : i32
      %dma_wait3A_570 = tpu.memref_slice %arg6[%dma_wait3A_567, %dma_wait3A_568, %dma_wait3A_569] : memref<4x64x128xf32, #tpu.memory_space<vmem>> -> memref<1x64x128xf32, #tpu.memory_space<vmem>>
      %dma_wait3A_571 = tpu.memref_squeeze %dma_wait3A_570 : memref<1x64x128xf32, #tpu.memory_space<vmem>> -> memref<64x128xf32, #tpu.memory_space<vmem>>
      %dma_wait3A_572 = arith.constant 0 : i32
      %dma_wait3A_573 = arith.constant 0 : i32
      %dma_wait3A_574 = tpu.memref_slice %arg8[%dma_wait3A_572, %dma_wait3A_573] : memref<1024x128xf32, #tpu.memory_space<vmem_shared>> -> memref<1024x128xf32, #tpu.memory_space<vmem_shared>>
      tpu.wait_indirect_dma semaphore(%arg14 : memref<!tpu.dma_semaphore, #tpu.memory_space<semaphore_mem>>) src(%dma_wait3A_571 : memref<64x128xf32, #tpu.memory_space<vmem>>) dst(%dma_wait3A_574 : memref<1024x128xf32, #tpu.memory_space<vmem_shared>>)
      %dma_start3A_575 = arith.constant 16 : i32
      %dma_start3A_576 = arith.constant 0 : i32
      %dma_start3A_577 = arith.constant 0 : i32
      %dma_start3A_578 = arith.constant 0 : i32
      %dma_start3A_579 = tpu.memref_slice %arg6[%dma_start3A_576, %dma_start3A_577, %dma_start3A_578] : memref<4x64x128xf32, #tpu.memory_space<vmem>> -> memref<1x64x128xf32, #tpu.memory_space<vmem>>
      %dma_start3A_580 = tpu.memref_squeeze %dma_start3A_579 : memref<1x64x128xf32, #tpu.memory_space<vmem>> -> memref<64x128xf32, #tpu.memory_space<vmem>>
      %dma_start3A_581 = tpu.memref_slice %arg5[%dma_start3A_575, %mul3A_30] : memref<17x3200xi32, #tpu.memory_space<vmem>> -> memref<1x64xi32, #tpu.memory_space<vmem>>
      %dma_start3A_582 = tpu.memref_squeeze %dma_start3A_581 : memref<1x64xi32, #tpu.memory_space<vmem>> -> memref<64xi32, #tpu.memory_space<vmem>>
      %dma_start3A_583 = arith.constant 0 : i32
      %dma_start3A_584 = arith.constant 0 : i32
      %dma_start3A_585 = tpu.memref_slice %arg2[%dma_start3A_583, %dma_start3A_584] : memref<100000x128xf32, #tpu.memory_space<hbm>> -> memref<100000x128xf32, #tpu.memory_space<hbm>>
      tpu.enqueue_indirect_dma source(%dma_start3A_585 : memref<100000x128xf32, #tpu.memory_space<hbm>>) target(%dma_start3A_580 : memref<64x128xf32, #tpu.memory_space<vmem>>) offsets(%dma_start3A_582 : memref<64xi32, #tpu.memory_space<vmem>>) semaphore(%arg10 : memref<!tpu.dma_semaphore, #tpu.memory_space<semaphore_mem>>)
      %dma_wait3A_586 = arith.constant 14 : i32
      %dma_wait3A_587 = arith.constant 2 : i32
      %dma_wait3A_588 = arith.constant 0 : i32
      %dma_wait3A_589 = arith.constant 0 : i32
      %dma_wait3A_590 = tpu.memref_slice %arg6[%dma_wait3A_587, %dma_wait3A_588, %dma_wait3A_589] : memref<4x64x128xf32, #tpu.memory_space<vmem>> -> memref<1x64x128xf32, #tpu.memory_space<vmem>>
      %dma_wait3A_591 = tpu.memref_squeeze %dma_wait3A_590 : memref<1x64x128xf32, #tpu.memory_space<vmem>> -> memref<64x128xf32, #tpu.memory_space<vmem>>
      %dma_wait3A_592 = tpu.memref_slice %arg5[%dma_wait3A_586, %mul3A_30] : memref<17x3200xi32, #tpu.memory_space<vmem>> -> memref<1x64xi32, #tpu.memory_space<vmem>>
      %dma_wait3A_593 = tpu.memref_squeeze %dma_wait3A_592 : memref<1x64xi32, #tpu.memory_space<vmem>> -> memref<64xi32, #tpu.memory_space<vmem>>
      %dma_wait3A_594 = arith.constant 0 : i32
      %dma_wait3A_595 = arith.constant 0 : i32
      %dma_wait3A_596 = tpu.memref_slice %arg2[%dma_wait3A_594, %dma_wait3A_595] : memref<100000x128xf32, #tpu.memory_space<hbm>> -> memref<100000x128xf32, #tpu.memory_space<hbm>>
      tpu.wait_indirect_dma semaphore(%arg12 : memref<!tpu.dma_semaphore, #tpu.memory_space<semaphore_mem>>) src(%dma_wait3A_596 : memref<100000x128xf32, #tpu.memory_space<hbm>>) dst(%dma_wait3A_591 : memref<64x128xf32, #tpu.memory_space<vmem>>)
      %dma_start3A_597 = arith.constant 2 : i32
      %dma_start3A_598 = arith.constant 0 : i32
      %dma_start3A_599 = arith.constant 0 : i32
      %dma_start3A_600 = tpu.memref_slice %arg6[%dma_start3A_597, %dma_start3A_598, %dma_start3A_599] : memref<4x64x128xf32, #tpu.memory_space<vmem>> -> memref<1x64x128xf32, #tpu.memory_space<vmem>>
      %dma_start3A_601 = tpu.memref_squeeze %dma_start3A_600 : memref<1x64x128xf32, #tpu.memory_space<vmem>> -> memref<64x128xf32, #tpu.memory_space<vmem>>
      %dma_start3A_602 = arith.constant 0 : i32
      %dma_start3A_603 = arith.constant 0 : i32
      %dma_start3A_604 = tpu.memref_slice %arg8[%dma_start3A_602, %dma_start3A_603] : memref<1024x128xf32, #tpu.memory_space<vmem_shared>> -> memref<1024x128xf32, #tpu.memory_space<vmem_shared>>
      tpu.enqueue_indirect_dma source(%dma_start3A_601 : memref<64x128xf32, #tpu.memory_space<vmem>>) target(%dma_start3A_604 : memref<1024x128xf32, #tpu.memory_space<vmem_shared>>) offsets(%arg7 : memref<64xi32, #tpu.memory_space<vmem>>) semaphore(%arg16 : memref<!tpu.dma_semaphore, #tpu.memory_space<semaphore_mem>>) {add = true}
      %dma_wait3A_605 = arith.constant 15 : i32
      %dma_wait3A_606 = arith.constant 3 : i32
      %dma_wait3A_607 = arith.constant 0 : i32
      %dma_wait3A_608 = arith.constant 0 : i32
      %dma_wait3A_609 = tpu.memref_slice %arg6[%dma_wait3A_606, %dma_wait3A_607, %dma_wait3A_608] : memref<4x64x128xf32, #tpu.memory_space<vmem>> -> memref<1x64x128xf32, #tpu.memory_space<vmem>>
      %dma_wait3A_610 = tpu.memref_squeeze %dma_wait3A_609 : memref<1x64x128xf32, #tpu.memory_space<vmem>> -> memref<64x128xf32, #tpu.memory_space<vmem>>
      %dma_wait3A_611 = tpu.memref_slice %arg5[%dma_wait3A_605, %mul3A_30] : memref<17x3200xi32, #tpu.memory_space<vmem>> -> memref<1x64xi32, #tpu.memory_space<vmem>>
      %dma_wait3A_612 = tpu.memref_squeeze %dma_wait3A_611 : memref<1x64xi32, #tpu.memory_space<vmem>> -> memref<64xi32, #tpu.memory_space<vmem>>
      %dma_wait3A_613 = arith.constant 0 : i32
      %dma_wait3A_614 = arith.constant 0 : i32
      %dma_wait3A_615 = tpu.memref_slice %arg2[%dma_wait3A_613, %dma_wait3A_614] : memref<100000x128xf32, #tpu.memory_space<hbm>> -> memref<100000x128xf32, #tpu.memory_space<hbm>>
      tpu.wait_indirect_dma semaphore(%arg13 : memref<!tpu.dma_semaphore, #tpu.memory_space<semaphore_mem>>) src(%dma_wait3A_615 : memref<100000x128xf32, #tpu.memory_space<hbm>>) dst(%dma_wait3A_610 : memref<64x128xf32, #tpu.memory_space<vmem>>)
      %dma_start3A_616 = arith.constant 3 : i32
      %dma_start3A_617 = arith.constant 0 : i32
      %dma_start3A_618 = arith.constant 0 : i32
      %dma_start3A_619 = tpu.memref_slice %arg6[%dma_start3A_616, %dma_start3A_617, %dma_start3A_618] : memref<4x64x128xf32, #tpu.memory_space<vmem>> -> memref<1x64x128xf32, #tpu.memory_space<vmem>>
      %dma_start3A_620 = tpu.memref_squeeze %dma_start3A_619 : memref<1x64x128xf32, #tpu.memory_space<vmem>> -> memref<64x128xf32, #tpu.memory_space<vmem>>
      %dma_start3A_621 = arith.constant 0 : i32
      %dma_start3A_622 = arith.constant 0 : i32
      %dma_start3A_623 = tpu.memref_slice %arg8[%dma_start3A_621, %dma_start3A_622] : memref<1024x128xf32, #tpu.memory_space<vmem_shared>> -> memref<1024x128xf32, #tpu.memory_space<vmem_shared>>
      tpu.enqueue_indirect_dma source(%dma_start3A_620 : memref<64x128xf32, #tpu.memory_space<vmem>>) target(%dma_start3A_623 : memref<1024x128xf32, #tpu.memory_space<vmem_shared>>) offsets(%arg7 : memref<64xi32, #tpu.memory_space<vmem>>) semaphore(%arg17 : memref<!tpu.dma_semaphore, #tpu.memory_space<semaphore_mem>>) {add = true}
      %dma_wait3A_624 = arith.constant 16 : i32
      %dma_wait3A_625 = arith.constant 0 : i32
      %dma_wait3A_626 = arith.constant 0 : i32
      %dma_wait3A_627 = arith.constant 0 : i32
      %dma_wait3A_628 = tpu.memref_slice %arg6[%dma_wait3A_625, %dma_wait3A_626, %dma_wait3A_627] : memref<4x64x128xf32, #tpu.memory_space<vmem>> -> memref<1x64x128xf32, #tpu.memory_space<vmem>>
      %dma_wait3A_629 = tpu.memref_squeeze %dma_wait3A_628 : memref<1x64x128xf32, #tpu.memory_space<vmem>> -> memref<64x128xf32, #tpu.memory_space<vmem>>
      %dma_wait3A_630 = tpu.memref_slice %arg5[%dma_wait3A_624, %mul3A_30] : memref<17x3200xi32, #tpu.memory_space<vmem>> -> memref<1x64xi32, #tpu.memory_space<vmem>>
      %dma_wait3A_631 = tpu.memref_squeeze %dma_wait3A_630 : memref<1x64xi32, #tpu.memory_space<vmem>> -> memref<64xi32, #tpu.memory_space<vmem>>
      %dma_wait3A_632 = arith.constant 0 : i32
      %dma_wait3A_633 = arith.constant 0 : i32
      %dma_wait3A_634 = tpu.memref_slice %arg2[%dma_wait3A_632, %dma_wait3A_633] : memref<100000x128xf32, #tpu.memory_space<hbm>> -> memref<100000x128xf32, #tpu.memory_space<hbm>>
      tpu.wait_indirect_dma semaphore(%arg10 : memref<!tpu.dma_semaphore, #tpu.memory_space<semaphore_mem>>) src(%dma_wait3A_634 : memref<100000x128xf32, #tpu.memory_space<hbm>>) dst(%dma_wait3A_629 : memref<64x128xf32, #tpu.memory_space<vmem>>)
      %dma_start3A_635 = arith.constant 0 : i32
      %dma_start3A_636 = arith.constant 0 : i32
      %dma_start3A_637 = arith.constant 0 : i32
      %dma_start3A_638 = tpu.memref_slice %arg6[%dma_start3A_635, %dma_start3A_636, %dma_start3A_637] : memref<4x64x128xf32, #tpu.memory_space<vmem>> -> memref<1x64x128xf32, #tpu.memory_space<vmem>>
      %dma_start3A_639 = tpu.memref_squeeze %dma_start3A_638 : memref<1x64x128xf32, #tpu.memory_space<vmem>> -> memref<64x128xf32, #tpu.memory_space<vmem>>
      %dma_start3A_640 = arith.constant 0 : i32
      %dma_start3A_641 = arith.constant 0 : i32
      %dma_start3A_642 = tpu.memref_slice %arg8[%dma_start3A_640, %dma_start3A_641] : memref<1024x128xf32, #tpu.memory_space<vmem_shared>> -> memref<1024x128xf32, #tpu.memory_space<vmem_shared>>
      tpu.enqueue_indirect_dma source(%dma_start3A_639 : memref<64x128xf32, #tpu.memory_space<vmem>>) target(%dma_start3A_642 : memref<1024x128xf32, #tpu.memory_space<vmem_shared>>) offsets(%arg7 : memref<64xi32, #tpu.memory_space<vmem>>) semaphore(%arg14 : memref<!tpu.dma_semaphore, #tpu.memory_space<semaphore_mem>>) {add = true}
      %dma_wait3A_643 = arith.constant 1 : i32
      %dma_wait3A_644 = arith.constant 0 : i32
      %dma_wait3A_645 = arith.constant 0 : i32
      %dma_wait3A_646 = tpu.memref_slice %arg6[%dma_wait3A_643, %dma_wait3A_644, %dma_wait3A_645] : memref<4x64x128xf32, #tpu.memory_space<vmem>> -> memref<1x64x128xf32, #tpu.memory_space<vmem>>
      %dma_wait3A_647 = tpu.memref_squeeze %dma_wait3A_646 : memref<1x64x128xf32, #tpu.memory_space<vmem>> -> memref<64x128xf32, #tpu.memory_space<vmem>>
      %dma_wait3A_648 = arith.constant 0 : i32
      %dma_wait3A_649 = arith.constant 0 : i32
      %dma_wait3A_650 = tpu.memref_slice %arg8[%dma_wait3A_648, %dma_wait3A_649] : memref<1024x128xf32, #tpu.memory_space<vmem_shared>> -> memref<1024x128xf32, #tpu.memory_space<vmem_shared>>
      tpu.wait_indirect_dma semaphore(%arg15 : memref<!tpu.dma_semaphore, #tpu.memory_space<semaphore_mem>>) src(%dma_wait3A_647 : memref<64x128xf32, #tpu.memory_space<vmem>>) dst(%dma_wait3A_650 : memref<1024x128xf32, #tpu.memory_space<vmem_shared>>)
      %dma_wait3A_651 = arith.constant 2 : i32
      %dma_wait3A_652 = arith.constant 0 : i32
      %dma_wait3A_653 = arith.constant 0 : i32
      %dma_wait3A_654 = tpu.memref_slice %arg6[%dma_wait3A_651, %dma_wait3A_652, %dma_wait3A_653] : memref<4x64x128xf32, #tpu.memory_space<vmem>> -> memref<1x64x128xf32, #tpu.memory_space<vmem>>
      %dma_wait3A_655 = tpu.memref_squeeze %dma_wait3A_654 : memref<1x64x128xf32, #tpu.memory_space<vmem>> -> memref<64x128xf32, #tpu.memory_space<vmem>>
      %dma_wait3A_656 = arith.constant 0 : i32
      %dma_wait3A_657 = arith.constant 0 : i32
      %dma_wait3A_658 = tpu.memref_slice %arg8[%dma_wait3A_656, %dma_wait3A_657] : memref<1024x128xf32, #tpu.memory_space<vmem_shared>> -> memref<1024x128xf32, #tpu.memory_space<vmem_shared>>
      tpu.wait_indirect_dma semaphore(%arg16 : memref<!tpu.dma_semaphore, #tpu.memory_space<semaphore_mem>>) src(%dma_wait3A_655 : memref<64x128xf32, #tpu.memory_space<vmem>>) dst(%dma_wait3A_658 : memref<1024x128xf32, #tpu.memory_space<vmem_shared>>)
      %dma_wait3A_659 = arith.constant 3 : i32
      %dma_wait3A_660 = arith.constant 0 : i32
      %dma_wait3A_661 = arith.constant 0 : i32
      %dma_wait3A_662 = tpu.memref_slice %arg6[%dma_wait3A_659, %dma_wait3A_660, %dma_wait3A_661] : memref<4x64x128xf32, #tpu.memory_space<vmem>> -> memref<1x64x128xf32, #tpu.memory_space<vmem>>
      %dma_wait3A_663 = tpu.memref_squeeze %dma_wait3A_662 : memref<1x64x128xf32, #tpu.memory_space<vmem>> -> memref<64x128xf32, #tpu.memory_space<vmem>>
      %dma_wait3A_664 = arith.constant 0 : i32
      %dma_wait3A_665 = arith.constant 0 : i32
      %dma_wait3A_666 = tpu.memref_slice %arg8[%dma_wait3A_664, %dma_wait3A_665] : memref<1024x128xf32, #tpu.memory_space<vmem_shared>> -> memref<1024x128xf32, #tpu.memory_space<vmem_shared>>
      tpu.wait_indirect_dma semaphore(%arg17 : memref<!tpu.dma_semaphore, #tpu.memory_space<semaphore_mem>>) src(%dma_wait3A_663 : memref<64x128xf32, #tpu.memory_space<vmem>>) dst(%dma_wait3A_666 : memref<1024x128xf32, #tpu.memory_space<vmem_shared>>)
      %dma_wait3A_667 = arith.constant 0 : i32
      %dma_wait3A_668 = arith.constant 0 : i32
      %dma_wait3A_669 = arith.constant 0 : i32
      %dma_wait3A_670 = tpu.memref_slice %arg6[%dma_wait3A_667, %dma_wait3A_668, %dma_wait3A_669] : memref<4x64x128xf32, #tpu.memory_space<vmem>> -> memref<1x64x128xf32, #tpu.memory_space<vmem>>
      %dma_wait3A_671 = tpu.memref_squeeze %dma_wait3A_670 : memref<1x64x128xf32, #tpu.memory_space<vmem>> -> memref<64x128xf32, #tpu.memory_space<vmem>>
      %dma_wait3A_672 = arith.constant 0 : i32
      %dma_wait3A_673 = arith.constant 0 : i32
      %dma_wait3A_674 = tpu.memref_slice %arg8[%dma_wait3A_672, %dma_wait3A_673] : memref<1024x128xf32, #tpu.memory_space<vmem_shared>> -> memref<1024x128xf32, #tpu.memory_space<vmem_shared>>
      tpu.wait_indirect_dma semaphore(%arg14 : memref<!tpu.dma_semaphore, #tpu.memory_space<semaphore_mem>>) src(%dma_wait3A_671 : memref<64x128xf32, #tpu.memory_space<vmem>>) dst(%dma_wait3A_674 : memref<1024x128xf32, #tpu.memory_space<vmem_shared>>)
      %mul3A_675 = arith.constant 64 : i32
      %mul3A_676 = arith.muli %scan3A_28, %mul3A_675 : i32
      %add3A_677 = arith.addi %mul3A_2, %mul3A_676 : i32
      %dma_start3A_678 = arith.constant 0 : i32
      %dma_start3A_679 = tpu.memref_slice %arg4[%add3A_677, %dma_start3A_678] : memref<102400x128xf32, #tpu.memory_space<hbm>> -> memref<64x128xf32, #tpu.memory_space<hbm>>
      %dma_start3A_680 = arith.constant 0 : i32
      %dma_start3A_681 = tpu.memref_slice %arg8[%mul3A_4, %dma_start3A_680] : memref<1024x128xf32, #tpu.memory_space<vmem_shared>> -> memref<64x128xf32, #tpu.memory_space<vmem_shared>>
      tpu.enqueue_dma source(%dma_start3A_681 : memref<64x128xf32, #tpu.memory_space<vmem_shared>>) target(%dma_start3A_679 : memref<64x128xf32, #tpu.memory_space<hbm>>) target_semaphore(%arg18 : memref<!tpu.dma_semaphore, #tpu.memory_space<semaphore_mem>>)
      %dma_wait3A_682 = arith.constant 0 : i32
      %dma_wait3A_683 = tpu.memref_slice %arg4[%add3A_677, %dma_wait3A_682] : memref<102400x128xf32, #tpu.memory_space<hbm>> -> memref<64x128xf32, #tpu.memory_space<hbm>>
      %dma_wait3A_684 = arith.constant 0 : i32
      %dma_wait3A_685 = tpu.memref_slice %arg8[%mul3A_4, %dma_wait3A_684] : memref<1024x128xf32, #tpu.memory_space<vmem_shared>> -> memref<64x128xf32, #tpu.memory_space<vmem_shared>>
      tpu.wait_dma2 semaphore(%arg18 : memref<!tpu.dma_semaphore, #tpu.memory_space<semaphore_mem>>) src(%dma_wait3A_685 : memref<64x128xf32, #tpu.memory_space<vmem_shared>>) dst(%dma_wait3A_683 : memref<64x128xf32, #tpu.memory_space<hbm>>)
    }
    %scan3A_27 = arith.constant 50 : i32
    return
  }
}

#map = affine_map<(d0, d1) -> (0)>
module attributes {stable_mosaic.version = 14 : i64} {
  func.func @_sc_walk_body(%arg0: i32, %arg1: i32, %arg2: memref<1600000xi32, #tpu.memory_space<hbm>>, %arg3: memref<100000xi32, #tpu.memory_space<hbm>>, %arg4: memref<1600000xi32, #tpu.memory_space<hbm>>, %arg5: memref<1740800xi32, #tpu.memory_space<hbm>>, %arg6: memref<3200xi32, #tpu.memory_space<vmem>>, %arg7: memref<3200xi32, #tpu.memory_space<vmem>>, %arg8: memref<3200xi32, #tpu.memory_space<vmem>>, %arg9: memref<3200xi32, #tpu.memory_space<vmem>>, %arg10: memref<3200xi32, #tpu.memory_space<vmem>>, %arg11: memref<3200xi32, #tpu.memory_space<vmem>>, %arg12: memref<3200xi32, #tpu.memory_space<vmem>>, %arg13: memref<3200xi32, #tpu.memory_space<vmem>>, %arg14: memref<3200xi32, #tpu.memory_space<vmem>>, %arg15: memref<!tpu.dma_semaphore, #tpu.memory_space<semaphore_mem>>, %arg16: memref<!tpu.dma_semaphore, #tpu.memory_space<semaphore_mem>>) attributes {dimension_semantics = [#tpu.dimension_semantics<core_parallel>, #tpu.dimension_semantics<subcore_parallel>], iteration_bounds = array<i64: 2, 16>, scalar_prefetch = 0 : i64, scratch_operands = 11 : i64, tpu.core_type = #tpu.core_type<sc_vector_subcore>, window_params = [{transform_indices = #map}, {transform_indices = #map}, {transform_indices = #map}, {transform_indices = #map}]} {
    %mul3A = arith.constant 2 : i32
    %mul3A_0 = arith.muli %arg1, %mul3A : i32
    %add3A = arith.addi %mul3A_0, %arg0 : i32
    %mul3A_1 = arith.constant 3200 : i32
    %mul3A_2 = arith.muli %add3A, %mul3A_1 : i32
    %scan3A = arith.constant 0 : i32
    %scan3A_3 = arith.constant 0 : i32
    %scan3A_4 = arith.constant 200 : i32
    %scan3A_5 = arith.addi %scan3A_3, %scan3A_4 : i32
    %scan3A_6 = arith.constant 1 : i32
    scf.for %scan3A_88 = %scan3A_3 to %scan3A_5 step %scan3A_6  : i32 {
      %mul3A_89 = arith.constant 16 : i32
      %mul3A_90 = arith.muli %scan3A_88, %mul3A_89 : i32
      %add3A_91 = arith.addi %mul3A_2, %mul3A_90 : i32
      %iota3A = tpu.iota {dimensions = array<i32: 0>} : vector<16xi32>
      %add3A_92 = vector.broadcast %add3A_91 : i32 to vector<16xi32>
      %add3A_93 = arith.addi %add3A_92, %iota3A : vector<16xi32>
      %min3A = arith.constant 99999 : i32
      %min3A_94 = vector.broadcast %min3A : i32 to vector<16xi32>
      %min3A_95 = arith.minsi %add3A_93, %min3A_94 : vector<16xi32>
      %mul3A_96 = arith.constant 16 : i32
      %mul3A_97 = arith.muli %scan3A_88, %mul3A_96 : i32
      %swap3A = arith.index_cast %mul3A_97 : i32 to index
      %swap3A_98 = tpu.vector_load %arg6[%swap3A] {strides = array<i32>} : memref<3200xi32, #tpu.memory_space<vmem>>, vector<16xi32>,
      %swap3A_99 = vector.shape_cast %swap3A_98 : vector<16xi32> to vector<16xi32>
      %swap3A_100 = vector.shape_cast %min3A_95 : vector<16xi32> to vector<16xi32>
      tpu.vector_store %arg6[%swap3A], %swap3A_100 {strides = array<i32>} : memref<3200xi32, #tpu.memory_space<vmem>>, vector<16xi32>,
    }
    %scan3A_7 = arith.constant 200 : i32
    %dma_start3A = tpu.memref_slice %arg5[%mul3A_2] : memref<1740800xi32, #tpu.memory_space<hbm>> -> memref<3200xi32, #tpu.memory_space<hbm>>
    %dma_start3A_8 = tpu.memref_slice %arg5[%mul3A_2] : memref<1740800xi32, #tpu.memory_space<hbm>> -> memref<3200xi32, #tpu.memory_space<hbm>>
    tpu.enqueue_dma source(%arg6 : memref<3200xi32, #tpu.memory_space<vmem>>) target(%dma_start3A_8 : memref<3200xi32, #tpu.memory_space<hbm>>) target_semaphore(%arg16 : memref<!tpu.dma_semaphore, #tpu.memory_space<semaphore_mem>>)
    %add3A_9 = arith.constant 0 : i32
    %add3A_10 = arith.addi %add3A_9, %mul3A_2 : i32
    %dma_start3A_11 = arith.constant 0 : i32
    %dma_start3A_12 = tpu.memref_slice %arg3[%dma_start3A_11] : memref<100000xi32, #tpu.memory_space<hbm>> -> memref<100000xi32, #tpu.memory_space<hbm>>
    tpu.enqueue_indirect_dma source(%dma_start3A_12 : memref<100000xi32, #tpu.memory_space<hbm>>) target(%arg9 : memref<3200xi32, #tpu.memory_space<vmem>>) offsets(%arg6 : memref<3200xi32, #tpu.memory_space<vmem>>) semaphore(%arg15 : memref<!tpu.dma_semaphore, #tpu.memory_space<semaphore_mem>>)
    %dma_start3A_13 = tpu.memref_slice %arg4[%add3A_10] : memref<1600000xi32, #tpu.memory_space<hbm>> -> memref<3200xi32, #tpu.memory_space<hbm>>
    %dma_start3A_14 = tpu.memref_slice %arg4[%add3A_10] : memref<1600000xi32, #tpu.memory_space<hbm>> -> memref<3200xi32, #tpu.memory_space<hbm>>
    tpu.enqueue_dma source(%dma_start3A_14 : memref<3200xi32, #tpu.memory_space<hbm>>) target(%arg10 : memref<3200xi32, #tpu.memory_space<vmem>>) target_semaphore(%arg15 : memref<!tpu.dma_semaphore, #tpu.memory_space<semaphore_mem>>)
    %dma_wait3A = arith.constant 0 : i32
    %dma_wait3A_15 = tpu.memref_slice %arg3[%dma_wait3A] : memref<100000xi32, #tpu.memory_space<hbm>> -> memref<100000xi32, #tpu.memory_space<hbm>>
    tpu.wait_indirect_dma semaphore(%arg15 : memref<!tpu.dma_semaphore, #tpu.memory_space<semaphore_mem>>) src(%dma_wait3A_15 : memref<100000xi32, #tpu.memory_space<hbm>>) dst(%arg9 : memref<3200xi32, #tpu.memory_space<vmem>>)
    %dma_wait3A_16 = tpu.memref_slice %arg4[%add3A_10] : memref<1600000xi32, #tpu.memory_space<hbm>> -> memref<3200xi32, #tpu.memory_space<hbm>>
    %dma_wait3A_17 = tpu.memref_slice %arg4[%add3A_10] : memref<1600000xi32, #tpu.memory_space<hbm>> -> memref<3200xi32, #tpu.memory_space<hbm>>
    tpu.wait_dma2 semaphore(%arg15 : memref<!tpu.dma_semaphore, #tpu.memory_space<semaphore_mem>>) src(%dma_wait3A_17 : memref<3200xi32, #tpu.memory_space<hbm>>) dst(%arg10 : memref<3200xi32, #tpu.memory_space<vmem>>)
    %scan3A_18 = arith.constant 0 : i32
    %scan3A_19 = arith.constant 0 : i32
    %scan3A_20 = arith.constant 200 : i32
    %scan3A_21 = arith.addi %scan3A_19, %scan3A_20 : i32
    %scan3A_22 = arith.constant 1 : i32
    scf.for %scan3A_88 = %scan3A_19 to %scan3A_21 step %scan3A_22  : i32 {
      %mul3A_89 = arith.constant 16 : i32
      %mul3A_90 = arith.muli %scan3A_88, %mul3A_89 : i32
      %get3A = arith.index_cast %mul3A_90 : i32 to index
      %get3A_91 = tpu.vector_load %arg9[%get3A] {strides = array<i32>} : memref<3200xi32, #tpu.memory_space<vmem>>, vector<16xi32>,
      %get3A_92 = vector.shape_cast %get3A_91 : vector<16xi32> to vector<16xi32>
      %and3A = arith.constant 31 : i32
      %and3A_93 = vector.broadcast %and3A : i32 to vector<16xi32>
      %and3A_94 = arith.andi %get3A_92, %and3A_93 : vector<16xi32>
      %shift_right_logical3A = arith.constant 5 : i32
      %shift_right_logical3A_95 = vector.broadcast %shift_right_logical3A : i32 to vector<16xi32>
      %shift_right_logical3A_96 = arith.shrui %get3A_92, %shift_right_logical3A_95 : vector<16xi32>
      %get3A_97 = arith.index_cast %mul3A_90 : i32 to index
      %get3A_98 = tpu.vector_load %arg10[%get3A_97] {strides = array<i32>} : memref<3200xi32, #tpu.memory_space<vmem>>, vector<16xi32>,
      %get3A_99 = vector.shape_cast %get3A_98 : vector<16xi32> to vector<16xi32>
      %rem3A = arith.remsi %get3A_99, %and3A_94 : vector<16xi32>
      %sub3A = arith.constant 1 : i32
      %sub3A_100 = vector.broadcast %sub3A : i32 to vector<16xi32>
      %sub3A_101 = arith.subi %and3A_94, %sub3A_100 : vector<16xi32>
      %max3A = arith.constant 1 : i32
      %max3A_102 = vector.broadcast %max3A : i32 to vector<16xi32>
      %max3A_103 = arith.maxsi %sub3A_101, %max3A_102 : vector<16xi32>
      %add3A_104 = arith.constant 1 : i32
      %add3A_105 = vector.broadcast %add3A_104 : i32 to vector<16xi32>
      %add3A_106 = arith.addi %rem3A, %add3A_105 : vector<16xi32>
      %rem3A_107 = arith.remsi %get3A_99, %max3A_103 : vector<16xi32>
      %add3A_108 = arith.addi %add3A_106, %rem3A_107 : vector<16xi32>
      %rem3A_109 = arith.remsi %add3A_108, %and3A_94 : vector<16xi32>
      %add3A_110 = arith.addi %shift_right_logical3A_96, %rem3A : vector<16xi32>
      %swap3A = arith.index_cast %mul3A_90 : i32 to index
      %swap3A_111 = tpu.vector_load %arg11[%swap3A] {strides = array<i32>} : memref<3200xi32, #tpu.memory_space<vmem>>, vector<16xi32>,
      %swap3A_112 = vector.shape_cast %swap3A_111 : vector<16xi32> to vector<16xi32>
      %swap3A_113 = vector.shape_cast %add3A_110 : vector<16xi32> to vector<16xi32>
      tpu.vector_store %arg11[%swap3A], %swap3A_113 {strides = array<i32>} : memref<3200xi32, #tpu.memory_space<vmem>>, vector<16xi32>,
      %add3A_114 = arith.addi %shift_right_logical3A_96, %rem3A_109 : vector<16xi32>
      %swap3A_115 = arith.index_cast %mul3A_90 : i32 to index
      %swap3A_116 = tpu.vector_load %arg12[%swap3A_115] {strides = array<i32>} : memref<3200xi32, #tpu.memory_space<vmem>>, vector<16xi32>,
      %swap3A_117 = vector.shape_cast %swap3A_116 : vector<16xi32> to vector<16xi32>
      %swap3A_118 = vector.shape_cast %add3A_114 : vector<16xi32> to vector<16xi32>
      tpu.vector_store %arg12[%swap3A_115], %swap3A_118 {strides = array<i32>} : memref<3200xi32, #tpu.memory_space<vmem>>, vector<16xi32>,
    }
    %scan3A_23 = arith.constant 200 : i32
    %dma_start3A_24 = arith.constant 0 : i32
    %dma_start3A_25 = tpu.memref_slice %arg2[%dma_start3A_24] : memref<1600000xi32, #tpu.memory_space<hbm>> -> memref<1600000xi32, #tpu.memory_space<hbm>>
    tpu.enqueue_indirect_dma source(%dma_start3A_25 : memref<1600000xi32, #tpu.memory_space<hbm>>) target(%arg13 : memref<3200xi32, #tpu.memory_space<vmem>>) offsets(%arg11 : memref<3200xi32, #tpu.memory_space<vmem>>) semaphore(%arg15 : memref<!tpu.dma_semaphore, #tpu.memory_space<semaphore_mem>>)
    %dma_wait3A_26 = arith.constant 0 : i32
    %dma_wait3A_27 = tpu.memref_slice %arg2[%dma_wait3A_26] : memref<1600000xi32, #tpu.memory_space<hbm>> -> memref<1600000xi32, #tpu.memory_space<hbm>>
    tpu.wait_indirect_dma semaphore(%arg15 : memref<!tpu.dma_semaphore, #tpu.memory_space<semaphore_mem>>) src(%dma_wait3A_27 : memref<1600000xi32, #tpu.memory_space<hbm>>) dst(%arg13 : memref<3200xi32, #tpu.memory_space<vmem>>)
    %scan3A_28 = arith.constant 0 : i32
    %scan3A_29 = arith.constant 0 : i32
    %scan3A_30 = arith.constant 200 : i32
    %scan3A_31 = arith.addi %scan3A_29, %scan3A_30 : i32
    %scan3A_32 = arith.constant 1 : i32
    scf.for %scan3A_88 = %scan3A_29 to %scan3A_31 step %scan3A_32  : i32 {
      %mul3A_89 = arith.constant 16 : i32
      %mul3A_90 = arith.muli %scan3A_88, %mul3A_89 : i32
      %get3A = arith.index_cast %mul3A_90 : i32 to index
      %get3A_91 = tpu.vector_load %arg13[%get3A] {strides = array<i32>} : memref<3200xi32, #tpu.memory_space<vmem>>, vector<16xi32>,
      %get3A_92 = vector.shape_cast %get3A_91 : vector<16xi32> to vector<16xi32>
      %swap3A = arith.index_cast %mul3A_90 : i32 to index
      %swap3A_93 = tpu.vector_load %arg8[%swap3A] {strides = array<i32>} : memref<3200xi32, #tpu.memory_space<vmem>>, vector<16xi32>,
      %swap3A_94 = vector.shape_cast %swap3A_93 : vector<16xi32> to vector<16xi32>
      %swap3A_95 = vector.shape_cast %get3A_92 : vector<16xi32> to vector<16xi32>
      tpu.vector_store %arg8[%swap3A], %swap3A_95 {strides = array<i32>} : memref<3200xi32, #tpu.memory_space<vmem>>, vector<16xi32>,
    }
    %scan3A_33 = arith.constant 200 : i32
    %add3A_34 = arith.constant 102400 : i32
    %add3A_35 = arith.addi %add3A_34, %mul3A_2 : i32
    %dma_start3A_36 = tpu.memref_slice %arg5[%add3A_35] : memref<1740800xi32, #tpu.memory_space<hbm>> -> memref<3200xi32, #tpu.memory_space<hbm>>
    %dma_start3A_37 = tpu.memref_slice %arg5[%add3A_35] : memref<1740800xi32, #tpu.memory_space<hbm>> -> memref<3200xi32, #tpu.memory_space<hbm>>
    tpu.enqueue_dma source(%arg8 : memref<3200xi32, #tpu.memory_space<vmem>>) target(%dma_start3A_37 : memref<3200xi32, #tpu.memory_space<hbm>>) target_semaphore(%arg16 : memref<!tpu.dma_semaphore, #tpu.memory_space<semaphore_mem>>)
    %add3A_38 = arith.constant 100000 : i32
    %add3A_39 = arith.addi %add3A_38, %mul3A_2 : i32
    %dma_start3A_40 = arith.constant 0 : i32
    %dma_start3A_41 = tpu.memref_slice %arg3[%dma_start3A_40] : memref<100000xi32, #tpu.memory_space<hbm>> -> memref<100000xi32, #tpu.memory_space<hbm>>
    tpu.enqueue_indirect_dma source(%dma_start3A_41 : memref<100000xi32, #tpu.memory_space<hbm>>) target(%arg9 : memref<3200xi32, #tpu.memory_space<vmem>>) offsets(%arg8 : memref<3200xi32, #tpu.memory_space<vmem>>) semaphore(%arg15 : memref<!tpu.dma_semaphore, #tpu.memory_space<semaphore_mem>>)
    %dma_start3A_42 = tpu.memref_slice %arg4[%add3A_39] : memref<1600000xi32, #tpu.memory_space<hbm>> -> memref<3200xi32, #tpu.memory_space<hbm>>
    %dma_start3A_43 = tpu.memref_slice %arg4[%add3A_39] : memref<1600000xi32, #tpu.memory_space<hbm>> -> memref<3200xi32, #tpu.memory_space<hbm>>
    tpu.enqueue_dma source(%dma_start3A_43 : memref<3200xi32, #tpu.memory_space<hbm>>) target(%arg10 : memref<3200xi32, #tpu.memory_space<vmem>>) target_semaphore(%arg15 : memref<!tpu.dma_semaphore, #tpu.memory_space<semaphore_mem>>)
    %dma_wait3A_44 = arith.constant 0 : i32
    %dma_wait3A_45 = tpu.memref_slice %arg3[%dma_wait3A_44] : memref<100000xi32, #tpu.memory_space<hbm>> -> memref<100000xi32, #tpu.memory_space<hbm>>
    tpu.wait_indirect_dma semaphore(%arg15 : memref<!tpu.dma_semaphore, #tpu.memory_space<semaphore_mem>>) src(%dma_wait3A_45 : memref<100000xi32, #tpu.memory_space<hbm>>) dst(%arg9 : memref<3200xi32, #tpu.memory_space<vmem>>)
    %dma_wait3A_46 = tpu.memref_slice %arg4[%add3A_39] : memref<1600000xi32, #tpu.memory_space<hbm>> -> memref<3200xi32, #tpu.memory_space<hbm>>
    %dma_wait3A_47 = tpu.memref_slice %arg4[%add3A_39] : memref<1600000xi32, #tpu.memory_space<hbm>> -> memref<3200xi32, #tpu.memory_space<hbm>>
    tpu.wait_dma2 semaphore(%arg15 : memref<!tpu.dma_semaphore, #tpu.memory_space<semaphore_mem>>) src(%dma_wait3A_47 : memref<3200xi32, #tpu.memory_space<hbm>>) dst(%arg10 : memref<3200xi32, #tpu.memory_space<vmem>>)
    %scan3A_48 = arith.constant 0 : i32
    %scan3A_49 = arith.constant 0 : i32
    %scan3A_50 = arith.constant 200 : i32
    %scan3A_51 = arith.addi %scan3A_49, %scan3A_50 : i32
    %scan3A_52 = arith.constant 1 : i32
    scf.for %scan3A_88 = %scan3A_49 to %scan3A_51 step %scan3A_52  : i32 {
      %mul3A_89 = arith.constant 16 : i32
      %mul3A_90 = arith.muli %scan3A_88, %mul3A_89 : i32
      %get3A = arith.index_cast %mul3A_90 : i32 to index
      %get3A_91 = tpu.vector_load %arg9[%get3A] {strides = array<i32>} : memref<3200xi32, #tpu.memory_space<vmem>>, vector<16xi32>,
      %get3A_92 = vector.shape_cast %get3A_91 : vector<16xi32> to vector<16xi32>
      %and3A = arith.constant 31 : i32
      %and3A_93 = vector.broadcast %and3A : i32 to vector<16xi32>
      %and3A_94 = arith.andi %get3A_92, %and3A_93 : vector<16xi32>
      %shift_right_logical3A = arith.constant 5 : i32
      %shift_right_logical3A_95 = vector.broadcast %shift_right_logical3A : i32 to vector<16xi32>
      %shift_right_logical3A_96 = arith.shrui %get3A_92, %shift_right_logical3A_95 : vector<16xi32>
      %get3A_97 = arith.index_cast %mul3A_90 : i32 to index
      %get3A_98 = tpu.vector_load %arg10[%get3A_97] {strides = array<i32>} : memref<3200xi32, #tpu.memory_space<vmem>>, vector<16xi32>,
      %get3A_99 = vector.shape_cast %get3A_98 : vector<16xi32> to vector<16xi32>
      %rem3A = arith.remsi %get3A_99, %and3A_94 : vector<16xi32>
      %sub3A = arith.constant 1 : i32
      %sub3A_100 = vector.broadcast %sub3A : i32 to vector<16xi32>
      %sub3A_101 = arith.subi %and3A_94, %sub3A_100 : vector<16xi32>
      %max3A = arith.constant 1 : i32
      %max3A_102 = vector.broadcast %max3A : i32 to vector<16xi32>
      %max3A_103 = arith.maxsi %sub3A_101, %max3A_102 : vector<16xi32>
      %add3A_104 = arith.constant 1 : i32
      %add3A_105 = vector.broadcast %add3A_104 : i32 to vector<16xi32>
      %add3A_106 = arith.addi %rem3A, %add3A_105 : vector<16xi32>
      %rem3A_107 = arith.remsi %get3A_99, %max3A_103 : vector<16xi32>
      %add3A_108 = arith.addi %add3A_106, %rem3A_107 : vector<16xi32>
      %rem3A_109 = arith.remsi %add3A_108, %and3A_94 : vector<16xi32>
      %add3A_110 = arith.addi %shift_right_logical3A_96, %rem3A : vector<16xi32>
      %swap3A = arith.index_cast %mul3A_90 : i32 to index
      %swap3A_111 = tpu.vector_load %arg11[%swap3A] {strides = array<i32>} : memref<3200xi32, #tpu.memory_space<vmem>>, vector<16xi32>,
      %swap3A_112 = vector.shape_cast %swap3A_111 : vector<16xi32> to vector<16xi32>
      %swap3A_113 = vector.shape_cast %add3A_110 : vector<16xi32> to vector<16xi32>
      tpu.vector_store %arg11[%swap3A], %swap3A_113 {strides = array<i32>} : memref<3200xi32, #tpu.memory_space<vmem>>, vector<16xi32>,
      %add3A_114 = arith.addi %shift_right_logical3A_96, %rem3A_109 : vector<16xi32>
      %swap3A_115 = arith.index_cast %mul3A_90 : i32 to index
      %swap3A_116 = tpu.vector_load %arg12[%swap3A_115] {strides = array<i32>} : memref<3200xi32, #tpu.memory_space<vmem>>, vector<16xi32>,
      %swap3A_117 = vector.shape_cast %swap3A_116 : vector<16xi32> to vector<16xi32>
      %swap3A_118 = vector.shape_cast %add3A_114 : vector<16xi32> to vector<16xi32>
      tpu.vector_store %arg12[%swap3A_115], %swap3A_118 {strides = array<i32>} : memref<3200xi32, #tpu.memory_space<vmem>>, vector<16xi32>,
    }
    %scan3A_53 = arith.constant 200 : i32
    %dma_start3A_54 = arith.constant 0 : i32
    %dma_start3A_55 = tpu.memref_slice %arg2[%dma_start3A_54] : memref<1600000xi32, #tpu.memory_space<hbm>> -> memref<1600000xi32, #tpu.memory_space<hbm>>
    tpu.enqueue_indirect_dma source(%dma_start3A_55 : memref<1600000xi32, #tpu.memory_space<hbm>>) target(%arg13 : memref<3200xi32, #tpu.memory_space<vmem>>) offsets(%arg11 : memref<3200xi32, #tpu.memory_space<vmem>>) semaphore(%arg15 : memref<!tpu.dma_semaphore, #tpu.memory_space<semaphore_mem>>)
    %dma_start3A_56 = arith.constant 0 : i32
    %dma_start3A_57 = tpu.memref_slice %arg2[%dma_start3A_56] : memref<1600000xi32, #tpu.memory_space<hbm>> -> memref<1600000xi32, #tpu.memory_space<hbm>>
    tpu.enqueue_indirect_dma source(%dma_start3A_57 : memref<1600000xi32, #tpu.memory_space<hbm>>) target(%arg14 : memref<3200xi32, #tpu.memory_space<vmem>>) offsets(%arg12 : memref<3200xi32, #tpu.memory_space<vmem>>) semaphore(%arg15 : memref<!tpu.dma_semaphore, #tpu.memory_space<semaphore_mem>>)
    %dma_wait3A_58 = arith.constant 0 : i32
    %dma_wait3A_59 = tpu.memref_slice %arg2[%dma_wait3A_58] : memref<1600000xi32, #tpu.memory_space<hbm>> -> memref<1600000xi32, #tpu.memory_space<hbm>>
    tpu.wait_indirect_dma semaphore(%arg15 : memref<!tpu.dma_semaphore, #tpu.memory_space<semaphore_mem>>) src(%dma_wait3A_59 : memref<1600000xi32, #tpu.memory_space<hbm>>) dst(%arg13 : memref<3200xi32, #tpu.memory_space<vmem>>)
    %dma_wait3A_60 = arith.constant 0 : i32
    %dma_wait3A_61 = tpu.memref_slice %arg2[%dma_wait3A_60] : memref<1600000xi32, #tpu.memory_space<hbm>> -> memref<1600000xi32, #tpu.memory_space<hbm>>
    tpu.wait_indirect_dma semaphore(%arg15 : memref<!tpu.dma_semaphore, #tpu.memory_space<semaphore_mem>>) src(%dma_wait3A_61 : memref<1600000xi32, #tpu.memory_space<hbm>>) dst(%arg14 : memref<3200xi32, #tpu.memory_space<vmem>>)
    %scan3A_62 = arith.constant 0 : i32
    %scan3A_63 = arith.constant 0 : i32
    %scan3A_64 = arith.constant 200 : i32
    %scan3A_65 = arith.addi %scan3A_63, %scan3A_64 : i32
    %scan3A_66 = arith.constant 1 : i32
    scf.for %scan3A_88 = %scan3A_63 to %scan3A_65 step %scan3A_66  : i32 {
      %mul3A_89 = arith.constant 16 : i32
      %mul3A_90 = arith.muli %scan3A_88, %mul3A_89 : i32
      %get3A = arith.index_cast %mul3A_90 : i32 to index
      %get3A_91 = tpu.vector_load %arg13[%get3A] {strides = array<i32>} : memref<3200xi32, #tpu.memory_space<vmem>>, vector<16xi32>,
      %get3A_92 = vector.shape_cast %get3A_91 : vector<16xi32> to vector<16xi32>
      %get3A_93 = arith.index_cast %mul3A_90 : i32 to index
      %get3A_94 = tpu.vector_load %arg14[%get3A_93] {strides = array<i32>} : memref<3200xi32, #tpu.memory_space<vmem>>, vector<16xi32>,
      %get3A_95 = vector.shape_cast %get3A_94 : vector<16xi32> to vector<16xi32>
      %get3A_96 = arith.index_cast %mul3A_90 : i32 to index
      %get3A_97 = tpu.vector_load %arg6[%get3A_96] {strides = array<i32>} : memref<3200xi32, #tpu.memory_space<vmem>>, vector<16xi32>,
      %get3A_98 = vector.shape_cast %get3A_97 : vector<16xi32> to vector<16xi32>
      %eq3A = arith.cmpi eq, %get3A_92, %get3A_98 : vector<16xi32>
      %select_n3A = arith.select %eq3A, %get3A_95, %get3A_92 : vector<16xi1>, vector<16xi32>
      %swap3A = arith.index_cast %mul3A_90 : i32 to index
      %swap3A_99 = tpu.vector_load %arg7[%swap3A] {strides = array<i32>} : memref<3200xi32, #tpu.memory_space<vmem>>, vector<16xi32>,
      %swap3A_100 = vector.shape_cast %swap3A_99 : vector<16xi32> to vector<16xi32>
      %swap3A_101 = vector.shape_cast %select_n3A : vector<16xi32> to vector<16xi32>
      tpu.vector_store %arg7[%swap3A], %swap3A_101 {strides = array<i32>} : memref<3200xi32, #tpu.memory_space<vmem>>, vector<16xi32>,
    }
    %scan3A_67 = arith.constant 200 : i32
    %add3A_68 = arith.constant 204800 : i32
    %add3A_69 = arith.addi %add3A_68, %mul3A_2 : i32
    %dma_start3A_70 = tpu.memref_slice %arg5[%add3A_69] : memref<1740800xi32, #tpu.memory_space<hbm>> -> memref<3200xi32, #tpu.memory_space<hbm>>
    %dma_start3A_71 = tpu.memref_slice %arg5[%add3A_69] : memref<1740800xi32, #tpu.memory_space<hbm>> -> memref<3200xi32, #tpu.memory_space<hbm>>
    tpu.enqueue_dma source(%arg7 : memref<3200xi32, #tpu.memory_space<vmem>>) target(%dma_start3A_71 : memref<3200xi32, #tpu.memory_space<hbm>>) target_semaphore(%arg16 : memref<!tpu.dma_semaphore, #tpu.memory_space<semaphore_mem>>)
    %scan3A_72 = arith.constant 0 : i32
    %scan3A_73 = arith.constant 1 : i32
    %scan3A_74 = arith.constant 7 : i32
    %scan3A_75 = arith.addi %scan3A_73, %scan3A_74 : i32
    %scan3A_76 = arith.constant 1 : i32
    scf.for %scan3A_88 = %scan3A_73 to %scan3A_75 step %scan3A_76  : i32 {
      %mul3A_89 = arith.constant 2 : i32
      %mul3A_90 = arith.muli %mul3A_89, %scan3A_88 : i32
      %mul3A_91 = arith.constant 100000 : i32
      %mul3A_92 = arith.muli %mul3A_90, %mul3A_91 : i32
      %add3A_93 = arith.addi %mul3A_92, %mul3A_2 : i32
      %dma_start3A_94 = arith.constant 0 : i32
      %dma_start3A_95 = tpu.memref_slice %arg3[%dma_start3A_94] : memref<100000xi32, #tpu.memory_space<hbm>> -> memref<100000xi32, #tpu.memory_space<hbm>>
      tpu.enqueue_indirect_dma source(%dma_start3A_95 : memref<100000xi32, #tpu.memory_space<hbm>>) target(%arg9 : memref<3200xi32, #tpu.memory_space<vmem>>) offsets(%arg7 : memref<3200xi32, #tpu.memory_space<vmem>>) semaphore(%arg15 : memref<!tpu.dma_semaphore, #tpu.memory_space<semaphore_mem>>)
      %dma_start3A_96 = tpu.memref_slice %arg4[%add3A_93] : memref<1600000xi32, #tpu.memory_space<hbm>> -> memref<3200xi32, #tpu.memory_space<hbm>>
      %dma_start3A_97 = tpu.memref_slice %arg4[%add3A_93] : memref<1600000xi32, #tpu.memory_space<hbm>> -> memref<3200xi32, #tpu.memory_space<hbm>>
      tpu.enqueue_dma source(%dma_start3A_97 : memref<3200xi32, #tpu.memory_space<hbm>>) target(%arg10 : memref<3200xi32, #tpu.memory_space<vmem>>) target_semaphore(%arg15 : memref<!tpu.dma_semaphore, #tpu.memory_space<semaphore_mem>>)
      %dma_wait3A_98 = arith.constant 0 : i32
      %dma_wait3A_99 = tpu.memref_slice %arg3[%dma_wait3A_98] : memref<100000xi32, #tpu.memory_space<hbm>> -> memref<100000xi32, #tpu.memory_space<hbm>>
      tpu.wait_indirect_dma semaphore(%arg15 : memref<!tpu.dma_semaphore, #tpu.memory_space<semaphore_mem>>) src(%dma_wait3A_99 : memref<100000xi32, #tpu.memory_space<hbm>>) dst(%arg9 : memref<3200xi32, #tpu.memory_space<vmem>>)
      %dma_wait3A_100 = tpu.memref_slice %arg4[%add3A_93] : memref<1600000xi32, #tpu.memory_space<hbm>> -> memref<3200xi32, #tpu.memory_space<hbm>>
      %dma_wait3A_101 = tpu.memref_slice %arg4[%add3A_93] : memref<1600000xi32, #tpu.memory_space<hbm>> -> memref<3200xi32, #tpu.memory_space<hbm>>
      tpu.wait_dma2 semaphore(%arg15 : memref<!tpu.dma_semaphore, #tpu.memory_space<semaphore_mem>>) src(%dma_wait3A_101 : memref<3200xi32, #tpu.memory_space<hbm>>) dst(%arg10 : memref<3200xi32, #tpu.memory_space<vmem>>)
      %scan3A_102 = arith.constant 0 : i32
      %scan3A_103 = arith.constant 0 : i32
      %scan3A_104 = arith.constant 200 : i32
      %scan3A_105 = arith.addi %scan3A_103, %scan3A_104 : i32
      %scan3A_106 = arith.constant 1 : i32
      scf.for %scan3A_184 = %scan3A_103 to %scan3A_105 step %scan3A_106  : i32 {
        %mul3A_185 = arith.constant 16 : i32
        %mul3A_186 = arith.muli %scan3A_184, %mul3A_185 : i32
        %get3A = arith.index_cast %mul3A_186 : i32 to index
        %get3A_187 = tpu.vector_load %arg9[%get3A] {strides = array<i32>} : memref<3200xi32, #tpu.memory_space<vmem>>, vector<16xi32>,
        %get3A_188 = vector.shape_cast %get3A_187 : vector<16xi32> to vector<16xi32>
        %and3A = arith.constant 31 : i32
        %and3A_189 = vector.broadcast %and3A : i32 to vector<16xi32>
        %and3A_190 = arith.andi %get3A_188, %and3A_189 : vector<16xi32>
        %shift_right_logical3A = arith.constant 5 : i32
        %shift_right_logical3A_191 = vector.broadcast %shift_right_logical3A : i32 to vector<16xi32>
        %shift_right_logical3A_192 = arith.shrui %get3A_188, %shift_right_logical3A_191 : vector<16xi32>
        %get3A_193 = arith.index_cast %mul3A_186 : i32 to index
        %get3A_194 = tpu.vector_load %arg10[%get3A_193] {strides = array<i32>} : memref<3200xi32, #tpu.memory_space<vmem>>, vector<16xi32>,
        %get3A_195 = vector.shape_cast %get3A_194 : vector<16xi32> to vector<16xi32>
        %rem3A = arith.remsi %get3A_195, %and3A_190 : vector<16xi32>
        %sub3A_196 = arith.constant 1 : i32
        %sub3A_197 = vector.broadcast %sub3A_196 : i32 to vector<16xi32>
        %sub3A_198 = arith.subi %and3A_190, %sub3A_197 : vector<16xi32>
        %max3A = arith.constant 1 : i32
        %max3A_199 = vector.broadcast %max3A : i32 to vector<16xi32>
        %max3A_200 = arith.maxsi %sub3A_198, %max3A_199 : vector<16xi32>
        %add3A_201 = arith.constant 1 : i32
        %add3A_202 = vector.broadcast %add3A_201 : i32 to vector<16xi32>
        %add3A_203 = arith.addi %rem3A, %add3A_202 : vector<16xi32>
        %rem3A_204 = arith.remsi %get3A_195, %max3A_200 : vector<16xi32>
        %add3A_205 = arith.addi %add3A_203, %rem3A_204 : vector<16xi32>
        %rem3A_206 = arith.remsi %add3A_205, %and3A_190 : vector<16xi32>
        %add3A_207 = arith.addi %shift_right_logical3A_192, %rem3A : vector<16xi32>
        %swap3A = arith.index_cast %mul3A_186 : i32 to index
        %swap3A_208 = tpu.vector_load %arg11[%swap3A] {strides = array<i32>} : memref<3200xi32, #tpu.memory_space<vmem>>, vector<16xi32>,
        %swap3A_209 = vector.shape_cast %swap3A_208 : vector<16xi32> to vector<16xi32>
        %swap3A_210 = vector.shape_cast %add3A_207 : vector<16xi32> to vector<16xi32>
        tpu.vector_store %arg11[%swap3A], %swap3A_210 {strides = array<i32>} : memref<3200xi32, #tpu.memory_space<vmem>>, vector<16xi32>,
        %add3A_211 = arith.addi %shift_right_logical3A_192, %rem3A_206 : vector<16xi32>
        %swap3A_212 = arith.index_cast %mul3A_186 : i32 to index
        %swap3A_213 = tpu.vector_load %arg12[%swap3A_212] {strides = array<i32>} : memref<3200xi32, #tpu.memory_space<vmem>>, vector<16xi32>,
        %swap3A_214 = vector.shape_cast %swap3A_213 : vector<16xi32> to vector<16xi32>
        %swap3A_215 = vector.shape_cast %add3A_211 : vector<16xi32> to vector<16xi32>
        tpu.vector_store %arg12[%swap3A_212], %swap3A_215 {strides = array<i32>} : memref<3200xi32, #tpu.memory_space<vmem>>, vector<16xi32>,
      }
      %scan3A_107 = arith.constant 200 : i32
      %dma_start3A_108 = arith.constant 0 : i32
      %dma_start3A_109 = tpu.memref_slice %arg2[%dma_start3A_108] : memref<1600000xi32, #tpu.memory_space<hbm>> -> memref<1600000xi32, #tpu.memory_space<hbm>>
      tpu.enqueue_indirect_dma source(%dma_start3A_109 : memref<1600000xi32, #tpu.memory_space<hbm>>) target(%arg13 : memref<3200xi32, #tpu.memory_space<vmem>>) offsets(%arg11 : memref<3200xi32, #tpu.memory_space<vmem>>) semaphore(%arg15 : memref<!tpu.dma_semaphore, #tpu.memory_space<semaphore_mem>>)
      %dma_start3A_110 = arith.constant 0 : i32
      %dma_start3A_111 = tpu.memref_slice %arg2[%dma_start3A_110] : memref<1600000xi32, #tpu.memory_space<hbm>> -> memref<1600000xi32, #tpu.memory_space<hbm>>
      tpu.enqueue_indirect_dma source(%dma_start3A_111 : memref<1600000xi32, #tpu.memory_space<hbm>>) target(%arg14 : memref<3200xi32, #tpu.memory_space<vmem>>) offsets(%arg12 : memref<3200xi32, #tpu.memory_space<vmem>>) semaphore(%arg15 : memref<!tpu.dma_semaphore, #tpu.memory_space<semaphore_mem>>)
      %dma_wait3A_112 = arith.constant 0 : i32
      %dma_wait3A_113 = tpu.memref_slice %arg2[%dma_wait3A_112] : memref<1600000xi32, #tpu.memory_space<hbm>> -> memref<1600000xi32, #tpu.memory_space<hbm>>
      tpu.wait_indirect_dma semaphore(%arg15 : memref<!tpu.dma_semaphore, #tpu.memory_space<semaphore_mem>>) src(%dma_wait3A_113 : memref<1600000xi32, #tpu.memory_space<hbm>>) dst(%arg13 : memref<3200xi32, #tpu.memory_space<vmem>>)
      %dma_wait3A_114 = arith.constant 0 : i32
      %dma_wait3A_115 = tpu.memref_slice %arg2[%dma_wait3A_114] : memref<1600000xi32, #tpu.memory_space<hbm>> -> memref<1600000xi32, #tpu.memory_space<hbm>>
      tpu.wait_indirect_dma semaphore(%arg15 : memref<!tpu.dma_semaphore, #tpu.memory_space<semaphore_mem>>) src(%dma_wait3A_115 : memref<1600000xi32, #tpu.memory_space<hbm>>) dst(%arg14 : memref<3200xi32, #tpu.memory_space<vmem>>)
      %sub3A = arith.constant 1 : i32
      %sub3A_116 = arith.subi %mul3A_90, %sub3A : i32
      %mul3A_117 = arith.constant 102400 : i32
      %mul3A_118 = arith.muli %sub3A_116, %mul3A_117 : i32
      %add3A_119 = arith.addi %mul3A_118, %mul3A_2 : i32
      %dma_wait3A_120 = tpu.memref_slice %arg5[%add3A_119] : memref<1740800xi32, #tpu.memory_space<hbm>> -> memref<3200xi32, #tpu.memory_space<hbm>>
      %dma_wait3A_121 = tpu.memref_slice %arg5[%add3A_119] : memref<1740800xi32, #tpu.memory_space<hbm>> -> memref<3200xi32, #tpu.memory_space<hbm>>
      tpu.wait_dma2 semaphore(%arg16 : memref<!tpu.dma_semaphore, #tpu.memory_space<semaphore_mem>>) src(%arg8 : memref<3200xi32, #tpu.memory_space<vmem>>) dst(%dma_wait3A_121 : memref<3200xi32, #tpu.memory_space<hbm>>)
      %scan3A_122 = arith.constant 0 : i32
      %scan3A_123 = arith.constant 0 : i32
      %scan3A_124 = arith.constant 200 : i32
      %scan3A_125 = arith.addi %scan3A_123, %scan3A_124 : i32
      %scan3A_126 = arith.constant 1 : i32
      scf.for %scan3A_184 = %scan3A_123 to %scan3A_125 step %scan3A_126  : i32 {
        %mul3A_185 = arith.constant 16 : i32
        %mul3A_186 = arith.muli %scan3A_184, %mul3A_185 : i32
        %get3A = arith.index_cast %mul3A_186 : i32 to index
        %get3A_187 = tpu.vector_load %arg13[%get3A] {strides = array<i32>} : memref<3200xi32, #tpu.memory_space<vmem>>, vector<16xi32>,
        %get3A_188 = vector.shape_cast %get3A_187 : vector<16xi32> to vector<16xi32>
        %get3A_189 = arith.index_cast %mul3A_186 : i32 to index
        %get3A_190 = tpu.vector_load %arg14[%get3A_189] {strides = array<i32>} : memref<3200xi32, #tpu.memory_space<vmem>>, vector<16xi32>,
        %get3A_191 = vector.shape_cast %get3A_190 : vector<16xi32> to vector<16xi32>
        %get3A_192 = arith.index_cast %mul3A_186 : i32 to index
        %get3A_193 = tpu.vector_load %arg8[%get3A_192] {strides = array<i32>} : memref<3200xi32, #tpu.memory_space<vmem>>, vector<16xi32>,
        %get3A_194 = vector.shape_cast %get3A_193 : vector<16xi32> to vector<16xi32>
        %eq3A = arith.cmpi eq, %get3A_188, %get3A_194 : vector<16xi32>
        %select_n3A = arith.select %eq3A, %get3A_191, %get3A_188 : vector<16xi1>, vector<16xi32>
        %swap3A = arith.index_cast %mul3A_186 : i32 to index
        %swap3A_195 = tpu.vector_load %arg8[%swap3A] {strides = array<i32>} : memref<3200xi32, #tpu.memory_space<vmem>>, vector<16xi32>,
        %swap3A_196 = vector.shape_cast %swap3A_195 : vector<16xi32> to vector<16xi32>
        %swap3A_197 = vector.shape_cast %select_n3A : vector<16xi32> to vector<16xi32>
        tpu.vector_store %arg8[%swap3A], %swap3A_197 {strides = array<i32>} : memref<3200xi32, #tpu.memory_space<vmem>>, vector<16xi32>,
      }
      %scan3A_127 = arith.constant 200 : i32
      %add3A_128 = arith.constant 1 : i32
      %add3A_129 = arith.addi %mul3A_90, %add3A_128 : i32
      %mul3A_130 = arith.constant 102400 : i32
      %mul3A_131 = arith.muli %add3A_129, %mul3A_130 : i32
      %add3A_132 = arith.addi %mul3A_131, %mul3A_2 : i32
      %dma_start3A_133 = tpu.memref_slice %arg5[%add3A_132] : memref<1740800xi32, #tpu.memory_space<hbm>> -> memref<3200xi32, #tpu.memory_space<hbm>>
      %dma_start3A_134 = tpu.memref_slice %arg5[%add3A_132] : memref<1740800xi32, #tpu.memory_space<hbm>> -> memref<3200xi32, #tpu.memory_space<hbm>>
      tpu.enqueue_dma source(%arg8 : memref<3200xi32, #tpu.memory_space<vmem>>) target(%dma_start3A_134 : memref<3200xi32, #tpu.memory_space<hbm>>) target_semaphore(%arg16 : memref<!tpu.dma_semaphore, #tpu.memory_space<semaphore_mem>>)
      %mul3A_135 = arith.constant 2 : i32
      %mul3A_136 = arith.muli %mul3A_135, %scan3A_88 : i32
      %add3A_137 = arith.constant 1 : i32
      %add3A_138 = arith.addi %mul3A_136, %add3A_137 : i32
      %mul3A_139 = arith.constant 100000 : i32
      %mul3A_140 = arith.muli %add3A_138, %mul3A_139 : i32
      %add3A_141 = arith.addi %mul3A_140, %mul3A_2 : i32
      %dma_start3A_142 = arith.constant 0 : i32
      %dma_start3A_143 = tpu.memref_slice %arg3[%dma_start3A_142] : memref<100000xi32, #tpu.memory_space<hbm>> -> memref<100000xi32, #tpu.memory_space<hbm>>
      tpu.enqueue_indirect_dma source(%dma_start3A_143 : memref<100000xi32, #tpu.memory_space<hbm>>) target(%arg9 : memref<3200xi32, #tpu.memory_space<vmem>>) offsets(%arg8 : memref<3200xi32, #tpu.memory_space<vmem>>) semaphore(%arg15 : memref<!tpu.dma_semaphore, #tpu.memory_space<semaphore_mem>>)
      %dma_start3A_144 = tpu.memref_slice %arg4[%add3A_141] : memref<1600000xi32, #tpu.memory_space<hbm>> -> memref<3200xi32, #tpu.memory_space<hbm>>
      %dma_start3A_145 = tpu.memref_slice %arg4[%add3A_141] : memref<1600000xi32, #tpu.memory_space<hbm>> -> memref<3200xi32, #tpu.memory_space<hbm>>
      tpu.enqueue_dma source(%dma_start3A_145 : memref<3200xi32, #tpu.memory_space<hbm>>) target(%arg10 : memref<3200xi32, #tpu.memory_space<vmem>>) target_semaphore(%arg15 : memref<!tpu.dma_semaphore, #tpu.memory_space<semaphore_mem>>)
      %dma_wait3A_146 = arith.constant 0 : i32
      %dma_wait3A_147 = tpu.memref_slice %arg3[%dma_wait3A_146] : memref<100000xi32, #tpu.memory_space<hbm>> -> memref<100000xi32, #tpu.memory_space<hbm>>
      tpu.wait_indirect_dma semaphore(%arg15 : memref<!tpu.dma_semaphore, #tpu.memory_space<semaphore_mem>>) src(%dma_wait3A_147 : memref<100000xi32, #tpu.memory_space<hbm>>) dst(%arg9 : memref<3200xi32, #tpu.memory_space<vmem>>)
      %dma_wait3A_148 = tpu.memref_slice %arg4[%add3A_141] : memref<1600000xi32, #tpu.memory_space<hbm>> -> memref<3200xi32, #tpu.memory_space<hbm>>
      %dma_wait3A_149 = tpu.memref_slice %arg4[%add3A_141] : memref<1600000xi32, #tpu.memory_space<hbm>> -> memref<3200xi32, #tpu.memory_space<hbm>>
      tpu.wait_dma2 semaphore(%arg15 : memref<!tpu.dma_semaphore, #tpu.memory_space<semaphore_mem>>) src(%dma_wait3A_149 : memref<3200xi32, #tpu.memory_space<hbm>>) dst(%arg10 : memref<3200xi32, #tpu.memory_space<vmem>>)
      %scan3A_150 = arith.constant 0 : i32
      %scan3A_151 = arith.constant 0 : i32
      %scan3A_152 = arith.constant 200 : i32
      %scan3A_153 = arith.addi %scan3A_151, %scan3A_152 : i32
      %scan3A_154 = arith.constant 1 : i32
      scf.for %scan3A_184 = %scan3A_151 to %scan3A_153 step %scan3A_154  : i32 {
        %mul3A_185 = arith.constant 16 : i32
        %mul3A_186 = arith.muli %scan3A_184, %mul3A_185 : i32
        %get3A = arith.index_cast %mul3A_186 : i32 to index
        %get3A_187 = tpu.vector_load %arg9[%get3A] {strides = array<i32>} : memref<3200xi32, #tpu.memory_space<vmem>>, vector<16xi32>,
        %get3A_188 = vector.shape_cast %get3A_187 : vector<16xi32> to vector<16xi32>
        %and3A = arith.constant 31 : i32
        %and3A_189 = vector.broadcast %and3A : i32 to vector<16xi32>
        %and3A_190 = arith.andi %get3A_188, %and3A_189 : vector<16xi32>
        %shift_right_logical3A = arith.constant 5 : i32
        %shift_right_logical3A_191 = vector.broadcast %shift_right_logical3A : i32 to vector<16xi32>
        %shift_right_logical3A_192 = arith.shrui %get3A_188, %shift_right_logical3A_191 : vector<16xi32>
        %get3A_193 = arith.index_cast %mul3A_186 : i32 to index
        %get3A_194 = tpu.vector_load %arg10[%get3A_193] {strides = array<i32>} : memref<3200xi32, #tpu.memory_space<vmem>>, vector<16xi32>,
        %get3A_195 = vector.shape_cast %get3A_194 : vector<16xi32> to vector<16xi32>
        %rem3A = arith.remsi %get3A_195, %and3A_190 : vector<16xi32>
        %sub3A_196 = arith.constant 1 : i32
        %sub3A_197 = vector.broadcast %sub3A_196 : i32 to vector<16xi32>
        %sub3A_198 = arith.subi %and3A_190, %sub3A_197 : vector<16xi32>
        %max3A = arith.constant 1 : i32
        %max3A_199 = vector.broadcast %max3A : i32 to vector<16xi32>
        %max3A_200 = arith.maxsi %sub3A_198, %max3A_199 : vector<16xi32>
        %add3A_201 = arith.constant 1 : i32
        %add3A_202 = vector.broadcast %add3A_201 : i32 to vector<16xi32>
        %add3A_203 = arith.addi %rem3A, %add3A_202 : vector<16xi32>
        %rem3A_204 = arith.remsi %get3A_195, %max3A_200 : vector<16xi32>
        %add3A_205 = arith.addi %add3A_203, %rem3A_204 : vector<16xi32>
        %rem3A_206 = arith.remsi %add3A_205, %and3A_190 : vector<16xi32>
        %add3A_207 = arith.addi %shift_right_logical3A_192, %rem3A : vector<16xi32>
        %swap3A = arith.index_cast %mul3A_186 : i32 to index
        %swap3A_208 = tpu.vector_load %arg11[%swap3A] {strides = array<i32>} : memref<3200xi32, #tpu.memory_space<vmem>>, vector<16xi32>,
        %swap3A_209 = vector.shape_cast %swap3A_208 : vector<16xi32> to vector<16xi32>
        %swap3A_210 = vector.shape_cast %add3A_207 : vector<16xi32> to vector<16xi32>
        tpu.vector_store %arg11[%swap3A], %swap3A_210 {strides = array<i32>} : memref<3200xi32, #tpu.memory_space<vmem>>, vector<16xi32>,
        %add3A_211 = arith.addi %shift_right_logical3A_192, %rem3A_206 : vector<16xi32>
        %swap3A_212 = arith.index_cast %mul3A_186 : i32 to index
        %swap3A_213 = tpu.vector_load %arg12[%swap3A_212] {strides = array<i32>} : memref<3200xi32, #tpu.memory_space<vmem>>, vector<16xi32>,
        %swap3A_214 = vector.shape_cast %swap3A_213 : vector<16xi32> to vector<16xi32>
        %swap3A_215 = vector.shape_cast %add3A_211 : vector<16xi32> to vector<16xi32>
        tpu.vector_store %arg12[%swap3A_212], %swap3A_215 {strides = array<i32>} : memref<3200xi32, #tpu.memory_space<vmem>>, vector<16xi32>,
      }
      %scan3A_155 = arith.constant 200 : i32
      %dma_start3A_156 = arith.constant 0 : i32
      %dma_start3A_157 = tpu.memref_slice %arg2[%dma_start3A_156] : memref<1600000xi32, #tpu.memory_space<hbm>> -> memref<1600000xi32, #tpu.memory_space<hbm>>
      tpu.enqueue_indirect_dma source(%dma_start3A_157 : memref<1600000xi32, #tpu.memory_space<hbm>>) target(%arg13 : memref<3200xi32, #tpu.memory_space<vmem>>) offsets(%arg11 : memref<3200xi32, #tpu.memory_space<vmem>>) semaphore(%arg15 : memref<!tpu.dma_semaphore, #tpu.memory_space<semaphore_mem>>)
      %dma_start3A_158 = arith.constant 0 : i32
      %dma_start3A_159 = tpu.memref_slice %arg2[%dma_start3A_158] : memref<1600000xi32, #tpu.memory_space<hbm>> -> memref<1600000xi32, #tpu.memory_space<hbm>>
      tpu.enqueue_indirect_dma source(%dma_start3A_159 : memref<1600000xi32, #tpu.memory_space<hbm>>) target(%arg14 : memref<3200xi32, #tpu.memory_space<vmem>>) offsets(%arg12 : memref<3200xi32, #tpu.memory_space<vmem>>) semaphore(%arg15 : memref<!tpu.dma_semaphore, #tpu.memory_space<semaphore_mem>>)
      %dma_wait3A_160 = arith.constant 0 : i32
      %dma_wait3A_161 = tpu.memref_slice %arg2[%dma_wait3A_160] : memref<1600000xi32, #tpu.memory_space<hbm>> -> memref<1600000xi32, #tpu.memory_space<hbm>>
      tpu.wait_indirect_dma semaphore(%arg15 : memref<!tpu.dma_semaphore, #tpu.memory_space<semaphore_mem>>) src(%dma_wait3A_161 : memref<1600000xi32, #tpu.memory_space<hbm>>) dst(%arg13 : memref<3200xi32, #tpu.memory_space<vmem>>)
      %dma_wait3A_162 = arith.constant 0 : i32
      %dma_wait3A_163 = tpu.memref_slice %arg2[%dma_wait3A_162] : memref<1600000xi32, #tpu.memory_space<hbm>> -> memref<1600000xi32, #tpu.memory_space<hbm>>
      tpu.wait_indirect_dma semaphore(%arg15 : memref<!tpu.dma_semaphore, #tpu.memory_space<semaphore_mem>>) src(%dma_wait3A_163 : memref<1600000xi32, #tpu.memory_space<hbm>>) dst(%arg14 : memref<3200xi32, #tpu.memory_space<vmem>>)
      %sub3A_164 = arith.constant 1 : i32
      %sub3A_165 = arith.subi %add3A_138, %sub3A_164 : i32
      %mul3A_166 = arith.constant 102400 : i32
      %mul3A_167 = arith.muli %sub3A_165, %mul3A_166 : i32
      %add3A_168 = arith.addi %mul3A_167, %mul3A_2 : i32
      %dma_wait3A_169 = tpu.memref_slice %arg5[%add3A_168] : memref<1740800xi32, #tpu.memory_space<hbm>> -> memref<3200xi32, #tpu.memory_space<hbm>>
      %dma_wait3A_170 = tpu.memref_slice %arg5[%add3A_168] : memref<1740800xi32, #tpu.memory_space<hbm>> -> memref<3200xi32, #tpu.memory_space<hbm>>
      tpu.wait_dma2 semaphore(%arg16 : memref<!tpu.dma_semaphore, #tpu.memory_space<semaphore_mem>>) src(%arg7 : memref<3200xi32, #tpu.memory_space<vmem>>) dst(%dma_wait3A_170 : memref<3200xi32, #tpu.memory_space<hbm>>)
      %scan3A_171 = arith.constant 0 : i32
      %scan3A_172 = arith.constant 0 : i32
      %scan3A_173 = arith.constant 200 : i32
      %scan3A_174 = arith.addi %scan3A_172, %scan3A_173 : i32
      %scan3A_175 = arith.constant 1 : i32
      scf.for %scan3A_184 = %scan3A_172 to %scan3A_174 step %scan3A_175  : i32 {
        %mul3A_185 = arith.constant 16 : i32
        %mul3A_186 = arith.muli %scan3A_184, %mul3A_185 : i32
        %get3A = arith.index_cast %mul3A_186 : i32 to index
        %get3A_187 = tpu.vector_load %arg13[%get3A] {strides = array<i32>} : memref<3200xi32, #tpu.memory_space<vmem>>, vector<16xi32>,
        %get3A_188 = vector.shape_cast %get3A_187 : vector<16xi32> to vector<16xi32>
        %get3A_189 = arith.index_cast %mul3A_186 : i32 to index
        %get3A_190 = tpu.vector_load %arg14[%get3A_189] {strides = array<i32>} : memref<3200xi32, #tpu.memory_space<vmem>>, vector<16xi32>,
        %get3A_191 = vector.shape_cast %get3A_190 : vector<16xi32> to vector<16xi32>
        %get3A_192 = arith.index_cast %mul3A_186 : i32 to index
        %get3A_193 = tpu.vector_load %arg7[%get3A_192] {strides = array<i32>} : memref<3200xi32, #tpu.memory_space<vmem>>, vector<16xi32>,
        %get3A_194 = vector.shape_cast %get3A_193 : vector<16xi32> to vector<16xi32>
        %eq3A = arith.cmpi eq, %get3A_188, %get3A_194 : vector<16xi32>
        %select_n3A = arith.select %eq3A, %get3A_191, %get3A_188 : vector<16xi1>, vector<16xi32>
        %swap3A = arith.index_cast %mul3A_186 : i32 to index
        %swap3A_195 = tpu.vector_load %arg7[%swap3A] {strides = array<i32>} : memref<3200xi32, #tpu.memory_space<vmem>>, vector<16xi32>,
        %swap3A_196 = vector.shape_cast %swap3A_195 : vector<16xi32> to vector<16xi32>
        %swap3A_197 = vector.shape_cast %select_n3A : vector<16xi32> to vector<16xi32>
        tpu.vector_store %arg7[%swap3A], %swap3A_197 {strides = array<i32>} : memref<3200xi32, #tpu.memory_space<vmem>>, vector<16xi32>,
      }
      %scan3A_176 = arith.constant 200 : i32
      %add3A_177 = arith.constant 1 : i32
      %add3A_178 = arith.addi %add3A_138, %add3A_177 : i32
      %mul3A_179 = arith.constant 102400 : i32
      %mul3A_180 = arith.muli %add3A_178, %mul3A_179 : i32
      %add3A_181 = arith.addi %mul3A_180, %mul3A_2 : i32
      %dma_start3A_182 = tpu.memref_slice %arg5[%add3A_181] : memref<1740800xi32, #tpu.memory_space<hbm>> -> memref<3200xi32, #tpu.memory_space<hbm>>
      %dma_start3A_183 = tpu.memref_slice %arg5[%add3A_181] : memref<1740800xi32, #tpu.memory_space<hbm>> -> memref<3200xi32, #tpu.memory_space<hbm>>
      tpu.enqueue_dma source(%arg7 : memref<3200xi32, #tpu.memory_space<vmem>>) target(%dma_start3A_183 : memref<3200xi32, #tpu.memory_space<hbm>>) target_semaphore(%arg16 : memref<!tpu.dma_semaphore, #tpu.memory_space<semaphore_mem>>)
    }
    %scan3A_77 = arith.constant 7 : i32
    %dma_wait3A_78 = tpu.memref_slice %arg5[%mul3A_2] : memref<1740800xi32, #tpu.memory_space<hbm>> -> memref<3200xi32, #tpu.memory_space<hbm>>
    %dma_wait3A_79 = tpu.memref_slice %arg5[%mul3A_2] : memref<1740800xi32, #tpu.memory_space<hbm>> -> memref<3200xi32, #tpu.memory_space<hbm>>
    tpu.wait_dma2 semaphore(%arg16 : memref<!tpu.dma_semaphore, #tpu.memory_space<semaphore_mem>>) src(%arg6 : memref<3200xi32, #tpu.memory_space<vmem>>) dst(%dma_wait3A_79 : memref<3200xi32, #tpu.memory_space<hbm>>)
    %add3A_80 = arith.constant 1536000 : i32
    %add3A_81 = arith.addi %add3A_80, %mul3A_2 : i32
    %dma_wait3A_82 = tpu.memref_slice %arg5[%add3A_81] : memref<1740800xi32, #tpu.memory_space<hbm>> -> memref<3200xi32, #tpu.memory_space<hbm>>
    %dma_wait3A_83 = tpu.memref_slice %arg5[%add3A_81] : memref<1740800xi32, #tpu.memory_space<hbm>> -> memref<3200xi32, #tpu.memory_space<hbm>>
    tpu.wait_dma2 semaphore(%arg16 : memref<!tpu.dma_semaphore, #tpu.memory_space<semaphore_mem>>) src(%arg8 : memref<3200xi32, #tpu.memory_space<vmem>>) dst(%dma_wait3A_83 : memref<3200xi32, #tpu.memory_space<hbm>>)
    %add3A_84 = arith.constant 1638400 : i32
    %add3A_85 = arith.addi %add3A_84, %mul3A_2 : i32
    %dma_wait3A_86 = tpu.memref_slice %arg5[%add3A_85] : memref<1740800xi32, #tpu.memory_space<hbm>> -> memref<3200xi32, #tpu.memory_space<hbm>>
    %dma_wait3A_87 = tpu.memref_slice %arg5[%add3A_85] : memref<1740800xi32, #tpu.memory_space<hbm>> -> memref<3200xi32, #tpu.memory_space<hbm>>
    tpu.wait_dma2 semaphore(%arg16 : memref<!tpu.dma_semaphore, #tpu.memory_space<semaphore_mem>>) src(%arg7 : memref<3200xi32, #tpu.memory_space<vmem>>) dst(%dma_wait3A_87 : memref<3200xi32, #tpu.memory_space<hbm>>)
    return
  }
}

module attributes {stable_mosaic.version = 14 : i64} {
  func.func @_scale_body(%arg0: i32, %arg1: memref<2000x128xf32, #tpu.memory_space<vmem>>, %arg2: memref<2000x128xf32, #tpu.memory_space<vmem>>) attributes {dimension_semantics = [#tpu.dimension_semantics<arbitrary>], iteration_bounds = array<i64: 50>, scalar_prefetch = 0 : i64, scratch_operands = 0 : i64, tpu.core_type = #tpu.core_type<tc>, window_params = [{transform_indices = @transform_0, window_bounds = array<i64: 2000, 128>}, {transform_indices = @transform_1, window_bounds = array<i64: 2000, 128>}]} {
    %get3A = arith.constant 0 : index
    %get3A_0 = arith.constant 0 : index
    %get3A_1 = vector.load %arg1[%get3A, %get3A_0] : memref<2000x128xf32, #tpu.memory_space<vmem>>, vector<2000x128xf32>
    %mul3A = arith.constant 0.0588235296 : f32
    %mul3A_2 = vector.broadcast %mul3A : f32 to vector<2000x128xf32>
    %mul3A_3 = arith.mulf %get3A_1, %mul3A_2 : vector<2000x128xf32>
    %swap3A = arith.constant 0 : index
    %swap3A_4 = arith.constant 0 : index
    %swap3A_5 = vector.load %arg2[%swap3A, %swap3A_4] : memref<2000x128xf32, #tpu.memory_space<vmem>>, vector<2000x128xf32>
    tpu.vector_store %arg2[%swap3A, %swap3A_4], %mul3A_3 {strides = array<i32>} : memref<2000x128xf32, #tpu.memory_space<vmem>>, vector<2000x128xf32>,
    return
  }
  func.func @transform_0(%arg0: i32) -> (i32, i32) {
    %c0_i32 = arith.constant 0 : i32
    %c0_i32_0 = arith.constant 0 : i32
    return %arg0, %c0_i32 : i32, i32
  }
  func.func @transform_1(%arg0: i32) -> (i32, i32) {
    %c0_i32 = arith.constant 0 : i32
    %c0_i32_0 = arith.constant 0 : i32
    return %arg0, %c0_i32 : i32, i32
  }
}

module attributes {stable_mosaic.version = 14 : i64} {
  func.func @_idenc_body(%arg0: i32, %arg1: memref<17x2048xi32, #tpu.memory_space<vmem>>, %arg2: memref<17x8x2048xi32, #tpu.memory_space<vmem>>) attributes {dimension_semantics = [#tpu.dimension_semantics<arbitrary>], iteration_bounds = array<i64: 50>, scalar_prefetch = 0 : i64, scratch_operands = 0 : i64, tpu.core_type = #tpu.core_type<tc>, window_params = [{transform_indices = @transform_0, window_bounds = array<i64: 17, 2048>}, {transform_indices = @transform_1, window_bounds = array<i64: 17, 8, 2048>}]} {
    %get3A = arith.constant 0 : index
    %get3A_0 = arith.constant 0 : index
    %get3A_1 = vector.load %arg1[%get3A, %get3A_0] : memref<17x2048xi32, #tpu.memory_space<vmem>>, vector<17x2048xi32>
    %slice3A = vector.extract_strided_slice %get3A_1 {offsets = [8, 0], sizes = [9, 2048], strides = [1, 1]} : vector<17x2048xi32> to vector<9x2048xi32>
    %slice3A_2 = vector.extract_strided_slice %get3A_1 {offsets = [0, 0], sizes = [9, 2048], strides = [1, 1]} : vector<17x2048xi32> to vector<9x2048xi32>
    %eq3A = arith.cmpi eq, %slice3A, %slice3A_2 : vector<9x2048xi32>
    %convert_element_type3A = arith.extui %eq3A : vector<9x2048xi1> to vector<9x2048xi32>
    %broadcast_in_dim3A = arith.constant 0 : i32
    %broadcast_in_dim3A_3 = vector.broadcast %broadcast_in_dim3A : i32 to vector<8x2048xi32>
    %concatenate3A = tpu.concatenate %broadcast_in_dim3A_3, %convert_element_type3A in 0 : vector<8x2048xi32>, vector<9x2048xi32> -> vector<17x2048xi32>
    %slice3A_4 = vector.extract_strided_slice %get3A_1 {offsets = [7, 0], sizes = [10, 2048], strides = [1, 1]} : vector<17x2048xi32> to vector<10x2048xi32>
    %slice3A_5 = vector.extract_strided_slice %get3A_1 {offsets = [0, 0], sizes = [10, 2048], strides = [1, 1]} : vector<17x2048xi32> to vector<10x2048xi32>
    %eq3A_6 = arith.cmpi eq, %slice3A_4, %slice3A_5 : vector<10x2048xi32>
    %convert_element_type3A_7 = arith.extui %eq3A_6 : vector<10x2048xi1> to vector<10x2048xi32>
    %broadcast_in_dim3A_8 = arith.constant 0 : i32
    %broadcast_in_dim3A_9 = vector.broadcast %broadcast_in_dim3A_8 : i32 to vector<7x2048xi32>
    %concatenate3A_10 = tpu.concatenate %broadcast_in_dim3A_9, %convert_element_type3A_7 in 0 : vector<7x2048xi32>, vector<10x2048xi32> -> vector<17x2048xi32>
    %slice3A_11 = vector.extract_strided_slice %get3A_1 {offsets = [6, 0], sizes = [11, 2048], strides = [1, 1]} : vector<17x2048xi32> to vector<11x2048xi32>
    %slice3A_12 = vector.extract_strided_slice %get3A_1 {offsets = [0, 0], sizes = [11, 2048], strides = [1, 1]} : vector<17x2048xi32> to vector<11x2048xi32>
    %eq3A_13 = arith.cmpi eq, %slice3A_11, %slice3A_12 : vector<11x2048xi32>
    %convert_element_type3A_14 = arith.extui %eq3A_13 : vector<11x2048xi1> to vector<11x2048xi32>
    %broadcast_in_dim3A_15 = arith.constant 0 : i32
    %broadcast_in_dim3A_16 = vector.broadcast %broadcast_in_dim3A_15 : i32 to vector<6x2048xi32>
    %concatenate3A_17 = tpu.concatenate %broadcast_in_dim3A_16, %convert_element_type3A_14 in 0 : vector<6x2048xi32>, vector<11x2048xi32> -> vector<17x2048xi32>
    %slice3A_18 = vector.extract_strided_slice %get3A_1 {offsets = [5, 0], sizes = [12, 2048], strides = [1, 1]} : vector<17x2048xi32> to vector<12x2048xi32>
    %slice3A_19 = vector.extract_strided_slice %get3A_1 {offsets = [0, 0], sizes = [12, 2048], strides = [1, 1]} : vector<17x2048xi32> to vector<12x2048xi32>
    %eq3A_20 = arith.cmpi eq, %slice3A_18, %slice3A_19 : vector<12x2048xi32>
    %convert_element_type3A_21 = arith.extui %eq3A_20 : vector<12x2048xi1> to vector<12x2048xi32>
    %broadcast_in_dim3A_22 = arith.constant 0 : i32
    %broadcast_in_dim3A_23 = vector.broadcast %broadcast_in_dim3A_22 : i32 to vector<5x2048xi32>
    %concatenate3A_24 = tpu.concatenate %broadcast_in_dim3A_23, %convert_element_type3A_21 in 0 : vector<5x2048xi32>, vector<12x2048xi32> -> vector<17x2048xi32>
    %slice3A_25 = vector.extract_strided_slice %get3A_1 {offsets = [4, 0], sizes = [13, 2048], strides = [1, 1]} : vector<17x2048xi32> to vector<13x2048xi32>
    %slice3A_26 = vector.extract_strided_slice %get3A_1 {offsets = [0, 0], sizes = [13, 2048], strides = [1, 1]} : vector<17x2048xi32> to vector<13x2048xi32>
    %eq3A_27 = arith.cmpi eq, %slice3A_25, %slice3A_26 : vector<13x2048xi32>
    %convert_element_type3A_28 = arith.extui %eq3A_27 : vector<13x2048xi1> to vector<13x2048xi32>
    %broadcast_in_dim3A_29 = arith.constant 0 : i32
    %broadcast_in_dim3A_30 = vector.broadcast %broadcast_in_dim3A_29 : i32 to vector<4x2048xi32>
    %concatenate3A_31 = tpu.concatenate %broadcast_in_dim3A_30, %convert_element_type3A_28 in 0 : vector<4x2048xi32>, vector<13x2048xi32> -> vector<17x2048xi32>
    %slice3A_32 = vector.extract_strided_slice %get3A_1 {offsets = [3, 0], sizes = [14, 2048], strides = [1, 1]} : vector<17x2048xi32> to vector<14x2048xi32>
    %slice3A_33 = vector.extract_strided_slice %get3A_1 {offsets = [0, 0], sizes = [14, 2048], strides = [1, 1]} : vector<17x2048xi32> to vector<14x2048xi32>
    %eq3A_34 = arith.cmpi eq, %slice3A_32, %slice3A_33 : vector<14x2048xi32>
    %convert_element_type3A_35 = arith.extui %eq3A_34 : vector<14x2048xi1> to vector<14x2048xi32>
    %broadcast_in_dim3A_36 = arith.constant 0 : i32
    %broadcast_in_dim3A_37 = vector.broadcast %broadcast_in_dim3A_36 : i32 to vector<3x2048xi32>
    %concatenate3A_38 = tpu.concatenate %broadcast_in_dim3A_37, %convert_element_type3A_35 in 0 : vector<3x2048xi32>, vector<14x2048xi32> -> vector<17x2048xi32>
    %slice3A_39 = vector.extract_strided_slice %get3A_1 {offsets = [2, 0], sizes = [15, 2048], strides = [1, 1]} : vector<17x2048xi32> to vector<15x2048xi32>
    %slice3A_40 = vector.extract_strided_slice %get3A_1 {offsets = [0, 0], sizes = [15, 2048], strides = [1, 1]} : vector<17x2048xi32> to vector<15x2048xi32>
    %eq3A_41 = arith.cmpi eq, %slice3A_39, %slice3A_40 : vector<15x2048xi32>
    %convert_element_type3A_42 = arith.extui %eq3A_41 : vector<15x2048xi1> to vector<15x2048xi32>
    %broadcast_in_dim3A_43 = arith.constant 0 : i32
    %broadcast_in_dim3A_44 = vector.broadcast %broadcast_in_dim3A_43 : i32 to vector<2x2048xi32>
    %concatenate3A_45 = tpu.concatenate %broadcast_in_dim3A_44, %convert_element_type3A_42 in 0 : vector<2x2048xi32>, vector<15x2048xi32> -> vector<17x2048xi32>
    %slice3A_46 = vector.extract_strided_slice %get3A_1 {offsets = [1, 0], sizes = [16, 2048], strides = [1, 1]} : vector<17x2048xi32> to vector<16x2048xi32>
    %slice3A_47 = vector.extract_strided_slice %get3A_1 {offsets = [0, 0], sizes = [16, 2048], strides = [1, 1]} : vector<17x2048xi32> to vector<16x2048xi32>
    %eq3A_48 = arith.cmpi eq, %slice3A_46, %slice3A_47 : vector<16x2048xi32>
    %convert_element_type3A_49 = arith.extui %eq3A_48 : vector<16x2048xi1> to vector<16x2048xi32>
    %broadcast_in_dim3A_50 = arith.constant 0 : i32
    %broadcast_in_dim3A_51 = vector.broadcast %broadcast_in_dim3A_50 : i32 to vector<1x2048xi32>
    %concatenate3A_52 = tpu.concatenate %broadcast_in_dim3A_51, %convert_element_type3A_49 in 0 : vector<1x2048xi32>, vector<16x2048xi32> -> vector<17x2048xi32>
    %stack3A = vector.shape_cast %concatenate3A : vector<17x2048xi32> to vector<17x1x2048xi32>
    %stack3A_53 = vector.shape_cast %concatenate3A_10 : vector<17x2048xi32> to vector<17x1x2048xi32>
    %stack3A_54 = vector.shape_cast %concatenate3A_17 : vector<17x2048xi32> to vector<17x1x2048xi32>
    %stack3A_55 = vector.shape_cast %concatenate3A_24 : vector<17x2048xi32> to vector<17x1x2048xi32>
    %stack3A_56 = vector.shape_cast %concatenate3A_31 : vector<17x2048xi32> to vector<17x1x2048xi32>
    %stack3A_57 = vector.shape_cast %concatenate3A_38 : vector<17x2048xi32> to vector<17x1x2048xi32>
    %stack3A_58 = vector.shape_cast %concatenate3A_45 : vector<17x2048xi32> to vector<17x1x2048xi32>
    %stack3A_59 = vector.shape_cast %concatenate3A_52 : vector<17x2048xi32> to vector<17x1x2048xi32>
    %stack3A_60 = tpu.concatenate %stack3A, %stack3A_53, %stack3A_54, %stack3A_55, %stack3A_56, %stack3A_57, %stack3A_58, %stack3A_59 in 1 : vector<17x1x2048xi32>, vector<17x1x2048xi32>, vector<17x1x2048xi32>, vector<17x1x2048xi32>, vector<17x1x2048xi32>, vector<17x1x2048xi32>, vector<17x1x2048xi32>, vector<17x1x2048xi32> -> vector<17x8x2048xi32>
    %ne3A = arith.constant 0 : i32
    %ne3A_61 = vector.broadcast %ne3A : i32 to vector<17x8x2048xi32>
    %ne3A_62 = arith.cmpi ne, %stack3A_60, %ne3A_61 : vector<17x8x2048xi32>
    %swap3A = arith.constant 0 : index
    %swap3A_63 = arith.constant 0 : index
    %swap3A_64 = arith.constant 0 : index
    %swap3A_65 = vector.load %arg2[%swap3A, %swap3A_63, %swap3A_64] : memref<17x8x2048xi32, #tpu.memory_space<vmem>>, vector<17x8x2048xi32>
    %swap3A_66 = arith.extui %ne3A_62 : vector<17x8x2048xi1> to vector<17x8x2048xi32>
    %swap3A_67 = arith.constant dense<0> : vector<17x8x2048xi32>
    %swap3A_68 = arith.cmpi ne, %swap3A_65, %swap3A_67 : vector<17x8x2048xi32>
    tpu.vector_store %arg2[%swap3A, %swap3A_63, %swap3A_64], %swap3A_66 {strides = array<i32>} : memref<17x8x2048xi32, #tpu.memory_space<vmem>>, vector<17x8x2048xi32>,
    return
  }
  func.func @transform_0(%arg0: i32) -> (i32, i32) {
    %c0_i32 = arith.constant 0 : i32
    %c0_i32_0 = arith.constant 0 : i32
    return %c0_i32, %arg0 : i32, i32
  }
  func.func @transform_1(%arg0: i32) -> (i32, i32, i32) {
    %c0_i32 = arith.constant 0 : i32
    %c0_i32_0 = arith.constant 0 : i32
    %c0_i32_1 = arith.constant 0 : i32
    return %c0_i32, %c0_i32_0, %arg0 : i32, i32, i32
  }
}

</mosaic_0001>

<sc_bundles>
// kernel: kernel.6.cloned.1.call-start
scs
__scs_entry_jumppad:
0x0: {  	(pc) =	sbr.rel $0x88, $3  }
0x1: {  	(tag) =	ssettag $0x0;
	lr =	simm.s32 $0x1  }
0x2: {  	[smem:$0x3F9C] =	sst lr;
	_ =	strace $0xD0000000  }
0x3: {  	_ = 	snop  }
0x4: {  	_ = 	snop  }
0x5: {  	_ = 	snop  }
0x6: {  	_ = 	snop  }
0x7: {  	_ = 	snop  }
__scs_overlays_trampoline_lowered:
0x8: {  	[smem:$0x3FAB] =	sst s0  }
0x9: {  	[smem:$0x3FAC] =	sst s1  }
0xa: {  	[smem:$0x3FAD] =	sst s2  }
0xb: {  	[smem:$0x3FAE] =	sst s3  }
0xc: {  	[smem:$0x3FAF] =	sst s4  }
0xd: {  	[smem:$0x3FB0] =	sst s5  }
0xe: {  	[smem:$0x3FB1] =	sst s6  }
0xf: {  	[smem:$0x3FB2] =	sst s7  }
0x10: {  	[smem:$0x3FB3] =	sst s8  }
0x11: {  	[smem:$0x3FB4] =	sst s9;
	s0 =	simm.s32 @!p0 $0x0  }
0x12: {  	s1 =	sld [smem:$0x3F9A];
	s0 =	simm.s32 @p0 $0x1  }
0x13: {  	[smem:$0x3FB5] =	sst s0;
	s0 =	simm.s32 @!p1 $0x0  }
0x14: {  	s2 =	sld [smem:$0x3F99];
	s0 =	simm.s32 @p1 $0x1  }
0x15: {  	[smem:$0x3FB6] =	sst s0;
	s0 =	simm.s32 @!p2 $0x0  }
0x16: {  	s3 =	sld [smem:$0x3FDB];
	s0 =	simm.s32 @p2 $0x1  }
0x17: {  	s4 =	simm.s32 $0x1BF5;
	[smem:$0x3FB8] =	sst s0  }
0x18: {  	s0 =	sld [smem:$0x3F9B];
	_ =	swait.ge [sflag:s4], $0x0  }
0x19: {  	s7 =	sld [smem:$0x3F9C]  }
0x1a: {  	s8 =	sadd.s32 $0xFFFFE003, lr  }
0x1b: {  	s9 =	sadd.s32 $0xFFFFFEF7, lr;
	s5 =	simm.s32 $0xFFFFFFFF;
	p2 =	slt.u32 s8, $0xFFFFF086  }
0x1c: {  	p1 =	slt.u32 s9, $0xF7A;
	s5 =	simm.s32 @!p2 $0x0  }
0x1d: {  	s5 =	simm.s32 @p1 $0x1;
	p0 =	seq.s32 s7, s2  }
0x1e: {  	s7 =	smul.u32 @!p0 $0xF7A, s2;
	p2 =	seq.s32 @!p0 s5, $0x0  }
0x1f: {  	s9 =	smul.u32 $0xF7A, s1;
	s8 =	simm.s32 @!p0 $0x1BF5;
	p2 =	por !p2, p0  }
0x20: {  	[sflag:s8] =	ssyncset.s32 @!p0 $0xFFFFF086;
	s6 =	sadd.s32 @!p0 s3, s7;
	s7 =	simm.s32 @!p0 $0x108  }
0x21: {  	s3 =	sadd.s32 s3, s9;
	s6 =	sadd.s32 @!p0 $0x88, s6;
	s7 =	simm.s32 @p2 $0x1082  }
0x22: {  	[simem:s7], [sflag:s8] =	dma.local @!p0 [hbm:s6], $0xF7A  }
0x23: {  	s9 =	sor.u32 $0xD0000000, s2;
	s6 =	simm.s32 $0x108;
	_ =	swait.ge @!p0 [sflag:s8], $0x0  }
0x24: {  	s3 =	sadd.s32 $0x88, s3;
	s6 =	simm.s32 @!p1 $0x1082;
	[sflag:s4] =	ssyncset.s32 $0xFFFFF086  }
0x25: {  	[simem:s6], [sflag:s4] =	dma.local [hbm:s3], $0xF7A  }
0x26: {  	[smem:$0x3F9C] =	sst s1;
	(tag) =	ssettag s2;
	_ =	strace s9  }
0x27: {  	s1 =	sld [smem:$0x3FAC]  }
0x28: {  	s2 =	sld [smem:$0x3FAD]  }
0x29: {  	s4 =	sld [smem:$0x3FAF]  }
0x2a: {  	p0 =	seq.s32 s5, $0x0;
	s5 =	sld [smem:$0x3FB0]  }
0x2b: {  	s6 =	sld [smem:$0x3FB1]  }
0x2c: {  	s7 =	sld [smem:$0x3FB2]  }
0x2d: {  	s3 =	simm.s32 $0x108;
	s8 =	sld [smem:$0x3FB3]  }
0x2e: {  	s3 =	simm.s32 @!p0 $0x1082;
	s9 =	sld [smem:$0x3FB4]  }
0x2f: {  	lr =	sadd.s32 s0, s3;
	s0 =	sld [smem:$0x3FAB]  }
0x30: {  	s3 =	sld [smem:$0x3FAE]  }
0x31: {  	[smem:$0x3FB7] =	sst s10  }
0x32: {  	s10 =	sld [smem:$0x3FB5];
	_ =	sdelay $0x3  }
0x33: {  	p0 =	seq.s32 s10, $0x1;
	s10 =	sld [smem:$0x3FB7];
	_ =	sdelay $0x3  }
0x34: {  	[smem:$0x3FB7] =	sst s10  }
0x35: {  	s10 =	sld [smem:$0x3FB6];
	_ =	sdelay $0x3  }
0x36: {  	p1 =	seq.s32 s10, $0x1;
	s10 =	sld [smem:$0x3FB7];
	_ =	sdelay $0x3  }
0x37: {  	[smem:$0x3FB7] =	sst s10  }
0x38: {  	s10 =	sld [smem:$0x3FB8]  }
0x39: {  	_ = 	snop;
	(pc) =	sbr.ind lr, $3  }
0x3a: {  	_ = 	snop  }
0x3b: {  	_ = 	snop  }
0x3c: {  	p2 =	seq.s32 s10, $0x1;
	s10 =	sld [smem:$0x3FB7]  }
0x3d: {  	_ =	shalt  }
0x3e: {  	_ =	shalt  }
0x3f: {  	_ =	shalt  }
0x40: {  	_ =	shalt  }
0x41: {  	_ =	shalt  }
0x42: {  	_ =	shalt  }
0x43: {  	_ =	shalt  }
0x44: {  	_ =	shalt  }
0x45: {  	_ =	shalt  }
0x46: {  	_ =	shalt  }
0x47: {  	_ =	shalt  }
0x48: {  	_ =	shalt  }
0x49: {  	_ =	shalt  }
0x4a: {  	_ =	shalt  }
0x4b: {  	_ =	shalt  }
0x4c: {  	_ =	shalt  }
0x4d: {  	_ =	shalt  }
0x4e: {  	_ =	shalt  }
0x4f: {  	_ =	shalt  }
0x50: {  	_ =	shalt  }
0x51: {  	_ =	shalt  }
0x52: {  	_ =	shalt  }
0x53: {  	_ =	shalt  }
0x54: {  	_ =	shalt  }
0x55: {  	_ =	shalt  }
0x56: {  	_ =	shalt  }
0x57: {  	_ =	shalt  }
0x58: {  	_ =	shalt  }
0x59: {  	_ =	shalt  }
0x5a: {  	_ =	shalt  }
0x5b: {  	_ =	shalt  }
0x5c: {  	_ =	shalt  }
0x5d: {  	_ =	shalt  }
0x5e: {  	_ =	shalt  }
0x5f: {  	_ =	shalt  }
0x60: {  	_ =	shalt  }
0x61: {  	_ =	shalt  }
0x62: {  	_ =	shalt  }
0x63: {  	_ =	shalt  }
0x64: {  	_ =	shalt  }
0x65: {  	_ =	shalt  }
0x66: {  	_ =	shalt  }
0x67: {  	_ =	shalt  }
0x68: {  	_ =	shalt  }
0x69: {  	_ =	shalt  }
0x6a: {  	_ =	shalt  }
0x6b: {  	_ =	shalt  }
0x6c: {  	_ =	shalt  }
0x6d: {  	_ =	shalt  }
0x6e: {  	_ =	shalt  }
0x6f: {  	_ =	shalt  }
0x70: {  	_ =	shalt  }
0x71: {  	_ =	shalt  }
0x72: {  	_ =	shalt  }
0x73: {  	_ =	shalt  }
0x74: {  	_ =	shalt  }
0x75: {  	_ =	shalt  }
0x76: {  	_ =	shalt  }
0x77: {  	_ =	shalt  }
0x78: {  	_ =	shalt  }
0x79: {  	_ =	shalt  }
0x7a: {  	_ =	shalt  }
0x7b: {  	_ =	shalt  }
0x7c: {  	_ =	shalt  }
0x7d: {  	_ =	shalt  }
0x7e: {  	_ =	shalt  }
0x7f: {  	_ =	shalt  }
0x80: {  	_ =	shalt  }
0x81: {  	_ =	shalt  }
0x82: {  	_ =	shalt  }
0x83: {  	_ =	shalt  }
0x84: {  	_ =	shalt  }
0x85: {  	_ =	shalt  }
0x86: {  	_ =	shalt  }
0x87: {  	_ =	shalt  }
.Lfunc_end0:
.L_simem_size_0:
called_computation_lowered:
.L_overlay_start_0:
0x88: {  	s2 =	sld [smem:$0x3FD9]  }
0x89: {  	s3 =	sld [smem:$0x3FFE];
	_ =	sdelay $0x1  }
0x8a: {  	s1 =	srdreg.scid  }
0x8b: {  	s0 =	sand.u32 $0x1, s1  }
0x8c: {  	s14 =	sshll.u32 s0, $0xA;
	s2 =	sadd.s32 s3, s2  }
0x8d: {  	s2 =	sadd.s32 s2, s14  }
0x8e: {  	[smem:$0x3FC3] =	sst s2  }
0x8f: {  	_ = 	snop  }
0x90: {  	s2 =	sld [smem:$0x3FD0];
	_ =	sdelay $0x2  }
0x91: {  	s4 =	simm.s32 $0xA;
	s5 =	simm.s32 $0x10;
	s15 =	sld [smem:$0x3FC8]  }
0x92: {  	[smem:s5], [sflag:s4] =	dma.local [hbm:s2], $0x1  }
0x93: {  	_ =	swait.eq [sflag:s4], $0x1  }
0x94: {  	[sflag:s4] =	ssyncset.done $0x0  }
0x95: {  	s16 =	sld [smem:$0x11];
	[sflag:s4] =	ssyncadd.s32 $0xFFFFFFFF  }
0x96: {  	s17 =	sld [smem:$0x12];
	(tm) =	ssettm $0x1  }
0x97: {  	s18 =	sld [smem:$0x3FFB];
	_ =	sdelay $0x3  }
0x98: {  	_ =	strace s18  }
0x99: {  	s5 =	sld [smem:$0x3FFC];
	_ =	sdelay $0x3  }
0x9a: {  	_ =	strace s5  }
0x9b: {  	s5 =	sld [smem:$0x3FFD];
	_ =	sdelay $0x3  }
0x9c: {  	_ =	strace s5  }
0x9d: {  	_ =	strace $0x8FFFFFFF  }
0x9e: {  	s19 =	sld [smem:$0x3FDB];
	_ =	sdelay $0x1  }
0x9f: {  	s6 =	simm.s32 $_scs_section_size  }
0xa0: {  	s7 =	simm.s32 $_size__tile_overlayer_lowered;
	s8 =	simm.s32 $_tile_overlayer_lowered  }
0xa1: {  	s22 =	simm.s32 $0x1BFF;
	s21 =	sshll.u32 s8, $0x1;
	s5 =	sadd.s32 s6, s19  }
0xa2: {  	s9 =	simm.s32 $0x0;
	s20 =	sshll.u32 s7, $0x1;
	s7 =	sadd.s32 s21, s5  }
0xa3: {  	[timem:s9], [sflag:s22] =	dma.local [hbm:s7], s20  }
0xa4: {  	_ =	swait.ge [sflag:s22], s20  }
0xa5: {  	s6 =	ssub.s32 $0x0, s20;
	[sflag:s22] =	ssyncset.done $0x0  }
0xa6: {  	[sflag:s22] =	ssyncadd.s32 s6;
	_ =	sdelay $0x1  }
0xa7: {  	s23 =	simm.s32 $0x1B8B  }
0xa8: {  	_ =	swait.ge [sflag:s23], $0x1  }
0xa9: {  	[sflag:s23] =	ssyncset.done $0x0  }
0xaa: {  	s25 =	simm.s32 $0x1B8E;
	s24 =	sld [smem:$0x3FFE];
	[sflag:s23] =	ssyncadd.s32 $0xFFFFFFFF  }
0xab: {  	s26 =	simm.s32 $execute0_lowered;
	[smem:$0x3FD2] =	sst s25  }
0xac: {  	s7 =	sshll.u32 s26, $0x1;
	_ =	strace $0x80000046;
	[dreg:$0x1] =	wrdreg $0xFFFFFFFF  }
0xad: {  	s28 =	simm.s32 $_size_execute0_lowered;
	s5 =	sadd.s32 s5, s7;
	[dreg:$0x0] =	wrdreg $0x0  }
0xae: {  	s7 =	sshll.u32 s28, $0x1;
	[dreg:$0x2] =	wrdreg s5  }
0xaf: {  	[dreg:$0x3] =	wrdreg s7  }
0xb0: {  	[dreg:$0x4] =	wrdreg $0xC0  }
0xb1: {  	_ =	task [dreg:s9], $0x5FFFF  }
0xb2: {  	[dreg:$0x1] =	wrdreg $0xFFFFFFFF  }
0xb3: {  	[dreg:$0x0] =	wrdreg $0x60  }
0xb4: {  	[dreg:$0x2] =	wrdreg s15  }
0xb5: {  	[dreg:$0x3] =	wrdreg s17  }
0xb6: {  	[dreg:$0x4] =	wrdreg s16  }
0xb7: {  	[dreg:$0x5] =	wrdreg s24  }
0xb8: {  	[dreg:$0x6] =	wrdreg $0x9  }
0xb9: {  	_ =	task.clear_ibuf [dreg:s9], $0x7FFFF;
	_ =	strace $0x90000046  }
0xba: {  	s29 =	simm.s32 $0x9;
	_ =	strace $0x80000048  }
0xbb: {  	_ =	swait.ge [sflag:s29], $0x1  }
0xbc: {  	[sflag:s29] =	ssyncadd.s32 $0xFFFFFFFF  }
0xbd: {  	_ =	strace $0x90000048  }
0xbe: {  	_ =	sfence  }
0xbf: {  	s30 =	sld [smem:$0x0];
	_ =	sdelay $0x2  }
0xc0: {  	s31 =	sshll.u32 s1, $0xD;
	s1 =	sshrl.u32 s1, $0x2  }
0xc1: {  	s3 =	sand.u32 $0x4000, s31;
	s1 =	sadd.s32 s1, s30  }
0xc2: {  	s0 =	sor.u32 s3, s0;
	s1 =	sshll.u32 s1, $0x11  }
0xc3: {  	s0 =	sor.u32 s1, s0  }
0xc4: {  	s0 =	sadd.s32 $0x8F2B, s0  }
0xc5: {  	[sflag:s0] =	ssyncadd.remote.s32 $0x1  }
0xc6: {  	_ =	sfence.sel $0xFFFF  }
0xc7: {  	[dreg:$0x0] =	wrdreg $0xFFFFFFFF;
	(pc) =	sbr.abs _section_cstart, $3  }
0xc8: {  	[dreg:$0x1] =	wrdreg $0xFFFFFFFF  }
0xc9: {  	_ =	task.clear_ibuf [dreg:s9], $0x2FFFF;
	_ =	strace $0x9FFFFFFF  }
0xca: {  	(tm) =	ssettm $0x7FFFFFFF  }
0xcb: {  	_ =	shalt  }
tec
execute0_lowered:
.L_overlay_start_1:
0x0: {  	(tag) =	ssettag $0x1  }
0x1: {  	s0 =	srdreg.scid;
	s5 =	rddreg [dreg:$0x2]  }
0x2: {  	s4 =	stileid.u32;
	s2 =	rddreg [dreg:$0x3];
	s3 =	simm.s32 $0x0  }
0x3: {  	s0 =	sand.u32 $0x1, s0;
	s1 =	sshll.u32 s4, $0x1;
	s29 =	smul.u32 $0x1900, s4  }
0x4: {  	s1 =	sor.u32 s0, s1;
	s24 =	ssub.s32 $0x2, s0;
	s0 =	smul.u32 $0xC80, s0  }
0x5: {  	[smem:$0x7FF] =	sst s3;
	s7 =	sadd.s32 $0xA00, s2;
	s6 =	smul.u32 $0xC80, s1  }
0x6: {  	_ =	strace $0x80000047;
	[smem:$0x7FA] =	sst s7  }
0x7: {  	s25 =	sshrl.u32 s24, $0x1;
	s0 =	sadd.s32 s0, s29;
	[smem:$0x7F4] =	sst s6  }
0x8: {  	s1 =	ssub.s32 s24, s25;
	s28 =	sadd.s32 $0x32000, s6;
	[smem:$0x7FD] =	sst s0  }
0x9: {  	s26 =	sshrl.u32 s6, $0x3;
	s1 =	smax.u32 s1, $0x1;
	[smem:$0x7F7] =	sst s28  }
0xa: {  	v0 =	vlaneseq.u32;
	s8 =	sadd.s32 s7, s26;
	[smem:$0x7FC] =	sst s1  }
0xb: {  	vm0 =	vcmask $0x300;
	vm1 =	vcmask $0x704;
	vm2 =	vcmask $0xB08;
	s5 =	sadd.s32 s5, s26;
	[smem:$0x7F5] =	sst s8  }
0xc: {  	vm3 =	vcmask $0xF0C;
	vm4 =	vcmask $0x1310;
	vm5 =	vcmask $0x1714;
	s30 =	sadd.s32 $0x3200, s8;
	[smem:$0x7F8] =	sst s5  }
0xd: {  	vm6 =	vcmask $0x1B18;
	vm7 =	vcmask $0x1F1C;
	vm8 =	vcmask $0x2320;
	s3 =	sshrl.u32 s28, $0x3;
	s31 =	sadd.s32 $0x30D4, s5;
	[smem:$0x7F6] =	sst s30  }
0xe: {  	vm9 =	vcmask $0x2724;
	vm10 =	vcmask $0x2B28;
	vm11 =	vcmask $0x2F2C;
	s4 =	simm.s32 $0x1;
	s3 =	sadd.s32 s7, s3;
	[smem:$0x7F9] =	sst s31  }
0xf: {  	vm12 =	vcmask $0x3330;
	vm13 =	vcmask $0x3734;
	vm14 =	vcmask $0x3B38;
	s2 =	simm.s32 $0x0;
	[smem:$0x7FB] =	sst s3;
	s3 =	simm.s32 $0xC80  }
.LBB2_1:
0x10: {  	s1 =	sld [smem:$0x7FD];
	_ =	sdelay $0x2  }
0x11: {  	v1 =	vor.u32 s1, v0  }
0x12: {  	vm15 =	vlt.s32 v1, $0x1869F  }
0x13: {  	[smem:$0x7F3] =	sst s2;
	s0 =	simm.s32 $0x40;
	s2 =	simm.s32 $0x0;
	v1 =	vnsel vm15, $0x1869F, v1  }
.LBB2_2:
0x14: {  	p0 =	sne.s32 s0, $0x31C0  }
0x15: {  	[tilespmem:s2+$0x0] =	vst v1;
	s1 =	sadd.s32 $0x10, s1;
	s2 =	smov.u32 s0;
	s0 =	sadd.s32 $0x40, s0  }
.Ltmp0:
0x16: {  	(pc) =	sbr.rel @p0 .LBB2_2-.Ltmp0, $4  }
0x17: {  	_ = 	snop  }
0x18: {  	v1 =	vor.u32 s1, v0  }
0x19: {  	vm15 =	vlt.s32 v1, $0x1869F  }
0x1a: {  	s2 =	sshra.s32 s2, $0x2;
	v1 =	vnsel vm15, $0x1869F, v1  }
0x1b: {  	s1 =	sld [smem:$0x7F5];
	_ =	sdelay $0x1  }
0x1c: {  	[tilespmem:s2+$0x0] =	vst v1;
	s0 =	simm.s32 $0x0;
	s29 =	rddreg [dreg:$0x1]  }
0x1d: {  	[hbm4b:s1+s0] =	stream.linear.scatter [tilespmem:s0], [sflag:$0x2], $0xC80, $0x38;
	[tilespmem:$0x7080] =	vst v63  }
0x1e: {  	s31 =	simm.s32 $0x2580;
	s5 =	sld [smem:$0x7F8]  }
0x1f: {  	[tilespmem:s31], [sflag:$0x1] =	stream.indirect.gather [hbm4b:s29+s3], $0x1, s0, s3, $0xb8;
	[tilespmem:$0x7080] =	vst v63  }
0x20: {  	s6 =	simm.s32 $0x3200  }
0x21: {  	[tilespmem:s6], [sflag:$0x1] =	stream.linear.gather [hbm4b:s5+s0], $0xC80, $0x38;
	[tilespmem:$0x7080] =	vst v63  }
0x22: {  	_ =	swait.ge [sflag:s4], $0xC80  }
0x23: {  	[sflag:s4] =	ssyncset.done $0x0  }
0x24: {  	[sflag:s4] =	ssyncadd.s32 $0xFFFFF380  }
0x25: {  	_ =	swait.ge [sflag:s4], $0xC80  }
0x26: {  	[sflag:s4] =	ssyncset.done $0x0  }
0x27: {  	s7 =	simm.s32 $0x0;
	[sflag:s4] =	ssyncadd.s32 $0xFFFFF380  }
0x28: {  	v2 =	vld [tilespmem:s7+$0x3200];
	_ =	sdelay $0x4  }
0x29: {  	(v2sf) =	vpush v2, $0xE  }
0x2a: {  	(v2sf) =	vpush v2, $0xD  }
0x2b: {  	(v2sf) =	vpush v2, $0xC  }
0x2c: {  	(v2sf) =	vpush v2, $0xB  }
0x2d: {  	(v2sf) =	vpush v2, $0xA  }
0x2e: {  	(v2sf) =	vpush v2, $0x9  }
0x2f: {  	(v2sf) =	vpush v2, $0x8  }
0x30: {  	(v2sf) =	vpush v2, $0x7  }
0x31: {  	(v2sf) =	vpush v2, $0x6  }
0x32: {  	(v2sf) =	vpush v2, $0x5  }
0x33: {  	v1 =	vld [tilespmem:s7+$0x2580];
	(v2sf) =	vpush v2, $0x4  }
0x34: {  	(v2sf) =	vpush v2, $0x3  }
0x35: {  	(v2sf) =	vpush v2, $0x2  }
0x36: {  	(v2sf) =	vpush v2, $0x1  }
0x37: {  	s8 =	simm.s32 $0x0;
	(v2sf) =	vpush v2, $0x0  }
0x38: {  	[dreg:$0x5] =	wrdreg s8;
	v3 =	vand.u32 $0x1F, v1;
	(v2sf) =	vpush v2, $0xF;
	s8 =	spop (v2sf)  }
0x39: {  	s10 =	spop (v2sf);
	(v2sf) =	vpush v3, $0xE  }
0x3a: {  	s6 =	spop (v2sf);
	(v2sf) =	vpush v3, $0xD  }
0x3b: {  	s11 =	spop (v2sf);
	(v2sf) =	vpush v3, $0xC  }
0x3c: {  	s12 =	spop (v2sf);
	(v2sf) =	vpush v3, $0xB  }
0x3d: {  	s13 =	spop (v2sf);
	(v2sf) =	vpush v3, $0xA  }
0x3e: {  	s21 =	spop (v2sf);
	(v2sf) =	vpush v3, $0x9  }
0x3f: {  	s22 =	spop (v2sf);
	(v2sf) =	vpush v3, $0x8  }
0x40: {  	s16 =	spop (v2sf);
	(v2sf) =	vpush v3, $0x7  }
0x41: {  	s25 =	spop (v2sf);
	(v2sf) =	vpush v3, $0x6  }
0x42: {  	s26 =	spop (v2sf);
	(v2sf) =	vpush v3, $0x5  }
0x43: {  	s0 =	sshra.s32 s6, $0x1F;
	s28 =	spop (v2sf);
	(v2sf) =	vpush v3, $0x4  }
0x44: {  	[smem:$0x7CD] =	sst s0;
	s9 =	spop (v2sf);
	(v2sf) =	vpush v3, $0x3  }
0x45: {  	[smem:$0x7D5] =	sst s9;
	s14 =	spop (v2sf);
	(v2sf) =	vpush v3, $0x2  }
0x46: {  	[smem:$0x7D7] =	sst s14;
	s15 =	spop (v2sf)  }
0x47: {  	(v2sf) =	vpush v3, $0x1;
	[smem:$0x7D8] =	sst s15;
	s17 =	spop (v2sf)  }
0x48: {  	[smem:$0x7DB] =	sst s17;
	s15 =	spop (v2sf)  }
0x49: {  	v2 =	vmax.u32 v3, $0x2;
	(v2sf) =	vpush v3, $0x0;
	s14 =	spop (v2sf);
	[smem:$0x7CC] =	sst s15  }
0x4a: {  	v2 =	vadd.s32 $0xFFFFFFFF, v2;
	(v2sf) =	vpush v3, $0xF;
	s24 =	spop (v2sf);
	[smem:$0x7CE] =	sst s14  }
0x4b: {  	(v2sf) =	vpush v2, $0xE;
	s7 =	spop (v2sf);
	[smem:$0x7D0] =	sst s24  }
0x4c: {  	s29 =	spop (v2sf);
	[smem:$0x7D2] =	sst s7  }
0x4d: {  	s19 =	spop (v2sf);
	[smem:$0x7D4] =	sst s29  }
0x4e: {  	s20 =	spop (v2sf);
	[dreg:$0x9] =	wrdreg s19  }
0x4f: {  	s23 =	spop (v2sf);
	[dreg:$0xd] =	wrdreg s20  }
0x50: {  	s30 =	spop (v2sf);
	[dreg:$0x11] =	wrdreg s23  }
0x51: {  	s31 =	spop (v2sf);
	[dreg:$0x15] =	wrdreg s30  }
0x52: {  	s18 =	spop (v2sf);
	[dreg:$0x19] =	wrdreg s31  }
0x53: {  	s6 =	sxor.u32 s0, s6;
	[dreg:$0x1d] =	wrdreg s18;
	s1 =	spop (v2sf)  }
0x54: {  	s18 =	sshra.s32 s10, $0x1F;
	[smem:$0x7E1] =	sst s1;
	s2 =	spop (v2sf)  }
0x55: {  	s10 =	sxor.u32 s18, s10;
	s1 =	sshra.s32 s11, $0x1F;
	[smem:$0x7CB] =	sst s18  }
0x56: {  	[smem:$0x7E3] =	sst s2;
	s3 =	spop (v2sf);
	s11 =	sxor.u32 s1, s11  }
0x57: {  	s2 =	sshra.s32 s13, $0x1F;
	s18 =	ssub.s32 s10, s18;
	[smem:$0x7CF] =	sst s1  }
0x58: {  	[smem:$0x7E5] =	sst s3;
	s4 =	spop (v2sf);
	s3 =	sshra.s32 s12, $0x1F  }
0x59: {  	s13 =	sxor.u32 s2, s13;
	[smem:$0x7D3] =	sst s2;
	s5 =	spop (v2sf)  }
0x5a: {  	s11 =	ssub.s32 s11, s1;
	[smem:$0x7E7] =	sst s4;
	s9 =	spop (v2sf)  }
0x5b: {  	s12 =	sxor.u32 s3, s12;
	[smem:$0x7D1] =	sst s3;
	s17 =	sshra.s32 s9, $0x1F  }
0x5c: {  	s4 =	sshra.s32 s21, $0x1F;
	[smem:$0x7E9] =	sst s5;
	s9 =	sxor.u32 s17, s9  }
0x5d: {  	s21 =	sxor.u32 s4, s21;
	s9 =	ssub.s32 s9, s17;
	s17 =	sshra.s32 s8, $0x1F  }
0x5e: {  	s5 =	sshra.s32 s22, $0x1F;
	[smem:$0x7D6] =	sst s4;
	s8 =	sxor.u32 s17, s8  }
0x5f: {  	[smem:$0x7CA] =	sst s17;
	s17 =	ssub.s32 s8, s17;
	s8 =	sshra.s32 s16, $0x1F  }
0x60: {  	(v2sf) =	vpush v2, $0xD;
	[smem:$0x7D9] =	sst s5;
	(drf) =	srem.u32 s17, s15;
	s10 =	sxor.u32 s8, s16  }
0x61: {  	s16 =	ssub.s32 s6, s0;
	s15 =	ssub.s32 s13, s2;
	s13 =	sld [smem:$0x7D8]  }
0x62: {  	[smem:$0x7DA] =	sst s8;
	(drf) =	srem.u32 s18, s14;
	s14 =	sshra.s32 s25, $0x1F  }
0x63: {  	s6 =	sxor.u32 s14, s25;
	(drf) =	srem.u32 s16, s24;
	[smem:$0x7DC] =	sst s14  }
0x64: {  	s25 =	sshra.s32 s26, $0x1F;
	(drf) =	srem.u32 s11, s7;
	s7 =	sld [smem:$0x7D5]  }
0x65: {  	s1 =	sxor.u32 s25, s26;
	s26 =	ssub.s32 s12, s3;
	s12 =	sld [smem:$0x7D7]  }
0x66: {  	(v2sf) =	vpush v2, $0xC;
	s22 =	sxor.u32 s5, s22;
	s24 =	sshra.s32 s28, $0x1F;
	[smem:$0x7DD] =	sst s25  }
0x67: {  	s10 =	ssub.s32 s10, s8;
	s0 =	sxor.u32 s24, s28;
	[smem:$0x7DE] =	sst s24  }
0x68: {  	s28 =	ssub.s32 s21, s4;
	s8 =	ssub.s32 s6, s14;
	s14 =	sld [smem:$0x7E1]  }
0x69: {  	s21 =	ssub.s32 s22, s5;
	s22 =	sld [smem:$0x7E3];
	(drf) =	srem.u32 s26, s29  }
0x6a: {  	(drf) =	srem.u32 s15, s19;
	s19 =	sshra.s32 s13, $0x1F;
	s29 =	sshra.s32 s7, $0x1F  }
0x6b: {  	s4 =	sshra.s32 s12, $0x1F;
	(drf) =	srem.u32 s28, s20;
	[smem:$0x7E4] =	sst s19  }
0x6c: {  	s2 =	sxor.u32 s4, s12;
	(drf) =	srem.u32 s21, s23;
	s23 =	sld [smem:$0x7DB]  }
0x6d: {  	s12 =	sxor.u32 s19, s13;
	s13 =	ssub.s32 s1, s25;
	s1 =	rddreg [dreg:$0x1d]  }
0x6e: {  	(v2sf) =	vpush v2, $0xB;
	[smem:$0x7E0] =	sst s29  }
0x6f: {  	s6 =	spop (v2sf);
	[smem:$0x7E2] =	sst s4  }
0x70: {  	(v2sf) =	vpush v2, $0xA;
	(drf) =	srem.u32 s10, s30;
	s19 =	ssub.s32 s12, s19;
	s12 =	sld [smem:$0x7E9]  }
0x71: {  	(drf) =	srem.u32 s8, s31;
	s31 =	spop (drf)  }
0x72: {  	(v2sf) =	vpush v2, $0x9;
	s3 =	sxor.u32 s29, s7;
	s7 =	ssub.s32 s0, s24;
	[smem:$0x7DF] =	sst s31  }
0x73: {  	(drf) =	srem.u32 s13, s1;
	s1 =	ssub.s32 s3, s29;
	s29 =	sld [smem:$0x7E5]  }
0x74: {  	(v2sf) =	vpush v2, $0x8;
	s5 =	sshra.s32 s23, $0x1F;
	s24 =	spop (drf);
	s31 =	sld [smem:$0x7E7]  }
0x75: {  	s20 =	sxor.u32 s5, s23;
	s23 =	spop (v2sf);
	(drf) =	srem.u32 s7, s14  }
0x76: {  	(v2sf) =	vpush v2, $0x7;
	s25 =	spop (drf);
	[smem:$0x7E6] =	sst s5  }
0x77: {  	s3 =	ssub.s32 s2, s4;
	(drf) =	srem.u32 s1, s22;
	s30 =	spop (drf)  }
0x78: {  	(v2sf) =	vpush v2, $0x6;
	s2 =	ssub.s32 s20, s5;
	(drf) =	srem.u32 s3, s29;
	s20 =	spop (drf)  }
0x79: {  	(drf) =	srem.u32 s19, s31;
	s4 =	spop (drf)  }
0x7a: {  	s5 =	sshra.s32 s6, $0x1F;
	[smem:$0x7E8] =	sst s4;
	s14 =	spop (drf)  }
0x7b: {  	(v2sf) =	vpush v2, $0x5;
	s6 =	sxor.u32 s5, s6;
	(drf) =	srem.u32 s2, s12;
	[smem:$0x7EA] =	sst s14  }
0x7c: {  	s4 =	ssub.s32 s6, s5;
	(drf) =	srem.u32 s17, s9;
	s17 =	spop (drf)  }
0x7d: {  	(v2sf) =	vpush v2, $0x4;
	s22 =	sshra.s32 s23, $0x1F;
	(drf) =	srem.u32 s18, s4;
	s18 =	spop (v2sf)  }
0x7e: {  	s23 =	sxor.u32 s22, s23;
	[smem:$0x7EB] =	sst s17;
	s5 =	spop (drf)  }
0x7f: {  	s6 =	ssub.s32 s23, s22;
	s29 =	spop (v2sf);
	[smem:$0x7EC] =	sst s5  }
0x80: {  	s31 =	sshra.s32 s18, $0x1F;
	(drf) =	srem.u32 s16, s6;
	s9 =	spop (drf)  }
0x81: {  	s4 =	sxor.u32 s31, s18;
	[smem:$0x7ED] =	sst s9;
	s14 =	spop (v2sf)  }
0x82: {  	(v2sf) =	vpush v2, $0x3;
	s16 =	sshra.s32 s29, $0x1F;
	s23 =	spop (drf);
	s4 =	ssub.s32 s4, s31  }
0x83: {  	s17 =	sxor.u32 s16, s29;
	s18 =	spop (v2sf);
	s22 =	sshra.s32 s14, $0x1F  }
0x84: {  	(v2sf) =	vpush v2, $0x2;
	s29 =	spop (drf);
	(drf) =	srem.u32 s11, s4;
	s6 =	ssub.s32 s17, s16  }
0x85: {  	s4 =	sxor.u32 s22, s14;
	s31 =	spop (v2sf);
	s0 =	sshra.s32 s18, $0x1F  }
0x86: {  	(v2sf) =	vpush v2, $0x1;
	s16 =	spop (drf);
	(drf) =	srem.u32 s26, s6;
	s4 =	ssub.s32 s4, s22  }
0x87: {  	(v2sf) =	vpush v2, $0x0;
	s5 =	sxor.u32 s0, s18;
	s11 =	spop (v2sf);
	s12 =	sshra.s32 s31, $0x1F  }
0x88: {  	(v2sf) =	vpush v2, $0xF;
	(drf) =	srem.u32 s15, s4;
	s6 =	ssub.s32 s5, s0;
	s4 =	sxor.u32 s12, s31  }
0x89: {  	s17 =	spop (drf);
	(drf) =	srem.u32 s28, s6;
	s4 =	ssub.s32 s4, s12  }
0x8a: {  	s18 =	spop (v2sf);
	(drf) =	srem.u32 s21, s4;
	s21 =	sshra.s32 s11, $0x1F  }
0x8b: {  	[smem:$0x7EE] =	sst s23;
	s28 =	spop (drf);
	s22 =	sxor.u32 s21, s11  }
0x8c: {  	[smem:$0x7EF] =	sst s29;
	s23 =	spop (v2sf);
	s6 =	ssub.s32 s22, s21  }
0x8d: {  	(drf) =	srem.u32 s10, s6;
	s10 =	spop (drf)  }
0x8e: {  	[smem:$0x7F1] =	sst s17;
	s26 =	sshra.s32 s18, $0x1F;
	s17 =	spop (drf)  }
0x8f: {  	[smem:$0x7F0] =	sst s16;
	s4 =	sxor.u32 s26, s18;
	s18 =	spop (drf)  }
0x90: {  	[smem:$0x7F2] =	sst s28;
	s31 =	sshra.s32 s23, $0x1F;
	s21 =	spop (drf)  }
0x91: {  	s4 =	ssub.s32 s4, s26;
	s5 =	sxor.u32 s31, s23;
	s29 =	spop (v2sf)  }
0x92: {  	(drf) =	srem.u32 s8, s4;
	s6 =	ssub.s32 s5, s31;
	s22 =	spop (drf)  }
0x93: {  	(drf) =	srem.u32 s13, s6;
	s0 =	spop (v2sf);
	s9 =	sshra.s32 s29, $0x1F  }
0x94: {  	s26 =	spop (drf);
	s4 =	sxor.u32 s9, s29;
	s12 =	sshra.s32 s0, $0x1F  }
0x95: {  	s11 =	spop (v2sf);
	s4 =	ssub.s32 s4, s9;
	s13 =	sxor.u32 s12, s0  }
0x96: {  	s14 =	spop (v2sf);
	s15 =	sshra.s32 s11, $0x1F;
	(drf) =	srem.u32 s7, s4  }
0x97: {  	s6 =	ssub.s32 s13, s12;
	s4 =	sxor.u32 s15, s11;
	s23 =	spop (v2sf)  }
0x98: {  	s28 =	sshra.s32 s14, $0x1F;
	(drf) =	srem.u32 s1, s6;
	s16 =	ssub.s32 s4, s15  }
0x99: {  	s0 =	sxor.u32 s28, s14;
	s29 =	sshra.s32 s23, $0x1F;
	(drf) =	srem.u32 s3, s16  }
0x9a: {  	s6 =	ssub.s32 s0, s28;
	s4 =	sxor.u32 s29, s23;
	s23 =	spop (drf)  }
0x9b: {  	(drf) =	srem.u32 s19, s6;
	s31 =	ssub.s32 s4, s29;
	s19 =	spop (drf)  }
0x9c: {  	s0 =	simm.s32 $0x40;
	(drf) =	srem.u32 s2, s31;
	s4 =	spop (drf)  }
.LBB2_4:
0x9d: {  	[smem:$0x779] =	sst s19  }
0x9e: {  	[smem:$0x77B] =	sst s23  }
0x9f: {  	[smem:$0x783] =	sst s18  }
0xa0: {  	[smem:$0x77D] =	sst s26  }
0xa1: {  	[smem:$0x781] =	sst s21  }
0xa2: {  	[smem:$0x77F] =	sst s22  }
0xa3: {  	[smem:$0x785] =	sst s17  }
0xa4: {  	[smem:$0x7C9] =	sst s0  }
0xa5: {  	s22 =	sld [smem:$0x7CB]  }
0xa6: {  	s17 =	sshra.s32 s0, $0x2;
	s18 =	sld [smem:$0x7DF]  }
0xa7: {  	[smem:$0x791] =	sst s17  }
0xa8: {  	s29 =	sld [smem:$0x7D1]  }
0xa9: {  	s28 =	sld [smem:$0x7CF]  }
0xaa: {  	s13 =	sld [smem:$0x7D6]  }
0xab: {  	s2 =	sld [smem:$0x7EA]  }
0xac: {  	s3 =	sld [smem:$0x7E8]  }
0xad: {  	s12 =	sld [smem:$0x7DD]  }
0xae: {  	s5 =	sld [smem:$0x7EE]  }
0xaf: {  	s7 =	sld [smem:$0x7ED]  }
0xb0: {  	s11 =	sld [smem:$0x7DA]  }
0xb1: {  	s8 =	sld [smem:$0x7EC]  }
0xb2: {  	s1 =	spop (drf);
	s9 =	sld [smem:$0x7F1]  }
0xb3: {  	[smem:$0x777] =	sst s1;
	s14 =	spop (drf)  }
0xb4: {  	[smem:$0x776] =	sst s14  }
0xb5: {  	s15 =	spop (drf);
	s14 =	sld [smem:$0x7F0]  }
0xb6: {  	[smem:$0x775] =	sst s15  }
0xb7: {  	s16 =	sxor.u32 s22, s24;
	s24 =	sld [smem:$0x7CD]  }
0xb8: {  	s19 =	sxor.u32 s29, s20;
	s20 =	sxor.u32 s28, s30;
	s30 =	sld [smem:$0x7D3]  }
0xb9: {  	[smem:$0x784] =	sst s16  }
0xba: {  	s16 =	sld [smem:$0x7CA]  }
0xbb: {  	[smem:$0x77E] =	sst s19  }
0xbc: {  	[smem:$0x780] =	sst s20  }
0xbd: {  	s19 =	sld [smem:$0x7E2]  }
0xbe: {  	s20 =	sld [smem:$0x7E6]  }
0xbf: {  	s21 =	sxor.u32 s24, s25;
	s25 =	sld [smem:$0x7EB]  }
0xc0: {  	[smem:$0x782] =	sst s21  }
0xc1: {  	p0 =	sne.s32 s0, $0x31C0;
	s6 =	spop (drf);
	s21 =	sld [smem:$0x7D9]  }
0xc2: {  	s15 =	sxor.u32 s12, s5;
	s0 =	sxor.u32 s16, s18;
	s18 =	sld [smem:$0x7E0]  }
0xc3: {  	s23 =	spop (drf);
	s5 =	sxor.u32 s19, s9;
	s9 =	sld [smem:$0x7F2]  }
0xc4: {  	s26 =	spop (drf);
	[smem:$0x786] =	sst s0  }
0xc5: {  	s31 =	spop (drf);
	s1 =	sxor.u32 s21, s25;
	s25 =	sld [smem:$0x7DC]  }
0xc6: {  	s10 =	sxor.u32 s20, s10;
	[smem:$0x778] =	sst s1;
	s1 =	sxor.u32 s13, s2  }
0xc7: {  	s26 =	sxor.u32 s19, s26;
	[smem:$0x77A] =	sst s1;
	s1 =	sxor.u32 s30, s3  }
0xc8: {  	s0 =	spop (drf);
	s10 =	ssub.s32 s10, s20;
	[smem:$0x77C] =	sst s1  }
0xc9: {  	s0 =	sxor.u32 s20, s0;
	s1 =	sxor.u32 s18, s14;
	s14 =	sld [smem:$0x7E4]  }
0xca: {  	s0 =	ssub.s32 s0, s20;
	s2 =	sxor.u32 s11, s8;
	s8 =	sld [smem:$0x7DE]  }
0xcb: {  	s5 =	ssub.s32 s5, s19;
	v4 =	vmov s0;
	s0 =	ssub.s32 s26, s19;
	s3 =	sld [smem:$0x7EF]  }
0xcc: {  	s7 =	sxor.u32 s25, s7;
	s9 =	sxor.u32 s14, s9;
	s31 =	sxor.u32 s14, s31  }
0xcd: {  	s9 =	ssub.s32 s9, s14;
	s20 =	ssub.s32 s31, s14;
	s14 =	sld [smem:$0x775]  }
0xce: {  	v2 =	vmov s10;
	s31 =	sxor.u32 s18, s23;
	s23 =	ssub.s32 s7, s25;
	s7 =	sld [smem:$0x778]  }
0xcf: {  	v3 =	vld [tilespmem:s17+$0x3200];
	s1 =	ssub.s32 s1, s18;
	s6 =	sxor.u32 s8, s6;
	v2 =	vsel vm0, s9, v2;
	v4 =	vsel vm0, s20, v4;
	s20 =	sld [smem:$0x776]  }
0xd0: {  	s3 =	sxor.u32 s8, s3;
	v2 =	vsel vm1, s5, v2;
	s5 =	ssub.s32 s31, s18;
	s31 =	sld [smem:$0x777]  }
0xd1: {  	s9 =	ssub.s32 s3, s8;
	v4 =	vsel vm1, s0, v4;
	s18 =	ssub.s32 s15, s12;
	s15 =	sld [smem:$0x77D];
	v2 =	vsel vm2, s1, v2  }
0xd2: {  	s10 =	ssub.s32 s6, s8;
	v4 =	vsel vm2, s5, v4;
	v2 =	vsel vm3, s9, v2;
	s9 =	sld [smem:$0x779]  }
0xd3: {  	s3 =	sxor.u32 s12, s14;
	v4 =	vsel vm3, s10, v4;
	s10 =	sld [smem:$0x77A]  }
0xd4: {  	(v2sf) =	vpush v3, $0xE;
	s19 =	ssub.s32 s3, s12;
	s12 =	sld [smem:$0x77B]  }
0xd5: {  	(v2sf) =	vpush v3, $0xD;
	s3 =	sxor.u32 s25, s20;
	s20 =	sld [smem:$0x780]  }
0xd6: {  	(v2sf) =	vpush v3, $0xC;
	s2 =	ssub.s32 s2, s11;
	s1 =	ssub.s32 s7, s21;
	v2 =	vsel vm4, s18, v2;
	v4 =	vsel vm4, s19, v4;
	s19 =	sld [smem:$0x77F]  }
0xd7: {  	(v2sf) =	vpush v3, $0xB;
	s26 =	ssub.s32 s3, s25;
	s3 =	sxor.u32 s11, s31;
	s25 =	sld [smem:$0x782];
	v2 =	vsel vm5, s23, v2  }
0xd8: {  	(v2sf) =	vpush v3, $0xA;
	s5 =	ssub.s32 s3, s11;
	s23 =	sld [smem:$0x781];
	v2 =	vsel vm6, s2, v2;
	s2 =	sxor.u32 s13, s9  }
0xd9: {  	(v2sf) =	vpush v3, $0x9;
	v2 =	vsel vm7, s1, v2;
	s1 =	ssub.s32 s10, s13;
	s11 =	ssub.s32 s2, s13;
	s13 =	sld [smem:$0x77C]  }
0xda: {  	(v2sf) =	vpush v3, $0x8;
	s6 =	sxor.u32 s21, s4;
	v5 =	vsel vm8, s1, v2;
	v2 =	vld [tilespmem:s17+$0x2580];
	s17 =	sld [smem:$0x77E]  }
0xdb: {  	(v2sf) =	vpush v3, $0x7;
	s8 =	ssub.s32 s6, s21;
	v4 =	vsel vm5, s26, v4;
	s3 =	sld [smem:$0x785];
	s2 =	sxor.u32 s30, s12  }
0xdc: {  	(v2sf) =	vpush v3, $0x6;
	v4 =	vsel vm6, s5, v4;
	s14 =	ssub.s32 s2, s30;
	s2 =	sxor.u32 s29, s15;
	s1 =	ssub.s32 s13, s30  }
0xdd: {  	(v2sf) =	vpush v3, $0x5;
	v4 =	vsel vm7, s8, v4;
	s18 =	ssub.s32 s2, s29;
	s2 =	sxor.u32 s28, s19;
	v5 =	vsel vm9, s1, v5;
	s1 =	ssub.s32 s17, s29  }
0xde: {  	(v2sf) =	vpush v3, $0x4;
	v4 =	vsel vm8, s11, v4;
	s21 =	ssub.s32 s2, s28;
	v5 =	vsel vm10, s1, v5;
	s1 =	ssub.s32 s20, s28;
	s28 =	sld [smem:$0x783]  }
0xdf: {  	(v2sf) =	vpush v3, $0x3;
	v4 =	vsel vm9, s14, v4;
	s29 =	sld [smem:$0x784]  }
0xe0: {  	(v2sf) =	vpush v3, $0x2;
	s5 =	sld [smem:$0x786];
	v4 =	vsel vm10, s18, v4;
	s2 =	sxor.u32 s24, s23  }
0xe1: {  	(v2sf) =	vpush v3, $0x1;
	v4 =	vsel vm11, s21, v4;
	s26 =	ssub.s32 s2, s24;
	v5 =	vsel vm11, s1, v5;
	s1 =	ssub.s32 s25, s24;
	s2 =	sxor.u32 s22, s28  }
0xe2: {  	(v2sf) =	vpush v3, $0x0;
	v4 =	vsel vm12, s26, v4;
	v5 =	vsel vm12, s1, v5;
	s1 =	ssub.s32 s29, s22;
	s31 =	ssub.s32 s2, s22;
	s2 =	sxor.u32 s16, s3  }
0xe3: {  	(v2sf) =	vpush v3, $0xF;
	s4 =	spop (v2sf);
	v3 =	vsel vm13, s1, v5;
	s1 =	ssub.s32 s5, s16;
	v59 =	vsel vm13, s31, v4;
	s6 =	ssub.s32 s2, s16  }
0xe4: {  	s7 =	spop (v2sf);
	v60 =	vand.u32 $0x1F, v2;
	v3 =	vsel vm14, s1, v3;
	v5 =	vsel vm14, s6, v59  }
0xe5: {  	s8 =	spop (v2sf);
	(v2sf) =	vpush v60, $0xE;
	v5 =	vadd.s32 v5, v3  }
0xe6: {  	[smem:$0x794] =	sst s4;
	s9 =	spop (v2sf);
	(v2sf) =	vpush v60, $0xD;
	v5 =	vadd.s32 $0x1, v5  }
0xe7: {  	[smem:$0x793] =	sst s7;
	s10 =	spop (v2sf);
	(v2sf) =	vpush v60, $0xC;
	v5 =	vshll.u32 v5, $0x18  }
0xe8: {  	[smem:$0x792] =	sst s8;
	s11 =	spop (v2sf);
	(v2sf) =	vpush v60, $0xB;
	v5 =	vshra.s32 v5, $0x18  }
0xe9: {  	[smem:$0x797] =	sst s9;
	s12 =	spop (v2sf);
	(v2sf) =	vpush v5, $0xE  }
0xea: {  	[smem:$0x796] =	sst s10;
	s13 =	spop (v2sf);
	(v2sf) =	vpush v5, $0xD  }
0xeb: {  	[smem:$0x795] =	sst s11;
	s14 =	spop (v2sf);
	(v2sf) =	vpush v5, $0xC  }
0xec: {  	[smem:$0x79A] =	sst s12;
	s15 =	spop (v2sf);
	(v2sf) =	vpush v5, $0xB  }
0xed: {  	[smem:$0x799] =	sst s13  }
0xee: {  	[smem:$0x798] =	sst s14;
	s16 =	spop (v2sf);
	(v2sf) =	vpush v5, $0xA  }
0xef: {  	[smem:$0x79D] =	sst s15;
	s17 =	spop (v2sf);
	(v2sf) =	vpush v5, $0x9  }
0xf0: {  	[smem:$0x79C] =	sst s16;
	s18 =	spop (v2sf);
	(v2sf) =	vpush v5, $0x8  }
0xf1: {  	[smem:$0x79B] =	sst s17;
	s19 =	spop (v2sf)  }
0xf2: {  	[smem:$0x7A0] =	sst s18;
	s20 =	spop (v2sf);
	(v2sf) =	vpush v5, $0x7  }
0xf3: {  	[smem:$0x79F] =	sst s19;
	s21 =	spop (v2sf);
	(v2sf) =	vpush v5, $0x6  }
0xf4: {  	[smem:$0x79E] =	sst s20;
	s22 =	spop (v2sf);
	(v2sf) =	vpush v5, $0x5  }
0xf5: {  	[smem:$0x7A1] =	sst s21;
	s23 =	spop (v2sf)  }
0xf6: {  	[smem:$0x78D] =	sst s22;
	s24 =	spop (v2sf);
	(v2sf) =	vpush v5, $0x4  }
0xf7: {  	[smem:$0x78E] =	sst s23;
	s25 =	spop (v2sf)  }
0xf8: {  	[smem:$0x78F] =	sst s24;
	s28 =	spop (v2sf)  }
0xf9: {  	[smem:$0x790] =	sst s25;
	s30 =	spop (v2sf);
	s0 =	sshra.s32 s28, $0x1F  }
0xfa: {  	(v2sf) =	vpush v5, $0x3;
	s31 =	spop (v2sf);
	s1 =	sshra.s32 s30, $0x1F;
	[smem:$0x78C] =	sst s0  }
0xfb: {  	(v2sf) =	vpush v5, $0x2;
	s28 =	sxor.u32 s0, s28;
	s12 =	spop (v2sf);
	s9 =	sshra.s32 s31, $0x1F  }
0xfc: {  	(v2sf) =	vpush v5, $0x1;
	s30 =	sxor.u32 s1, s30;
	s28 =	ssub.s32 s28, s0;
	s0 =	sld [smem:$0x7CE]  }
0xfd: {  	(v2sf) =	vpush v5, $0x0;
	s3 =	spop (v2sf);
	s2 =	sshra.s32 s12, $0x1F;
	s31 =	sxor.u32 s9, s31  }
0xfe: {  	(v2sf) =	vpush v5, $0xF;
	s30 =	ssub.s32 s30, s1;
	s13 =	spop (v2sf);
	s5 =	sshra.s32 s3, $0x1F  }
0xff: {  	s31 =	ssub.s32 s31, s9;
	s4 =	spop (v2sf);
	s7 =	sshra.s32 s13, $0x1F  }
0x100: {  	s3 =	sxor.u32 s5, s3;
	s15 =	smov.u32 s5;
	s5 =	sxor.u32 s2, s12  }
0x101: {  	s12 =	sld [smem:$0x7CC];
	s8 =	spop (v2sf);
	s11 =	sshra.s32 s4, $0x1F  }
0x102: {  	s13 =	sxor.u32 s7, s13;
	s17 =	spop (v2sf);
	s10 =	sshra.s32 s8, $0x1F  }
0x103: {  	s4 =	sxor.u32 s11, s4;
	[smem:$0x78B] =	sst s13;
	s18 =	spop (v2sf)  }
0x104: {  	[smem:$0x78A] =	sst s4;
	s8 =	sxor.u32 s10, s8;
	(drf) =	srem.u32 s28, s12  }
0x105: {  	s13 =	smov.u32 s1;
	s26 =	spop (v2sf);
	[smem:$0x789] =	sst s8  }
0x106: {  	s14 =	sshra.s32 s17, $0x1F;
	(drf) =	srem.u32 s30, s0;
	s30 =	sld [smem:$0x7D0]  }
0x107: {  	s1 =	sxor.u32 s14, s17;
	s17 =	ssub.s32 s3, s15;
	s3 =	sld [smem:$0x7D4]  }
0x108: {  	s5 =	ssub.s32 s5, s2;
	s23 =	sshra.s32 s18, $0x1F;
	[smem:$0x788] =	sst s26  }
0x109: {  	s29 =	spop (v2sf);
	s4 =	sxor.u32 s23, s18;
	s18 =	sld [smem:$0x7D2]  }
0x10a: {  	s21 =	sshra.s32 s26, $0x1F;
	[smem:$0x787] =	sst s29;
	s24 =	spop (v2sf)  }
0x10b: {  	s20 =	sshra.s32 s29, $0x1F;
	s19 =	spop (v2sf);
	(drf) =	srem.u32 s31, s30  }
0x10c: {  	s22 =	sshra.s32 s24, $0x1F;
	s16 =	spop (v2sf);
	(drf) =	srem.u32 s5, s18  }
0x10d: {  	s25 =	sshra.s32 s19, $0x1F;
	s5 =	rddreg [dreg:$0xd];
	s6 =	spop (v2sf)  }
0x10e: {  	s26 =	sshra.s32 s16, $0x1F;
	(drf) =	srem.u32 s17, s3;
	s17 =	sld [smem:$0x7E9]  }
0x10f: {  	s29 =	sshra.s32 s6, $0x1F;
	s31 =	sxor.u32 s26, s16;
	s16 =	sxor.u32 s25, s19  }
0x110: {  	s19 =	sxor.u32 s22, s24;
	s24 =	sld [smem:$0x7E7];
	s8 =	sxor.u32 s29, s6  }
0x111: {  	s0 =	ssub.s32 s8, s29;
	s8 =	ssub.s32 s31, s26;
	s31 =	sld [smem:$0x787]  }
0x112: {  	(drf) =	srem.u32 s0, s17;
	s17 =	sld [smem:$0x788]  }
0x113: {  	(drf) =	srem.u32 s8, s24;
	s8 =	sld [smem:$0x7E5]  }
0x114: {  	s28 =	ssub.s32 s19, s22;
	s19 =	sld [smem:$0x7E3];
	s3 =	sxor.u32 s20, s31  }
0x115: {  	s18 =	ssub.s32 s16, s25;
	s16 =	ssub.s32 s3, s20;
	s3 =	rddreg [dreg:$0x1d]  }
0x116: {  	(drf) =	srem.u32 s18, s8;
	s18 =	sxor.u32 s21, s17;
	s17 =	sld [smem:$0x789]  }
0x117: {  	(drf) =	srem.u32 s28, s19;
	s28 =	sld [smem:$0x7E1]  }
0x118: {  	(v2sf) =	vpush v60, $0xA;
	s6 =	spop (drf);
	s24 =	ssub.s32 s18, s21;
	s18 =	rddreg [dreg:$0x15]  }
0x119: {  	(v2sf) =	vpush v60, $0x9;
	s8 =	spop (drf);
	s19 =	sld [smem:$0x78A]  }
0x11a: {  	(drf) =	srem.u32 s16, s28;
	s16 =	rddreg [dreg:$0x19]  }
0x11b: {  	(v2sf) =	vpush v60, $0x8;
	s31 =	ssub.s32 s4, s23;
	(drf) =	srem.u32 s24, s3;
	s24 =	spop (drf)  }
0x11c: {  	s12 =	smov.u32 s2;
	s3 =	sld [smem:$0x78B];
	(drf) =	srem.u32 s31, s16  }
0x11d: {  	s4 =	ssub.s32 s1, s14;
	s28 =	spop (drf);
	s31 =	rddreg [dreg:$0x11]  }
0x11e: {  	s0 =	ssub.s32 s17, s10;
	(drf) =	srem.u32 s4, s18;
	s30 =	spop (drf)  }
0x11f: {  	(v2sf) =	vpush v60, $0x7;
	s1 =	ssub.s32 s19, s11;
	s18 =	rddreg [dreg:$0x9];
	(drf) =	srem.u32 s0, s31  }
0x120: {  	s0 =	ssub.s32 s3, s7;
	s4 =	spop (drf);
	(drf) =	srem.u32 s1, s5  }
0x121: {  	s16 =	sxor.u32 s29, s4;
	s17 =	spop (drf);
	(drf) =	srem.u32 s0, s18  }
0x122: {  	s19 =	sxor.u32 s26, s17;
	s1 =	ssub.s32 s16, s29;
	s31 =	spop (drf)  }
0x123: {  	s0 =	ssub.s32 s19, s26;
	s2 =	sxor.u32 s25, s31;
	s3 =	spop (drf)  }
0x124: {  	(v2sf) =	vpush v60, $0x6;
	v61 =	vmov s1;
	s4 =	ssub.s32 s2, s25;
	s5 =	sxor.u32 s22, s3;
	s16 =	spop (drf)  }
0x125: {  	v5 =	vsel vm0, s0, v61;
	s0 =	sld [smem:$0x79A];
	s17 =	ssub.s32 s5, s22;
	s19 =	spop (drf)  }
0x126: {  	s18 =	sxor.u32 s20, s16;
	s22 =	sxor.u32 s21, s19;
	s25 =	spop (drf)  }
0x127: {  	(v2sf) =	vpush v60, $0x5;
	v5 =	vsel vm1, s4, v5;
	s20 =	ssub.s32 s18, s20;
	s19 =	spop (v2sf);
	s26 =	ssub.s32 s22, s21  }
0x128: {  	(v2sf) =	vpush v60, $0x4;
	v5 =	vsel vm2, s17, v5;
	s29 =	sxor.u32 s23, s25;
	[smem:$0x7D4] =	sst s19;
	s22 =	spop (v2sf)  }
0x129: {  	v62 =	vsel vm3, s20, v5;
	s25 =	sxor.u32 s15, s30;
	s30 =	sshra.s32 s0, $0x1F;
	[dreg:$0x9] =	wrdreg s22  }
0x12a: {  	v4 =	vsel vm4, s26, v62;
	s26 =	spop (v2sf);
	[smem:$0x7D6] =	sst s30  }
0x12b: {  	(v2sf) =	vpush v60, $0x3;
	s31 =	spop (drf);
	[dreg:$0xd] =	wrdreg s26  }
0x12c: {  	s1 =	ssub.s32 s29, s23;
	s3 =	spop (drf);
	s26 =	sld [smem:$0x790]  }
0x12d: {  	s2 =	sxor.u32 s14, s31;
	s5 =	sxor.u32 s10, s3;
	s3 =	sld [smem:$0x791]  }
0x12e: {  	v4 =	vsel vm5, s1, v4;
	s4 =	ssub.s32 s2, s14;
	s2 =	spop (v2sf);
	s1 =	sld [smem:$0x794]  }
0x12f: {  	s31 =	sxor.u32 s12, s28;
	s14 =	spop (drf);
	[dreg:$0x11] =	wrdreg s2  }
0x130: {  	s16 =	ssub.s32 s5, s10;
	s17 =	sxor.u32 s11, s14;
	s14 =	sld [smem:$0x78C]  }
0x131: {  	(v2sf) =	vpush v60, $0x2;
	v4 =	vsel vm6, s4, v4;
	s18 =	spop (drf);
	s4 =	ssub.s32 s31, s12;
	s31 =	rddreg [dreg:$0x5]  }
0x132: {  	(v2sf) =	vpush v60, $0x1;
	s20 =	ssub.s32 s17, s11;
	s21 =	sxor.u32 s7, s18;
	s18 =	sld [smem:$0x78D]  }
0x133: {  	(v2sf) =	vpush v60, $0x0;
	v4 =	vsel vm7, s16, v4;
	s23 =	ssub.s32 s21, s7;
	s7 =	spop (v2sf);
	s21 =	sld [smem:$0x78E]  }
0x134: {  	v4 =	vsel vm8, s20, v4;
	[dreg:$0x15] =	wrdreg s7  }
0x135: {  	(v2sf) =	vpush v60, $0xF;
	s28 =	smov.u32 s26;
	v4 =	vsel vm9, s23, v4;
	s23 =	sld [smem:$0x78F]  }
0x136: {  	s12 =	spop (v2sf);
	[smem:$0x7D2] =	sst s28  }
0x137: {  	[dreg:$0x19] =	wrdreg s12;
	s16 =	spop (v2sf)  }
0x138: {  	v6 =	vmax.u32 v60, $0x2;
	s29 =	ssub.s32 s25, s15;
	s19 =	smov.u32 s18;
	[dreg:$0x1d] =	wrdreg s16  }
0x139: {  	v6 =	vadd.s32 $0xFFFFFFFF, v6;
	v4 =	vsel vm10, s29, v4;
	[smem:$0x7CC] =	sst s19  }
0x13a: {  	(v2sf) =	vpush v6, $0xE;
	v4 =	vsel vm11, s4, v4;
	s20 =	spop (v2sf);
	s4 =	smov.u32 s3;
	s3 =	sld [smem:$0x799]  }
0x13b: {  	s22 =	smov.u32 s21;
	[smem:$0x7E1] =	sst s20  }
0x13c: {  	(v2sf) =	vpush v6, $0xD;
	[smem:$0x7CE] =	sst s22  }
0x13d: {  	[dreg:$0x5] =	wrdreg s4  }
0x13e: {  	(v2sf) =	vpush v6, $0xC;
	s4 =	sld [smem:$0x792]  }
0x13f: {  	s5 =	sxor.u32 s9, s24;
	s24 =	smov.u32 s23;
	s23 =	sld [smem:$0x79E]  }
0x140: {  	s25 =	spop (v2sf);
	[smem:$0x7D0] =	sst s24  }
0x141: {  	(v2sf) =	vpush v6, $0xB;
	[smem:$0x7E3] =	sst s25;
	s29 =	spop (v2sf)  }
0x142: {  	[smem:$0x7E5] =	sst s29;
	s2 =	spop (v2sf)  }
0x143: {  	[smem:$0x7E7] =	sst s2  }
0x144: {  	s10 =	ssub.s32 s5, s9;
	s5 =	spop (v2sf);
	s2 =	sld [smem:$0x793]  }
0x145: {  	(v2sf) =	vpush v6, $0xA;
	[smem:$0x7E9] =	sst s5  }
0x146: {  	s22 =	sshra.s32 s23, $0x1F;
	s5 =	sld [smem:$0x79D]  }
0x147: {  	[smem:$0x7E4] =	sst s22  }
0x148: {  	s25 =	sshra.s32 s4, $0x1F;
	s22 =	sld [smem:$0x7A1]  }
0x149: {  	(v2sf) =	vpush v6, $0x9;
	s15 =	sxor.u32 s14, s6;
	s6 =	spop (v2sf);
	[smem:$0x7CD] =	sst s25  }
0x14a: {  	[smem:$0x7A3] =	sst s6  }
0x14b: {  	(v2sf) =	vpush v6, $0x8;
	s7 =	spop (v2sf);
	s6 =	sld [smem:$0x797]  }
0x14c: {  	s11 =	sxor.u32 s13, s8;
	[smem:$0x7A2] =	sst s7  }
0x14d: {  	s13 =	ssub.s32 s11, s13;
	v4 =	vsel vm12, s10, v4;
	s8 =	spop (v2sf);
	s7 =	sld [smem:$0x798]  }
0x14e: {  	v63 =	vshrl.u32 v1, $0x5;
	s17 =	ssub.s32 s15, s14;
	v4 =	vsel vm13, s13, v4;
	[smem:$0x7A5] =	sst s8  }
0x14f: {  	v1 =	vmov v2;
	v2 =	vadd.s32 v63, v3;
	v4 =	vsel vm14, s17, v4;
	s24 =	sshra.s32 s2, $0x1F;
	s8 =	sld [smem:$0x79C]  }
0x150: {  	[tilespmem:s31+$0x3E80] =	vst v2;
	(v2sf) =	vpush v6, $0x7;
	v3 =	vadd.s32 v4, v63;
	s9 =	spop (v2sf);
	[smem:$0x7CB] =	sst s24  }
0x151: {  	(v2sf) =	vpush v6, $0x6;
	[tilespmem:s31+$0x4B00] =	vst v3;
	s31 =	sshra.s32 s22, $0x1F;
	[smem:$0x7A4] =	sst s9  }
0x152: {  	s2 =	sxor.u32 s24, s2;
	[smem:$0x7E6] =	sst s31  }
0x153: {  	s31 =	sxor.u32 s30, s0;
	s0 =	ssub.s32 s2, s24;
	s24 =	sld [smem:$0x7CC]  }
0x154: {  	(v2sf) =	vpush v6, $0x5;
	s10 =	spop (v2sf);
	s2 =	sld [smem:$0x7D2]  }
0x155: {  	s9 =	sshra.s32 s1, $0x1F;
	[smem:$0x7A7] =	sst s10  }
0x156: {  	(v2sf) =	vpush v6, $0x4;
	[smem:$0x7CA] =	sst s9  }
0x157: {  	s26 =	sshra.s32 s6, $0x1F;
	[smem:$0x7B3] =	sst s0  }
0x158: {  	s11 =	spop (v2sf);
	[smem:$0x7CF] =	sst s26  }
0x159: {  	(v2sf) =	vpush v6, $0x3;
	s10 =	sshra.s32 s5, $0x1F;
	[smem:$0x7A6] =	sst s11  }
0x15a: {  	s12 =	spop (v2sf);
	[smem:$0x7DC] =	sst s10  }
0x15b: {  	(v2sf) =	vpush v6, $0x2;
	s1 =	sxor.u32 s9, s1;
	[smem:$0x7A9] =	sst s12  }
0x15c: {  	s1 =	ssub.s32 s1, s9;
	s12 =	sld [smem:$0x7A0]  }
0x15d: {  	s11 =	sshra.s32 s7, $0x1F;
	[smem:$0x7B2] =	sst s1  }
0x15e: {  	(v2sf) =	vpush v6, $0x1;
	(drf) =	srem.u32 s1, s24;
	s24 =	sxor.u32 s11, s7;
	s7 =	sld [smem:$0x7CE]  }
0x15f: {  	s13 =	spop (v2sf);
	[smem:$0x7DA] =	sst s11  }
0x160: {  	[smem:$0x7A8] =	sst s13;
	s14 =	spop (v2sf)  }
0x161: {  	(v2sf) =	vpush v6, $0x0;
	[smem:$0x7AB] =	sst s14  }
0x162: {  	s13 =	sshra.s32 s8, $0x1F;
	s14 =	sld [smem:$0x795]  }
0x163: {  	(v2sf) =	vpush v6, $0xF;
	s15 =	spop (v2sf);
	[smem:$0x7DD] =	sst s13  }
0x164: {  	[smem:$0x7AA] =	sst s15  }
0x165: {  	s16 =	spop (v2sf);
	s15 =	sld [smem:$0x79B]  }
0x166: {  	(drf) =	srem.u32 s0, s7;
	s7 =	ssub.s32 s31, s30;
	s31 =	rddreg [dreg:$0x15]  }
0x167: {  	[smem:$0x7AD] =	sst s16  }
0x168: {  	s17 =	spop (v2sf);
	[smem:$0x7BA] =	sst s7  }
0x169: {  	s16 =	sshra.s32 s12, $0x1F;
	[smem:$0x7AC] =	sst s17  }
0x16a: {  	s18 =	spop (v2sf);
	[smem:$0x7E0] =	sst s16  }
0x16b: {  	[smem:$0x7B0] =	sst s18  }
0x16c: {  	s29 =	sshra.s32 s14, $0x1F;
	s18 =	sld [smem:$0x796]  }
0x16d: {  	s19 =	spop (v2sf);
	[smem:$0x7D3] =	sst s29  }
0x16e: {  	[smem:$0x7AF] =	sst s19  }
0x16f: {  	s17 =	sshra.s32 s15, $0x1F;
	s19 =	sld [smem:$0x79F]  }
0x170: {  	s4 =	sxor.u32 s25, s4;
	s20 =	spop (v2sf);
	[smem:$0x7DE] =	sst s17  }
0x171: {  	s0 =	sxor.u32 s17, s15;
	s15 =	sxor.u32 s16, s12;
	[smem:$0x7AE] =	sst s20  }
0x172: {  	s21 =	spop (v2sf);
	s15 =	ssub.s32 s15, s16;
	s16 =	sld [smem:$0x7E1]  }
0x173: {  	s6 =	sxor.u32 s26, s6;
	[smem:$0x7B1] =	sst s21;
	s21 =	sshra.s32 s3, $0x1F  }
0x174: {  	s28 =	sshra.s32 s18, $0x1F;
	[smem:$0x7C5] =	sst s15;
	s9 =	sxor.u32 s21, s3  }
0x175: {  	s3 =	ssub.s32 s4, s25;
	s25 =	ssub.s32 s6, s26;
	s26 =	sld [smem:$0x7D0]  }
0x176: {  	s14 =	sxor.u32 s29, s14;
	[smem:$0x7D1] =	sst s28  }
0x177: {  	s6 =	ssub.s32 s14, s29;
	s14 =	sld [smem:$0x7D4]  }
0x178: {  	s4 =	sxor.u32 s10, s5;
	s5 =	sxor.u32 s13, s8;
	s8 =	rddreg [dreg:$0x9]  }
0x179: {  	[smem:$0x7D9] =	sst s21  }
0x17a: {  	[smem:$0x7B4] =	sst s3  }
0x17b: {  	[smem:$0x7B6] =	sst s25  }
0x17c: {  	s20 =	sshra.s32 s19, $0x1F;
	[smem:$0x7B8] =	sst s6  }
0x17d: {  	s18 =	sxor.u32 s28, s18;
	s12 =	sxor.u32 s20, s19;
	s19 =	rddreg [dreg:$0xd]  }
0x17e: {  	s28 =	ssub.s32 s18, s28;
	s18 =	ssub.s32 s9, s21;
	s21 =	sld [smem:$0x7E4]  }
0x17f: {  	s5 =	ssub.s32 s5, s13;
	s13 =	rddreg [dreg:$0x1d]  }
0x180: {  	[smem:$0x7E2] =	sst s20  }
0x181: {  	[smem:$0x7B7] =	sst s28  }
0x182: {  	s4 =	ssub.s32 s4, s10;
	[smem:$0x7BD] =	sst s18  }
0x183: {  	[smem:$0x7C1] =	sst s4  }
0x184: {  	s10 =	spop (drf);
	[smem:$0x7C2] =	sst s5  }
0x185: {  	[smem:$0x7DF] =	sst s10  }
0x186: {  	(drf) =	srem.u32 s3, s26;
	s26 =	rddreg [dreg:$0x11]  }
0x187: {  	s3 =	rddreg [dreg:$0x19]  }
0x188: {  	(drf) =	srem.u32 s25, s2;
	s25 =	ssub.s32 s24, s11;
	s24 =	sld [smem:$0x7E7]  }
0x189: {  	s11 =	ssub.s32 s0, s17;
	s0 =	sld [smem:$0x7AD]  }
0x18a: {  	[smem:$0x7C0] =	sst s25  }
0x18b: {  	(drf) =	srem.u32 s28, s14;
	s28 =	sld [smem:$0x7E6]  }
0x18c: {  	s2 =	ssub.s32 s12, s20;
	[smem:$0x7C4] =	sst s11  }
0x18d: {  	s23 =	sxor.u32 s21, s23;
	[smem:$0x7C6] =	sst s2  }
0x18e: {  	s14 =	spop (drf);
	s20 =	ssub.s32 s23, s21;
	s21 =	sld [smem:$0x7E5]  }
0x18f: {  	[smem:$0x7BF] =	sst s14  }
0x190: {  	(drf) =	srem.u32 s6, s8;
	[smem:$0x7C7] =	sst s20  }
0x191: {  	s14 =	sld [smem:$0x7AE];
	(drf) =	srem.u32 s7, s19  }
0x192: {  	(drf) =	srem.u32 s18, s26;
	s29 =	sxor.u32 s28, s22;
	s18 =	sld [smem:$0x7E3]  }
0x193: {  	s26 =	sld [smem:$0x7E9];
	s23 =	ssub.s32 s29, s28  }
0x194: {  	(drf) =	srem.u32 s25, s31;
	s12 =	sshra.s32 s14, $0x1F;
	[smem:$0x7C8] =	sst s23  }
0x195: {  	(drf) =	srem.u32 s4, s3;
	[smem:$0x7BB] =	sst s12  }
0x196: {  	s12 =	sld [smem:$0x7B1];
	(drf) =	srem.u32 s5, s13  }
0x197: {  	s13 =	sld [smem:$0x7A9];
	(drf) =	srem.u32 s11, s16  }
0x198: {  	s17 =	spop (drf);
	s16 =	sld [smem:$0x7A3]  }
0x199: {  	[smem:$0x7B9] =	sst s17  }
0x19a: {  	s19 =	spop (drf);
	s17 =	sld [smem:$0x7A2]  }
0x19b: {  	(drf) =	srem.u32 s15, s18;
	[smem:$0x7BC] =	sst s19  }
0x19c: {  	s18 =	sshra.s32 s12, $0x1F;
	(drf) =	srem.u32 s2, s21;
	s21 =	sld [smem:$0x7A4]  }
0x19d: {  	s22 =	spop (drf);
	[smem:$0x7BE] =	sst s18  }
0x19e: {  	[smem:$0x7B5] =	sst s22  }
0x19f: {  	(drf) =	srem.u32 s20, s24;
	s22 =	sld [smem:$0x7A5]  }
0x1a0: {  	s25 =	spop (drf);
	s20 =	sld [smem:$0x7A7]  }
0x1a1: {  	[smem:$0x7E8] =	sst s25;
	s28 =	spop (drf)  }
0x1a2: {  	s5 =	sshra.s32 s17, $0x1F;
	[smem:$0x7EA] =	sst s28;
	s29 =	spop (drf)  }
0x1a3: {  	s8 =	sshra.s32 s21, $0x1F;
	s17 =	sxor.u32 s5, s17;
	[smem:$0x7EB] =	sst s29  }
0x1a4: {  	s31 =	spop (drf);
	s5 =	ssub.s32 s17, s5;
	s17 =	sld [smem:$0x7B2]  }
0x1a5: {  	s21 =	sxor.u32 s8, s21;
	[smem:$0x7EC] =	sst s31  }
0x1a6: {  	s1 =	spop (drf);
	s8 =	ssub.s32 s21, s8;
	s21 =	sld [smem:$0x7B7]  }
0x1a7: {  	s10 =	sshra.s32 s20, $0x1F;
	[smem:$0x7ED] =	sst s1  }
0x1a8: {  	s20 =	sxor.u32 s10, s20;
	s1 =	sld [smem:$0x7AB]  }
0x1a9: {  	s2 =	spop (drf);
	s10 =	ssub.s32 s20, s10;
	s20 =	sld [smem:$0x7B5]  }
0x1aa: {  	(drf) =	srem.u32 s23, s26;
	[smem:$0x7EE] =	sst s2  }
0x1ab: {  	s3 =	spop (drf);
	s2 =	sld [smem:$0x7A8]  }
0x1ac: {  	[smem:$0x7EF] =	sst s3  }
0x1ad: {  	s25 =	sshra.s32 s16, $0x1F;
	s3 =	sld [smem:$0x7A6];
	s4 =	spop (drf)  }
0x1ae: {  	s18 =	sxor.u32 s25, s16;
	[smem:$0x7F0] =	sst s4  }
0x1af: {  	s19 =	sshra.s32 s22, $0x1F;
	s6 =	spop (drf);
	s4 =	sld [smem:$0x7AA]  }
0x1b0: {  	s29 =	sshra.s32 s13, $0x1F;
	s18 =	ssub.s32 s18, s25;
	[smem:$0x7F1] =	sst s6  }
0x1b1: {  	s13 =	sxor.u32 s29, s13;
	s7 =	spop (drf);
	s6 =	sld [smem:$0x7B0]  }
0x1b2: {  	s22 =	sxor.u32 s19, s22;
	s13 =	ssub.s32 s13, s29;
	[smem:$0x7F2] =	sst s7  }
0x1b3: {  	s28 =	sshra.s32 s2, $0x1F;
	s7 =	sld [smem:$0x7AC];
	s11 =	spop (drf)  }
0x1b4: {  	s25 =	sxor.u32 s28, s2;
	s2 =	ssub.s32 s22, s19;
	s19 =	sld [smem:$0x7B6]  }
0x1b5: {  	s30 =	sshra.s32 s1, $0x1F;
	s9 =	sshra.s32 s3, $0x1F;
	[smem:$0x7C3] =	sst s11  }
0x1b6: {  	(drf) =	srem.u32 s17, s18;
	s16 =	sxor.u32 s9, s3;
	s3 =	sld [smem:$0x7B3]  }
0x1b7: {  	s18 =	sxor.u32 s30, s1;
	s24 =	sshra.s32 s4, $0x1F;
	s11 =	sld [smem:$0x7AF]  }
0x1b8: {  	s23 =	sshra.s32 s6, $0x1F;
	s9 =	ssub.s32 s16, s9;
	s16 =	sld [smem:$0x7C6]  }
0x1b9: {  	(drf) =	srem.u32 s3, s5;
	s5 =	sxor.u32 s24, s4;
	s4 =	sld [smem:$0x7B4]  }
0x1ba: {  	s22 =	sxor.u32 s23, s6;
	s6 =	ssub.s32 s25, s28;
	s25 =	sld [smem:$0x7B9]  }
0x1bb: {  	s26 =	sshra.s32 s7, $0x1F;
	s28 =	sld [smem:$0x7C0];
	s31 =	sshra.s32 s11, $0x1F  }
0x1bc: {  	s3 =	sxor.u32 s31, s11;
	(drf) =	srem.u32 s4, s2;
	s2 =	sld [smem:$0x7B8]  }
0x1bd: {  	s11 =	sld [smem:$0x7BA];
	s5 =	ssub.s32 s5, s24;
	(drf) =	srem.u32 s19, s8  }
0x1be: {  	s24 =	sld [smem:$0x7BF];
	s8 =	sxor.u32 s26, s7;
	(drf) =	srem.u32 s21, s10  }
0x1bf: {  	s7 =	ssub.s32 s18, s30;
	s30 =	sld [smem:$0x7BC];
	(drf) =	srem.u32 s2, s9  }
0x1c0: {  	s15 =	sshra.s32 s0, $0x1F;
	(drf) =	srem.u32 s11, s13;
	s13 =	sld [smem:$0x7BB]  }
0x1c1: {  	s17 =	sxor.u32 s15, s0;
	s11 =	sld [smem:$0x7BD]  }
0x1c2: {  	s29 =	ssub.s32 s17, s15;
	s2 =	sld [smem:$0x7C1]  }
0x1c3: {  	s17 =	spop (drf);
	s4 =	sxor.u32 s13, s14;
	s14 =	sld [smem:$0x7BE]  }
0x1c4: {  	(drf) =	srem.u32 s11, s6;
	s6 =	sld [smem:$0x7C2]  }
0x1c5: {  	s11 =	ssub.s32 s3, s31;
	s31 =	sld [smem:$0x7C9];
	(drf) =	srem.u32 s28, s7  }
0x1c6: {  	(drf) =	srem.u32 s2, s5;
	s5 =	ssub.s32 s8, s26;
	s8 =	sld [smem:$0x7C4]  }
0x1c7: {  	s18 =	spop (drf);
	s19 =	sxor.u32 s14, s12;
	s12 =	sld [smem:$0x7C5]  }
0x1c8: {  	s28 =	sld [smem:$0x7C7];
	(drf) =	srem.u32 s6, s29  }
0x1c9: {  	s7 =	ssub.s32 s22, s23;
	s21 =	spop (drf);
	(drf) =	srem.u32 s8, s5  }
0x1ca: {  	s22 =	spop (drf);
	(drf) =	srem.u32 s12, s7  }
.Ltmp1:
0x1cb: {  	s29 =	sld [smem:$0x7C8];
	(pc) =	sbr.rel @p0 .LBB2_4-.Ltmp1, $4  }
0x1cc: {  	s15 =	ssub.s32 s4, s13;
	s26 =	spop (drf);
	(drf) =	srem.u32 s16, s11  }
0x1cd: {  	s19 =	ssub.s32 s19, s14;
	s23 =	spop (drf);
	(drf) =	srem.u32 s28, s15  }
0x1ce: {  	(drf) =	srem.u32 s29, s19;
	s19 =	spop (drf)  }
0x1cf: {  	s10 =	sld [smem:$0x7C3];
	s0 =	sadd.s32 $0x40, s31;
	s4 =	spop (drf)  }
0x1d0: {  	s8 =	sld [smem:$0x7E6]  }
0x1d1: {  	s12 =	sld [smem:$0x7E4]  }
0x1d2: {  	s0 =	spop (drf);
	s28 =	sld [smem:$0x7F2]  }
0x1d3: {  	s31 =	sld [smem:$0x7E2];
	s1 =	spop (drf)  }
0x1d4: {  	s11 =	sld [smem:$0x7F1];
	s2 =	spop (drf)  }
0x1d5: {  	s15 =	sld [smem:$0x7F0];
	s3 =	spop (drf)  }
0x1d6: {  	s9 =	sxor.u32 s8, s10;
	s29 =	sxor.u32 s12, s28;
	s14 =	spop (drf)  }
0x1d7: {  	s28 =	sld [smem:$0x7DE];
	s9 =	ssub.s32 s9, s8;
	s5 =	spop (drf)  }
0x1d8: {  	s10 =	ssub.s32 s29, s12;
	s29 =	sld [smem:$0x7EF];
	s6 =	spop (drf)  }
0x1d9: {  	s11 =	sxor.u32 s31, s11;
	v2 =	vmov s9;
	s9 =	sld [smem:$0x7EC];
	s6 =	sxor.u32 s12, s6  }
0x1da: {  	s13 =	ssub.s32 s11, s31;
	s6 =	ssub.s32 s6, s12;
	s12 =	sld [smem:$0x7E0]  }
0x1db: {  	s5 =	sxor.u32 s31, s5;
	s3 =	sxor.u32 s28, s3;
	v2 =	vsel vm0, s10, v2;
	s10 =	sld [smem:$0x7E8]  }
0x1dc: {  	s7 =	spop (drf);
	s5 =	ssub.s32 s5, s31;
	s31 =	sld [smem:$0x7DD]  }
0x1dd: {  	s3 =	ssub.s32 s3, s28;
	v2 =	vsel vm1, s13, v2;
	s13 =	sld [smem:$0x7EB];
	s11 =	sxor.u32 s12, s15  }
0x1de: {  	s16 =	sxor.u32 s12, s14;
	s15 =	sxor.u32 s28, s29;
	s29 =	sld [smem:$0x7ED]  }
0x1df: {  	s7 =	sxor.u32 s8, s7;
	s14 =	ssub.s32 s16, s12;
	s16 =	sld [smem:$0x7EE]  }
0x1e0: {  	s7 =	ssub.s32 s7, s8;
	s15 =	ssub.s32 s15, s28;
	s28 =	sld [smem:$0x7DC]  }
0x1e1: {  	s2 =	sxor.u32 s31, s2;
	s11 =	ssub.s32 s11, s12;
	s12 =	sld [smem:$0x7D9]  }
0x1e2: {  	v3 =	vmov s7;
	s2 =	ssub.s32 s2, s31;
	v2 =	vsel vm2, s11, v2;
	s11 =	sld [smem:$0x7D1];
	s16 =	sxor.u32 s31, s16  }
0x1e3: {  	v3 =	vsel vm0, s6, v3;
	s6 =	sxor.u32 s28, s29;
	s1 =	sxor.u32 s28, s1;
	s29 =	sld [smem:$0x7EA]  }
0x1e4: {  	s8 =	sxor.u32 s12, s13;
	s16 =	ssub.s32 s16, s31;
	s31 =	sld [smem:$0x7DA]  }
0x1e5: {  	v3 =	vsel vm1, s5, v3;
	s5 =	ssub.s32 s6, s28;
	s1 =	ssub.s32 s1, s28;
	s28 =	sld [smem:$0x7D6]  }
0x1e6: {  	v3 =	vsel vm2, s14, v3;
	v2 =	vsel vm3, s15, v2;
	s14 =	sxor.u32 s12, s4;
	s15 =	ssub.s32 s8, s12;
	s8 =	sld [smem:$0x7DF]  }
0x1e7: {  	v2 =	vsel vm4, s16, v2;
	s16 =	ssub.s32 s14, s12;
	s12 =	sxor.u32 s11, s20;
	s6 =	sxor.u32 s31, s9  }
0x1e8: {  	v3 =	vsel vm3, s3, v3;
	s0 =	sxor.u32 s31, s0;
	s3 =	sxor.u32 s28, s29;
	s9 =	sld [smem:$0x7D3]  }
0x1e9: {  	v3 =	vsel vm4, s2, v3;
	s29 =	sld [smem:$0x7CB];
	s6 =	ssub.s32 s6, s31;
	s0 =	ssub.s32 s0, s31  }
0x1ea: {  	v3 =	vsel vm5, s1, v3;
	v2 =	vsel vm5, s5, v2;
	s31 =	sxor.u32 s28, s19;
	s3 =	ssub.s32 s3, s28;
	s19 =	sld [smem:$0x7CF]  }
0x1eb: {  	s7 =	ssub.s32 s31, s28;
	v2 =	vsel vm6, s6, v2;
	v3 =	vsel vm6, s0, v3;
	s0 =	ssub.s32 s12, s11;
	s31 =	sld [smem:$0x7CA]  }
0x1ec: {  	s5 =	sxor.u32 s9, s10;
	s13 =	sxor.u32 s9, s23;
	v2 =	vsel vm7, s15, v2;
	s15 =	sxor.u32 s11, s26  }
0x1ed: {  	v3 =	vsel vm7, s16, v3;
	s5 =	ssub.s32 s5, s9;
	s14 =	ssub.s32 s13, s9;
	s9 =	sld [smem:$0x7CD]  }
0x1ee: {  	v2 =	vsel vm8, s3, v2;
	v3 =	vsel vm8, s7, v3;
	s16 =	ssub.s32 s15, s11;
	s20 =	sxor.u32 s19, s30;
	s23 =	sxor.u32 s19, s22  }
0x1ef: {  	s30 =	sxor.u32 s29, s24;
	s13 =	sxor.u32 s29, s18;
	v2 =	vsel vm9, s5, v2;
	v3 =	vsel vm9, s14, v3;
	s26 =	ssub.s32 s20, s19  }
0x1f0: {  	s28 =	ssub.s32 s23, s19;
	v2 =	vsel vm10, s0, v2;
	v3 =	vsel vm10, s16, v3;
	s10 =	sxor.u32 s9, s25;
	s11 =	sxor.u32 s9, s21  }
0x1f1: {  	s14 =	ssub.s32 s30, s29;
	v2 =	vsel vm11, s26, v2;
	v3 =	vsel vm11, s28, v3;
	s1 =	ssub.s32 s10, s9;
	s12 =	ssub.s32 s11, s9  }
0x1f2: {  	s15 =	ssub.s32 s13, s29;
	s0 =	sxor.u32 s31, s8;
	s16 =	sxor.u32 s31, s17;
	v2 =	vsel vm12, s1, v2;
	v3 =	vsel vm12, s12, v3  }
0x1f3: {  	s0 =	ssub.s32 s0, s31;
	s17 =	ssub.s32 s16, s31;
	v2 =	vsel vm13, s14, v2;
	v3 =	vsel vm13, s15, v3  }
0x1f4: {  	v2 =	vsel vm14, s0, v2;
	v3 =	vsel vm14, s17, v3  }
0x1f5: {  	v3 =	vadd.s32 v3, v2  }
0x1f6: {  	v3 =	vadd.s32 $0x1, v3  }
0x1f7: {  	v3 =	vshll.u32 v3, $0x18  }
0x1f8: {  	v3 =	vshra.s32 v3, $0x18  }
0x1f9: {  	(v2sf) =	vpush v3, $0xE  }
0x1fa: {  	(v2sf) =	vpush v3, $0xD  }
0x1fb: {  	(v2sf) =	vpush v3, $0xC  }
0x1fc: {  	(v2sf) =	vpush v3, $0xB  }
0x1fd: {  	(v2sf) =	vpush v3, $0xA  }
0x1fe: {  	(v2sf) =	vpush v3, $0x9  }
0x1ff: {  	(v2sf) =	vpush v3, $0x8;
	_ =	sdelay $0x1  }
0x200: {  	(v2sf) =	vpush v3, $0x7  }
0x201: {  	(v2sf) =	vpush v3, $0x6  }
0x202: {  	(v2sf) =	vpush v3, $0x5  }
0x203: {  	(v2sf) =	vpush v3, $0x4  }
0x204: {  	(v2sf) =	vpush v3, $0x3;
	_ =	sdelay $0x1  }
0x205: {  	(v2sf) =	vpush v3, $0x2  }
0x206: {  	(v2sf) =	vpush v3, $0x1;
	s18 =	spop (v2sf)  }
0x207: {  	s24 =	sld [smem:$0x7CC];
	(v2sf) =	vpush v3, $0x0;
	s19 =	spop (v2sf)  }
0x208: {  	s30 =	sld [smem:$0x7D0];
	(v2sf) =	vpush v3, $0xF;
	s0 =	sshra.s32 s18, $0x1F;
	s20 =	spop (v2sf)  }
0x209: {  	s26 =	sld [smem:$0x7CE];
	s1 =	sxor.u32 s0, s18;
	s21 =	spop (v2sf)  }
0x20a: {  	s23 =	ssub.s32 s1, s0;
	s1 =	sshra.s32 s19, $0x1F;
	s22 =	spop (v2sf)  }
0x20b: {  	(drf) =	srem.u32 s23, s24;
	s2 =	sxor.u32 s1, s19;
	s6 =	spop (v2sf)  }
0x20c: {  	s25 =	ssub.s32 s2, s1;
	s2 =	sshra.s32 s20, $0x1F;
	s7 =	spop (v2sf)  }
0x20d: {  	(drf) =	srem.u32 s25, s26;
	s3 =	sxor.u32 s2, s20;
	s25 =	sld [smem:$0x7E9]  }
0x20e: {  	s26 =	sld [smem:$0x7E7];
	s9 =	spop (v2sf);
	s28 =	ssub.s32 s3, s2  }
0x20f: {  	s3 =	sshra.s32 s21, $0x1F;
	s8 =	spop (v2sf);
	(drf) =	srem.u32 s28, s30  }
0x210: {  	s4 =	sxor.u32 s3, s21;
	s21 =	sld [smem:$0x7D2];
	s11 =	spop (v2sf)  }
0x211: {  	s19 =	ssub.s32 s4, s3;
	s4 =	sshra.s32 s22, $0x1F;
	s10 =	spop (v2sf)  }
0x212: {  	s5 =	sxor.u32 s4, s22;
	s22 =	sld [smem:$0x7D4];
	s13 =	spop (v2sf)  }
0x213: {  	(drf) =	srem.u32 s19, s21;
	s19 =	sld [smem:$0x7E3]  }
0x214: {  	s5 =	ssub.s32 s5, s4;
	s21 =	sld [smem:$0x7E1];
	s12 =	spop (v2sf)  }
0x215: {  	s29 =	spop (v2sf);
	(drf) =	srem.u32 s5, s22;
	s15 =	sshra.s32 s12, $0x1F  }
0x216: {  	s22 =	rddreg [dreg:$0x1d];
	s31 =	spop (v2sf);
	s14 =	sshra.s32 s29, $0x1F  }
0x217: {  	s12 =	sxor.u32 s15, s12;
	s20 =	spop (v2sf);
	s18 =	sshra.s32 s31, $0x1F  }
0x218: {  	s28 =	sxor.u32 s14, s29;
	s29 =	sld [smem:$0x7E5];
	s30 =	ssub.s32 s12, s15  }
0x219: {  	s12 =	sshra.s32 s11, $0x1F;
	s16 =	sshra.s32 s20, $0x1F;
	s23 =	sxor.u32 s18, s31  }
0x21a: {  	s11 =	sxor.u32 s12, s11;
	s17 =	sxor.u32 s16, s20;
	s5 =	ssub.s32 s23, s18  }
0x21b: {  	s11 =	ssub.s32 s11, s12;
	s24 =	ssub.s32 s17, s16;
	s17 =	sshra.s32 s13, $0x1F  }
0x21c: {  	(drf) =	srem.u32 s24, s25;
	s31 =	sxor.u32 s17, s13;
	s13 =	sshra.s32 s10, $0x1F  }
0x21d: {  	s24 =	rddreg [dreg:$0x19];
	(drf) =	srem.u32 s5, s26;
	s5 =	ssub.s32 s28, s14  }
0x21e: {  	s20 =	ssub.s32 s31, s17;
	s26 =	rddreg [dreg:$0x15];
	(drf) =	srem.u32 s5, s29  }
0x21f: {  	s10 =	sxor.u32 s13, s10;
	s28 =	rddreg [dreg:$0x11];
	(drf) =	srem.u32 s30, s19  }
0x220: {  	s31 =	rddreg [dreg:$0x9];
	s10 =	ssub.s32 s10, s13;
	(drf) =	srem.u32 s20, s21  }
0x221: {  	s5 =	spop (drf);
	(drf) =	srem.u32 s10, s22;
	s10 =	sshra.s32 s8, $0x1F  }
0x222: {  	s29 =	rddreg [dreg:$0xd];
	s23 =	sxor.u32 s10, s8;
	s8 =	spop (drf)  }
0x223: {  	(drf) =	srem.u32 s11, s24;
	s11 =	sshra.s32 s9, $0x1F;
	s19 =	ssub.s32 s23, s10  }
0x224: {  	s25 =	sxor.u32 s11, s9;
	s9 =	spop (drf);
	(drf) =	srem.u32 s19, s26  }
0x225: {  	s19 =	sshra.s32 s7, $0x1F;
	s20 =	ssub.s32 s25, s11;
	s21 =	spop (drf)  }
0x226: {  	(drf) =	srem.u32 s20, s28;
	s20 =	sshra.s32 s6, $0x1F;
	s7 =	sxor.u32 s19, s7  }
0x227: {  	s22 =	spop (drf);
	s6 =	sxor.u32 s20, s6;
	s7 =	ssub.s32 s7, s19  }
0x228: {  	s30 =	spop (drf);
	(drf) =	srem.u32 s7, s29;
	s6 =	ssub.s32 s6, s20  }
0x229: {  	s24 =	sxor.u32 s16, s30;
	s25 =	spop (drf);
	(drf) =	srem.u32 s6, s31  }
0x22a: {  	s7 =	sxor.u32 s18, s25;
	s6 =	ssub.s32 s24, s16;
	s26 =	spop (drf)  }
0x22b: {  	s7 =	ssub.s32 s7, s18;
	v3 =	vmov s6;
	s28 =	sxor.u32 s14, s26;
	s29 =	spop (drf)  }
0x22c: {  	v3 =	vsel vm0, s7, v3;
	s6 =	ssub.s32 s28, s14;
	s30 =	sxor.u32 s15, s29;
	s31 =	spop (drf)  }
0x22d: {  	v3 =	vsel vm1, s6, v3;
	s7 =	ssub.s32 s30, s15;
	s15 =	sxor.u32 s17, s31;
	s16 =	spop (drf)  }
0x22e: {  	v3 =	vsel vm2, s7, v3;
	s18 =	ssub.s32 s15, s17;
	s23 =	sxor.u32 s13, s16;
	s24 =	spop (drf)  }
0x22f: {  	v3 =	vsel vm3, s18, v3;
	s25 =	ssub.s32 s23, s13;
	s26 =	sxor.u32 s12, s24;
	s28 =	spop (drf)  }
0x230: {  	v3 =	vsel vm4, s25, v3;
	s29 =	ssub.s32 s26, s12;
	s30 =	sxor.u32 s10, s28;
	s31 =	spop (drf)  }
0x231: {  	v3 =	vsel vm5, s29, v3;
	s10 =	ssub.s32 s30, s10;
	s13 =	sxor.u32 s11, s31;
	s14 =	spop (drf)  }
0x232: {  	v3 =	vsel vm6, s10, v3;
	s15 =	ssub.s32 s13, s11;
	s16 =	sxor.u32 s19, s14;
	s17 =	spop (drf)  }
0x233: {  	v3 =	vsel vm7, s15, v3;
	s18 =	ssub.s32 s16, s19;
	s19 =	sxor.u32 s20, s17  }
0x234: {  	s22 =	sxor.u32 s4, s22;
	v3 =	vsel vm8, s18, v3;
	s20 =	ssub.s32 s19, s20  }
0x235: {  	s4 =	ssub.s32 s22, s4;
	s23 =	sxor.u32 s3, s21;
	v3 =	vsel vm9, s20, v3  }
0x236: {  	s24 =	sxor.u32 s2, s9;
	s3 =	ssub.s32 s23, s3;
	v3 =	vsel vm10, s4, v3  }
0x237: {  	s2 =	ssub.s32 s24, s2;
	s25 =	sxor.u32 s1, s8;
	v3 =	vsel vm11, s3, v3  }
0x238: {  	s26 =	sxor.u32 s0, s5;
	s1 =	ssub.s32 s25, s1;
	v3 =	vsel vm12, s2, v3  }
0x239: {  	s0 =	ssub.s32 s26, s0;
	v3 =	vsel vm13, s1, v3  }
0x23a: {  	v1 =	vshrl.u32 v1, $0x5;
	v3 =	vsel vm14, s0, v3  }
0x23b: {  	s28 =	rddreg [dreg:$0x5];
	v3 =	vadd.s32 v3, v1  }
0x23c: {  	s29 =	rddreg [dreg:$0x0];
	s30 =	simm.s32 $0x3E80;
	v1 =	vadd.s32 v1, v2;
	[tilespmem:s28+$0x4B00] =	vst v3  }
0x23d: {  	s31 =	simm.s32 $0x5780;
	s4 =	simm.s32 $0x1;
	s2 =	simm.s32 $0xC80;
	[tilespmem:s28+$0x3E80] =	vst v1  }
0x23e: {  	[tilespmem:s31], [sflag:$0x1] =	stream.indirect.gather [hbm4b:s29+s2], $0x1, s30, s2, $0xb8;
	[tilespmem:$0x7080] =	vst v63  }
0x23f: {  	_ =	swait.ge [sflag:s4], $0xC80  }
0x240: {  	[sflag:s4] =	ssyncset.done $0x0  }
0x241: {  	s0 =	simm.s32 $0x0;
	[sflag:s4] =	ssyncadd.s32 $0xFFFFF380  }
0x242: {  	s1 =	simm.s32 $0x40;
	v1 =	vld [tilespmem:s0+$0x5780]  }
.LBB2_6:
0x243: {  	p0 =	sne.s32 s1, $0x31C0  }
.Ltmp2:
0x244: {  	_ = 	snop;
	(pc) =	sbr.rel @p0 .LBB2_6-.Ltmp2, $3  }
0x245: {  	_ =	sdelay $0x1  }
0x246: {  	[tilespmem:s0+$0x1900] =	vst v1;
	s0 =	sshra.s32 s1, $0x2;
	s1 =	sadd.s32 $0x40, s1  }
0x247: {  	v1 =	vld [tilespmem:s0+$0x5780]  }
0x248: {  	_ =	sdelay $0x1  }
0x249: {  	s1 =	sld [smem:$0x7F6];
	_ =	sdelay $0x1  }
0x24a: {  	s29 =	simm.s32 $0x0;
	s5 =	simm.s32 $0x1900;
	[tilespmem:s0+$0x1900] =	vst v1  }
0x24b: {  	[hbm4b:s1+s29] =	stream.linear.scatter [tilespmem:s5], [sflag:$0x2], $0xC80, $0x38;
	[tilespmem:$0x7080] =	vst v63  }
0x24c: {  	s31 =	rddreg [dreg:$0x1];
	s3 =	simm.s32 $0x2580  }
0x24d: {  	[tilespmem:s3], [sflag:$0x1] =	stream.indirect.gather [hbm4b:s31+s2], $0x1, s5, s2, $0xb8;
	[tilespmem:$0x7080] =	vst v63  }
0x24e: {  	s5 =	sld [smem:$0x7F9];
	_ =	sdelay $0x1  }
0x24f: {  	s6 =	simm.s32 $0x3200  }
0x250: {  	[tilespmem:s6], [sflag:$0x1] =	stream.linear.gather [hbm4b:s5+s29], $0xC80, $0x38;
	[tilespmem:$0x7080] =	vst v63  }
0x251: {  	_ =	swait.ge [sflag:s4], $0xC80  }
0x252: {  	[sflag:s4] =	ssyncset.done $0x0  }
0x253: {  	[sflag:s4] =	ssyncadd.s32 $0xFFFFF380  }
0x254: {  	_ =	swait.ge [sflag:s4], $0xC80  }
0x255: {  	[sflag:s4] =	ssyncset.done $0x0  }
0x256: {  	s7 =	simm.s32 $0x0;
	[sflag:s4] =	ssyncadd.s32 $0xFFFFF380  }
0x257: {  	v2 =	vld [tilespmem:s7+$0x3200];
	_ =	sdelay $0x4  }
0x258: {  	(v2sf) =	vpush v2, $0xE  }
0x259: {  	(v2sf) =	vpush v2, $0xD  }
0x25a: {  	(v2sf) =	vpush v2, $0xC  }
0x25b: {  	(v2sf) =	vpush v2, $0xB  }
0x25c: {  	(v2sf) =	vpush v2, $0xA  }
0x25d: {  	(v2sf) =	vpush v2, $0x9  }
0x25e: {  	(v2sf) =	vpush v2, $0x8  }
0x25f: {  	(v2sf) =	vpush v2, $0x7  }
0x260: {  	(v2sf) =	vpush v2, $0x6  }
0x261: {  	(v2sf) =	vpush v2, $0x5  }
0x262: {  	v1 =	vld [tilespmem:s7+$0x2580];
	(v2sf) =	vpush v2, $0x4  }
0x263: {  	(v2sf) =	vpush v2, $0x3  }
0x264: {  	(v2sf) =	vpush v2, $0x2  }
0x265: {  	(v2sf) =	vpush v2, $0x1  }
0x266: {  	s8 =	simm.s32 $0x0;
	(v2sf) =	vpush v2, $0x0  }
0x267: {  	[dreg:$0x6] =	wrdreg s8;
	v3 =	vand.u32 $0x1F, v1;
	(v2sf) =	vpush v2, $0xF;
	s8 =	spop (v2sf)  }
0x268: {  	s10 =	spop (v2sf);
	(v2sf) =	vpush v3, $0xE  }
0x269: {  	s6 =	spop (v2sf);
	(v2sf) =	vpush v3, $0xD  }
0x26a: {  	s11 =	spop (v2sf);
	(v2sf) =	vpush v3, $0xC  }
0x26b: {  	s12 =	spop (v2sf);
	(v2sf) =	vpush v3, $0xB  }
0x26c: {  	s13 =	spop (v2sf);
	(v2sf) =	vpush v3, $0xA  }
0x26d: {  	s21 =	spop (v2sf);
	(v2sf) =	vpush v3, $0x9  }
0x26e: {  	s22 =	spop (v2sf);
	(v2sf) =	vpush v3, $0x8  }
0x26f: {  	s16 =	spop (v2sf);
	(v2sf) =	vpush v3, $0x7  }
0x270: {  	s25 =	spop (v2sf);
	(v2sf) =	vpush v3, $0x6  }
0x271: {  	s26 =	spop (v2sf);
	(v2sf) =	vpush v3, $0x5  }
0x272: {  	s0 =	sshra.s32 s6, $0x1F;
	s28 =	spop (v2sf);
	(v2sf) =	vpush v3, $0x4  }
0x273: {  	[smem:$0x74F] =	sst s0;
	s9 =	spop (v2sf);
	(v2sf) =	vpush v3, $0x3  }
0x274: {  	[smem:$0x757] =	sst s9;
	s14 =	spop (v2sf);
	(v2sf) =	vpush v3, $0x2  }
0x275: {  	[smem:$0x759] =	sst s14;
	s15 =	spop (v2sf)  }
0x276: {  	(v2sf) =	vpush v3, $0x1;
	[smem:$0x75A] =	sst s15;
	s17 =	spop (v2sf)  }
0x277: {  	[smem:$0x75D] =	sst s17;
	s15 =	spop (v2sf)  }
0x278: {  	v2 =	vmax.u32 v3, $0x2;
	(v2sf) =	vpush v3, $0x0;
	s14 =	spop (v2sf);
	[smem:$0x74E] =	sst s15  }
0x279: {  	v2 =	vadd.s32 $0xFFFFFFFF, v2;
	(v2sf) =	vpush v3, $0xF;
	s24 =	spop (v2sf);
	[smem:$0x750] =	sst s14  }
0x27a: {  	(v2sf) =	vpush v2, $0xE;
	s7 =	spop (v2sf);
	[smem:$0x752] =	sst s24  }
0x27b: {  	s29 =	spop (v2sf);
	[smem:$0x754] =	sst s7  }
0x27c: {  	s19 =	spop (v2sf);
	[smem:$0x756] =	sst s29  }
0x27d: {  	s20 =	spop (v2sf);
	[dreg:$0xa] =	wrdreg s19  }
0x27e: {  	s23 =	spop (v2sf);
	[dreg:$0xe] =	wrdreg s20  }
0x27f: {  	s30 =	spop (v2sf);
	[dreg:$0x12] =	wrdreg s23  }
0x280: {  	s31 =	spop (v2sf);
	[dreg:$0x16] =	wrdreg s30  }
0x281: {  	s18 =	spop (v2sf);
	[dreg:$0x1a] =	wrdreg s31  }
0x282: {  	s6 =	sxor.u32 s0, s6;
	[dreg:$0x1e] =	wrdreg s18;
	s1 =	spop (v2sf)  }
0x283: {  	s18 =	sshra.s32 s10, $0x1F;
	[smem:$0x763] =	sst s1;
	s2 =	spop (v2sf)  }
0x284: {  	s10 =	sxor.u32 s18, s10;
	s1 =	sshra.s32 s11, $0x1F;
	[smem:$0x74D] =	sst s18  }
0x285: {  	[smem:$0x765] =	sst s2;
	s3 =	spop (v2sf);
	s11 =	sxor.u32 s1, s11  }
0x286: {  	s2 =	sshra.s32 s13, $0x1F;
	s18 =	ssub.s32 s10, s18;
	[smem:$0x751] =	sst s1  }
0x287: {  	[smem:$0x767] =	sst s3;
	s4 =	spop (v2sf);
	s3 =	sshra.s32 s12, $0x1F  }
0x288: {  	s13 =	sxor.u32 s2, s13;
	[smem:$0x755] =	sst s2;
	s5 =	spop (v2sf)  }
0x289: {  	s11 =	ssub.s32 s11, s1;
	[smem:$0x769] =	sst s4;
	s9 =	spop (v2sf)  }
0x28a: {  	s12 =	sxor.u32 s3, s12;
	[smem:$0x753] =	sst s3;
	s17 =	sshra.s32 s9, $0x1F  }
0x28b: {  	s4 =	sshra.s32 s21, $0x1F;
	[smem:$0x76B] =	sst s5;
	s9 =	sxor.u32 s17, s9  }
0x28c: {  	s21 =	sxor.u32 s4, s21;
	s9 =	ssub.s32 s9, s17;
	s17 =	sshra.s32 s8, $0x1F  }
0x28d: {  	s5 =	sshra.s32 s22, $0x1F;
	[smem:$0x758] =	sst s4;
	s8 =	sxor.u32 s17, s8  }
0x28e: {  	[smem:$0x74C] =	sst s17;
	s17 =	ssub.s32 s8, s17;
	s8 =	sshra.s32 s16, $0x1F  }
0x28f: {  	(v2sf) =	vpush v2, $0xD;
	[smem:$0x75B] =	sst s5;
	(drf) =	srem.u32 s17, s15;
	s10 =	sxor.u32 s8, s16  }
0x290: {  	s16 =	ssub.s32 s6, s0;
	s15 =	ssub.s32 s13, s2;
	s13 =	sld [smem:$0x75A]  }
0x291: {  	[smem:$0x75C] =	sst s8;
	(drf) =	srem.u32 s18, s14;
	s14 =	sshra.s32 s25, $0x1F  }
0x292: {  	s6 =	sxor.u32 s14, s25;
	(drf) =	srem.u32 s16, s24;
	[smem:$0x75E] =	sst s14  }
0x293: {  	s25 =	sshra.s32 s26, $0x1F;
	(drf) =	srem.u32 s11, s7;
	s7 =	sld [smem:$0x757]  }
0x294: {  	s1 =	sxor.u32 s25, s26;
	s26 =	ssub.s32 s12, s3;
	s12 =	sld [smem:$0x759]  }
0x295: {  	(v2sf) =	vpush v2, $0xC;
	s22 =	sxor.u32 s5, s22;
	s24 =	sshra.s32 s28, $0x1F;
	[smem:$0x75F] =	sst s25  }
0x296: {  	s10 =	ssub.s32 s10, s8;
	s0 =	sxor.u32 s24, s28;
	[smem:$0x760] =	sst s24  }
0x297: {  	s28 =	ssub.s32 s21, s4;
	s8 =	ssub.s32 s6, s14;
	s14 =	sld [smem:$0x763]  }
0x298: {  	s21 =	ssub.s32 s22, s5;
	s22 =	sld [smem:$0x765];
	(drf) =	srem.u32 s26, s29  }
0x299: {  	(drf) =	srem.u32 s15, s19;
	s19 =	sshra.s32 s13, $0x1F;
	s29 =	sshra.s32 s7, $0x1F  }
0x29a: {  	s4 =	sshra.s32 s12, $0x1F;
	(drf) =	srem.u32 s28, s20;
	[smem:$0x766] =	sst s19  }
0x29b: {  	s2 =	sxor.u32 s4, s12;
	(drf) =	srem.u32 s21, s23;
	s23 =	sld [smem:$0x75D]  }
0x29c: {  	s12 =	sxor.u32 s19, s13;
	s13 =	ssub.s32 s1, s25;
	s1 =	rddreg [dreg:$0x1e]  }
0x29d: {  	(v2sf) =	vpush v2, $0xB;
	[smem:$0x762] =	sst s29  }
0x29e: {  	s6 =	spop (v2sf);
	[smem:$0x764] =	sst s4  }
0x29f: {  	(v2sf) =	vpush v2, $0xA;
	(drf) =	srem.u32 s10, s30;
	s19 =	ssub.s32 s12, s19;
	s12 =	sld [smem:$0x76B]  }
0x2a0: {  	(drf) =	srem.u32 s8, s31;
	s31 =	spop (drf)  }
0x2a1: {  	(v2sf) =	vpush v2, $0x9;
	s3 =	sxor.u32 s29, s7;
	s7 =	ssub.s32 s0, s24;
	[smem:$0x761] =	sst s31  }
0x2a2: {  	(drf) =	srem.u32 s13, s1;
	s1 =	ssub.s32 s3, s29;
	s29 =	sld [smem:$0x767]  }
0x2a3: {  	(v2sf) =	vpush v2, $0x8;
	s5 =	sshra.s32 s23, $0x1F;
	s24 =	spop (drf);
	s31 =	sld [smem:$0x769]  }
0x2a4: {  	s20 =	sxor.u32 s5, s23;
	s23 =	spop (v2sf);
	(drf) =	srem.u32 s7, s14  }
0x2a5: {  	(v2sf) =	vpush v2, $0x7;
	s25 =	spop (drf);
	[smem:$0x768] =	sst s5  }
0x2a6: {  	s3 =	ssub.s32 s2, s4;
	(drf) =	srem.u32 s1, s22;
	s30 =	spop (drf)  }
0x2a7: {  	(v2sf) =	vpush v2, $0x6;
	s2 =	ssub.s32 s20, s5;
	(drf) =	srem.u32 s3, s29;
	s20 =	spop (drf)  }
0x2a8: {  	(drf) =	srem.u32 s19, s31;
	s4 =	spop (drf)  }
0x2a9: {  	s5 =	sshra.s32 s6, $0x1F;
	[smem:$0x76A] =	sst s4;
	s14 =	spop (drf)  }
0x2aa: {  	(v2sf) =	vpush v2, $0x5;
	s6 =	sxor.u32 s5, s6;
	(drf) =	srem.u32 s2, s12;
	[smem:$0x76C] =	sst s14  }
0x2ab: {  	s4 =	ssub.s32 s6, s5;
	(drf) =	srem.u32 s17, s9;
	s17 =	spop (drf)  }
0x2ac: {  	(v2sf) =	vpush v2, $0x4;
	s22 =	sshra.s32 s23, $0x1F;
	(drf) =	srem.u32 s18, s4;
	s18 =	spop (v2sf)  }
0x2ad: {  	s23 =	sxor.u32 s22, s23;
	[smem:$0x76D] =	sst s17;
	s5 =	spop (drf)  }
0x2ae: {  	s6 =	ssub.s32 s23, s22;
	s29 =	spop (v2sf);
	[smem:$0x76E] =	sst s5  }
0x2af: {  	s31 =	sshra.s32 s18, $0x1F;
	(drf) =	srem.u32 s16, s6;
	s9 =	spop (drf)  }
0x2b0: {  	s4 =	sxor.u32 s31, s18;
	[smem:$0x76F] =	sst s9;
	s14 =	spop (v2sf)  }
0x2b1: {  	(v2sf) =	vpush v2, $0x3;
	s16 =	sshra.s32 s29, $0x1F;
	s23 =	spop (drf);
	s4 =	ssub.s32 s4, s31  }
0x2b2: {  	s17 =	sxor.u32 s16, s29;
	s18 =	spop (v2sf);
	s22 =	sshra.s32 s14, $0x1F  }
0x2b3: {  	(v2sf) =	vpush v2, $0x2;
	s29 =	spop (drf);
	(drf) =	srem.u32 s11, s4;
	s6 =	ssub.s32 s17, s16  }
0x2b4: {  	s4 =	sxor.u32 s22, s14;
	s31 =	spop (v2sf);
	s0 =	sshra.s32 s18, $0x1F  }
0x2b5: {  	(v2sf) =	vpush v2, $0x1;
	s16 =	spop (drf);
	(drf) =	srem.u32 s26, s6;
	s4 =	ssub.s32 s4, s22  }
0x2b6: {  	(v2sf) =	vpush v2, $0x0;
	s5 =	sxor.u32 s0, s18;
	s11 =	spop (v2sf);
	s12 =	sshra.s32 s31, $0x1F  }
0x2b7: {  	(v2sf) =	vpush v2, $0xF;
	(drf) =	srem.u32 s15, s4;
	s6 =	ssub.s32 s5, s0;
	s4 =	sxor.u32 s12, s31  }
0x2b8: {  	s17 =	spop (drf);
	(drf) =	srem.u32 s28, s6;
	s4 =	ssub.s32 s4, s12  }
0x2b9: {  	s18 =	spop (v2sf);
	(drf) =	srem.u32 s21, s4;
	s21 =	sshra.s32 s11, $0x1F  }
0x2ba: {  	[smem:$0x770] =	sst s23;
	s28 =	spop (drf);
	s22 =	sxor.u32 s21, s11  }
0x2bb: {  	[smem:$0x771] =	sst s29;
	s23 =	spop (v2sf);
	s6 =	ssub.s32 s22, s21  }
0x2bc: {  	(drf) =	srem.u32 s10, s6;
	s10 =	spop (drf)  }
0x2bd: {  	[smem:$0x773] =	sst s17;
	s26 =	sshra.s32 s18, $0x1F;
	s17 =	spop (drf)  }
0x2be: {  	[smem:$0x772] =	sst s16;
	s4 =	sxor.u32 s26, s18;
	s18 =	spop (drf)  }
0x2bf: {  	[smem:$0x774] =	sst s28;
	s31 =	sshra.s32 s23, $0x1F;
	s21 =	spop (drf)  }
0x2c0: {  	s4 =	ssub.s32 s4, s26;
	s5 =	sxor.u32 s31, s23;
	s29 =	spop (v2sf)  }
0x2c1: {  	(drf) =	srem.u32 s8, s4;
	s6 =	ssub.s32 s5, s31;
	s22 =	spop (drf)  }
0x2c2: {  	(drf) =	srem.u32 s13, s6;
	s0 =	spop (v2sf);
	s9 =	sshra.s32 s29, $0x1F  }
0x2c3: {  	s26 =	spop (drf);
	s4 =	sxor.u32 s9, s29;
	s12 =	sshra.s32 s0, $0x1F  }
0x2c4: {  	s11 =	spop (v2sf);
	s4 =	ssub.s32 s4, s9;
	s13 =	sxor.u32 s12, s0  }
0x2c5: {  	s14 =	spop (v2sf);
	s15 =	sshra.s32 s11, $0x1F;
	(drf) =	srem.u32 s7, s4  }
0x2c6: {  	s6 =	ssub.s32 s13, s12;
	s4 =	sxor.u32 s15, s11;
	s23 =	spop (v2sf)  }
0x2c7: {  	s28 =	sshra.s32 s14, $0x1F;
	(drf) =	srem.u32 s1, s6;
	s16 =	ssub.s32 s4, s15  }
0x2c8: {  	s0 =	sxor.u32 s28, s14;
	s29 =	sshra.s32 s23, $0x1F;
	(drf) =	srem.u32 s3, s16  }
0x2c9: {  	s6 =	ssub.s32 s0, s28;
	s4 =	sxor.u32 s29, s23;
	s23 =	spop (drf)  }
0x2ca: {  	(drf) =	srem.u32 s19, s6;
	s31 =	ssub.s32 s4, s29;
	s19 =	spop (drf)  }
0x2cb: {  	s0 =	simm.s32 $0x40;
	(drf) =	srem.u32 s2, s31;
	s4 =	spop (drf)  }
.LBB2_8:
0x2cc: {  	[smem:$0x6FB] =	sst s19  }
0x2cd: {  	[smem:$0x6FD] =	sst s23  }
0x2ce: {  	[smem:$0x705] =	sst s18  }
0x2cf: {  	[smem:$0x6FF] =	sst s26  }
0x2d0: {  	[smem:$0x703] =	sst s21  }
0x2d1: {  	[smem:$0x701] =	sst s22  }
0x2d2: {  	[smem:$0x707] =	sst s17  }
0x2d3: {  	[smem:$0x74B] =	sst s0  }
0x2d4: {  	s22 =	sld [smem:$0x74D]  }
0x2d5: {  	s17 =	sshra.s32 s0, $0x2;
	s18 =	sld [smem:$0x761]  }
0x2d6: {  	[smem:$0x713] =	sst s17  }
0x2d7: {  	s29 =	sld [smem:$0x753]  }
0x2d8: {  	s28 =	sld [smem:$0x751]  }
0x2d9: {  	s13 =	sld [smem:$0x758]  }
0x2da: {  	s2 =	sld [smem:$0x76C]  }
0x2db: {  	s3 =	sld [smem:$0x76A]  }
0x2dc: {  	s12 =	sld [smem:$0x75F]  }
0x2dd: {  	s5 =	sld [smem:$0x770]  }
0x2de: {  	s7 =	sld [smem:$0x76F]  }
0x2df: {  	s11 =	sld [smem:$0x75C]  }
0x2e0: {  	s8 =	sld [smem:$0x76E]  }
0x2e1: {  	s1 =	spop (drf);
	s9 =	sld [smem:$0x773]  }
0x2e2: {  	[smem:$0x6F9] =	sst s1;
	s14 =	spop (drf)  }
0x2e3: {  	[smem:$0x6F8] =	sst s14  }
0x2e4: {  	s15 =	spop (drf);
	s14 =	sld [smem:$0x772]  }
0x2e5: {  	[smem:$0x6F7] =	sst s15  }
0x2e6: {  	s16 =	sxor.u32 s22, s24;
	s24 =	sld [smem:$0x74F]  }
0x2e7: {  	s19 =	sxor.u32 s29, s20;
	s20 =	sxor.u32 s28, s30;
	s30 =	sld [smem:$0x755]  }
0x2e8: {  	[smem:$0x706] =	sst s16  }
0x2e9: {  	s16 =	sld [smem:$0x74C]  }
0x2ea: {  	[smem:$0x700] =	sst s19  }
0x2eb: {  	[smem:$0x702] =	sst s20  }
0x2ec: {  	s19 =	sld [smem:$0x764]  }
0x2ed: {  	s20 =	sld [smem:$0x768]  }
0x2ee: {  	s21 =	sxor.u32 s24, s25;
	s25 =	sld [smem:$0x76D]  }
0x2ef: {  	[smem:$0x704] =	sst s21  }
0x2f0: {  	p0 =	sne.s32 s0, $0x31C0;
	s6 =	spop (drf);
	s21 =	sld [smem:$0x75B]  }
0x2f1: {  	s15 =	sxor.u32 s12, s5;
	s0 =	sxor.u32 s16, s18;
	s18 =	sld [smem:$0x762]  }
0x2f2: {  	s23 =	spop (drf);
	s5 =	sxor.u32 s19, s9;
	s9 =	sld [smem:$0x774]  }
0x2f3: {  	s26 =	spop (drf);
	[smem:$0x708] =	sst s0  }
0x2f4: {  	s31 =	spop (drf);
	s1 =	sxor.u32 s21, s25;
	s25 =	sld [smem:$0x75E]  }
0x2f5: {  	s10 =	sxor.u32 s20, s10;
	[smem:$0x6FA] =	sst s1;
	s1 =	sxor.u32 s13, s2  }
0x2f6: {  	s26 =	sxor.u32 s19, s26;
	[smem:$0x6FC] =	sst s1;
	s1 =	sxor.u32 s30, s3  }
0x2f7: {  	s0 =	spop (drf);
	s10 =	ssub.s32 s10, s20;
	[smem:$0x6FE] =	sst s1  }
0x2f8: {  	s0 =	sxor.u32 s20, s0;
	s1 =	sxor.u32 s18, s14;
	s14 =	sld [smem:$0x766]  }
0x2f9: {  	s0 =	ssub.s32 s0, s20;
	s2 =	sxor.u32 s11, s8;
	s8 =	sld [smem:$0x760]  }
0x2fa: {  	s5 =	ssub.s32 s5, s19;
	v4 =	vmov s0;
	s0 =	ssub.s32 s26, s19;
	s3 =	sld [smem:$0x771]  }
0x2fb: {  	s7 =	sxor.u32 s25, s7;
	s9 =	sxor.u32 s14, s9;
	s31 =	sxor.u32 s14, s31  }
0x2fc: {  	s9 =	ssub.s32 s9, s14;
	s20 =	ssub.s32 s31, s14;
	s14 =	sld [smem:$0x6F7]  }
0x2fd: {  	v2 =	vmov s10;
	s31 =	sxor.u32 s18, s23;
	s23 =	ssub.s32 s7, s25;
	s7 =	sld [smem:$0x6FA]  }
0x2fe: {  	v3 =	vld [tilespmem:s17+$0x3200];
	s1 =	ssub.s32 s1, s18;
	s6 =	sxor.u32 s8, s6;
	v2 =	vsel vm0, s9, v2;
	v4 =	vsel vm0, s20, v4;
	s20 =	sld [smem:$0x6F8]  }
0x2ff: {  	s3 =	sxor.u32 s8, s3;
	v2 =	vsel vm1, s5, v2;
	s5 =	ssub.s32 s31, s18;
	s31 =	sld [smem:$0x6F9]  }
0x300: {  	s9 =	ssub.s32 s3, s8;
	v4 =	vsel vm1, s0, v4;
	s18 =	ssub.s32 s15, s12;
	s15 =	sld [smem:$0x6FF];
	v2 =	vsel vm2, s1, v2  }
0x301: {  	s10 =	ssub.s32 s6, s8;
	v4 =	vsel vm2, s5, v4;
	v2 =	vsel vm3, s9, v2;
	s9 =	sld [smem:$0x6FB]  }
0x302: {  	s3 =	sxor.u32 s12, s14;
	v4 =	vsel vm3, s10, v4;
	s10 =	sld [smem:$0x6FC]  }
0x303: {  	(v2sf) =	vpush v3, $0xE;
	s19 =	ssub.s32 s3, s12;
	s12 =	sld [smem:$0x6FD]  }
0x304: {  	(v2sf) =	vpush v3, $0xD;
	s3 =	sxor.u32 s25, s20;
	s20 =	sld [smem:$0x702]  }
0x305: {  	(v2sf) =	vpush v3, $0xC;
	s2 =	ssub.s32 s2, s11;
	s1 =	ssub.s32 s7, s21;
	v2 =	vsel vm4, s18, v2;
	v4 =	vsel vm4, s19, v4;
	s19 =	sld [smem:$0x701]  }
0x306: {  	(v2sf) =	vpush v3, $0xB;
	s26 =	ssub.s32 s3, s25;
	s3 =	sxor.u32 s11, s31;
	s25 =	sld [smem:$0x704];
	v2 =	vsel vm5, s23, v2  }
0x307: {  	(v2sf) =	vpush v3, $0xA;
	s5 =	ssub.s32 s3, s11;
	s23 =	sld [smem:$0x703];
	v2 =	vsel vm6, s2, v2;
	s2 =	sxor.u32 s13, s9  }
0x308: {  	(v2sf) =	vpush v3, $0x9;
	v2 =	vsel vm7, s1, v2;
	s1 =	ssub.s32 s10, s13;
	s11 =	ssub.s32 s2, s13;
	s13 =	sld [smem:$0x6FE]  }
0x309: {  	(v2sf) =	vpush v3, $0x8;
	s6 =	sxor.u32 s21, s4;
	v5 =	vsel vm8, s1, v2;
	v2 =	vld [tilespmem:s17+$0x2580];
	s17 =	sld [smem:$0x700]  }
0x30a: {  	(v2sf) =	vpush v3, $0x7;
	s8 =	ssub.s32 s6, s21;
	v4 =	vsel vm5, s26, v4;
	s3 =	sld [smem:$0x707];
	s2 =	sxor.u32 s30, s12  }
0x30b: {  	(v2sf) =	vpush v3, $0x6;
	v4 =	vsel vm6, s5, v4;
	s14 =	ssub.s32 s2, s30;
	s2 =	sxor.u32 s29, s15;
	s1 =	ssub.s32 s13, s30  }
0x30c: {  	(v2sf) =	vpush v3, $0x5;
	v4 =	vsel vm7, s8, v4;
	s18 =	ssub.s32 s2, s29;
	s2 =	sxor.u32 s28, s19;
	v5 =	vsel vm9, s1, v5;
	s1 =	ssub.s32 s17, s29  }
0x30d: {  	(v2sf) =	vpush v3, $0x4;
	v4 =	vsel vm8, s11, v4;
	s21 =	ssub.s32 s2, s28;
	v5 =	vsel vm10, s1, v5;
	s1 =	ssub.s32 s20, s28;
	s28 =	sld [smem:$0x705]  }
0x30e: {  	(v2sf) =	vpush v3, $0x3;
	v4 =	vsel vm9, s14, v4;
	s29 =	sld [smem:$0x706]  }
0x30f: {  	(v2sf) =	vpush v3, $0x2;
	s5 =	sld [smem:$0x708];
	v4 =	vsel vm10, s18, v4;
	s2 =	sxor.u32 s24, s23  }
0x310: {  	(v2sf) =	vpush v3, $0x1;
	v4 =	vsel vm11, s21, v4;
	s26 =	ssub.s32 s2, s24;
	v5 =	vsel vm11, s1, v5;
	s1 =	ssub.s32 s25, s24;
	s2 =	sxor.u32 s22, s28  }
0x311: {  	(v2sf) =	vpush v3, $0x0;
	v4 =	vsel vm12, s26, v4;
	v5 =	vsel vm12, s1, v5;
	s1 =	ssub.s32 s29, s22;
	s31 =	ssub.s32 s2, s22;
	s2 =	sxor.u32 s16, s3  }
0x312: {  	(v2sf) =	vpush v3, $0xF;
	s4 =	spop (v2sf);
	v3 =	vsel vm13, s1, v5;
	s1 =	ssub.s32 s5, s16;
	v59 =	vsel vm13, s31, v4;
	s6 =	ssub.s32 s2, s16  }
0x313: {  	s7 =	spop (v2sf);
	v60 =	vand.u32 $0x1F, v2;
	v3 =	vsel vm14, s1, v3;
	v5 =	vsel vm14, s6, v59  }
0x314: {  	s8 =	spop (v2sf);
	(v2sf) =	vpush v60, $0xE;
	v5 =	vadd.s32 v5, v3  }
0x315: {  	[smem:$0x716] =	sst s4;
	s9 =	spop (v2sf);
	(v2sf) =	vpush v60, $0xD;
	v5 =	vadd.s32 $0x1, v5  }
0x316: {  	[smem:$0x715] =	sst s7;
	s10 =	spop (v2sf);
	(v2sf) =	vpush v60, $0xC;
	v5 =	vshll.u32 v5, $0x18  }
0x317: {  	[smem:$0x714] =	sst s8;
	s11 =	spop (v2sf);
	(v2sf) =	vpush v60, $0xB;
	v5 =	vshra.s32 v5, $0x18  }
0x318: {  	[smem:$0x719] =	sst s9;
	s12 =	spop (v2sf);
	(v2sf) =	vpush v5, $0xE  }
0x319: {  	[smem:$0x718] =	sst s10;
	s13 =	spop (v2sf);
	(v2sf) =	vpush v5, $0xD  }
0x31a: {  	[smem:$0x717] =	sst s11;
	s14 =	spop (v2sf);
	(v2sf) =	vpush v5, $0xC  }
0x31b: {  	[smem:$0x71C] =	sst s12;
	s15 =	spop (v2sf);
	(v2sf) =	vpush v5, $0xB  }
0x31c: {  	[smem:$0x71B] =	sst s13  }
0x31d: {  	[smem:$0x71A] =	sst s14;
	s16 =	spop (v2sf);
	(v2sf) =	vpush v5, $0xA  }
0x31e: {  	[smem:$0x71F] =	sst s15;
	s17 =	spop (v2sf);
	(v2sf) =	vpush v5, $0x9  }
0x31f: {  	[smem:$0x71E] =	sst s16;
	s18 =	spop (v2sf);
	(v2sf) =	vpush v5, $0x8  }
0x320: {  	[smem:$0x71D] =	sst s17;
	s19 =	spop (v2sf)  }
0x321: {  	[smem:$0x722] =	sst s18;
	s20 =	spop (v2sf);
	(v2sf) =	vpush v5, $0x7  }
0x322: {  	[smem:$0x721] =	sst s19;
	s21 =	spop (v2sf);
	(v2sf) =	vpush v5, $0x6  }
0x323: {  	[smem:$0x720] =	sst s20;
	s22 =	spop (v2sf);
	(v2sf) =	vpush v5, $0x5  }
0x324: {  	[smem:$0x723] =	sst s21;
	s23 =	spop (v2sf)  }
0x325: {  	[smem:$0x70F] =	sst s22;
	s24 =	spop (v2sf);
	(v2sf) =	vpush v5, $0x4  }
0x326: {  	[smem:$0x710] =	sst s23;
	s25 =	spop (v2sf)  }
0x327: {  	[smem:$0x711] =	sst s24;
	s28 =	spop (v2sf)  }
0x328: {  	[smem:$0x712] =	sst s25;
	s30 =	spop (v2sf);
	s0 =	sshra.s32 s28, $0x1F  }
0x329: {  	(v2sf) =	vpush v5, $0x3;
	s31 =	spop (v2sf);
	s1 =	sshra.s32 s30, $0x1F;
	[smem:$0x70E] =	sst s0  }
0x32a: {  	(v2sf) =	vpush v5, $0x2;
	s28 =	sxor.u32 s0, s28;
	s12 =	spop (v2sf);
	s9 =	sshra.s32 s31, $0x1F  }
0x32b: {  	(v2sf) =	vpush v5, $0x1;
	s30 =	sxor.u32 s1, s30;
	s28 =	ssub.s32 s28, s0;
	s0 =	sld [smem:$0x750]  }
0x32c: {  	(v2sf) =	vpush v5, $0x0;
	s3 =	spop (v2sf);
	s2 =	sshra.s32 s12, $0x1F;
	s31 =	sxor.u32 s9, s31  }
0x32d: {  	(v2sf) =	vpush v5, $0xF;
	s30 =	ssub.s32 s30, s1;
	s13 =	spop (v2sf);
	s5 =	sshra.s32 s3, $0x1F  }
0x32e: {  	s31 =	ssub.s32 s31, s9;
	s4 =	spop (v2sf);
	s7 =	sshra.s32 s13, $0x1F  }
0x32f: {  	s3 =	sxor.u32 s5, s3;
	s15 =	smov.u32 s5;
	s5 =	sxor.u32 s2, s12  }
0x330: {  	s12 =	sld [smem:$0x74E];
	s8 =	spop (v2sf);
	s11 =	sshra.s32 s4, $0x1F  }
0x331: {  	s13 =	sxor.u32 s7, s13;
	s17 =	spop (v2sf);
	s10 =	sshra.s32 s8, $0x1F  }
0x332: {  	s4 =	sxor.u32 s11, s4;
	[smem:$0x70D] =	sst s13;
	s18 =	spop (v2sf)  }
0x333: {  	[smem:$0x70C] =	sst s4;
	s8 =	sxor.u32 s10, s8;
	(drf) =	srem.u32 s28, s12  }
0x334: {  	s13 =	smov.u32 s1;
	s26 =	spop (v2sf);
	[smem:$0x70B] =	sst s8  }
0x335: {  	s14 =	sshra.s32 s17, $0x1F;
	(drf) =	srem.u32 s30, s0;
	s30 =	sld [smem:$0x752]  }
0x336: {  	s1 =	sxor.u32 s14, s17;
	s17 =	ssub.s32 s3, s15;
	s3 =	sld [smem:$0x756]  }
0x337: {  	s5 =	ssub.s32 s5, s2;
	s23 =	sshra.s32 s18, $0x1F;
	[smem:$0x70A] =	sst s26  }
0x338: {  	s29 =	spop (v2sf);
	s4 =	sxor.u32 s23, s18;
	s18 =	sld [smem:$0x754]  }
0x339: {  	s21 =	sshra.s32 s26, $0x1F;
	[smem:$0x709] =	sst s29;
	s24 =	spop (v2sf)  }
0x33a: {  	s20 =	sshra.s32 s29, $0x1F;
	s19 =	spop (v2sf);
	(drf) =	srem.u32 s31, s30  }
0x33b: {  	s22 =	sshra.s32 s24, $0x1F;
	s16 =	spop (v2sf);
	(drf) =	srem.u32 s5, s18  }
0x33c: {  	s25 =	sshra.s32 s19, $0x1F;
	s5 =	rddreg [dreg:$0xe];
	s6 =	spop (v2sf)  }
0x33d: {  	s26 =	sshra.s32 s16, $0x1F;
	(drf) =	srem.u32 s17, s3;
	s17 =	sld [smem:$0x76B]  }
0x33e: {  	s29 =	sshra.s32 s6, $0x1F;
	s31 =	sxor.u32 s26, s16;
	s16 =	sxor.u32 s25, s19  }
0x33f: {  	s19 =	sxor.u32 s22, s24;
	s24 =	sld [smem:$0x769];
	s8 =	sxor.u32 s29, s6  }
0x340: {  	s0 =	ssub.s32 s8, s29;
	s8 =	ssub.s32 s31, s26;
	s31 =	sld [smem:$0x709]  }
0x341: {  	(drf) =	srem.u32 s0, s17;
	s17 =	sld [smem:$0x70A]  }
0x342: {  	(drf) =	srem.u32 s8, s24;
	s8 =	sld [smem:$0x767]  }
0x343: {  	s28 =	ssub.s32 s19, s22;
	s19 =	sld [smem:$0x765];
	s3 =	sxor.u32 s20, s31  }
0x344: {  	s18 =	ssub.s32 s16, s25;
	s16 =	ssub.s32 s3, s20;
	s3 =	rddreg [dreg:$0x1e]  }
0x345: {  	(drf) =	srem.u32 s18, s8;
	s18 =	sxor.u32 s21, s17;
	s17 =	sld [smem:$0x70B]  }
0x346: {  	(drf) =	srem.u32 s28, s19;
	s28 =	sld [smem:$0x763]  }
0x347: {  	(v2sf) =	vpush v60, $0xA;
	s6 =	spop (drf);
	s24 =	ssub.s32 s18, s21;
	s18 =	rddreg [dreg:$0x16]  }
0x348: {  	(v2sf) =	vpush v60, $0x9;
	s8 =	spop (drf);
	s19 =	sld [smem:$0x70C]  }
0x349: {  	(drf) =	srem.u32 s16, s28;
	s16 =	rddreg [dreg:$0x1a]  }
0x34a: {  	(v2sf) =	vpush v60, $0x8;
	s31 =	ssub.s32 s4, s23;
	(drf) =	srem.u32 s24, s3;
	s24 =	spop (drf)  }
0x34b: {  	s12 =	smov.u32 s2;
	s3 =	sld [smem:$0x70D];
	(drf) =	srem.u32 s31, s16  }
0x34c: {  	s4 =	ssub.s32 s1, s14;
	s28 =	spop (drf);
	s31 =	rddreg [dreg:$0x12]  }
0x34d: {  	s0 =	ssub.s32 s17, s10;
	(drf) =	srem.u32 s4, s18;
	s30 =	spop (drf)  }
0x34e: {  	(v2sf) =	vpush v60, $0x7;
	s1 =	ssub.s32 s19, s11;
	s18 =	rddreg [dreg:$0xa];
	(drf) =	srem.u32 s0, s31  }
0x34f: {  	s0 =	ssub.s32 s3, s7;
	s4 =	spop (drf);
	(drf) =	srem.u32 s1, s5  }
0x350: {  	s16 =	sxor.u32 s29, s4;
	s17 =	spop (drf);
	(drf) =	srem.u32 s0, s18  }
0x351: {  	s19 =	sxor.u32 s26, s17;
	s1 =	ssub.s32 s16, s29;
	s31 =	spop (drf)  }
0x352: {  	s0 =	ssub.s32 s19, s26;
	s2 =	sxor.u32 s25, s31;
	s3 =	spop (drf)  }
0x353: {  	(v2sf) =	vpush v60, $0x6;
	v61 =	vmov s1;
	s4 =	ssub.s32 s2, s25;
	s5 =	sxor.u32 s22, s3;
	s16 =	spop (drf)  }
0x354: {  	v5 =	vsel vm0, s0, v61;
	s0 =	sld [smem:$0x71C];
	s17 =	ssub.s32 s5, s22;
	s19 =	spop (drf)  }
0x355: {  	s18 =	sxor.u32 s20, s16;
	s22 =	sxor.u32 s21, s19;
	s25 =	spop (drf)  }
0x356: {  	(v2sf) =	vpush v60, $0x5;
	v5 =	vsel vm1, s4, v5;
	s20 =	ssub.s32 s18, s20;
	s19 =	spop (v2sf);
	s26 =	ssub.s32 s22, s21  }
0x357: {  	(v2sf) =	vpush v60, $0x4;
	v5 =	vsel vm2, s17, v5;
	s29 =	sxor.u32 s23, s25;
	[smem:$0x756] =	sst s19;
	s22 =	spop (v2sf)  }
0x358: {  	v62 =	vsel vm3, s20, v5;
	s25 =	sxor.u32 s15, s30;
	s30 =	sshra.s32 s0, $0x1F;
	[dreg:$0xa] =	wrdreg s22  }
0x359: {  	v4 =	vsel vm4, s26, v62;
	s26 =	spop (v2sf);
	[smem:$0x758] =	sst s30  }
0x35a: {  	(v2sf) =	vpush v60, $0x3;
	s31 =	spop (drf);
	[dreg:$0xe] =	wrdreg s26  }
0x35b: {  	s1 =	ssub.s32 s29, s23;
	s3 =	spop (drf);
	s26 =	sld [smem:$0x712]  }
0x35c: {  	s2 =	sxor.u32 s14, s31;
	s5 =	sxor.u32 s10, s3;
	s3 =	sld [smem:$0x713]  }
0x35d: {  	v4 =	vsel vm5, s1, v4;
	s4 =	ssub.s32 s2, s14;
	s2 =	spop (v2sf);
	s1 =	sld [smem:$0x716]  }
0x35e: {  	s31 =	sxor.u32 s12, s28;
	s14 =	spop (drf);
	[dreg:$0x12] =	wrdreg s2  }
0x35f: {  	s16 =	ssub.s32 s5, s10;
	s17 =	sxor.u32 s11, s14;
	s14 =	sld [smem:$0x70E]  }
0x360: {  	(v2sf) =	vpush v60, $0x2;
	v4 =	vsel vm6, s4, v4;
	s18 =	spop (drf);
	s4 =	ssub.s32 s31, s12;
	s31 =	rddreg [dreg:$0x6]  }
0x361: {  	(v2sf) =	vpush v60, $0x1;
	s20 =	ssub.s32 s17, s11;
	s21 =	sxor.u32 s7, s18;
	s18 =	sld [smem:$0x70F]  }
0x362: {  	(v2sf) =	vpush v60, $0x0;
	v4 =	vsel vm7, s16, v4;
	s23 =	ssub.s32 s21, s7;
	s7 =	spop (v2sf);
	s21 =	sld [smem:$0x710]  }
0x363: {  	v4 =	vsel vm8, s20, v4;
	[dreg:$0x16] =	wrdreg s7  }
0x364: {  	(v2sf) =	vpush v60, $0xF;
	s28 =	smov.u32 s26;
	v4 =	vsel vm9, s23, v4;
	s23 =	sld [smem:$0x711]  }
0x365: {  	s12 =	spop (v2sf);
	[smem:$0x754] =	sst s28  }
0x366: {  	[dreg:$0x1a] =	wrdreg s12;
	s16 =	spop (v2sf)  }
0x367: {  	v6 =	vmax.u32 v60, $0x2;
	s29 =	ssub.s32 s25, s15;
	s19 =	smov.u32 s18;
	[dreg:$0x1e] =	wrdreg s16  }
0x368: {  	v6 =	vadd.s32 $0xFFFFFFFF, v6;
	v4 =	vsel vm10, s29, v4;
	[smem:$0x74E] =	sst s19  }
0x369: {  	(v2sf) =	vpush v6, $0xE;
	v4 =	vsel vm11, s4, v4;
	s20 =	spop (v2sf);
	s4 =	smov.u32 s3;
	s3 =	sld [smem:$0x71B]  }
0x36a: {  	s22 =	smov.u32 s21;
	[smem:$0x763] =	sst s20  }
0x36b: {  	(v2sf) =	vpush v6, $0xD;
	[smem:$0x750] =	sst s22  }
0x36c: {  	[dreg:$0x6] =	wrdreg s4  }
0x36d: {  	(v2sf) =	vpush v6, $0xC;
	s4 =	sld [smem:$0x714]  }
0x36e: {  	s5 =	sxor.u32 s9, s24;
	s24 =	smov.u32 s23;
	s23 =	sld [smem:$0x720]  }
0x36f: {  	s25 =	spop (v2sf);
	[smem:$0x752] =	sst s24  }
0x370: {  	(v2sf) =	vpush v6, $0xB;
	[smem:$0x765] =	sst s25;
	s29 =	spop (v2sf)  }
0x371: {  	[smem:$0x767] =	sst s29;
	s2 =	spop (v2sf)  }
0x372: {  	[smem:$0x769] =	sst s2  }
0x373: {  	s10 =	ssub.s32 s5, s9;
	s5 =	spop (v2sf);
	s2 =	sld [smem:$0x715]  }
0x374: {  	(v2sf) =	vpush v6, $0xA;
	[smem:$0x76B] =	sst s5  }
0x375: {  	s22 =	sshra.s32 s23, $0x1F;
	s5 =	sld [smem:$0x71F]  }
0x376: {  	[smem:$0x766] =	sst s22  }
0x377: {  	s25 =	sshra.s32 s4, $0x1F;
	s22 =	sld [smem:$0x723]  }
0x378: {  	(v2sf) =	vpush v6, $0x9;
	s15 =	sxor.u32 s14, s6;
	s6 =	spop (v2sf);
	[smem:$0x74F] =	sst s25  }
0x379: {  	[smem:$0x725] =	sst s6  }
0x37a: {  	(v2sf) =	vpush v6, $0x8;
	s7 =	spop (v2sf);
	s6 =	sld [smem:$0x719]  }
0x37b: {  	s11 =	sxor.u32 s13, s8;
	[smem:$0x724] =	sst s7  }
0x37c: {  	s13 =	ssub.s32 s11, s13;
	v4 =	vsel vm12, s10, v4;
	s8 =	spop (v2sf);
	s7 =	sld [smem:$0x71A]  }
0x37d: {  	v63 =	vshrl.u32 v1, $0x5;
	s17 =	ssub.s32 s15, s14;
	v4 =	vsel vm13, s13, v4;
	[smem:$0x727] =	sst s8  }
0x37e: {  	v1 =	vmov v2;
	v2 =	vadd.s32 v63, v3;
	v4 =	vsel vm14, s17, v4;
	s24 =	sshra.s32 s2, $0x1F;
	s8 =	sld [smem:$0x71E]  }
0x37f: {  	[tilespmem:s31+$0x3E80] =	vst v2;
	(v2sf) =	vpush v6, $0x7;
	v3 =	vadd.s32 v4, v63;
	s9 =	spop (v2sf);
	[smem:$0x74D] =	sst s24  }
0x380: {  	(v2sf) =	vpush v6, $0x6;
	[tilespmem:s31+$0x4B00] =	vst v3;
	s31 =	sshra.s32 s22, $0x1F;
	[smem:$0x726] =	sst s9  }
0x381: {  	s2 =	sxor.u32 s24, s2;
	[smem:$0x768] =	sst s31  }
0x382: {  	s31 =	sxor.u32 s30, s0;
	s0 =	ssub.s32 s2, s24;
	s24 =	sld [smem:$0x74E]  }
0x383: {  	(v2sf) =	vpush v6, $0x5;
	s10 =	spop (v2sf);
	s2 =	sld [smem:$0x754]  }
0x384: {  	s9 =	sshra.s32 s1, $0x1F;
	[smem:$0x729] =	sst s10  }
0x385: {  	(v2sf) =	vpush v6, $0x4;
	[smem:$0x74C] =	sst s9  }
0x386: {  	s26 =	sshra.s32 s6, $0x1F;
	[smem:$0x735] =	sst s0  }
0x387: {  	s11 =	spop (v2sf);
	[smem:$0x751] =	sst s26  }
0x388: {  	(v2sf) =	vpush v6, $0x3;
	s10 =	sshra.s32 s5, $0x1F;
	[smem:$0x728] =	sst s11  }
0x389: {  	s12 =	spop (v2sf);
	[smem:$0x75E] =	sst s10  }
0x38a: {  	(v2sf) =	vpush v6, $0x2;
	s1 =	sxor.u32 s9, s1;
	[smem:$0x72B] =	sst s12  }
0x38b: {  	s1 =	ssub.s32 s1, s9;
	s12 =	sld [smem:$0x722]  }
0x38c: {  	s11 =	sshra.s32 s7, $0x1F;
	[smem:$0x734] =	sst s1  }
0x38d: {  	(v2sf) =	vpush v6, $0x1;
	(drf) =	srem.u32 s1, s24;
	s24 =	sxor.u32 s11, s7;
	s7 =	sld [smem:$0x750]  }
0x38e: {  	s13 =	spop (v2sf);
	[smem:$0x75C] =	sst s11  }
0x38f: {  	[smem:$0x72A] =	sst s13;
	s14 =	spop (v2sf)  }
0x390: {  	(v2sf) =	vpush v6, $0x0;
	[smem:$0x72D] =	sst s14  }
0x391: {  	s13 =	sshra.s32 s8, $0x1F;
	s14 =	sld [smem:$0x717]  }
0x392: {  	(v2sf) =	vpush v6, $0xF;
	s15 =	spop (v2sf);
	[smem:$0x75F] =	sst s13  }
0x393: {  	[smem:$0x72C] =	sst s15  }
0x394: {  	s16 =	spop (v2sf);
	s15 =	sld [smem:$0x71D]  }
0x395: {  	(drf) =	srem.u32 s0, s7;
	s7 =	ssub.s32 s31, s30;
	s31 =	rddreg [dreg:$0x16]  }
0x396: {  	[smem:$0x72F] =	sst s16  }
0x397: {  	s17 =	spop (v2sf);
	[smem:$0x73C] =	sst s7  }
0x398: {  	s16 =	sshra.s32 s12, $0x1F;
	[smem:$0x72E] =	sst s17  }
0x399: {  	s18 =	spop (v2sf);
	[smem:$0x762] =	sst s16  }
0x39a: {  	[smem:$0x732] =	sst s18  }
0x39b: {  	s29 =	sshra.s32 s14, $0x1F;
	s18 =	sld [smem:$0x718]  }
0x39c: {  	s19 =	spop (v2sf);
	[smem:$0x755] =	sst s29  }
0x39d: {  	[smem:$0x731] =	sst s19  }
0x39e: {  	s17 =	sshra.s32 s15, $0x1F;
	s19 =	sld [smem:$0x721]  }
0x39f: {  	s4 =	sxor.u32 s25, s4;
	s20 =	spop (v2sf);
	[smem:$0x760] =	sst s17  }
0x3a0: {  	s0 =	sxor.u32 s17, s15;
	s15 =	sxor.u32 s16, s12;
	[smem:$0x730] =	sst s20  }
0x3a1: {  	s21 =	spop (v2sf);
	s15 =	ssub.s32 s15, s16;
	s16 =	sld [smem:$0x763]  }
0x3a2: {  	s6 =	sxor.u32 s26, s6;
	[smem:$0x733] =	sst s21;
	s21 =	sshra.s32 s3, $0x1F  }
0x3a3: {  	s28 =	sshra.s32 s18, $0x1F;
	[smem:$0x747] =	sst s15;
	s9 =	sxor.u32 s21, s3  }
0x3a4: {  	s3 =	ssub.s32 s4, s25;
	s25 =	ssub.s32 s6, s26;
	s26 =	sld [smem:$0x752]  }
0x3a5: {  	s14 =	sxor.u32 s29, s14;
	[smem:$0x753] =	sst s28  }
0x3a6: {  	s6 =	ssub.s32 s14, s29;
	s14 =	sld [smem:$0x756]  }
0x3a7: {  	s4 =	sxor.u32 s10, s5;
	s5 =	sxor.u32 s13, s8;
	s8 =	rddreg [dreg:$0xa]  }
0x3a8: {  	[smem:$0x75B] =	sst s21  }
0x3a9: {  	[smem:$0x736] =	sst s3  }
0x3aa: {  	[smem:$0x738] =	sst s25  }
0x3ab: {  	s20 =	sshra.s32 s19, $0x1F;
	[smem:$0x73A] =	sst s6  }
0x3ac: {  	s18 =	sxor.u32 s28, s18;
	s12 =	sxor.u32 s20, s19;
	s19 =	rddreg [dreg:$0xe]  }
0x3ad: {  	s28 =	ssub.s32 s18, s28;
	s18 =	ssub.s32 s9, s21;
	s21 =	sld [smem:$0x766]  }
0x3ae: {  	s5 =	ssub.s32 s5, s13;
	s13 =	rddreg [dreg:$0x1e]  }
0x3af: {  	[smem:$0x764] =	sst s20  }
0x3b0: {  	[smem:$0x739] =	sst s28  }
0x3b1: {  	s4 =	ssub.s32 s4, s10;
	[smem:$0x73F] =	sst s18  }
0x3b2: {  	[smem:$0x743] =	sst s4  }
0x3b3: {  	s10 =	spop (drf);
	[smem:$0x744] =	sst s5  }
0x3b4: {  	[smem:$0x761] =	sst s10  }
0x3b5: {  	(drf) =	srem.u32 s3, s26;
	s26 =	rddreg [dreg:$0x12]  }
0x3b6: {  	s3 =	rddreg [dreg:$0x1a]  }
0x3b7: {  	(drf) =	srem.u32 s25, s2;
	s25 =	ssub.s32 s24, s11;
	s24 =	sld [smem:$0x769]  }
0x3b8: {  	s11 =	ssub.s32 s0, s17;
	s0 =	sld [smem:$0x72F]  }
0x3b9: {  	[smem:$0x742] =	sst s25  }
0x3ba: {  	(drf) =	srem.u32 s28, s14;
	s28 =	sld [smem:$0x768]  }
0x3bb: {  	s2 =	ssub.s32 s12, s20;
	[smem:$0x746] =	sst s11  }
0x3bc: {  	s23 =	sxor.u32 s21, s23;
	[smem:$0x748] =	sst s2  }
0x3bd: {  	s14 =	spop (drf);
	s20 =	ssub.s32 s23, s21;
	s21 =	sld [smem:$0x767]  }
0x3be: {  	[smem:$0x741] =	sst s14  }
0x3bf: {  	(drf) =	srem.u32 s6, s8;
	[smem:$0x749] =	sst s20  }
0x3c0: {  	s14 =	sld [smem:$0x730];
	(drf) =	srem.u32 s7, s19  }
0x3c1: {  	(drf) =	srem.u32 s18, s26;
	s29 =	sxor.u32 s28, s22;
	s18 =	sld [smem:$0x765]  }
0x3c2: {  	s26 =	sld [smem:$0x76B];
	s23 =	ssub.s32 s29, s28  }
0x3c3: {  	(drf) =	srem.u32 s25, s31;
	s12 =	sshra.s32 s14, $0x1F;
	[smem:$0x74A] =	sst s23  }
0x3c4: {  	(drf) =	srem.u32 s4, s3;
	[smem:$0x73D] =	sst s12  }
0x3c5: {  	s12 =	sld [smem:$0x733];
	(drf) =	srem.u32 s5, s13  }
0x3c6: {  	s13 =	sld [smem:$0x72B];
	(drf) =	srem.u32 s11, s16  }
0x3c7: {  	s17 =	spop (drf);
	s16 =	sld [smem:$0x725]  }
0x3c8: {  	[smem:$0x73B] =	sst s17  }
0x3c9: {  	s19 =	spop (drf);
	s17 =	sld [smem:$0x724]  }
0x3ca: {  	(drf) =	srem.u32 s15, s18;
	[smem:$0x73E] =	sst s19  }
0x3cb: {  	s18 =	sshra.s32 s12, $0x1F;
	(drf) =	srem.u32 s2, s21;
	s21 =	sld [smem:$0x726]  }
0x3cc: {  	s22 =	spop (drf);
	[smem:$0x740] =	sst s18  }
0x3cd: {  	[smem:$0x737] =	sst s22  }
0x3ce: {  	(drf) =	srem.u32 s20, s24;
	s22 =	sld [smem:$0x727]  }
0x3cf: {  	s25 =	spop (drf);
	s20 =	sld [smem:$0x729]  }
0x3d0: {  	[smem:$0x76A] =	sst s25;
	s28 =	spop (drf)  }
0x3d1: {  	s5 =	sshra.s32 s17, $0x1F;
	[smem:$0x76C] =	sst s28;
	s29 =	spop (drf)  }
0x3d2: {  	s8 =	sshra.s32 s21, $0x1F;
	s17 =	sxor.u32 s5, s17;
	[smem:$0x76D] =	sst s29  }
0x3d3: {  	s31 =	spop (drf);
	s5 =	ssub.s32 s17, s5;
	s17 =	sld [smem:$0x734]  }
0x3d4: {  	s21 =	sxor.u32 s8, s21;
	[smem:$0x76E] =	sst s31  }
0x3d5: {  	s1 =	spop (drf);
	s8 =	ssub.s32 s21, s8;
	s21 =	sld [smem:$0x739]  }
0x3d6: {  	s10 =	sshra.s32 s20, $0x1F;
	[smem:$0x76F] =	sst s1  }
0x3d7: {  	s20 =	sxor.u32 s10, s20;
	s1 =	sld [smem:$0x72D]  }
0x3d8: {  	s2 =	spop (drf);
	s10 =	ssub.s32 s20, s10;
	s20 =	sld [smem:$0x737]  }
0x3d9: {  	(drf) =	srem.u32 s23, s26;
	[smem:$0x770] =	sst s2  }
0x3da: {  	s3 =	spop (drf);
	s2 =	sld [smem:$0x72A]  }
0x3db: {  	[smem:$0x771] =	sst s3  }
0x3dc: {  	s25 =	sshra.s32 s16, $0x1F;
	s3 =	sld [smem:$0x728];
	s4 =	spop (drf)  }
0x3dd: {  	s18 =	sxor.u32 s25, s16;
	[smem:$0x772] =	sst s4  }
0x3de: {  	s19 =	sshra.s32 s22, $0x1F;
	s6 =	spop (drf);
	s4 =	sld [smem:$0x72C]  }
0x3df: {  	s29 =	sshra.s32 s13, $0x1F;
	s18 =	ssub.s32 s18, s25;
	[smem:$0x773] =	sst s6  }
0x3e0: {  	s13 =	sxor.u32 s29, s13;
	s7 =	spop (drf);
	s6 =	sld [smem:$0x732]  }
0x3e1: {  	s22 =	sxor.u32 s19, s22;
	s13 =	ssub.s32 s13, s29;
	[smem:$0x774] =	sst s7  }
0x3e2: {  	s28 =	sshra.s32 s2, $0x1F;
	s7 =	sld [smem:$0x72E];
	s11 =	spop (drf)  }
0x3e3: {  	s25 =	sxor.u32 s28, s2;
	s2 =	ssub.s32 s22, s19;
	s19 =	sld [smem:$0x738]  }
0x3e4: {  	s30 =	sshra.s32 s1, $0x1F;
	s9 =	sshra.s32 s3, $0x1F;
	[smem:$0x745] =	sst s11  }
0x3e5: {  	(drf) =	srem.u32 s17, s18;
	s16 =	sxor.u32 s9, s3;
	s3 =	sld [smem:$0x735]  }
0x3e6: {  	s18 =	sxor.u32 s30, s1;
	s24 =	sshra.s32 s4, $0x1F;
	s11 =	sld [smem:$0x731]  }
0x3e7: {  	s23 =	sshra.s32 s6, $0x1F;
	s9 =	ssub.s32 s16, s9;
	s16 =	sld [smem:$0x748]  }
0x3e8: {  	(drf) =	srem.u32 s3, s5;
	s5 =	sxor.u32 s24, s4;
	s4 =	sld [smem:$0x736]  }
0x3e9: {  	s22 =	sxor.u32 s23, s6;
	s6 =	ssub.s32 s25, s28;
	s25 =	sld [smem:$0x73B]  }
0x3ea: {  	s26 =	sshra.s32 s7, $0x1F;
	s28 =	sld [smem:$0x742];
	s31 =	sshra.s32 s11, $0x1F  }
0x3eb: {  	s3 =	sxor.u32 s31, s11;
	(drf) =	srem.u32 s4, s2;
	s2 =	sld [smem:$0x73A]  }
0x3ec: {  	s11 =	sld [smem:$0x73C];
	s5 =	ssub.s32 s5, s24;
	(drf) =	srem.u32 s19, s8  }
0x3ed: {  	s24 =	sld [smem:$0x741];
	s8 =	sxor.u32 s26, s7;
	(drf) =	srem.u32 s21, s10  }
0x3ee: {  	s7 =	ssub.s32 s18, s30;
	s30 =	sld [smem:$0x73E];
	(drf) =	srem.u32 s2, s9  }
0x3ef: {  	s15 =	sshra.s32 s0, $0x1F;
	(drf) =	srem.u32 s11, s13;
	s13 =	sld [smem:$0x73D]  }
0x3f0: {  	s17 =	sxor.u32 s15, s0;
	s11 =	sld [smem:$0x73F]  }
0x3f1: {  	s29 =	ssub.s32 s17, s15;
	s2 =	sld [smem:$0x743]  }
0x3f2: {  	s17 =	spop (drf);
	s4 =	sxor.u32 s13, s14;
	s14 =	sld [smem:$0x740]  }
0x3f3: {  	(drf) =	srem.u32 s11, s6;
	s6 =	sld [smem:$0x744]  }
0x3f4: {  	s11 =	ssub.s32 s3, s31;
	s31 =	sld [smem:$0x74B];
	(drf) =	srem.u32 s28, s7  }
0x3f5: {  	(drf) =	srem.u32 s2, s5;
	s5 =	ssub.s32 s8, s26;
	s8 =	sld [smem:$0x746]  }
0x3f6: {  	s18 =	spop (drf);
	s19 =	sxor.u32 s14, s12;
	s12 =	sld [smem:$0x747]  }
0x3f7: {  	s28 =	sld [smem:$0x749];
	(drf) =	srem.u32 s6, s29  }
0x3f8: {  	s7 =	ssub.s32 s22, s23;
	s21 =	spop (drf);
	(drf) =	srem.u32 s8, s5  }
0x3f9: {  	s22 =	spop (drf);
	(drf) =	srem.u32 s12, s7  }
.Ltmp3:
0x3fa: {  	s29 =	sld [smem:$0x74A];
	(pc) =	sbr.rel @p0 .LBB2_8-.Ltmp3, $4  }
0x3fb: {  	s15 =	ssub.s32 s4, s13;
	s26 =	spop (drf);
	(drf) =	srem.u32 s16, s11  }
0x3fc: {  	s19 =	ssub.s32 s19, s14;
	s23 =	spop (drf);
	(drf) =	srem.u32 s28, s15  }
0x3fd: {  	(drf) =	srem.u32 s29, s19;
	s19 =	spop (drf)  }
0x3fe: {  	s10 =	sld [smem:$0x745];
	s0 =	sadd.s32 $0x40, s31;
	s4 =	spop (drf)  }
0x3ff: {  	s8 =	sld [smem:$0x768]  }
0x400: {  	s12 =	sld [smem:$0x766]  }
0x401: {  	s0 =	spop (drf);
	s28 =	sld [smem:$0x774]  }
0x402: {  	s31 =	sld [smem:$0x764];
	s1 =	spop (drf)  }
0x403: {  	s11 =	sld [smem:$0x773];
	s2 =	spop (drf)  }
0x404: {  	s15 =	sld [smem:$0x772];
	s3 =	spop (drf)  }
0x405: {  	s9 =	sxor.u32 s8, s10;
	s29 =	sxor.u32 s12, s28;
	s14 =	spop (drf)  }
0x406: {  	s28 =	sld [smem:$0x760];
	s9 =	ssub.s32 s9, s8;
	s5 =	spop (drf)  }
0x407: {  	s10 =	ssub.s32 s29, s12;
	s29 =	sld [smem:$0x771];
	s6 =	spop (drf)  }
0x408: {  	s11 =	sxor.u32 s31, s11;
	v2 =	vmov s9;
	s9 =	sld [smem:$0x76E];
	s6 =	sxor.u32 s12, s6  }
0x409: {  	s13 =	ssub.s32 s11, s31;
	s6 =	ssub.s32 s6, s12;
	s12 =	sld [smem:$0x762]  }
0x40a: {  	s5 =	sxor.u32 s31, s5;
	s3 =	sxor.u32 s28, s3;
	v2 =	vsel vm0, s10, v2;
	s10 =	sld [smem:$0x76A]  }
0x40b: {  	s7 =	spop (drf);
	s5 =	ssub.s32 s5, s31;
	s31 =	sld [smem:$0x75F]  }
0x40c: {  	s3 =	ssub.s32 s3, s28;
	v2 =	vsel vm1, s13, v2;
	s13 =	sld [smem:$0x76D];
	s11 =	sxor.u32 s12, s15  }
0x40d: {  	s16 =	sxor.u32 s12, s14;
	s15 =	sxor.u32 s28, s29;
	s29 =	sld [smem:$0x76F]  }
0x40e: {  	s7 =	sxor.u32 s8, s7;
	s14 =	ssub.s32 s16, s12;
	s16 =	sld [smem:$0x770]  }
0x40f: {  	s7 =	ssub.s32 s7, s8;
	s15 =	ssub.s32 s15, s28;
	s28 =	sld [smem:$0x75E]  }
0x410: {  	s2 =	sxor.u32 s31, s2;
	s11 =	ssub.s32 s11, s12;
	s12 =	sld [smem:$0x75B]  }
0x411: {  	v3 =	vmov s7;
	s2 =	ssub.s32 s2, s31;
	v2 =	vsel vm2, s11, v2;
	s11 =	sld [smem:$0x753];
	s16 =	sxor.u32 s31, s16  }
0x412: {  	v3 =	vsel vm0, s6, v3;
	s6 =	sxor.u32 s28, s29;
	s1 =	sxor.u32 s28, s1;
	s29 =	sld [smem:$0x76C]  }
0x413: {  	s8 =	sxor.u32 s12, s13;
	s16 =	ssub.s32 s16, s31;
	s31 =	sld [smem:$0x75C]  }
0x414: {  	v3 =	vsel vm1, s5, v3;
	s5 =	ssub.s32 s6, s28;
	s1 =	ssub.s32 s1, s28;
	s28 =	sld [smem:$0x758]  }
0x415: {  	v3 =	vsel vm2, s14, v3;
	v2 =	vsel vm3, s15, v2;
	s14 =	sxor.u32 s12, s4;
	s15 =	ssub.s32 s8, s12;
	s8 =	sld [smem:$0x761]  }
0x416: {  	v2 =	vsel vm4, s16, v2;
	s16 =	ssub.s32 s14, s12;
	s12 =	sxor.u32 s11, s20;
	s6 =	sxor.u32 s31, s9  }
0x417: {  	v3 =	vsel vm3, s3, v3;
	s0 =	sxor.u32 s31, s0;
	s3 =	sxor.u32 s28, s29;
	s9 =	sld [smem:$0x755]  }
0x418: {  	v3 =	vsel vm4, s2, v3;
	s29 =	sld [smem:$0x74D];
	s6 =	ssub.s32 s6, s31;
	s0 =	ssub.s32 s0, s31  }
0x419: {  	v3 =	vsel vm5, s1, v3;
	v2 =	vsel vm5, s5, v2;
	s31 =	sxor.u32 s28, s19;
	s3 =	ssub.s32 s3, s28;
	s19 =	sld [smem:$0x751]  }
0x41a: {  	s7 =	ssub.s32 s31, s28;
	v2 =	vsel vm6, s6, v2;
	v3 =	vsel vm6, s0, v3;
	s0 =	ssub.s32 s12, s11;
	s31 =	sld [smem:$0x74C]  }
0x41b: {  	s5 =	sxor.u32 s9, s10;
	s13 =	sxor.u32 s9, s23;
	v2 =	vsel vm7, s15, v2;
	s15 =	sxor.u32 s11, s26  }
0x41c: {  	v3 =	vsel vm7, s16, v3;
	s5 =	ssub.s32 s5, s9;
	s14 =	ssub.s32 s13, s9;
	s9 =	sld [smem:$0x74F]  }
0x41d: {  	v2 =	vsel vm8, s3, v2;
	v3 =	vsel vm8, s7, v3;
	s16 =	ssub.s32 s15, s11;
	s20 =	sxor.u32 s19, s30;
	s23 =	sxor.u32 s19, s22  }
0x41e: {  	s30 =	sxor.u32 s29, s24;
	s13 =	sxor.u32 s29, s18;
	v2 =	vsel vm9, s5, v2;
	v3 =	vsel vm9, s14, v3;
	s26 =	ssub.s32 s20, s19  }
0x41f: {  	s28 =	ssub.s32 s23, s19;
	v2 =	vsel vm10, s0, v2;
	v3 =	vsel vm10, s16, v3;
	s10 =	sxor.u32 s9, s25;
	s11 =	sxor.u32 s9, s21  }
0x420: {  	s14 =	ssub.s32 s30, s29;
	v2 =	vsel vm11, s26, v2;
	v3 =	vsel vm11, s28, v3;
	s1 =	ssub.s32 s10, s9;
	s12 =	ssub.s32 s11, s9  }
0x421: {  	s15 =	ssub.s32 s13, s29;
	s0 =	sxor.u32 s31, s8;
	s16 =	sxor.u32 s31, s17;
	v2 =	vsel vm12, s1, v2;
	v3 =	vsel vm12, s12, v3  }
0x422: {  	s0 =	ssub.s32 s0, s31;
	s17 =	ssub.s32 s16, s31;
	v2 =	vsel vm13, s14, v2;
	v3 =	vsel vm13, s15, v3  }
0x423: {  	v2 =	vsel vm14, s0, v2;
	v3 =	vsel vm14, s17, v3  }
0x424: {  	v3 =	vadd.s32 v3, v2  }
0x425: {  	v3 =	vadd.s32 $0x1, v3  }
0x426: {  	v3 =	vshll.u32 v3, $0x18  }
0x427: {  	v3 =	vshra.s32 v3, $0x18  }
0x428: {  	(v2sf) =	vpush v3, $0xE  }
0x429: {  	(v2sf) =	vpush v3, $0xD  }
0x42a: {  	(v2sf) =	vpush v3, $0xC  }
0x42b: {  	(v2sf) =	vpush v3, $0xB  }
0x42c: {  	(v2sf) =	vpush v3, $0xA  }
0x42d: {  	(v2sf) =	vpush v3, $0x9  }
0x42e: {  	(v2sf) =	vpush v3, $0x8;
	_ =	sdelay $0x1  }
0x42f: {  	(v2sf) =	vpush v3, $0x7  }
0x430: {  	(v2sf) =	vpush v3, $0x6  }
0x431: {  	(v2sf) =	vpush v3, $0x5  }
0x432: {  	(v2sf) =	vpush v3, $0x4  }
0x433: {  	(v2sf) =	vpush v3, $0x3;
	_ =	sdelay $0x1  }
0x434: {  	(v2sf) =	vpush v3, $0x2  }
0x435: {  	(v2sf) =	vpush v3, $0x1;
	s18 =	spop (v2sf)  }
0x436: {  	s24 =	sld [smem:$0x74E];
	(v2sf) =	vpush v3, $0x0;
	s19 =	spop (v2sf)  }
0x437: {  	s30 =	sld [smem:$0x752];
	(v2sf) =	vpush v3, $0xF;
	s0 =	sshra.s32 s18, $0x1F;
	s20 =	spop (v2sf)  }
0x438: {  	s26 =	sld [smem:$0x750];
	s1 =	sxor.u32 s0, s18;
	s21 =	spop (v2sf)  }
0x439: {  	s23 =	ssub.s32 s1, s0;
	s1 =	sshra.s32 s19, $0x1F;
	s22 =	spop (v2sf)  }
0x43a: {  	(drf) =	srem.u32 s23, s24;
	s2 =	sxor.u32 s1, s19;
	s6 =	spop (v2sf)  }
0x43b: {  	s25 =	ssub.s32 s2, s1;
	s2 =	sshra.s32 s20, $0x1F;
	s7 =	spop (v2sf)  }
0x43c: {  	(drf) =	srem.u32 s25, s26;
	s3 =	sxor.u32 s2, s20;
	s25 =	sld [smem:$0x76B]  }
0x43d: {  	s26 =	sld [smem:$0x769];
	s9 =	spop (v2sf);
	s28 =	ssub.s32 s3, s2  }
0x43e: {  	s3 =	sshra.s32 s21, $0x1F;
	s8 =	spop (v2sf);
	(drf) =	srem.u32 s28, s30  }
0x43f: {  	s4 =	sxor.u32 s3, s21;
	s21 =	sld [smem:$0x754];
	s11 =	spop (v2sf)  }
0x440: {  	s19 =	ssub.s32 s4, s3;
	s4 =	sshra.s32 s22, $0x1F;
	s10 =	spop (v2sf)  }
0x441: {  	s5 =	sxor.u32 s4, s22;
	s22 =	sld [smem:$0x756];
	s13 =	spop (v2sf)  }
0x442: {  	(drf) =	srem.u32 s19, s21;
	s19 =	sld [smem:$0x765]  }
0x443: {  	s5 =	ssub.s32 s5, s4;
	s21 =	sld [smem:$0x763];
	s12 =	spop (v2sf)  }
0x444: {  	s29 =	spop (v2sf);
	(drf) =	srem.u32 s5, s22;
	s15 =	sshra.s32 s12, $0x1F  }
0x445: {  	s22 =	rddreg [dreg:$0x1e];
	s31 =	spop (v2sf);
	s14 =	sshra.s32 s29, $0x1F  }
0x446: {  	s12 =	sxor.u32 s15, s12;
	s20 =	spop (v2sf);
	s18 =	sshra.s32 s31, $0x1F  }
0x447: {  	s28 =	sxor.u32 s14, s29;
	s29 =	sld [smem:$0x767];
	s30 =	ssub.s32 s12, s15  }
0x448: {  	s12 =	sshra.s32 s11, $0x1F;
	s16 =	sshra.s32 s20, $0x1F;
	s23 =	sxor.u32 s18, s31  }
0x449: {  	s11 =	sxor.u32 s12, s11;
	s17 =	sxor.u32 s16, s20;
	s5 =	ssub.s32 s23, s18  }
0x44a: {  	s11 =	ssub.s32 s11, s12;
	s24 =	ssub.s32 s17, s16;
	s17 =	sshra.s32 s13, $0x1F  }
0x44b: {  	(drf) =	srem.u32 s24, s25;
	s31 =	sxor.u32 s17, s13;
	s13 =	sshra.s32 s10, $0x1F  }
0x44c: {  	s24 =	rddreg [dreg:$0x1a];
	(drf) =	srem.u32 s5, s26;
	s5 =	ssub.s32 s28, s14  }
0x44d: {  	s20 =	ssub.s32 s31, s17;
	s26 =	rddreg [dreg:$0x16];
	(drf) =	srem.u32 s5, s29  }
0x44e: {  	s10 =	sxor.u32 s13, s10;
	s28 =	rddreg [dreg:$0x12];
	(drf) =	srem.u32 s30, s19  }
0x44f: {  	s31 =	rddreg [dreg:$0xa];
	s10 =	ssub.s32 s10, s13;
	(drf) =	srem.u32 s20, s21  }
0x450: {  	s5 =	spop (drf);
	(drf) =	srem.u32 s10, s22;
	s10 =	sshra.s32 s8, $0x1F  }
0x451: {  	s29 =	rddreg [dreg:$0xe];
	s23 =	sxor.u32 s10, s8;
	s8 =	spop (drf)  }
0x452: {  	(drf) =	srem.u32 s11, s24;
	s11 =	sshra.s32 s9, $0x1F;
	s19 =	ssub.s32 s23, s10  }
0x453: {  	s25 =	sxor.u32 s11, s9;
	s9 =	spop (drf);
	(drf) =	srem.u32 s19, s26  }
0x454: {  	s19 =	sshra.s32 s7, $0x1F;
	s20 =	ssub.s32 s25, s11;
	s21 =	spop (drf)  }
0x455: {  	(drf) =	srem.u32 s20, s28;
	s20 =	sshra.s32 s6, $0x1F;
	s7 =	sxor.u32 s19, s7  }
0x456: {  	s22 =	spop (drf);
	s6 =	sxor.u32 s20, s6;
	s7 =	ssub.s32 s7, s19  }
0x457: {  	s30 =	spop (drf);
	(drf) =	srem.u32 s7, s29;
	s6 =	ssub.s32 s6, s20  }
0x458: {  	s24 =	sxor.u32 s16, s30;
	s25 =	spop (drf);
	(drf) =	srem.u32 s6, s31  }
0x459: {  	s7 =	sxor.u32 s18, s25;
	s6 =	ssub.s32 s24, s16;
	s26 =	spop (drf)  }
0x45a: {  	s7 =	ssub.s32 s7, s18;
	v3 =	vmov s6;
	s28 =	sxor.u32 s14, s26;
	s29 =	spop (drf)  }
0x45b: {  	v3 =	vsel vm0, s7, v3;
	s6 =	ssub.s32 s28, s14;
	s30 =	sxor.u32 s15, s29;
	s31 =	spop (drf)  }
0x45c: {  	v3 =	vsel vm1, s6, v3;
	s7 =	ssub.s32 s30, s15;
	s15 =	sxor.u32 s17, s31;
	s16 =	spop (drf)  }
0x45d: {  	v3 =	vsel vm2, s7, v3;
	s18 =	ssub.s32 s15, s17;
	s23 =	sxor.u32 s13, s16;
	s24 =	spop (drf)  }
0x45e: {  	v3 =	vsel vm3, s18, v3;
	s25 =	ssub.s32 s23, s13;
	s26 =	sxor.u32 s12, s24;
	s28 =	spop (drf)  }
0x45f: {  	v3 =	vsel vm4, s25, v3;
	s29 =	ssub.s32 s26, s12;
	s30 =	sxor.u32 s10, s28;
	s31 =	spop (drf)  }
0x460: {  	v3 =	vsel vm5, s29, v3;
	s10 =	ssub.s32 s30, s10;
	s12 =	sxor.u32 s11, s31;
	s13 =	spop (drf)  }
0x461: {  	v3 =	vsel vm6, s10, v3;
	s14 =	ssub.s32 s12, s11;
	s15 =	sxor.u32 s19, s13;
	s16 =	spop (drf)  }
0x462: {  	v3 =	vsel vm7, s14, v3;
	s17 =	ssub.s32 s15, s19;
	s18 =	sxor.u32 s20, s16  }
0x463: {  	v3 =	vsel vm8, s17, v3;
	s19 =	ssub.s32 s18, s20;
	s20 =	sxor.u32 s4, s22  }
0x464: {  	s21 =	sxor.u32 s3, s21;
	v3 =	vsel vm9, s19, v3;
	s4 =	ssub.s32 s20, s4  }
0x465: {  	s3 =	ssub.s32 s21, s3;
	s22 =	sxor.u32 s2, s9;
	v3 =	vsel vm10, s4, v3  }
0x466: {  	s23 =	sxor.u32 s1, s8;
	s2 =	ssub.s32 s22, s2;
	v3 =	vsel vm11, s3, v3  }
0x467: {  	s24 =	sxor.u32 s0, s5;
	s1 =	ssub.s32 s23, s1;
	v3 =	vsel vm12, s2, v3  }
0x468: {  	s0 =	ssub.s32 s24, s0;
	v3 =	vsel vm13, s1, v3  }
0x469: {  	v1 =	vshrl.u32 v1, $0x5;
	v3 =	vsel vm14, s0, v3  }
0x46a: {  	s25 =	rddreg [dreg:$0x6];
	v3 =	vadd.s32 v3, v1  }
0x46b: {  	s26 =	rddreg [dreg:$0x0];
	v1 =	vadd.s32 v1, v2;
	[tilespmem:s25+$0x4B00] =	vst v3  }
0x46c: {  	s28 =	simm.s32 $0x3E80;
	s29 =	simm.s32 $0x5780;
	s3 =	simm.s32 $0xC80;
	[tilespmem:s25+$0x3E80] =	vst v1  }
0x46d: {  	[tilespmem:s29], [sflag:$0x1] =	stream.indirect.gather [hbm4b:s26+s3], $0x1, s28, s3, $0xb8;
	[tilespmem:$0x7080] =	vst v63  }
0x46e: {  	s30 =	simm.s32 $0x4B00;
	s31 =	simm.s32 $0x6400;
	s4 =	simm.s32 $0x1  }
0x46f: {  	[tilespmem:s31], [sflag:$0x1] =	stream.indirect.gather [hbm4b:s26+s3], $0x1, s30, s3, $0xb8;
	[tilespmem:$0x7080] =	vst v63  }
0x470: {  	_ =	swait.ge [sflag:s4], $0xC80  }
0x471: {  	[sflag:s4] =	ssyncset.done $0x0  }
0x472: {  	[sflag:s4] =	ssyncadd.s32 $0xFFFFF380  }
0x473: {  	_ =	swait.ge [sflag:s4], $0xC80  }
0x474: {  	[sflag:s4] =	ssyncset.done $0x0  }
0x475: {  	s0 =	simm.s32 $0x0;
	[sflag:s4] =	ssyncadd.s32 $0xFFFFF380  }
0x476: {  	v1 =	vld [tilespmem:s0+$0x5780]  }
0x477: {  	v2 =	vld [tilespmem:s0+$0x0]  }
0x478: {  	s1 =	simm.s32 $0x40;
	v3 =	vld [tilespmem:s0+$0x6400]  }
.LBB2_10:
0x479: {  	p0 =	sne.s32 s1, $0x31C0  }
.Ltmp4:
0x47a: {  	_ = 	snop;
	(pc) =	sbr.rel @p0 .LBB2_10-.Ltmp4, $4  }
0x47b: {  	s2 =	sshra.s32 s1, $0x2;
	v4 =	vmov v1  }
0x47c: {  	v1 =	vld [tilespmem:s2+$0x5780];
	vm15 =	veq.s32 v4, v2  }
0x47d: {  	v2 =	vld [tilespmem:s2+$0x0];
	v4 =	vsel vm15, v3, v4  }
0x47e: {  	s1 =	sadd.s32 $0x40, s1;
	v3 =	vld [tilespmem:s2+$0x6400];
	[tilespmem:s0+$0xC80] =	vst v4;
	s0 =	smov.u32 s2  }
0x47f: {  	_ =	sdelay $0x2  }
0x480: {  	s1 =	sld [smem:$0x7FB];
	vm15 =	veq.s32 v1, v2  }
0x481: {  	v1 =	vsel vm15, v3, v1  }
0x482: {  	s31 =	simm.s32 $0x0;
	s5 =	simm.s32 $0x1;
	[tilespmem:s0+$0xC80] =	vst v1  }
0x483: {  	[hbm4b:s1+s31] =	stream.linear.scatter [tilespmem:s3], [sflag:$0x2], $0xC80, $0x38;
	[tilespmem:$0x7080] =	vst v63  }
.LBB2_12:
0x484: {  	s22 =	sld [smem:$0x7F4]  }
0x485: {  	s0 =	smul.u32 $0x30D40, s5;
	s1 =	rddreg [dreg:$0x1];
	s2 =	simm.s32 $0x2580  }
0x486: {  	[tilespmem:s2], [sflag:$0x1] =	stream.indirect.gather [hbm4b:s1+s3], $0x1, s3, s3, $0xb8;
	[tilespmem:$0x7080] =	vst v63  }
0x487: {  	[smem:$0x6CE] =	sst s5;
	s0 =	sadd.s32 s22, s0  }
0x488: {  	s23 =	rddreg [dreg:$0x2];
	s0 =	sshrl.u32 s0, $0x3  }
0x489: {  	s24 =	simm.s32 $0x0;
	s25 =	simm.s32 $0x3200;
	s0 =	sadd.s32 s23, s0  }
0x48a: {  	[tilespmem:s25], [sflag:$0x1] =	stream.linear.gather [hbm4b:s0+s24], $0xC80, $0x38;
	[tilespmem:$0x7080] =	vst v63  }
0x48b: {  	_ =	swait.ge [sflag:s4], $0xC80  }
0x48c: {  	[sflag:s4] =	ssyncset.done $0x0  }
0x48d: {  	[sflag:s4] =	ssyncadd.s32 $0xFFFFF380  }
0x48e: {  	_ =	swait.ge [sflag:s4], $0xC80  }
0x48f: {  	[sflag:s4] =	ssyncset.done $0x0  }
0x490: {  	s26 =	simm.s32 $0x0;
	[sflag:s4] =	ssyncadd.s32 $0xFFFFF380  }
0x491: {  	v2 =	vld [tilespmem:s26+$0x3200];
	_ =	sdelay $0x4  }
0x492: {  	(v2sf) =	vpush v2, $0xE  }
0x493: {  	(v2sf) =	vpush v2, $0xD  }
0x494: {  	(v2sf) =	vpush v2, $0xC  }
0x495: {  	(v2sf) =	vpush v2, $0xB  }
0x496: {  	(v2sf) =	vpush v2, $0xA  }
0x497: {  	(v2sf) =	vpush v2, $0x9  }
0x498: {  	(v2sf) =	vpush v2, $0x8  }
0x499: {  	(v2sf) =	vpush v2, $0x7  }
0x49a: {  	(v2sf) =	vpush v2, $0x6  }
0x49b: {  	(v2sf) =	vpush v2, $0x5  }
0x49c: {  	v1 =	vld [tilespmem:s26+$0x2580];
	(v2sf) =	vpush v2, $0x4  }
0x49d: {  	(v2sf) =	vpush v2, $0x3  }
0x49e: {  	(v2sf) =	vpush v2, $0x2  }
0x49f: {  	(v2sf) =	vpush v2, $0x1  }
0x4a0: {  	(v2sf) =	vpush v2, $0x0  }
0x4a1: {  	v3 =	vand.u32 $0x1F, v1;
	(v2sf) =	vpush v2, $0xF;
	s8 =	spop (v2sf)  }
0x4a2: {  	s10 =	spop (v2sf);
	(v2sf) =	vpush v3, $0xE  }
0x4a3: {  	s3 =	spop (v2sf)  }
0x4a4: {  	(v2sf) =	vpush v3, $0xD;
	s11 =	spop (v2sf)  }
0x4a5: {  	(v2sf) =	vpush v3, $0xC;
	s12 =	spop (v2sf)  }
0x4a6: {  	(v2sf) =	vpush v3, $0xB;
	s22 =	spop (v2sf)  }
0x4a7: {  	(v2sf) =	vpush v3, $0xA;
	s14 =	spop (v2sf)  }
0x4a8: {  	(v2sf) =	vpush v3, $0x9;
	s6 =	spop (v2sf)  }
0x4a9: {  	(v2sf) =	vpush v3, $0x8;
	s20 =	spop (v2sf)  }
0x4aa: {  	(v2sf) =	vpush v3, $0x7;
	s25 =	spop (v2sf)  }
0x4ab: {  	s28 =	simm.s32 $0x0;
	(v2sf) =	vpush v3, $0x6;
	s26 =	spop (v2sf)  }
0x4ac: {  	[dreg:$0x7] =	wrdreg s28;
	s0 =	sshra.s32 s3, $0x1F;
	(v2sf) =	vpush v3, $0x5;
	s28 =	spop (v2sf)  }
0x4ad: {  	[smem:$0x6D2] =	sst s0;
	(v2sf) =	vpush v3, $0x4;
	s29 =	spop (v2sf)  }
0x4ae: {  	[smem:$0x6DA] =	sst s29;
	s1 =	spop (v2sf)  }
0x4af: {  	(v2sf) =	vpush v3, $0x3;
	[smem:$0x6DB] =	sst s1;
	s2 =	spop (v2sf)  }
0x4b0: {  	(v2sf) =	vpush v3, $0x2;
	[smem:$0x6DC] =	sst s2;
	s4 =	spop (v2sf)  }
0x4b1: {  	(v2sf) =	vpush v3, $0x1;
	[smem:$0x6DF] =	sst s4;
	s13 =	spop (v2sf)  }
0x4b2: {  	(v2sf) =	vpush v3, $0x0;
	s4 =	sshra.s32 s12, $0x1F;
	[smem:$0x6D1] =	sst s13  }
0x4b3: {  	v2 =	vmax.u32 v3, $0x2;
	(v2sf) =	vpush v3, $0xF;
	s7 =	spop (v2sf);
	[smem:$0x6D6] =	sst s4  }
0x4b4: {  	v2 =	vadd.s32 $0xFFFFFFFF, v2;
	s16 =	spop (v2sf);
	[smem:$0x6D3] =	sst s7  }
0x4b5: {  	(v2sf) =	vpush v2, $0xE;
	s15 =	spop (v2sf);
	[smem:$0x6D5] =	sst s16  }
0x4b6: {  	s29 =	spop (v2sf);
	[smem:$0x6D7] =	sst s15  }
0x4b7: {  	s18 =	spop (v2sf);
	[smem:$0x6D9] =	sst s29  }
0x4b8: {  	s21 =	spop (v2sf);
	[dreg:$0xb] =	wrdreg s18  }
0x4b9: {  	s23 =	spop (v2sf);
	[dreg:$0xf] =	wrdreg s21  }
0x4ba: {  	s30 =	spop (v2sf);
	[dreg:$0x13] =	wrdreg s23  }
0x4bb: {  	s5 =	spop (v2sf);
	[dreg:$0x17] =	wrdreg s30  }
0x4bc: {  	[dreg:$0x1b] =	wrdreg s5;
	s9 =	spop (v2sf)  }
0x4bd: {  	s5 =	sshra.s32 s6, $0x1F;
	[dreg:$0x1f] =	wrdreg s9  }
0x4be: {  	s17 =	spop (v2sf);
	[smem:$0x6DD] =	sst s5  }
0x4bf: {  	s31 =	sshra.s32 s14, $0x1F;
	[smem:$0x6E5] =	sst s17;
	s19 =	spop (v2sf)  }
0x4c0: {  	s12 =	sxor.u32 s4, s12;
	[smem:$0x6E7] =	sst s19;
	s24 =	spop (v2sf)  }
0x4c1: {  	s19 =	sxor.u32 s31, s14;
	[smem:$0x6EA] =	sst s24;
	s1 =	spop (v2sf)  }
0x4c2: {  	s24 =	sshra.s32 s8, $0x1F;
	[smem:$0x6ED] =	sst s1;
	s2 =	spop (v2sf)  }
0x4c3: {  	s1 =	sshra.s32 s10, $0x1F;
	s8 =	sxor.u32 s24, s8;
	[smem:$0x6CF] =	sst s24  }
0x4c4: {  	[smem:$0x6EF] =	sst s2;
	s9 =	spop (v2sf);
	s10 =	sxor.u32 s1, s10  }
0x4c5: {  	s2 =	sshra.s32 s11, $0x1F;
	s8 =	ssub.s32 s8, s24;
	[smem:$0x6D0] =	sst s1  }
0x4c6: {  	s17 =	sshra.s32 s9, $0x1F;
	s24 =	ssub.s32 s10, s1;
	[smem:$0x6D4] =	sst s2  }
0x4c7: {  	(drf) =	srem.u32 s8, s13;
	s13 =	ssub.s32 s12, s4;
	s12 =	sld [smem:$0x6DB]  }
0x4c8: {  	(v2sf) =	vpush v2, $0xD;
	s9 =	sxor.u32 s17, s9;
	(drf) =	srem.u32 s24, s7;
	s7 =	sshra.s32 s25, $0x1F  }
0x4c9: {  	s9 =	ssub.s32 s9, s17;
	s17 =	sxor.u32 s0, s3;
	s3 =	sshra.s32 s22, $0x1F  }
0x4ca: {  	(v2sf) =	vpush v2, $0xC;
	s1 =	sxor.u32 s7, s25;
	s25 =	ssub.s32 s19, s31;
	s19 =	sld [smem:$0x6DC]  }
0x4cb: {  	s11 =	sxor.u32 s2, s11;
	[smem:$0x6E0] =	sst s7;
	s14 =	sxor.u32 s3, s22  }
0x4cc: {  	s22 =	sxor.u32 s5, s6;
	s6 =	sshra.s32 s20, $0x1F;
	s10 =	ssub.s32 s17, s0  }
0x4cd: {  	s0 =	ssub.s32 s11, s2;
	s11 =	sshra.s32 s26, $0x1F;
	[smem:$0x6D8] =	sst s3  }
0x4ce: {  	s17 =	sxor.u32 s11, s26;
	s26 =	ssub.s32 s14, s3;
	s3 =	sld [smem:$0x6DA]  }
0x4cf: {  	s20 =	sxor.u32 s6, s20;
	[smem:$0x6DE] =	sst s6  }
0x4d0: {  	(drf) =	srem.u32 s10, s16;
	s5 =	ssub.s32 s22, s5;
	s22 =	sld [smem:$0x6DF]  }
0x4d1: {  	s16 =	sshra.s32 s28, $0x1F;
	s14 =	sshra.s32 s12, $0x1F;
	[smem:$0x6E1] =	sst s11  }
0x4d2: {  	(drf) =	srem.u32 s0, s15;
	s4 =	sxor.u32 s16, s28;
	[smem:$0x6E2] =	sst s16  }
0x4d3: {  	s2 =	sxor.u32 s14, s12;
	s28 =	ssub.s32 s20, s6;
	[smem:$0x6E6] =	sst s14  }
0x4d4: {  	(drf) =	srem.u32 s13, s29;
	s29 =	sshra.s32 s19, $0x1F;
	s15 =	sshra.s32 s3, $0x1F  }
0x4d5: {  	(drf) =	srem.u32 s26, s18;
	s6 =	sshra.s32 s22, $0x1F;
	[smem:$0x6E8] =	sst s29  }
0x4d6: {  	(v2sf) =	vpush v2, $0xB;
	(drf) =	srem.u32 s25, s21;
	s21 =	ssub.s32 s17, s11;
	s11 =	rddreg [dreg:$0x1f]  }
0x4d7: {  	s20 =	spop (v2sf);
	s12 =	sxor.u32 s6, s22;
	[smem:$0x6E4] =	sst s15  }
0x4d8: {  	s22 =	ssub.s32 s1, s7;
	s7 =	ssub.s32 s4, s16;
	s16 =	sld [smem:$0x6E5]  }
0x4d9: {  	(v2sf) =	vpush v2, $0xA;
	s18 =	spop (v2sf);
	[smem:$0x6EB] =	sst s6  }
0x4da: {  	(drf) =	srem.u32 s5, s23;
	s23 =	rddreg [dreg:$0x1b]  }
0x4db: {  	(v2sf) =	vpush v2, $0x9;
	s4 =	spop (drf);
	(drf) =	srem.u32 s28, s30  }
0x4dc: {  	s19 =	sxor.u32 s29, s19;
	[smem:$0x6E3] =	sst s4;
	s17 =	spop (drf)  }
0x4dd: {  	(v2sf) =	vpush v2, $0x8;
	s4 =	ssub.s32 s2, s14;
	s14 =	sld [smem:$0x6ED];
	(drf) =	srem.u32 s22, s23  }
0x4de: {  	s3 =	sxor.u32 s15, s3;
	s23 =	sld [smem:$0x6E7];
	(drf) =	srem.u32 s21, s11  }
0x4df: {  	(v2sf) =	vpush v2, $0x7;
	s1 =	ssub.s32 s3, s15;
	s11 =	sld [smem:$0x6EA];
	s30 =	spop (drf)  }
0x4e0: {  	s2 =	ssub.s32 s19, s29;
	(drf) =	srem.u32 s7, s16;
	s29 =	spop (drf)  }
0x4e1: {  	(v2sf) =	vpush v2, $0x6;
	(drf) =	srem.u32 s1, s23;
	[smem:$0x6E9] =	sst s29  }
0x4e2: {  	s23 =	ssub.s32 s12, s6;
	s12 =	spop (drf);
	s29 =	sld [smem:$0x6EF]  }
0x4e3: {  	(v2sf) =	vpush v2, $0x5;
	s16 =	sshra.s32 s20, $0x1F;
	(drf) =	srem.u32 s4, s11;
	[smem:$0x6EC] =	sst s12  }
0x4e4: {  	s6 =	sxor.u32 s16, s20;
	(drf) =	srem.u32 s2, s14;
	s15 =	spop (drf)  }
0x4e5: {  	(v2sf) =	vpush v2, $0x4;
	s12 =	spop (v2sf);
	s14 =	sshra.s32 s18, $0x1F;
	[smem:$0x6EE] =	sst s15  }
0x4e6: {  	s20 =	spop (drf);
	s15 =	sxor.u32 s14, s18;
	(drf) =	srem.u32 s23, s29  }
0x4e7: {  	s18 =	sshra.s32 s12, $0x1F;
	s11 =	spop (drf);
	(drf) =	srem.u32 s8, s9  }
0x4e8: {  	s9 =	ssub.s32 s6, s16;
	[smem:$0x6F0] =	sst s11;
	s16 =	spop (v2sf)  }
0x4e9: {  	s6 =	sxor.u32 s18, s12;
	(drf) =	srem.u32 s24, s9;
	s24 =	spop (drf)  }
0x4ea: {  	s9 =	ssub.s32 s15, s14;
	s6 =	ssub.s32 s6, s18;
	s3 =	spop (v2sf)  }
0x4eb: {  	s8 =	sshra.s32 s16, $0x1F;
	[smem:$0x6F1] =	sst s24;
	s29 =	spop (drf)  }
0x4ec: {  	(v2sf) =	vpush v2, $0x3;
	(drf) =	srem.u32 s10, s9;
	s10 =	sxor.u32 s8, s16;
	s11 =	spop (v2sf)  }
0x4ed: {  	s12 =	sshra.s32 s3, $0x1F;
	[smem:$0x6F2] =	sst s29;
	s16 =	spop (drf)  }
0x4ee: {  	(v2sf) =	vpush v2, $0x2;
	(drf) =	srem.u32 s0, s6;
	s9 =	ssub.s32 s10, s8;
	s14 =	spop (v2sf)  }
0x4ef: {  	(v2sf) =	vpush v2, $0x1;
	s6 =	sxor.u32 s12, s3;
	s15 =	sshra.s32 s11, $0x1F;
	s18 =	spop (drf)  }
0x4f0: {  	(drf) =	srem.u32 s13, s9;
	s6 =	ssub.s32 s6, s12;
	s24 =	spop (v2sf)  }
0x4f1: {  	(v2sf) =	vpush v2, $0x0;
	s19 =	sxor.u32 s15, s11;
	(drf) =	srem.u32 s26, s6;
	s29 =	spop (drf)  }
0x4f2: {  	(v2sf) =	vpush v2, $0xF;
	s26 =	sshra.s32 s14, $0x1F;
	s9 =	ssub.s32 s19, s15;
	s11 =	spop (v2sf)  }
0x4f3: {  	s12 =	sshra.s32 s24, $0x1F;
	s6 =	sxor.u32 s26, s14;
	s10 =	spop (drf)  }
0x4f4: {  	(drf) =	srem.u32 s25, s9;
	s13 =	sxor.u32 s12, s24;
	s14 =	spop (v2sf)  }
0x4f5: {  	s15 =	sshra.s32 s11, $0x1F;
	s6 =	ssub.s32 s6, s26;
	[smem:$0x6F4] =	sst s10  }
0x4f6: {  	s10 =	ssub.s32 s13, s12;
	s19 =	spop (drf);
	s25 =	sshra.s32 s14, $0x1F  }
0x4f7: {  	(drf) =	srem.u32 s5, s6;
	s6 =	sxor.u32 s15, s11;
	s26 =	sxor.u32 s25, s14  }
0x4f8: {  	(drf) =	srem.u32 s28, s10;
	s6 =	ssub.s32 s6, s15;
	s10 =	spop (drf)  }
0x4f9: {  	s3 =	ssub.s32 s26, s25;
	(drf) =	srem.u32 s22, s6;
	s8 =	spop (drf)  }
0x4fa: {  	(drf) =	srem.u32 s21, s3;
	s21 =	spop (drf)  }
0x4fb: {  	[smem:$0x6F3] =	sst s29;
	s24 =	spop (v2sf)  }
0x4fc: {  	[smem:$0x6F5] =	sst s19;
	s22 =	spop (drf);
	s29 =	sshra.s32 s24, $0x1F  }
0x4fd: {  	[smem:$0x6F6] =	sst s8;
	s6 =	sxor.u32 s29, s24;
	s28 =	spop (v2sf)  }
0x4fe: {  	s9 =	ssub.s32 s6, s29;
	s11 =	spop (v2sf);
	s12 =	sshra.s32 s28, $0x1F  }
0x4ff: {  	(drf) =	srem.u32 s7, s9;
	s13 =	sxor.u32 s12, s28;
	s15 =	sshra.s32 s11, $0x1F  }
0x500: {  	s14 =	spop (v2sf);
	s6 =	ssub.s32 s13, s12;
	s0 =	sxor.u32 s15, s11  }
0x501: {  	s24 =	spop (v2sf);
	s26 =	sshra.s32 s14, $0x1F;
	(drf) =	srem.u32 s1, s6  }
0x502: {  	s19 =	ssub.s32 s0, s15;
	s15 =	spop (drf);
	s28 =	sxor.u32 s26, s14  }
0x503: {  	s29 =	sshra.s32 s24, $0x1F;
	(drf) =	srem.u32 s4, s19;
	s25 =	spop (drf)  }
0x504: {  	s0 =	ssub.s32 s28, s26;
	s6 =	sxor.u32 s29, s24;
	s24 =	spop (drf)  }
0x505: {  	(drf) =	srem.u32 s2, s0;
	s6 =	ssub.s32 s6, s29;
	s26 =	spop (drf)  }
0x506: {  	s0 =	simm.s32 $0x40;
	(drf) =	srem.u32 s23, s6;
	s6 =	spop (drf)  }
.LBB2_13:
0x507: {  	[smem:$0x67C] =	sst s26  }
0x508: {  	[smem:$0x680] =	sst s25  }
0x509: {  	[smem:$0x67E] =	sst s24  }
0x50a: {  	[smem:$0x686] =	sst s21  }
0x50b: {  	[smem:$0x684] =	sst s22  }
0x50c: {  	[smem:$0x682] =	sst s15  }
0x50d: {  	[smem:$0x6CD] =	sst s0  }
0x50e: {  	s23 =	sld [smem:$0x6D0]  }
0x50f: {  	s22 =	sld [smem:$0x6CF]  }
0x510: {  	s9 =	sshra.s32 s0, $0x2;
	s12 =	sld [smem:$0x6E3]  }
0x511: {  	[smem:$0x693] =	sst s9  }
0x512: {  	s29 =	sld [smem:$0x6D6]  }
0x513: {  	s14 =	sld [smem:$0x6EC]  }
0x514: {  	s28 =	sld [smem:$0x6D4]  }
0x515: {  	s15 =	sld [smem:$0x6E9]  }
0x516: {  	s25 =	sld [smem:$0x6D2]  }
0x517: {  	s2 =	sld [smem:$0x6F0]  }
0x518: {  	s4 =	sld [smem:$0x6EE]  }
0x519: {  	s1 =	spop (drf);
	s5 =	sld [smem:$0x6F2]  }
0x51a: {  	[smem:$0x67A] =	sst s1  }
0x51b: {  	s7 =	spop (drf);
	s3 =	sxor.u32 s31, s20;
	s20 =	sld [smem:$0x6E4]  }
0x51c: {  	[smem:$0x679] =	sst s7  }
0x51d: {  	s8 =	spop (drf);
	[smem:$0x67D] =	sst s3  }
0x51e: {  	[smem:$0x678] =	sst s8  }
0x51f: {  	s8 =	sld [smem:$0x6DD]  }
0x520: {  	s21 =	sxor.u32 s25, s30;
	s30 =	sld [smem:$0x6D8]  }
0x521: {  	p0 =	sne.s32 s0, $0x31C0;
	s0 =	sxor.u32 s22, s12;
	s12 =	sld [smem:$0x6E1]  }
0x522: {  	v3 =	vld [tilespmem:s9+$0x3200];
	s11 =	sxor.u32 s23, s17;
	s17 =	smov.u32 s9;
	s9 =	sld [smem:$0x6F4]  }
0x523: {  	s1 =	sxor.u32 s29, s14;
	s14 =	sld [smem:$0x6F3]  }
0x524: {  	[smem:$0x687] =	sst s11  }
0x525: {  	[smem:$0x681] =	sst s1  }
0x526: {  	[smem:$0x685] =	sst s21  }
0x527: {  	s11 =	sld [smem:$0x6E0]  }
0x528: {  	s21 =	sld [smem:$0x6E6]  }
0x529: {  	s1 =	sxor.u32 s28, s15;
	s15 =	sld [smem:$0x6E8]  }
0x52a: {  	[smem:$0x683] =	sst s1  }
0x52b: {  	s19 =	spop (drf);
	s7 =	sxor.u32 s12, s16;
	s16 =	sld [smem:$0x6DE]  }
0x52c: {  	s24 =	spop (drf);
	s1 =	sxor.u32 s8, s2;
	s2 =	sld [smem:$0x6F1]  }
0x52d: {  	s26 =	spop (drf);
	[smem:$0x67B] =	sst s1  }
0x52e: {  	s1 =	sxor.u32 s30, s4;
	s4 =	sxor.u32 s20, s14;
	s14 =	sld [smem:$0x6E2]  }
0x52f: {  	s13 =	spop (drf);
	[smem:$0x67F] =	sst s1  }
0x530: {  	s1 =	sxor.u32 s11, s5;
	s5 =	sxor.u32 s21, s9;
	s9 =	sld [smem:$0x6F5]  }
0x531: {  	s3 =	sxor.u32 s16, s2;
	s2 =	sxor.u32 s14, s18;
	s18 =	sld [smem:$0x6EB]  }
0x532: {  	[smem:$0x688] =	sst s0;
	s0 =	spop (drf)  }
0x533: {  	s13 =	sxor.u32 s15, s13;
	s5 =	ssub.s32 s5, s21;
	s9 =	sxor.u32 s15, s9  }
0x534: {  	s9 =	ssub.s32 s9, s15;
	s10 =	sxor.u32 s18, s10;
	s0 =	sxor.u32 s18, s0  }
0x535: {  	s10 =	ssub.s32 s10, s18;
	s0 =	ssub.s32 s0, s18;
	s18 =	sxor.u32 s21, s26  }
0x536: {  	s15 =	ssub.s32 s13, s15;
	s26 =	sxor.u32 s20, s24;
	v2 =	vmov s10;
	v4 =	vmov s0;
	s0 =	ssub.s32 s18, s21  }
0x537: {  	s18 =	ssub.s32 s7, s12;
	s7 =	sld [smem:$0x67B];
	v2 =	vsel vm0, s9, v2;
	s9 =	sxor.u32 s14, s19  }
0x538: {  	s10 =	ssub.s32 s2, s14;
	s13 =	ssub.s32 s9, s14;
	s14 =	sld [smem:$0x678]  }
0x539: {  	s4 =	ssub.s32 s4, s20;
	v2 =	vsel vm1, s5, v2;
	s5 =	ssub.s32 s26, s20;
	s20 =	sld [smem:$0x679]  }
0x53a: {  	v4 =	vsel vm0, s15, v4;
	s26 =	sld [smem:$0x67A]  }
0x53b: {  	v4 =	vsel vm1, s0, v4;
	s9 =	sld [smem:$0x67C];
	v2 =	vsel vm2, s4, v2  }
0x53c: {  	v4 =	vsel vm2, s5, v4;
	v2 =	vsel vm3, s10, v2;
	s10 =	sld [smem:$0x67D]  }
0x53d: {  	v4 =	vsel vm3, s13, v4;
	s13 =	sld [smem:$0x67F]  }
0x53e: {  	(v2sf) =	vpush v3, $0xE;
	v2 =	vsel vm4, s18, v2;
	s18 =	sld [smem:$0x682]  }
0x53f: {  	(v2sf) =	vpush v3, $0xD;
	s15 =	sxor.u32 s12, s14;
	s2 =	sxor.u32 s16, s26;
	s26 =	sld [smem:$0x686]  }
0x540: {  	(v2sf) =	vpush v3, $0xC;
	s19 =	ssub.s32 s15, s12;
	s12 =	sld [smem:$0x67E]  }
0x541: {  	s6 =	sxor.u32 s8, s6;
	(v2sf) =	vpush v3, $0xB;
	s3 =	ssub.s32 s3, s16;
	s15 =	sld [smem:$0x680]  }
0x542: {  	(v2sf) =	vpush v3, $0xA;
	s21 =	sxor.u32 s11, s20;
	s5 =	ssub.s32 s2, s16;
	s16 =	sld [smem:$0x681]  }
0x543: {  	s1 =	ssub.s32 s1, s11;
	(v2sf) =	vpush v3, $0x9;
	s24 =	ssub.s32 s21, s11;
	s21 =	sld [smem:$0x684]  }
0x544: {  	(v2sf) =	vpush v3, $0x8;
	v2 =	vsel vm5, s1, v2;
	s1 =	ssub.s32 s7, s8;
	s2 =	sxor.u32 s31, s9;
	v4 =	vsel vm4, s19, v4;
	s19 =	sld [smem:$0x683]  }
0x545: {  	(v2sf) =	vpush v3, $0x7;
	s8 =	ssub.s32 s6, s8;
	v2 =	vsel vm6, s3, v2;
	s11 =	ssub.s32 s2, s31;
	s3 =	sld [smem:$0x6F6];
	v4 =	vsel vm5, s24, v4  }
0x546: {  	(v2sf) =	vpush v3, $0x6;
	v2 =	vsel vm7, s1, v2;
	s1 =	ssub.s32 s10, s31;
	s24 =	sld [smem:$0x685];
	v4 =	vsel vm6, s5, v4;
	s2 =	sxor.u32 s30, s12  }
0x547: {  	(v2sf) =	vpush v3, $0x5;
	v5 =	vsel vm8, s1, v2;
	s1 =	ssub.s32 s13, s30;
	v4 =	vsel vm7, s8, v4;
	s14 =	ssub.s32 s2, s30;
	s2 =	sxor.u32 s29, s15  }
0x548: {  	(v2sf) =	vpush v3, $0x4;
	v2 =	vld [tilespmem:s17+$0x2580];
	v5 =	vsel vm9, s1, v5;
	s1 =	ssub.s32 s16, s29;
	v4 =	vsel vm8, s11, v4;
	s17 =	ssub.s32 s2, s29;
	s2 =	sxor.u32 s28, s18  }
0x549: {  	(v2sf) =	vpush v3, $0x3;
	v5 =	vsel vm10, s1, v5;
	s1 =	ssub.s32 s19, s28;
	v4 =	vsel vm9, s14, v4;
	s20 =	ssub.s32 s2, s28;
	s28 =	sld [smem:$0x687]  }
0x54a: {  	(v2sf) =	vpush v3, $0x2;
	s5 =	sld [smem:$0x688];
	s2 =	sxor.u32 s25, s21;
	v4 =	vsel vm10, s17, v4  }
0x54b: {  	(v2sf) =	vpush v3, $0x1;
	v5 =	vsel vm11, s1, v5;
	s1 =	ssub.s32 s24, s25;
	s25 =	ssub.s32 s2, s25;
	s2 =	sxor.u32 s23, s26;
	v4 =	vsel vm11, s20, v4  }
0x54c: {  	(v2sf) =	vpush v3, $0x0;
	v5 =	vsel vm12, s1, v5;
	s29 =	ssub.s32 s2, s23;
	s2 =	sxor.u32 s22, s3;
	s1 =	ssub.s32 s28, s23;
	v4 =	vsel vm12, s25, v4  }
0x54d: {  	(v2sf) =	vpush v3, $0xF;
	s4 =	spop (v2sf);
	s6 =	ssub.s32 s2, s22;
	v3 =	vsel vm13, s1, v5;
	s1 =	ssub.s32 s5, s22;
	v59 =	vsel vm13, s29, v4  }
0x54e: {  	s7 =	spop (v2sf);
	v60 =	vand.u32 $0x1F, v2;
	v3 =	vsel vm14, s1, v3;
	v5 =	vsel vm14, s6, v59  }
0x54f: {  	s8 =	spop (v2sf);
	(v2sf) =	vpush v60, $0xE;
	v5 =	vadd.s32 v5, v3  }
0x550: {  	[smem:$0x696] =	sst s4;
	s9 =	spop (v2sf);
	(v2sf) =	vpush v60, $0xD;
	v5 =	vadd.s32 $0x1, v5  }
0x551: {  	[smem:$0x695] =	sst s7;
	s10 =	spop (v2sf);
	(v2sf) =	vpush v60, $0xC;
	v5 =	vshll.u32 v5, $0x18  }
0x552: {  	[smem:$0x694] =	sst s8;
	s11 =	spop (v2sf);
	(v2sf) =	vpush v60, $0xB;
	v5 =	vshra.s32 v5, $0x18  }
0x553: {  	[smem:$0x699] =	sst s9;
	s12 =	spop (v2sf);
	(v2sf) =	vpush v5, $0xE  }
0x554: {  	[smem:$0x698] =	sst s10;
	s13 =	spop (v2sf);
	(v2sf) =	vpush v5, $0xD  }
0x555: {  	[smem:$0x697] =	sst s11;
	s14 =	spop (v2sf);
	(v2sf) =	vpush v5, $0xC  }
0x556: {  	[smem:$0x69C] =	sst s12;
	s15 =	spop (v2sf);
	(v2sf) =	vpush v5, $0xB  }
0x557: {  	[smem:$0x69B] =	sst s13  }
0x558: {  	[smem:$0x69A] =	sst s14;
	s16 =	spop (v2sf);
	(v2sf) =	vpush v5, $0xA  }
0x559: {  	[smem:$0x69F] =	sst s15;
	s17 =	spop (v2sf);
	(v2sf) =	vpush v5, $0x9  }
0x55a: {  	[smem:$0x69E] =	sst s16;
	s18 =	spop (v2sf);
	(v2sf) =	vpush v5, $0x8  }
0x55b: {  	[smem:$0x69D] =	sst s17;
	s19 =	spop (v2sf)  }
0x55c: {  	[smem:$0x6A2] =	sst s18;
	s20 =	spop (v2sf);
	(v2sf) =	vpush v5, $0x7  }
0x55d: {  	[smem:$0x6A1] =	sst s19;
	s21 =	spop (v2sf);
	(v2sf) =	vpush v5, $0x6  }
0x55e: {  	[smem:$0x6A0] =	sst s20;
	s22 =	spop (v2sf)  }
0x55f: {  	[smem:$0x6A3] =	sst s21;
	(v2sf) =	vpush v5, $0x5;
	s23 =	spop (v2sf)  }
0x560: {  	[smem:$0x68F] =	sst s22;
	s24 =	spop (v2sf)  }
0x561: {  	(v2sf) =	vpush v5, $0x4;
	[smem:$0x690] =	sst s23;
	s25 =	spop (v2sf)  }
0x562: {  	[smem:$0x691] =	sst s24;
	s28 =	spop (v2sf)  }
0x563: {  	[smem:$0x692] =	sst s25;
	s30 =	spop (v2sf)  }
0x564: {  	(v2sf) =	vpush v5, $0x3;
	s0 =	sshra.s32 s28, $0x1F;
	s31 =	spop (v2sf);
	s1 =	sshra.s32 s30, $0x1F  }
0x565: {  	(v2sf) =	vpush v5, $0x2;
	[smem:$0x68E] =	sst s0;
	s28 =	sxor.u32 s0, s28;
	s12 =	spop (v2sf)  }
0x566: {  	(v2sf) =	vpush v5, $0x1;
	s9 =	sshra.s32 s31, $0x1F;
	s30 =	sxor.u32 s1, s30;
	s28 =	ssub.s32 s28, s0  }
0x567: {  	(v2sf) =	vpush v5, $0x0;
	s0 =	sld [smem:$0x6D3];
	s3 =	spop (v2sf);
	s2 =	sshra.s32 s12, $0x1F  }
0x568: {  	(v2sf) =	vpush v5, $0xF;
	s31 =	sxor.u32 s9, s31;
	s30 =	ssub.s32 s30, s1;
	s13 =	spop (v2sf)  }
0x569: {  	s5 =	sshra.s32 s3, $0x1F;
	s4 =	spop (v2sf);
	s7 =	sshra.s32 s13, $0x1F  }
0x56a: {  	s3 =	sxor.u32 s5, s3;
	s15 =	smov.u32 s5;
	s5 =	sxor.u32 s2, s12  }
0x56b: {  	s12 =	sld [smem:$0x6D1];
	s8 =	spop (v2sf);
	s11 =	sshra.s32 s4, $0x1F  }
0x56c: {  	s13 =	sxor.u32 s7, s13;
	s5 =	ssub.s32 s5, s2;
	s17 =	spop (v2sf)  }
0x56d: {  	s10 =	sshra.s32 s8, $0x1F;
	s4 =	sxor.u32 s11, s4;
	[smem:$0x68D] =	sst s13  }
0x56e: {  	s13 =	smov.u32 s1;
	s18 =	spop (v2sf);
	s14 =	sshra.s32 s17, $0x1F  }
0x56f: {  	[smem:$0x68C] =	sst s4;
	s8 =	sxor.u32 s10, s8;
	(drf) =	srem.u32 s28, s12  }
0x570: {  	s12 =	smov.u32 s2;
	s26 =	spop (v2sf);
	[smem:$0x68B] =	sst s8  }
0x571: {  	s24 =	sshra.s32 s18, $0x1F;
	(drf) =	srem.u32 s30, s0;
	s30 =	sld [smem:$0x6D5]  }
0x572: {  	s1 =	sxor.u32 s14, s17;
	s17 =	ssub.s32 s31, s9;
	s8 =	sld [smem:$0x6D7]  }
0x573: {  	[smem:$0x68A] =	sst s26;
	s29 =	spop (v2sf);
	s21 =	sshra.s32 s26, $0x1F  }
0x574: {  	s4 =	sxor.u32 s24, s18;
	[smem:$0x689] =	sst s29;
	s23 =	spop (v2sf)  }
0x575: {  	s20 =	sshra.s32 s29, $0x1F;
	s19 =	spop (v2sf);
	(drf) =	srem.u32 s17, s30  }
0x576: {  	s22 =	sshra.s32 s23, $0x1F;
	s17 =	sld [smem:$0x6D9];
	s16 =	spop (v2sf)  }
0x577: {  	(drf) =	srem.u32 s5, s8;
	s6 =	spop (v2sf);
	s26 =	sshra.s32 s16, $0x1F  }
0x578: {  	s5 =	rddreg [dreg:$0x17];
	s29 =	sshra.s32 s6, $0x1F;
	s16 =	sxor.u32 s26, s16  }
0x579: {  	s2 =	sxor.u32 s29, s6;
	s6 =	ssub.s32 s3, s15;
	s3 =	sld [smem:$0x6EF]  }
0x57a: {  	s18 =	ssub.s32 s16, s26;
	(drf) =	srem.u32 s6, s17;
	s17 =	sld [smem:$0x6ED]  }
0x57b: {  	s16 =	sxor.u32 s22, s23;
	s23 =	sld [smem:$0x6EA];
	s0 =	ssub.s32 s2, s29  }
0x57c: {  	s25 =	sshra.s32 s19, $0x1F;
	(drf) =	srem.u32 s0, s3;
	s3 =	rddreg [dreg:$0x1b]  }
0x57d: {  	s28 =	sxor.u32 s25, s19;
	(drf) =	srem.u32 s18, s17;
	s18 =	sld [smem:$0x689]  }
0x57e: {  	s8 =	ssub.s32 s28, s25;
	s17 =	sld [smem:$0x6E7]  }
0x57f: {  	(drf) =	srem.u32 s8, s23;
	s8 =	sld [smem:$0x68A]  }
0x580: {  	s2 =	ssub.s32 s16, s22;
	s23 =	ssub.s32 s4, s24;
	s4 =	sld [smem:$0x68B]  }
0x581: {  	s19 =	sxor.u32 s20, s18;
	(drf) =	srem.u32 s2, s17;
	s17 =	rddreg [dreg:$0x13]  }
0x582: {  	s6 =	spop (drf);
	s28 =	ssub.s32 s19, s20;
	s19 =	sld [smem:$0x6E5]  }
0x583: {  	(v2sf) =	vpush v60, $0xA;
	s16 =	sxor.u32 s21, s8;
	s0 =	ssub.s32 s4, s10;
	s4 =	rddreg [dreg:$0xf]  }
0x584: {  	(v2sf) =	vpush v60, $0x9;
	s8 =	spop (drf);
	s18 =	ssub.s32 s16, s21;
	s16 =	sld [smem:$0x68C]  }
0x585: {  	(drf) =	srem.u32 s28, s19;
	s28 =	rddreg [dreg:$0x1f]  }
0x586: {  	(drf) =	srem.u32 s18, s28;
	s18 =	sld [smem:$0x68D]  }
0x587: {  	s1 =	ssub.s32 s1, s14;
	(drf) =	srem.u32 s23, s3;
	s23 =	spop (drf)  }
0x588: {  	(v2sf) =	vpush v60, $0x8;
	(drf) =	srem.u32 s1, s5;
	s28 =	spop (drf)  }
0x589: {  	(v2sf) =	vpush v60, $0x7;
	(drf) =	srem.u32 s0, s17;
	s30 =	spop (drf)  }
0x58a: {  	s1 =	ssub.s32 s16, s11;
	s17 =	rddreg [dreg:$0xb];
	s19 =	spop (drf)  }
0x58b: {  	(v2sf) =	vpush v60, $0x6;
	s0 =	ssub.s32 s18, s7;
	(drf) =	srem.u32 s1, s4;
	s16 =	spop (drf)  }
0x58c: {  	s5 =	sxor.u32 s29, s19;
	(drf) =	srem.u32 s0, s17;
	s19 =	spop (drf)  }
0x58d: {  	s18 =	sxor.u32 s26, s16;
	s1 =	ssub.s32 s5, s29;
	s29 =	spop (drf)  }
0x58e: {  	(v2sf) =	vpush v60, $0x5;
	s0 =	ssub.s32 s18, s26;
	s26 =	sxor.u32 s25, s19;
	s5 =	spop (drf)  }
0x58f: {  	s3 =	ssub.s32 s26, s25;
	s4 =	sxor.u32 s22, s29;
	s18 =	spop (drf)  }
0x590: {  	(v2sf) =	vpush v60, $0x4;
	s16 =	ssub.s32 s4, s22;
	s17 =	sxor.u32 s20, s5;
	s22 =	spop (drf)  }
0x591: {  	v61 =	vmov s1;
	s19 =	ssub.s32 s17, s20;
	s20 =	sxor.u32 s21, s18;
	s29 =	spop (drf)  }
0x592: {  	v5 =	vsel vm0, s0, v61;
	s25 =	ssub.s32 s20, s21;
	s26 =	sxor.u32 s24, s22;
	s20 =	spop (v2sf)  }
0x593: {  	v5 =	vsel vm1, s3, v5;
	s1 =	ssub.s32 s26, s24;
	[smem:$0x6D9] =	sst s20;
	s24 =	spop (v2sf)  }
0x594: {  	(v2sf) =	vpush v60, $0x3;
	v5 =	vsel vm2, s16, v5;
	s3 =	sxor.u32 s14, s29;
	s4 =	spop (drf);
	[dreg:$0xb] =	wrdreg s24  }
0x595: {  	v62 =	vsel vm3, s19, v5;
	s26 =	sxor.u32 s15, s30;
	s5 =	ssub.s32 s3, s14;
	s24 =	sld [smem:$0x690]  }
0x596: {  	v4 =	vsel vm4, s25, v62;
	s16 =	spop (drf);
	s2 =	ssub.s32 s26, s15;
	s26 =	sld [smem:$0x691]  }
0x597: {  	v4 =	vsel vm5, s1, v4;
	s14 =	sxor.u32 s10, s4;
	s29 =	spop (v2sf);
	s1 =	sld [smem:$0x692]  }
0x598: {  	(v2sf) =	vpush v60, $0x2;
	v4 =	vsel vm6, s5, v4;
	s17 =	ssub.s32 s14, s10;
	[dreg:$0xf] =	wrdreg s29;
	s5 =	spop (v2sf)  }
0x599: {  	(v2sf) =	vpush v60, $0x1;
	s18 =	sxor.u32 s11, s16;
	s19 =	spop (drf);
	[dreg:$0x13] =	wrdreg s5  }
0x59a: {  	v4 =	vsel vm7, s17, v4;
	s21 =	ssub.s32 s18, s11;
	s11 =	spop (v2sf);
	s17 =	sld [smem:$0x68E]  }
0x59b: {  	s22 =	sxor.u32 s7, s19;
	[dreg:$0x17] =	wrdreg s11  }
0x59c: {  	(v2sf) =	vpush v60, $0x0;
	s4 =	sxor.u32 s12, s28;
	v4 =	vsel vm8, s21, v4;
	s25 =	ssub.s32 s22, s7;
	s21 =	sld [smem:$0x68F]  }
0x59d: {  	s7 =	ssub.s32 s4, s12;
	s15 =	spop (v2sf);
	s4 =	rddreg [dreg:$0x7]  }
0x59e: {  	s28 =	smov.u32 s26;
	[dreg:$0x1b] =	wrdreg s15  }
0x59f: {  	(v2sf) =	vpush v60, $0xF;
	s19 =	spop (v2sf);
	[smem:$0x6D5] =	sst s28  }
0x5a0: {  	v4 =	vsel vm9, s25, v4;
	s25 =	smov.u32 s24;
	[dreg:$0x1f] =	wrdreg s19  }
0x5a1: {  	v6 =	vmax.u32 v60, $0x2;
	[smem:$0x6D3] =	sst s25  }
0x5a2: {  	v6 =	vadd.s32 $0xFFFFFFFF, v6;
	s10 =	sxor.u32 s9, s23;
	s18 =	sxor.u32 s17, s6;
	s6 =	sld [smem:$0x693]  }
0x5a3: {  	(v2sf) =	vpush v6, $0xE;
	v4 =	vsel vm10, s2, v4;
	s23 =	spop (v2sf);
	s2 =	smov.u32 s1;
	s1 =	sld [smem:$0x696]  }
0x5a4: {  	[smem:$0x6E5] =	sst s23  }
0x5a5: {  	(v2sf) =	vpush v6, $0xD;
	[smem:$0x6D7] =	sst s2  }
0x5a6: {  	s22 =	smov.u32 s21;
	s2 =	sld [smem:$0x695]  }
0x5a7: {  	s29 =	spop (v2sf);
	[smem:$0x6D1] =	sst s22  }
0x5a8: {  	[smem:$0x6E7] =	sst s29;
	s3 =	spop (v2sf)  }
0x5a9: {  	[smem:$0x6EA] =	sst s3  }
0x5aa: {  	(v2sf) =	vpush v6, $0xC;
	v4 =	vsel vm11, s7, v4;
	s7 =	smov.u32 s6;
	s6 =	sld [smem:$0x69A]  }
0x5ab: {  	s5 =	spop (v2sf);
	s3 =	sld [smem:$0x69B]  }
0x5ac: {  	(v2sf) =	vpush v6, $0xB;
	[smem:$0x6ED] =	sst s5  }
0x5ad: {  	[dreg:$0x7] =	wrdreg s7  }
0x5ae: {  	s14 =	sxor.u32 s13, s8;
	s8 =	spop (v2sf);
	s5 =	sld [smem:$0x69F]  }
0x5af: {  	s12 =	ssub.s32 s10, s9;
	[smem:$0x6EF] =	sst s8  }
0x5b0: {  	(v2sf) =	vpush v6, $0xA;
	s16 =	ssub.s32 s14, s13;
	v4 =	vsel vm12, s12, v4;
	s7 =	sshra.s32 s1, $0x1F;
	s8 =	sld [smem:$0x699]  }
0x5b1: {  	v63 =	vshrl.u32 v1, $0x5;
	s20 =	ssub.s32 s18, s17;
	v4 =	vsel vm13, s16, v4;
	s25 =	sshra.s32 s2, $0x1F;
	[smem:$0x6CF] =	sst s7  }
0x5b2: {  	v1 =	vmov v2;
	v2 =	vadd.s32 v63, v3;
	v4 =	vsel vm14, s20, v4;
	s9 =	spop (v2sf);
	[smem:$0x6D0] =	sst s25  }
0x5b3: {  	[tilespmem:s4+$0x3E80] =	vst v2;
	v3 =	vadd.s32 v4, v63;
	[smem:$0x6A5] =	sst s9  }
0x5b4: {  	[tilespmem:s4+$0x4B00] =	vst v3;
	s10 =	spop (v2sf);
	s4 =	sld [smem:$0x694]  }
0x5b5: {  	(v2sf) =	vpush v6, $0x9;
	s1 =	sxor.u32 s7, s1;
	[smem:$0x6A4] =	sst s10  }
0x5b6: {  	s1 =	ssub.s32 s1, s7;
	s10 =	sld [smem:$0x69E]  }
0x5b7: {  	s2 =	sxor.u32 s25, s2;
	s9 =	sshra.s32 s3, $0x1F;
	[smem:$0x6B4] =	sst s1  }
0x5b8: {  	s7 =	sxor.u32 s9, s3;
	s3 =	ssub.s32 s2, s25;
	s25 =	sld [smem:$0x6D1]  }
0x5b9: {  	(v2sf) =	vpush v6, $0x8;
	s11 =	spop (v2sf);
	[smem:$0x6DD] =	sst s9  }
0x5ba: {  	[smem:$0x6A7] =	sst s11  }
0x5bb: {  	s12 =	spop (v2sf);
	[smem:$0x6B5] =	sst s3  }
0x5bc: {  	s28 =	sshra.s32 s8, $0x1F;
	[smem:$0x6A6] =	sst s12  }
0x5bd: {  	(v2sf) =	vpush v6, $0x7;
	s9 =	ssub.s32 s7, s9;
	[smem:$0x6D4] =	sst s28  }
0x5be: {  	s11 =	sshra.s32 s5, $0x1F;
	[smem:$0x6BE] =	sst s9  }
0x5bf: {  	s13 =	spop (v2sf);
	[smem:$0x6E0] =	sst s11  }
0x5c0: {  	[smem:$0x6A9] =	sst s13  }
0x5c1: {  	s26 =	sshra.s32 s4, $0x1F;
	s13 =	sld [smem:$0x697]  }
0x5c2: {  	(v2sf) =	vpush v6, $0x6;
	[smem:$0x6D2] =	sst s26  }
0x5c3: {  	s12 =	sshra.s32 s6, $0x1F;
	(drf) =	srem.u32 s1, s25;
	s25 =	sld [smem:$0x6D3]  }
0x5c4: {  	(v2sf) =	vpush v6, $0x5;
	s14 =	spop (v2sf);
	[smem:$0x6DE] =	sst s12  }
0x5c5: {  	s8 =	sxor.u32 s28, s8;
	[smem:$0x6A8] =	sst s14  }
0x5c6: {  	s4 =	sxor.u32 s26, s4;
	s2 =	sxor.u32 s12, s6;
	s14 =	sld [smem:$0x6A2]  }
0x5c7: {  	s6 =	ssub.s32 s4, s26;
	s26 =	ssub.s32 s8, s28;
	s28 =	sld [smem:$0x6D5]  }
0x5c8: {  	s15 =	spop (v2sf);
	s8 =	sld [smem:$0x6D7]  }
0x5c9: {  	[smem:$0x6AB] =	sst s15  }
0x5ca: {  	[smem:$0x6B6] =	sst s6  }
0x5cb: {  	(v2sf) =	vpush v6, $0x4;
	s4 =	sxor.u32 s11, s5;
	[smem:$0x6B7] =	sst s26  }
0x5cc: {  	s16 =	spop (v2sf);
	s4 =	ssub.s32 s4, s11;
	s11 =	rddreg [dreg:$0x17]  }
0x5cd: {  	[smem:$0x6AA] =	sst s16  }
0x5ce: {  	(v2sf) =	vpush v6, $0x3;
	s16 =	sld [smem:$0x69D]  }
0x5cf: {  	(drf) =	srem.u32 s3, s25;
	s25 =	rddreg [dreg:$0xf]  }
0x5d0: {  	(v2sf) =	vpush v6, $0x2;
	s15 =	sshra.s32 s10, $0x1F;
	[smem:$0x6C2] =	sst s4  }
0x5d1: {  	(v2sf) =	vpush v6, $0x1;
	s17 =	spop (v2sf);
	[smem:$0x6E1] =	sst s15  }
0x5d2: {  	s30 =	sshra.s32 s13, $0x1F;
	[smem:$0x6AD] =	sst s17  }
0x5d3: {  	s18 =	spop (v2sf);
	[smem:$0x6D8] =	sst s30  }
0x5d4: {  	(drf) =	srem.u32 s6, s28;
	s28 =	ssub.s32 s2, s12;
	s2 =	sld [smem:$0x6AA]  }
0x5d5: {  	[smem:$0x6AC] =	sst s18  }
0x5d6: {  	s13 =	sxor.u32 s30, s13;
	s18 =	sld [smem:$0x698]  }
0x5d7: {  	(v2sf) =	vpush v6, $0x0;
	s1 =	sxor.u32 s15, s10;
	s10 =	ssub.s32 s13, s30;
	s13 =	sld [smem:$0x6D9]  }
0x5d8: {  	s12 =	ssub.s32 s1, s15;
	[smem:$0x6C1] =	sst s28  }
0x5d9: {  	[smem:$0x6C5] =	sst s12  }
0x5da: {  	(v2sf) =	vpush v6, $0xF;
	s19 =	spop (v2sf);
	s1 =	sld [smem:$0x6AD]  }
0x5db: {  	[smem:$0x6AF] =	sst s19  }
0x5dc: {  	s19 =	sld [smem:$0x6A1]  }
0x5dd: {  	s20 =	spop (v2sf);
	[smem:$0x6B9] =	sst s10  }
0x5de: {  	s17 =	sshra.s32 s16, $0x1F;
	[smem:$0x6AE] =	sst s20  }
0x5df: {  	s21 =	spop (v2sf);
	[smem:$0x6E2] =	sst s17  }
0x5e0: {  	[smem:$0x6B2] =	sst s21;
	s22 =	spop (v2sf)  }
0x5e1: {  	[smem:$0x6B1] =	sst s22  }
0x5e2: {  	s21 =	sshra.s32 s14, $0x1F;
	s22 =	sld [smem:$0x6A0]  }
0x5e3: {  	[smem:$0x6E4] =	sst s21  }
0x5e4: {  	s5 =	sxor.u32 s17, s16;
	s29 =	sshra.s32 s18, $0x1F;
	s21 =	sld [smem:$0x6A3]  }
0x5e5: {  	s15 =	ssub.s32 s5, s17;
	[smem:$0x6D6] =	sst s29  }
0x5e6: {  	s23 =	spop (v2sf);
	[smem:$0x6C7] =	sst s15  }
0x5e7: {  	s18 =	sxor.u32 s29, s18;
	[smem:$0x6B0] =	sst s23  }
0x5e8: {  	s20 =	sshra.s32 s19, $0x1F;
	s29 =	ssub.s32 s18, s29;
	s18 =	rddreg [dreg:$0xb]  }
0x5e9: {  	s24 =	spop (v2sf);
	[smem:$0x6E6] =	sst s20  }
0x5ea: {  	[smem:$0x6B3] =	sst s24  }
0x5eb: {  	s24 =	sld [smem:$0x69C]  }
0x5ec: {  	(drf) =	srem.u32 s26, s8;
	[smem:$0x6B8] =	sst s29  }
0x5ed: {  	(drf) =	srem.u32 s29, s13;
	s29 =	rddreg [dreg:$0x13]  }
0x5ee: {  	s13 =	rddreg [dreg:$0x1b];
	s31 =	sshra.s32 s21, $0x1F  }
0x5ef: {  	[smem:$0x6EB] =	sst s31  }
0x5f0: {  	s23 =	sshra.s32 s22, $0x1F;
	s31 =	sld [smem:$0x6E4]  }
0x5f1: {  	s26 =	sxor.u32 s23, s22;
	[smem:$0x6E8] =	sst s23  }
0x5f2: {  	s0 =	sshra.s32 s24, $0x1F;
	s26 =	ssub.s32 s26, s23;
	s23 =	sld [smem:$0x6A9]  }
0x5f3: {  	[smem:$0x6BD] =	sst s0  }
0x5f4: {  	s24 =	sxor.u32 s0, s24;
	[smem:$0x6CB] =	sst s26  }
0x5f5: {  	s16 =	ssub.s32 s24, s0;
	s0 =	sld [smem:$0x6EB]  }
0x5f6: {  	s24 =	sxor.u32 s20, s19;
	s19 =	sld [smem:$0x6E5]  }
0x5f7: {  	s6 =	sxor.u32 s31, s14;
	s14 =	spop (drf);
	[smem:$0x6BB] =	sst s16  }
0x5f8: {  	(drf) =	srem.u32 s10, s18;
	[smem:$0x6E3] =	sst s14  }
0x5f9: {  	(drf) =	srem.u32 s16, s25;
	s16 =	rddreg [dreg:$0x1f]  }
0x5fa: {  	s22 =	ssub.s32 s24, s20;
	s24 =	sld [smem:$0x6E7]  }
0x5fb: {  	s17 =	spop (drf);
	s18 =	ssub.s32 s6, s31;
	s6 =	sld [smem:$0x6EF]  }
0x5fc: {  	[smem:$0x6C6] =	sst s17  }
0x5fd: {  	(drf) =	srem.u32 s9, s29;
	[smem:$0x6C8] =	sst s18  }
0x5fe: {  	[smem:$0x6C9] =	sst s22;
	(drf) =	srem.u32 s28, s11  }
0x5ff: {  	s10 =	sxor.u32 s0, s21;
	s21 =	spop (drf);
	s28 =	sld [smem:$0x6EA]  }
0x600: {  	[smem:$0x6C0] =	sst s21  }
0x601: {  	(drf) =	srem.u32 s4, s13;
	s4 =	sld [smem:$0x6ED]  }
0x602: {  	s21 =	sld [smem:$0x6A6]  }
0x603: {  	s25 =	spop (drf);
	s3 =	ssub.s32 s10, s0;
	s0 =	sld [smem:$0x6AF]  }
0x604: {  	(drf) =	srem.u32 s12, s16;
	[smem:$0x6E9] =	sst s25  }
0x605: {  	s29 =	spop (drf);
	[smem:$0x6CC] =	sst s3  }
0x606: {  	[smem:$0x6EC] =	sst s29;
	s5 =	spop (drf)  }
0x607: {  	(drf) =	srem.u32 s15, s19;
	[smem:$0x6EE] =	sst s5  }
0x608: {  	(drf) =	srem.u32 s18, s24;
	s18 =	sld [smem:$0x6A4]  }
0x609: {  	s16 =	sshra.s32 s21, $0x1F;
	(drf) =	srem.u32 s22, s28;
	s22 =	sld [smem:$0x6A7]  }
0x60a: {  	s21 =	sxor.u32 s16, s21;
	(drf) =	srem.u32 s26, s4;
	s4 =	sld [smem:$0x6AB]  }
0x60b: {  	s16 =	ssub.s32 s21, s16;
	s21 =	sld [smem:$0x6B8]  }
0x60c: {  	(drf) =	srem.u32 s3, s6;
	s3 =	sld [smem:$0x6A8]  }
0x60d: {  	s7 =	spop (drf);
	s6 =	sld [smem:$0x6AC]  }
0x60e: {  	[smem:$0x6BA] =	sst s7  }
0x60f: {  	s25 =	sshra.s32 s18, $0x1F;
	s8 =	spop (drf);
	s7 =	sld [smem:$0x6B2]  }
0x610: {  	s18 =	sxor.u32 s25, s18;
	[smem:$0x6F0] =	sst s8  }
0x611: {  	s9 =	spop (drf);
	s18 =	ssub.s32 s18, s25;
	s25 =	sld [smem:$0x6B4]  }
0x612: {  	[smem:$0x6F1] =	sst s9;
	s10 =	spop (drf)  }
0x613: {  	[smem:$0x6F2] =	sst s10  }
0x614: {  	s10 =	sld [smem:$0x6A5];
	s11 =	spop (drf)  }
0x615: {  	[smem:$0x6C3] =	sst s11  }
0x616: {  	s12 =	spop (drf);
	s11 =	sld [smem:$0x6AE]  }
0x617: {  	[smem:$0x6C4] =	sst s12  }
0x618: {  	s13 =	spop (drf);
	s12 =	sld [smem:$0x6B3]  }
0x619: {  	[smem:$0x6F3] =	sst s13  }
0x61a: {  	s31 =	sshra.s32 s1, $0x1F;
	s14 =	spop (drf);
	s13 =	sld [smem:$0x6B1]  }
0x61b: {  	s15 =	sshra.s32 s2, $0x1F;
	s8 =	sshra.s32 s22, $0x1F;
	[smem:$0x6F4] =	sst s14  }
0x61c: {  	s29 =	sshra.s32 s4, $0x1F;
	s17 =	spop (drf);
	s14 =	sld [smem:$0x6B0]  }
0x61d: {  	s22 =	sxor.u32 s8, s22;
	[smem:$0x6F5] =	sst s17;
	s19 =	spop (drf)  }
0x61e: {  	s8 =	ssub.s32 s22, s8;
	[smem:$0x6CA] =	sst s19;
	s19 =	sshra.s32 s7, $0x1F  }
0x61f: {  	s20 =	sshra.s32 s14, $0x1F;
	s22 =	sxor.u32 s19, s7;
	s7 =	sld [smem:$0x6BE]  }
0x620: {  	s5 =	sshra.s32 s10, $0x1F;
	[smem:$0x6BC] =	sst s20;
	s20 =	sshra.s32 s12, $0x1F  }
0x621: {  	s28 =	sshra.s32 s3, $0x1F;
	[smem:$0x6BF] =	sst s20;
	s20 =	sxor.u32 s5, s10  }
0x622: {  	s10 =	sxor.u32 s29, s4;
	s4 =	sxor.u32 s28, s3;
	s3 =	sld [smem:$0x6B6]  }
0x623: {  	s5 =	ssub.s32 s20, s5;
	s20 =	sxor.u32 s15, s2;
	s2 =	sld [smem:$0x6B5]  }
0x624: {  	(drf) =	srem.u32 s25, s5;
	s5 =	sxor.u32 s31, s1;
	s1 =	sld [smem:$0x6BC]  }
0x625: {  	s30 =	sshra.s32 s6, $0x1F;
	s5 =	ssub.s32 s5, s31;
	s31 =	sld [smem:$0x6BD]  }
0x626: {  	(drf) =	srem.u32 s2, s18;
	s18 =	sxor.u32 s30, s6;
	s6 =	sld [smem:$0x6B7]  }
0x627: {  	(drf) =	srem.u32 s3, s8;
	s3 =	ssub.s32 s10, s29;
	s29 =	sld [smem:$0x6BB]  }
0x628: {  	s9 =	sshra.s32 s23, $0x1F;
	s24 =	sshra.s32 s11, $0x1F;
	s10 =	sld [smem:$0x6BF]  }
0x629: {  	s25 =	sxor.u32 s1, s14;
	s14 =	sld [smem:$0x6C7];
	(drf) =	srem.u32 s6, s16  }
0x62a: {  	s16 =	sxor.u32 s24, s11;
	s11 =	ssub.s32 s4, s28;
	s4 =	sld [smem:$0x6B9]  }
0x62b: {  	s23 =	sxor.u32 s9, s23;
	s28 =	ssub.s32 s20, s15;
	s20 =	sld [smem:$0x6BA]  }
0x62c: {  	s9 =	ssub.s32 s23, s9;
	s26 =	sshra.s32 s13, $0x1F;
	s15 =	sld [smem:$0x6C8]  }
0x62d: {  	s6 =	sxor.u32 s26, s13;
	s13 =	ssub.s32 s22, s19;
	s19 =	sld [smem:$0x6C9]  }
0x62e: {  	s17 =	sshra.s32 s0, $0x1F;
	s23 =	sxor.u32 s10, s12;
	s12 =	sld [smem:$0x6C5]  }
0x62f: {  	s8 =	sxor.u32 s17, s0;
	s0 =	ssub.s32 s6, s26;
	s26 =	sld [smem:$0x6CB]  }
0x630: {  	(drf) =	srem.u32 s21, s9;
	s23 =	ssub.s32 s23, s10;
	s10 =	sld [smem:$0x6CA]  }
0x631: {  	(drf) =	srem.u32 s4, s11;
	s4 =	sld [smem:$0x6C2]  }
0x632: {  	s11 =	ssub.s32 s16, s24;
	s16 =	sld [smem:$0x6C3]  }
0x633: {  	(drf) =	srem.u32 s29, s3;
	s29 =	sld [smem:$0x6C1]  }
0x634: {  	s3 =	ssub.s32 s8, s17;
	s8 =	spop (drf);
	s17 =	sld [smem:$0x6C6]  }
0x635: {  	(drf) =	srem.u32 s7, s28;
	s28 =	ssub.s32 s18, s30;
	s30 =	sld [smem:$0x6C0]  }
0x636: {  	[smem:$0x6F6] =	sst s8;
	(drf) =	srem.u32 s29, s5  }
0x637: {  	s18 =	sld [smem:$0x6C4];
	(drf) =	srem.u32 s4, s28  }
0x638: {  	s21 =	spop (drf);
	(drf) =	srem.u32 s12, s3  }
0x639: {  	s22 =	spop (drf);
	(drf) =	srem.u32 s14, s11  }
0x63a: {  	s29 =	sld [smem:$0x6CD];
	(drf) =	srem.u32 s15, s13  }
.Ltmp5:
0x63b: {  	s15 =	spop (drf);
	(pc) =	sbr.rel @p0 .LBB2_13-.Ltmp5, $4  }
0x63c: {  	s1 =	ssub.s32 s25, s1;
	s28 =	sld [smem:$0x6CC];
	s25 =	spop (drf)  }
0x63d: {  	(drf) =	srem.u32 s19, s0;
	s24 =	spop (drf)  }
0x63e: {  	(drf) =	srem.u32 s26, s1;
	s26 =	spop (drf)  }
0x63f: {  	s0 =	sadd.s32 $0x40, s29;
	(drf) =	srem.u32 s28, s23;
	s6 =	spop (drf)  }
0x640: {  	s2 =	sld [smem:$0x6EB]  }
0x641: {  	s12 =	sld [smem:$0x6E8]  }
0x642: {  	s19 =	sld [smem:$0x6F5]  }
0x643: {  	s0 =	spop (drf);
	s23 =	sld [smem:$0x6E6]  }
0x644: {  	s11 =	sld [smem:$0x6F4];
	s1 =	spop (drf)  }
0x645: {  	s3 =	spop (drf)  }
0x646: {  	s29 =	sld [smem:$0x6E4];
	s4 =	spop (drf)  }
0x647: {  	s10 =	sxor.u32 s2, s10;
	s8 =	sxor.u32 s12, s19;
	s11 =	sxor.u32 s23, s11  }
0x648: {  	s5 =	spop (drf);
	s10 =	ssub.s32 s10, s2;
	s8 =	ssub.s32 s8, s12  }
0x649: {  	s11 =	ssub.s32 s11, s23;
	v2 =	vmov s10;
	s10 =	sld [smem:$0x6F2];
	s13 =	spop (drf)  }
0x64a: {  	s5 =	sxor.u32 s29, s5;
	v2 =	vsel vm0, s8, v2;
	s28 =	sxor.u32 s23, s13;
	s13 =	sld [smem:$0x6F3]  }
0x64b: {  	s5 =	ssub.s32 s5, s29;
	s7 =	spop (drf);
	v2 =	vsel vm1, s11, v2;
	s11 =	sld [smem:$0x6D2]  }
0x64c: {  	s9 =	spop (drf);
	s19 =	ssub.s32 s28, s23;
	s23 =	sld [smem:$0x6E2]  }
0x64d: {  	s7 =	sxor.u32 s12, s7;
	s28 =	sld [smem:$0x6E1];
	s9 =	sxor.u32 s2, s9  }
0x64e: {  	s7 =	ssub.s32 s7, s12;
	s9 =	ssub.s32 s9, s2;
	s14 =	sxor.u32 s29, s13  }
0x64f: {  	s13 =	ssub.s32 s14, s29;
	s14 =	sxor.u32 s23, s18;
	s29 =	sld [smem:$0x6E0]  }
0x650: {  	s16 =	sxor.u32 s28, s16;
	s3 =	sxor.u32 s28, s3;
	s18 =	sld [smem:$0x6DE]  }
0x651: {  	v3 =	vmov s9;
	s9 =	ssub.s32 s16, s28;
	s3 =	ssub.s32 s3, s28;
	s28 =	sld [smem:$0x6DD]  }
0x652: {  	s4 =	sxor.u32 s23, s4;
	v3 =	vsel vm0, s7, v3;
	v2 =	vsel vm2, s13, v2;
	s13 =	sld [smem:$0x6D8]  }
0x653: {  	s14 =	ssub.s32 s14, s23;
	s4 =	ssub.s32 s4, s23;
	v3 =	vsel vm1, s19, v3;
	s19 =	sld [smem:$0x6F1]  }
0x654: {  	v2 =	vsel vm3, s14, v2;
	s14 =	sld [smem:$0x6EE];
	s12 =	sxor.u32 s29, s10;
	s1 =	sxor.u32 s29, s1  }
0x655: {  	s0 =	sxor.u32 s18, s0;
	v2 =	vsel vm4, s9, v2;
	s9 =	sxor.u32 s31, s20;
	s10 =	sxor.u32 s31, s26  }
0x656: {  	s26 =	sld [smem:$0x6E9];
	s16 =	ssub.s32 s12, s29;
	s1 =	ssub.s32 s1, s29  }
0x657: {  	s29 =	sld [smem:$0x6F0];
	s0 =	ssub.s32 s0, s18;
	s6 =	sxor.u32 s28, s6  }
0x658: {  	v3 =	vsel vm2, s5, v3;
	s12 =	ssub.s32 s9, s31;
	s9 =	sld [smem:$0x6CF];
	s23 =	sxor.u32 s18, s19  }
0x659: {  	v3 =	vsel vm3, s4, v3;
	s8 =	ssub.s32 s6, s28;
	v2 =	vsel vm5, s16, v2;
	s4 =	sxor.u32 s13, s14;
	s16 =	sld [smem:$0x6D6]  }
0x65a: {  	s19 =	sxor.u32 s13, s24;
	s7 =	ssub.s32 s23, s18;
	s18 =	sld [smem:$0x6EC]  }
0x65b: {  	v3 =	vsel vm4, s3, v3;
	s4 =	ssub.s32 s4, s13;
	s20 =	ssub.s32 s19, s13;
	s13 =	sxor.u32 s11, s22  }
0x65c: {  	v3 =	vsel vm5, s1, v3;
	s2 =	sxor.u32 s28, s29;
	s23 =	sxor.u32 s16, s25;
	s25 =	sld [smem:$0x6D4]  }
0x65d: {  	v2 =	vsel vm6, s7, v2;
	v3 =	vsel vm6, s0, v3;
	s5 =	ssub.s32 s2, s28;
	s2 =	ssub.s32 s10, s31;
	s31 =	sld [smem:$0x6D0]  }
0x65e: {  	s14 =	ssub.s32 s13, s11;
	v3 =	vsel vm7, s8, v3;
	s10 =	sld [smem:$0x6E3];
	s0 =	sxor.u32 s16, s18;
	v2 =	vsel vm7, s5, v2  }
0x65f: {  	v3 =	vsel vm8, s2, v3;
	s24 =	ssub.s32 s23, s16;
	s18 =	sld [smem:$0x6F6];
	s0 =	ssub.s32 s0, s16;
	v2 =	vsel vm8, s12, v2  }
0x660: {  	v3 =	vsel vm9, s20, v3;
	s12 =	sxor.u32 s11, s30;
	s2 =	sxor.u32 s25, s26;
	s28 =	sxor.u32 s25, s15;
	v2 =	vsel vm9, s4, v2  }
0x661: {  	s6 =	sxor.u32 s31, s17;
	v3 =	vsel vm10, s24, v3;
	s2 =	ssub.s32 s2, s25;
	s29 =	ssub.s32 s28, s25;
	v2 =	vsel vm10, s0, v2  }
0x662: {  	s1 =	ssub.s32 s12, s11;
	s15 =	sxor.u32 s31, s21;
	s0 =	sxor.u32 s9, s10;
	v2 =	vsel vm11, s2, v2;
	v3 =	vsel vm11, s29, v3  }
0x663: {  	s16 =	ssub.s32 s6, s31;
	s17 =	ssub.s32 s15, s31;
	s3 =	sxor.u32 s9, s18;
	v2 =	vsel vm12, s1, v2;
	v3 =	vsel vm12, s14, v3  }
0x664: {  	s0 =	ssub.s32 s0, s9;
	s19 =	ssub.s32 s3, s9;
	v2 =	vsel vm13, s16, v2;
	v3 =	vsel vm13, s17, v3  }
0x665: {  	v2 =	vsel vm14, s0, v2;
	v3 =	vsel vm14, s19, v3  }
0x666: {  	v3 =	vadd.s32 v3, v2  }
0x667: {  	v3 =	vadd.s32 $0x1, v3  }
0x668: {  	v3 =	vshll.u32 v3, $0x18  }
0x669: {  	v3 =	vshra.s32 v3, $0x18  }
0x66a: {  	(v2sf) =	vpush v3, $0xE  }
0x66b: {  	(v2sf) =	vpush v3, $0xD  }
0x66c: {  	(v2sf) =	vpush v3, $0xC  }
0x66d: {  	(v2sf) =	vpush v3, $0xB  }
0x66e: {  	(v2sf) =	vpush v3, $0xA  }
0x66f: {  	(v2sf) =	vpush v3, $0x9  }
0x670: {  	(v2sf) =	vpush v3, $0x8;
	_ =	sdelay $0x1  }
0x671: {  	(v2sf) =	vpush v3, $0x7  }
0x672: {  	(v2sf) =	vpush v3, $0x6  }
0x673: {  	(v2sf) =	vpush v3, $0x5  }
0x674: {  	(v2sf) =	vpush v3, $0x4  }
0x675: {  	(v2sf) =	vpush v3, $0x3  }
0x676: {  	(v2sf) =	vpush v3, $0x2  }
0x677: {  	(v2sf) =	vpush v3, $0x1  }
0x678: {  	(v2sf) =	vpush v3, $0x0;
	s20 =	spop (v2sf)  }
0x679: {  	s26 =	sld [smem:$0x6D1];
	(v2sf) =	vpush v3, $0xF;
	s21 =	spop (v2sf)  }
0x67a: {  	s29 =	sld [smem:$0x6D3];
	s0 =	sshra.s32 s20, $0x1F;
	s22 =	spop (v2sf)  }
0x67b: {  	s19 =	sld [smem:$0x6D5];
	s1 =	sxor.u32 s0, s20;
	s23 =	spop (v2sf)  }
0x67c: {  	s25 =	ssub.s32 s1, s0;
	s1 =	sshra.s32 s21, $0x1F;
	s24 =	spop (v2sf)  }
0x67d: {  	(drf) =	srem.u32 s25, s26;
	s2 =	sxor.u32 s1, s21;
	s6 =	spop (v2sf)  }
0x67e: {  	s28 =	ssub.s32 s2, s1;
	s2 =	sshra.s32 s22, $0x1F;
	s7 =	spop (v2sf)  }
0x67f: {  	(drf) =	srem.u32 s28, s29;
	s3 =	sxor.u32 s2, s22;
	s28 =	sld [smem:$0x6EF]  }
0x680: {  	s29 =	sld [smem:$0x6ED];
	s9 =	spop (v2sf);
	s30 =	ssub.s32 s3, s2  }
0x681: {  	s3 =	sshra.s32 s23, $0x1F;
	s8 =	spop (v2sf);
	(drf) =	srem.u32 s30, s19  }
0x682: {  	s4 =	sxor.u32 s3, s23;
	s23 =	sld [smem:$0x6D7];
	s11 =	spop (v2sf)  }
0x683: {  	s21 =	ssub.s32 s4, s3;
	s4 =	sshra.s32 s24, $0x1F;
	s10 =	spop (v2sf)  }
0x684: {  	s5 =	sxor.u32 s4, s24;
	s24 =	sld [smem:$0x6D9];
	s13 =	spop (v2sf)  }
0x685: {  	(drf) =	srem.u32 s21, s23;
	s12 =	spop (v2sf)  }
0x686: {  	s5 =	ssub.s32 s5, s4;
	s23 =	rddreg [dreg:$0x1f];
	s31 =	spop (v2sf)  }
0x687: {  	(drf) =	srem.u32 s5, s24;
	s15 =	sshra.s32 s12, $0x1F;
	s20 =	spop (v2sf)  }
0x688: {  	s14 =	sshra.s32 s31, $0x1F;
	s12 =	sxor.u32 s15, s12;
	s22 =	spop (v2sf)  }
0x689: {  	s18 =	sshra.s32 s20, $0x1F;
	s30 =	sxor.u32 s14, s31;
	s31 =	sld [smem:$0x6EA]  }
0x68a: {  	s12 =	ssub.s32 s12, s15;
	s16 =	sshra.s32 s22, $0x1F;
	s25 =	sxor.u32 s18, s20  }
0x68b: {  	s20 =	sld [smem:$0x6E7];
	s17 =	sxor.u32 s16, s22;
	s5 =	ssub.s32 s25, s18  }
0x68c: {  	s22 =	sld [smem:$0x6E5];
	s26 =	ssub.s32 s17, s16;
	s17 =	sshra.s32 s13, $0x1F  }
0x68d: {  	s25 =	rddreg [dreg:$0x1b];
	(drf) =	srem.u32 s26, s28;
	s19 =	sxor.u32 s17, s13  }
0x68e: {  	s13 =	sshra.s32 s10, $0x1F;
	s28 =	rddreg [dreg:$0x17];
	(drf) =	srem.u32 s5, s29  }
0x68f: {  	s5 =	ssub.s32 s30, s14;
	s21 =	ssub.s32 s19, s17;
	s10 =	sxor.u32 s13, s10  }
0x690: {  	s29 =	rddreg [dreg:$0x13];
	(drf) =	srem.u32 s5, s31;
	s10 =	ssub.s32 s10, s13  }
0x691: {  	s5 =	spop (drf);
	(drf) =	srem.u32 s12, s20;
	s12 =	sshra.s32 s11, $0x1F  }
0x692: {  	s31 =	rddreg [dreg:$0xb];
	(drf) =	srem.u32 s21, s22;
	s11 =	sxor.u32 s12, s11  }
0x693: {  	(drf) =	srem.u32 s10, s23;
	s10 =	sshra.s32 s8, $0x1F;
	s11 =	ssub.s32 s11, s12  }
0x694: {  	s23 =	rddreg [dreg:$0xf];
	s24 =	sxor.u32 s10, s8;
	s8 =	spop (drf)  }
0x695: {  	(drf) =	srem.u32 s11, s25;
	s11 =	sshra.s32 s9, $0x1F;
	s19 =	ssub.s32 s24, s10  }
0x696: {  	s26 =	sxor.u32 s11, s9;
	s9 =	spop (drf);
	(drf) =	srem.u32 s19, s28  }
0x697: {  	s19 =	sshra.s32 s7, $0x1F;
	s20 =	ssub.s32 s26, s11;
	s21 =	spop (drf)  }
0x698: {  	(drf) =	srem.u32 s20, s29;
	s20 =	sshra.s32 s6, $0x1F;
	s7 =	sxor.u32 s19, s7  }
0x699: {  	s22 =	spop (drf);
	s6 =	sxor.u32 s20, s6;
	s7 =	ssub.s32 s7, s19  }
0x69a: {  	s30 =	spop (drf);
	(drf) =	srem.u32 s7, s23;
	s6 =	ssub.s32 s6, s20  }
0x69b: {  	s24 =	sxor.u32 s16, s30;
	s25 =	spop (drf);
	(drf) =	srem.u32 s6, s31  }
0x69c: {  	s7 =	sxor.u32 s18, s25;
	s6 =	ssub.s32 s24, s16;
	s26 =	spop (drf)  }
0x69d: {  	s7 =	ssub.s32 s7, s18;
	v3 =	vmov s6;
	s28 =	sxor.u32 s14, s26;
	s29 =	spop (drf)  }
0x69e: {  	v3 =	vsel vm0, s7, v3;
	s6 =	ssub.s32 s28, s14;
	s30 =	sxor.u32 s15, s29;
	s31 =	spop (drf)  }
0x69f: {  	v3 =	vsel vm1, s6, v3;
	s7 =	ssub.s32 s30, s15;
	s15 =	sxor.u32 s17, s31;
	s16 =	spop (drf)  }
0x6a0: {  	v3 =	vsel vm2, s7, v3;
	s18 =	ssub.s32 s15, s17;
	s23 =	sxor.u32 s13, s16;
	s24 =	spop (drf)  }
0x6a1: {  	v3 =	vsel vm3, s18, v3;
	s25 =	ssub.s32 s23, s13;
	s26 =	sxor.u32 s12, s24;
	s28 =	spop (drf)  }
0x6a2: {  	v3 =	vsel vm4, s25, v3;
	s29 =	ssub.s32 s26, s12;
	s30 =	sxor.u32 s10, s28;
	s31 =	spop (drf)  }
0x6a3: {  	v3 =	vsel vm5, s29, v3;
	s7 =	ssub.s32 s30, s10;
	s10 =	sxor.u32 s11, s31;
	s12 =	spop (drf)  }
0x6a4: {  	v3 =	vsel vm6, s7, v3;
	s13 =	ssub.s32 s10, s11;
	s14 =	sxor.u32 s19, s12;
	s15 =	spop (drf)  }
0x6a5: {  	v3 =	vsel vm7, s13, v3;
	s16 =	ssub.s32 s14, s19;
	s17 =	sxor.u32 s20, s15  }
0x6a6: {  	s19 =	sxor.u32 s4, s22;
	v3 =	vsel vm8, s16, v3;
	s18 =	ssub.s32 s17, s20  }
0x6a7: {  	s4 =	ssub.s32 s19, s4;
	s20 =	sxor.u32 s3, s21;
	v3 =	vsel vm9, s18, v3  }
0x6a8: {  	s21 =	sxor.u32 s2, s9;
	s3 =	ssub.s32 s20, s3;
	v3 =	vsel vm10, s4, v3  }
0x6a9: {  	s22 =	sxor.u32 s1, s8;
	s2 =	ssub.s32 s21, s2;
	v3 =	vsel vm11, s3, v3  }
0x6aa: {  	s23 =	sxor.u32 s0, s5;
	s1 =	ssub.s32 s22, s1;
	v3 =	vsel vm12, s2, v3  }
0x6ab: {  	s0 =	ssub.s32 s23, s0;
	v3 =	vsel vm13, s1, v3  }
0x6ac: {  	v1 =	vshrl.u32 v1, $0x5;
	v3 =	vsel vm14, s0, v3  }
0x6ad: {  	s24 =	rddreg [dreg:$0x7];
	v3 =	vadd.s32 v3, v1  }
0x6ae: {  	s25 =	rddreg [dreg:$0x0];
	v1 =	vadd.s32 v1, v2;
	[tilespmem:s24+$0x4B00] =	vst v3  }
0x6af: {  	s26 =	simm.s32 $0x3E80;
	s28 =	simm.s32 $0x5780;
	s4 =	simm.s32 $0xC80;
	[tilespmem:s24+$0x3E80] =	vst v1  }
0x6b0: {  	[tilespmem:s28], [sflag:$0x1] =	stream.indirect.gather [hbm4b:s25+s4], $0x1, s26, s4, $0xb8;
	[tilespmem:$0x7080] =	vst v63  }
0x6b1: {  	s6 =	simm.s32 $0x1;
	s29 =	simm.s32 $0x4B00;
	s30 =	simm.s32 $0x6400  }
0x6b2: {  	[tilespmem:s30], [sflag:$0x1] =	stream.indirect.gather [hbm4b:s25+s4], $0x1, s29, s4, $0xb8;
	[tilespmem:$0x7080] =	vst v63  }
0x6b3: {  	_ =	swait.ge [sflag:s6], $0xC80  }
0x6b4: {  	[sflag:s6] =	ssyncset.done $0x0  }
0x6b5: {  	[sflag:s6] =	ssyncadd.s32 $0xFFFFF380  }
0x6b6: {  	_ =	swait.ge [sflag:s6], $0xC80  }
0x6b7: {  	[sflag:s6] =	ssyncset.done $0x0  }
0x6b8: {  	s31 =	simm.s32 $0x2;
	[sflag:s6] =	ssyncadd.s32 $0xFFFFF380  }
0x6b9: {  	_ =	swait.ge [sflag:s31], $0xC80  }
0x6ba: {  	[sflag:s31] =	ssyncset.done $0x0  }
0x6bb: {  	s0 =	simm.s32 $0x0;
	[sflag:s31] =	ssyncadd.s32 $0xFFFFF380  }
0x6bc: {  	s1 =	simm.s32 $0x40;
	v1 =	vld [tilespmem:s0+$0x5780]  }
.LBB2_15:
0x6bd: {  	p0 =	sne.s32 s1, $0x31C0;
	v2 =	vld [tilespmem:s0+$0x1900]  }
0x6be: {  	v3 =	vld [tilespmem:s0+$0x6400];
	_ =	sdelay $0x1  }
.Ltmp6:
0x6bf: {  	(pc) =	sbr.rel @p0 .LBB2_15-.Ltmp6, $4  }
0x6c0: {  	_ = 	snop  }
0x6c1: {  	vm15 =	veq.s32 v1, v2  }
0x6c2: {  	s2 =	sshra.s32 s1, $0x2;
	v2 =	vsel vm15, v3, v1  }
0x6c3: {  	s1 =	sadd.s32 $0x40, s1;
	v1 =	vld [tilespmem:s2+$0x5780];
	[tilespmem:s0+$0x1900] =	vst v2;
	s0 =	smov.u32 s2  }
0x6c4: {  	s1 =	sld [smem:$0x6CE]  }
0x6c5: {  	v2 =	vld [tilespmem:s0+$0x1900]  }
0x6c6: {  	v3 =	vld [tilespmem:s0+$0x6400]  }
0x6c7: {  	s3 =	sld [smem:$0x7F4];
	s1 =	sshllo.u32 s1, $0x1  }
0x6c8: {  	s2 =	smul.u32 $0x19000, s1  }
0x6c9: {  	s20 =	sld [smem:$0x7FA]  }
0x6ca: {  	vm15 =	veq.s32 v1, v2;
	s2 =	sadd.s32 s3, s2  }
0x6cb: {  	s21 =	simm.s32 $0x0;
	v1 =	vsel vm15, v3, v1;
	s2 =	sshrl.u32 s2, $0x3  }
0x6cc: {  	s7 =	simm.s32 $0x1900;
	s22 =	smul.u32 $0x186A0, s1;
	[tilespmem:s0+$0x1900] =	vst v1;
	s0 =	sadd.s32 s20, s2  }
0x6cd: {  	[hbm4b:s0+s21] =	stream.linear.scatter [tilespmem:s7], [sflag:$0x2], $0xC80, $0x38;
	[tilespmem:$0x7080] =	vst v63  }
0x6ce: {  	s23 =	rddreg [dreg:$0x1];
	s0 =	sadd.s32 s3, s22  }
0x6cf: {  	s5 =	simm.s32 $0x2580;
	s24 =	rddreg [dreg:$0x2];
	s0 =	sshrl.u32 s0, $0x3  }
0x6d0: {  	[tilespmem:s5], [sflag:$0x1] =	stream.indirect.gather [hbm4b:s23+s4], $0x1, s7, s4, $0xb8;
	[tilespmem:$0x7080] =	vst v63  }
0x6d1: {  	s25 =	simm.s32 $0x3200;
	s0 =	sadd.s32 s24, s0  }
0x6d2: {  	[tilespmem:s25], [sflag:$0x1] =	stream.linear.gather [hbm4b:s0+s21], $0xC80, $0x38;
	[tilespmem:$0x7080] =	vst v63  }
0x6d3: {  	_ =	swait.ge [sflag:s6], $0xC80  }
0x6d4: {  	[sflag:s6] =	ssyncset.done $0x0  }
0x6d5: {  	[sflag:s6] =	ssyncadd.s32 $0xFFFFF380  }
0x6d6: {  	_ =	swait.ge [sflag:s6], $0xC80  }
0x6d7: {  	[sflag:s6] =	ssyncset.done $0x0  }
0x6d8: {  	s26 =	simm.s32 $0x0;
	[sflag:s6] =	ssyncadd.s32 $0xFFFFF380  }
0x6d9: {  	v2 =	vld [tilespmem:s26+$0x3200];
	_ =	sdelay $0x4  }
0x6da: {  	(v2sf) =	vpush v2, $0xE  }
0x6db: {  	(v2sf) =	vpush v2, $0xD  }
0x6dc: {  	(v2sf) =	vpush v2, $0xC  }
0x6dd: {  	(v2sf) =	vpush v2, $0xB  }
0x6de: {  	(v2sf) =	vpush v2, $0xA  }
0x6df: {  	(v2sf) =	vpush v2, $0x9  }
0x6e0: {  	(v2sf) =	vpush v2, $0x8  }
0x6e1: {  	(v2sf) =	vpush v2, $0x7  }
0x6e2: {  	(v2sf) =	vpush v2, $0x6  }
0x6e3: {  	(v2sf) =	vpush v2, $0x5  }
0x6e4: {  	v1 =	vld [tilespmem:s26+$0x2580];
	(v2sf) =	vpush v2, $0x4  }
0x6e5: {  	(v2sf) =	vpush v2, $0x3  }
0x6e6: {  	(v2sf) =	vpush v2, $0x2  }
0x6e7: {  	(v2sf) =	vpush v2, $0x1  }
0x6e8: {  	(v2sf) =	vpush v2, $0x0  }
0x6e9: {  	v3 =	vand.u32 $0x1F, v1;
	(v2sf) =	vpush v2, $0xF;
	s8 =	spop (v2sf)  }
0x6ea: {  	s10 =	spop (v2sf);
	(v2sf) =	vpush v3, $0xE  }
0x6eb: {  	s3 =	spop (v2sf)  }
0x6ec: {  	(v2sf) =	vpush v3, $0xD;
	s11 =	spop (v2sf)  }
0x6ed: {  	(v2sf) =	vpush v3, $0xC;
	s12 =	spop (v2sf)  }
0x6ee: {  	(v2sf) =	vpush v3, $0xB;
	s22 =	spop (v2sf)  }
0x6ef: {  	(v2sf) =	vpush v3, $0xA;
	s14 =	spop (v2sf)  }
0x6f0: {  	(v2sf) =	vpush v3, $0x9;
	s6 =	spop (v2sf)  }
0x6f1: {  	(v2sf) =	vpush v3, $0x8;
	s20 =	spop (v2sf)  }
0x6f2: {  	(v2sf) =	vpush v3, $0x7;
	s25 =	spop (v2sf)  }
0x6f3: {  	s28 =	simm.s32 $0x0;
	(v2sf) =	vpush v3, $0x6;
	s26 =	spop (v2sf)  }
0x6f4: {  	[dreg:$0x8] =	wrdreg s28;
	s0 =	sshra.s32 s3, $0x1F;
	(v2sf) =	vpush v3, $0x5;
	s28 =	spop (v2sf)  }
0x6f5: {  	[smem:$0x652] =	sst s0;
	(v2sf) =	vpush v3, $0x4;
	s29 =	spop (v2sf)  }
0x6f6: {  	[smem:$0x65A] =	sst s29;
	s1 =	spop (v2sf)  }
0x6f7: {  	(v2sf) =	vpush v3, $0x3;
	[smem:$0x65B] =	sst s1;
	s2 =	spop (v2sf)  }
0x6f8: {  	(v2sf) =	vpush v3, $0x2;
	[smem:$0x65C] =	sst s2;
	s4 =	spop (v2sf)  }
0x6f9: {  	(v2sf) =	vpush v3, $0x1;
	[smem:$0x65F] =	sst s4;
	s13 =	spop (v2sf)  }
0x6fa: {  	(v2sf) =	vpush v3, $0x0;
	s4 =	sshra.s32 s12, $0x1F;
	[smem:$0x651] =	sst s13  }
0x6fb: {  	v2 =	vmax.u32 v3, $0x2;
	(v2sf) =	vpush v3, $0xF;
	s7 =	spop (v2sf);
	[smem:$0x656] =	sst s4  }
0x6fc: {  	v2 =	vadd.s32 $0xFFFFFFFF, v2;
	s16 =	spop (v2sf);
	[smem:$0x653] =	sst s7  }
0x6fd: {  	(v2sf) =	vpush v2, $0xE;
	s15 =	spop (v2sf);
	[smem:$0x655] =	sst s16  }
0x6fe: {  	s29 =	spop (v2sf);
	[smem:$0x657] =	sst s15  }
0x6ff: {  	s18 =	spop (v2sf);
	[smem:$0x659] =	sst s29  }
0x700: {  	s21 =	spop (v2sf);
	[dreg:$0xc] =	wrdreg s18  }
0x701: {  	s23 =	spop (v2sf);
	[dreg:$0x10] =	wrdreg s21  }
0x702: {  	s30 =	spop (v2sf);
	[dreg:$0x14] =	wrdreg s23  }
0x703: {  	s5 =	spop (v2sf);
	[dreg:$0x18] =	wrdreg s30  }
0x704: {  	[dreg:$0x1c] =	wrdreg s5;
	s9 =	spop (v2sf)  }
0x705: {  	s5 =	sshra.s32 s6, $0x1F;
	[smem:$0x664] =	sst s9  }
0x706: {  	s17 =	spop (v2sf);
	[smem:$0x65D] =	sst s5  }
0x707: {  	s31 =	sshra.s32 s14, $0x1F;
	[smem:$0x666] =	sst s17;
	s19 =	spop (v2sf)  }
0x708: {  	s12 =	sxor.u32 s4, s12;
	[smem:$0x668] =	sst s19;
	s24 =	spop (v2sf)  }
0x709: {  	s19 =	sxor.u32 s31, s14;
	[smem:$0x66B] =	sst s24;
	s1 =	spop (v2sf)  }
0x70a: {  	s24 =	sshra.s32 s8, $0x1F;
	[smem:$0x66E] =	sst s1;
	s2 =	spop (v2sf)  }
0x70b: {  	s1 =	sshra.s32 s10, $0x1F;
	s8 =	sxor.u32 s24, s8;
	[smem:$0x64F] =	sst s24  }
0x70c: {  	[smem:$0x670] =	sst s2;
	s9 =	spop (v2sf);
	s10 =	sxor.u32 s1, s10  }
0x70d: {  	s2 =	sshra.s32 s11, $0x1F;
	s8 =	ssub.s32 s8, s24;
	[smem:$0x650] =	sst s1  }
0x70e: {  	s17 =	sshra.s32 s9, $0x1F;
	s24 =	ssub.s32 s10, s1;
	[smem:$0x654] =	sst s2  }
0x70f: {  	(drf) =	srem.u32 s8, s13;
	s13 =	ssub.s32 s12, s4;
	s12 =	sld [smem:$0x65B]  }
0x710: {  	(v2sf) =	vpush v2, $0xD;
	s9 =	sxor.u32 s17, s9;
	(drf) =	srem.u32 s24, s7;
	s7 =	sshra.s32 s25, $0x1F  }
0x711: {  	s9 =	ssub.s32 s9, s17;
	s17 =	sxor.u32 s0, s3;
	s3 =	sshra.s32 s22, $0x1F  }
0x712: {  	(v2sf) =	vpush v2, $0xC;
	s1 =	sxor.u32 s7, s25;
	s25 =	ssub.s32 s19, s31;
	s19 =	sld [smem:$0x65C]  }
0x713: {  	s11 =	sxor.u32 s2, s11;
	[smem:$0x660] =	sst s7;
	s14 =	sxor.u32 s3, s22  }
0x714: {  	s22 =	sxor.u32 s5, s6;
	s6 =	sshra.s32 s20, $0x1F;
	s10 =	ssub.s32 s17, s0  }
0x715: {  	s0 =	ssub.s32 s11, s2;
	s11 =	sshra.s32 s26, $0x1F;
	[smem:$0x658] =	sst s3  }
0x716: {  	s17 =	sxor.u32 s11, s26;
	s26 =	ssub.s32 s14, s3;
	s3 =	sld [smem:$0x65A]  }
0x717: {  	s20 =	sxor.u32 s6, s20;
	[smem:$0x65E] =	sst s6  }
0x718: {  	(drf) =	srem.u32 s10, s16;
	s5 =	ssub.s32 s22, s5;
	s22 =	sld [smem:$0x65F]  }
0x719: {  	s16 =	sshra.s32 s28, $0x1F;
	s14 =	sshra.s32 s12, $0x1F;
	[smem:$0x661] =	sst s11  }
0x71a: {  	(drf) =	srem.u32 s0, s15;
	s4 =	sxor.u32 s16, s28;
	[smem:$0x662] =	sst s16  }
0x71b: {  	s2 =	sxor.u32 s14, s12;
	s28 =	ssub.s32 s20, s6;
	[smem:$0x667] =	sst s14  }
0x71c: {  	(drf) =	srem.u32 s13, s29;
	s29 =	sshra.s32 s19, $0x1F;
	s15 =	sshra.s32 s3, $0x1F  }
0x71d: {  	(drf) =	srem.u32 s26, s18;
	s6 =	sshra.s32 s22, $0x1F;
	[smem:$0x669] =	sst s29  }
0x71e: {  	(v2sf) =	vpush v2, $0xB;
	(drf) =	srem.u32 s25, s21;
	s21 =	ssub.s32 s17, s11;
	s11 =	sld [smem:$0x664]  }
0x71f: {  	s20 =	spop (v2sf);
	s12 =	sxor.u32 s6, s22;
	[smem:$0x665] =	sst s15  }
0x720: {  	s22 =	ssub.s32 s1, s7;
	s7 =	ssub.s32 s4, s16;
	s16 =	sld [smem:$0x666]  }
0x721: {  	(v2sf) =	vpush v2, $0xA;
	s18 =	spop (v2sf);
	[smem:$0x66C] =	sst s6  }
0x722: {  	(drf) =	srem.u32 s5, s23;
	s23 =	rddreg [dreg:$0x1c]  }
0x723: {  	(v2sf) =	vpush v2, $0x9;
	s4 =	spop (drf);
	(drf) =	srem.u32 s28, s30  }
0x724: {  	s19 =	sxor.u32 s29, s19;
	[smem:$0x663] =	sst s4;
	s17 =	spop (drf)  }
0x725: {  	(v2sf) =	vpush v2, $0x8;
	s4 =	ssub.s32 s2, s14;
	s14 =	sld [smem:$0x66E];
	(drf) =	srem.u32 s22, s23  }
0x726: {  	s3 =	sxor.u32 s15, s3;
	s23 =	sld [smem:$0x668];
	(drf) =	srem.u32 s21, s11  }
0x727: {  	(v2sf) =	vpush v2, $0x7;
	s1 =	ssub.s32 s3, s15;
	s11 =	sld [smem:$0x66B];
	s30 =	spop (drf)  }
0x728: {  	s2 =	ssub.s32 s19, s29;
	(drf) =	srem.u32 s7, s16;
	s29 =	spop (drf)  }
0x729: {  	(v2sf) =	vpush v2, $0x6;
	(drf) =	srem.u32 s1, s23;
	[smem:$0x66A] =	sst s29  }
0x72a: {  	s23 =	ssub.s32 s12, s6;
	s12 =	spop (drf);
	s29 =	sld [smem:$0x670]  }
0x72b: {  	(v2sf) =	vpush v2, $0x5;
	s16 =	sshra.s32 s20, $0x1F;
	(drf) =	srem.u32 s4, s11;
	[smem:$0x66D] =	sst s12  }
0x72c: {  	s6 =	sxor.u32 s16, s20;
	(drf) =	srem.u32 s2, s14;
	s15 =	spop (drf)  }
0x72d: {  	(v2sf) =	vpush v2, $0x4;
	s12 =	spop (v2sf);
	s14 =	sshra.s32 s18, $0x1F;
	[smem:$0x66F] =	sst s15  }
0x72e: {  	s20 =	spop (drf);
	s15 =	sxor.u32 s14, s18;
	(drf) =	srem.u32 s23, s29  }
0x72f: {  	s18 =	sshra.s32 s12, $0x1F;
	s11 =	spop (drf);
	(drf) =	srem.u32 s8, s9  }
0x730: {  	s9 =	ssub.s32 s6, s16;
	[smem:$0x671] =	sst s11;
	s16 =	spop (v2sf)  }
0x731: {  	s6 =	sxor.u32 s18, s12;
	(drf) =	srem.u32 s24, s9;
	s24 =	spop (drf)  }
0x732: {  	s9 =	ssub.s32 s15, s14;
	s6 =	ssub.s32 s6, s18;
	s3 =	spop (v2sf)  }
0x733: {  	s8 =	sshra.s32 s16, $0x1F;
	[smem:$0x672] =	sst s24;
	s29 =	spop (drf)  }
0x734: {  	(v2sf) =	vpush v2, $0x3;
	(drf) =	srem.u32 s10, s9;
	s10 =	sxor.u32 s8, s16;
	s11 =	spop (v2sf)  }
0x735: {  	s12 =	sshra.s32 s3, $0x1F;
	[smem:$0x673] =	sst s29;
	s16 =	spop (drf)  }
0x736: {  	(v2sf) =	vpush v2, $0x2;
	(drf) =	srem.u32 s0, s6;
	s9 =	ssub.s32 s10, s8;
	s14 =	spop (v2sf)  }
0x737: {  	(v2sf) =	vpush v2, $0x1;
	s6 =	sxor.u32 s12, s3;
	s15 =	sshra.s32 s11, $0x1F;
	s18 =	spop (drf)  }
0x738: {  	(drf) =	srem.u32 s13, s9;
	s6 =	ssub.s32 s6, s12;
	s24 =	spop (v2sf)  }
0x739: {  	(v2sf) =	vpush v2, $0x0;
	s19 =	sxor.u32 s15, s11;
	(drf) =	srem.u32 s26, s6;
	s29 =	spop (drf)  }
0x73a: {  	(v2sf) =	vpush v2, $0xF;
	s26 =	sshra.s32 s14, $0x1F;
	s9 =	ssub.s32 s19, s15;
	s11 =	spop (v2sf)  }
0x73b: {  	s12 =	sshra.s32 s24, $0x1F;
	s6 =	sxor.u32 s26, s14;
	s10 =	spop (drf)  }
0x73c: {  	(drf) =	srem.u32 s25, s9;
	s13 =	sxor.u32 s12, s24;
	s14 =	spop (v2sf)  }
0x73d: {  	s15 =	sshra.s32 s11, $0x1F;
	s6 =	ssub.s32 s6, s26;
	[smem:$0x675] =	sst s10  }
0x73e: {  	s10 =	ssub.s32 s13, s12;
	s19 =	spop (drf);
	s25 =	sshra.s32 s14, $0x1F  }
0x73f: {  	(drf) =	srem.u32 s5, s6;
	s6 =	sxor.u32 s15, s11;
	s26 =	sxor.u32 s25, s14  }
0x740: {  	(drf) =	srem.u32 s28, s10;
	s6 =	ssub.s32 s6, s15;
	s10 =	spop (drf)  }
0x741: {  	s3 =	ssub.s32 s26, s25;
	(drf) =	srem.u32 s22, s6;
	s8 =	spop (drf)  }
0x742: {  	(drf) =	srem.u32 s21, s3;
	s21 =	spop (drf)  }
0x743: {  	[smem:$0x674] =	sst s29;
	s24 =	spop (v2sf)  }
0x744: {  	[smem:$0x676] =	sst s19;
	s22 =	spop (drf);
	s29 =	sshra.s32 s24, $0x1F  }
0x745: {  	[smem:$0x677] =	sst s8;
	s6 =	sxor.u32 s29, s24;
	s28 =	spop (v2sf)  }
0x746: {  	s9 =	ssub.s32 s6, s29;
	s11 =	spop (v2sf);
	s12 =	sshra.s32 s28, $0x1F  }
0x747: {  	(drf) =	srem.u32 s7, s9;
	s13 =	sxor.u32 s12, s28;
	s15 =	sshra.s32 s11, $0x1F  }
0x748: {  	s14 =	spop (v2sf);
	s6 =	ssub.s32 s13, s12;
	s0 =	sxor.u32 s15, s11  }
0x749: {  	s24 =	spop (v2sf);
	s26 =	sshra.s32 s14, $0x1F;
	(drf) =	srem.u32 s1, s6  }
0x74a: {  	s19 =	ssub.s32 s0, s15;
	s15 =	spop (drf);
	s28 =	sxor.u32 s26, s14  }
0x74b: {  	s29 =	sshra.s32 s24, $0x1F;
	(drf) =	srem.u32 s4, s19;
	s25 =	spop (drf)  }
0x74c: {  	s0 =	ssub.s32 s28, s26;
	s6 =	sxor.u32 s29, s24;
	s24 =	spop (drf)  }
0x74d: {  	(drf) =	srem.u32 s2, s0;
	s6 =	ssub.s32 s6, s29;
	s26 =	spop (drf)  }
0x74e: {  	s0 =	simm.s32 $0x40;
	(drf) =	srem.u32 s23, s6;
	s6 =	spop (drf)  }
.LBB2_17:
0x74f: {  	[smem:$0x5FD] =	sst s26  }
0x750: {  	[smem:$0x601] =	sst s25  }
0x751: {  	[smem:$0x5FF] =	sst s24  }
0x752: {  	[smem:$0x607] =	sst s21  }
0x753: {  	[smem:$0x605] =	sst s22  }
0x754: {  	[smem:$0x603] =	sst s15  }
0x755: {  	[smem:$0x64E] =	sst s0  }
0x756: {  	s23 =	sld [smem:$0x650]  }
0x757: {  	s22 =	sld [smem:$0x64F]  }
0x758: {  	s9 =	sshra.s32 s0, $0x2;
	s12 =	sld [smem:$0x663]  }
0x759: {  	[smem:$0x614] =	sst s9  }
0x75a: {  	s29 =	sld [smem:$0x656]  }
0x75b: {  	s14 =	sld [smem:$0x66D]  }
0x75c: {  	s28 =	sld [smem:$0x654]  }
0x75d: {  	s15 =	sld [smem:$0x66A]  }
0x75e: {  	s25 =	sld [smem:$0x652]  }
0x75f: {  	s2 =	sld [smem:$0x671]  }
0x760: {  	s4 =	sld [smem:$0x66F]  }
0x761: {  	s1 =	spop (drf);
	s5 =	sld [smem:$0x673]  }
0x762: {  	[smem:$0x5FB] =	sst s1  }
0x763: {  	s7 =	spop (drf);
	s3 =	sxor.u32 s31, s20;
	s20 =	sld [smem:$0x665]  }
0x764: {  	[smem:$0x5FA] =	sst s7  }
0x765: {  	s8 =	spop (drf);
	[smem:$0x5FE] =	sst s3  }
0x766: {  	[smem:$0x5F9] =	sst s8  }
0x767: {  	s8 =	sld [smem:$0x65D]  }
0x768: {  	s21 =	sxor.u32 s25, s30;
	s30 =	sld [smem:$0x658]  }
0x769: {  	p0 =	sne.s32 s0, $0x31C0;
	s0 =	sxor.u32 s22, s12;
	s12 =	sld [smem:$0x661]  }
0x76a: {  	v3 =	vld [tilespmem:s9+$0x3200];
	s11 =	sxor.u32 s23, s17;
	s17 =	smov.u32 s9;
	s9 =	sld [smem:$0x675]  }
0x76b: {  	s1 =	sxor.u32 s29, s14;
	s14 =	sld [smem:$0x674]  }
0x76c: {  	[smem:$0x608] =	sst s11  }
0x76d: {  	[smem:$0x602] =	sst s1  }
0x76e: {  	[smem:$0x606] =	sst s21  }
0x76f: {  	s11 =	sld [smem:$0x660]  }
0x770: {  	s21 =	sld [smem:$0x667]  }
0x771: {  	s1 =	sxor.u32 s28, s15;
	s15 =	sld [smem:$0x669]  }
0x772: {  	[smem:$0x604] =	sst s1  }
0x773: {  	s19 =	spop (drf);
	s7 =	sxor.u32 s12, s16;
	s16 =	sld [smem:$0x65E]  }
0x774: {  	s24 =	spop (drf);
	s1 =	sxor.u32 s8, s2;
	s2 =	sld [smem:$0x672]  }
0x775: {  	s26 =	spop (drf);
	[smem:$0x5FC] =	sst s1  }
0x776: {  	s1 =	sxor.u32 s30, s4;
	s4 =	sxor.u32 s20, s14;
	s14 =	sld [smem:$0x662]  }
0x777: {  	s13 =	spop (drf);
	[smem:$0x600] =	sst s1  }
0x778: {  	s1 =	sxor.u32 s11, s5;
	s5 =	sxor.u32 s21, s9;
	s9 =	sld [smem:$0x676]  }
0x779: {  	s3 =	sxor.u32 s16, s2;
	s2 =	sxor.u32 s14, s18;
	s18 =	sld [smem:$0x66C]  }
0x77a: {  	[smem:$0x609] =	sst s0;
	s0 =	spop (drf)  }
0x77b: {  	s13 =	sxor.u32 s15, s13;
	s5 =	ssub.s32 s5, s21;
	s9 =	sxor.u32 s15, s9  }
0x77c: {  	s9 =	ssub.s32 s9, s15;
	s10 =	sxor.u32 s18, s10;
	s0 =	sxor.u32 s18, s0  }
0x77d: {  	s10 =	ssub.s32 s10, s18;
	s0 =	ssub.s32 s0, s18;
	s18 =	sxor.u32 s21, s26  }
0x77e: {  	s15 =	ssub.s32 s13, s15;
	s26 =	sxor.u32 s20, s24;
	v2 =	vmov s10;
	v4 =	vmov s0;
	s0 =	ssub.s32 s18, s21  }
0x77f: {  	s18 =	ssub.s32 s7, s12;
	s7 =	sld [smem:$0x5FC];
	v2 =	vsel vm0, s9, v2;
	s9 =	sxor.u32 s14, s19  }
0x780: {  	s10 =	ssub.s32 s2, s14;
	s13 =	ssub.s32 s9, s14;
	s14 =	sld [smem:$0x5F9]  }
0x781: {  	s4 =	ssub.s32 s4, s20;
	v2 =	vsel vm1, s5, v2;
	s5 =	ssub.s32 s26, s20;
	s20 =	sld [smem:$0x5FA]  }
0x782: {  	v4 =	vsel vm0, s15, v4;
	s26 =	sld [smem:$0x5FB]  }
0x783: {  	v4 =	vsel vm1, s0, v4;
	s9 =	sld [smem:$0x5FD];
	v2 =	vsel vm2, s4, v2  }
0x784: {  	v4 =	vsel vm2, s5, v4;
	v2 =	vsel vm3, s10, v2;
	s10 =	sld [smem:$0x5FE]  }
0x785: {  	v4 =	vsel vm3, s13, v4;
	s13 =	sld [smem:$0x600]  }
0x786: {  	(v2sf) =	vpush v3, $0xE;
	v2 =	vsel vm4, s18, v2;
	s18 =	sld [smem:$0x603]  }
0x787: {  	(v2sf) =	vpush v3, $0xD;
	s15 =	sxor.u32 s12, s14;
	s2 =	sxor.u32 s16, s26;
	s26 =	sld [smem:$0x607]  }
0x788: {  	(v2sf) =	vpush v3, $0xC;
	s19 =	ssub.s32 s15, s12;
	s12 =	sld [smem:$0x5FF]  }
0x789: {  	s6 =	sxor.u32 s8, s6;
	(v2sf) =	vpush v3, $0xB;
	s3 =	ssub.s32 s3, s16;
	s15 =	sld [smem:$0x601]  }
0x78a: {  	(v2sf) =	vpush v3, $0xA;
	s21 =	sxor.u32 s11, s20;
	s5 =	ssub.s32 s2, s16;
	s16 =	sld [smem:$0x602]  }
0x78b: {  	s1 =	ssub.s32 s1, s11;
	(v2sf) =	vpush v3, $0x9;
	s24 =	ssub.s32 s21, s11;
	s21 =	sld [smem:$0x605]  }
0x78c: {  	(v2sf) =	vpush v3, $0x8;
	v2 =	vsel vm5, s1, v2;
	s1 =	ssub.s32 s7, s8;
	s2 =	sxor.u32 s31, s9;
	v4 =	vsel vm4, s19, v4;
	s19 =	sld [smem:$0x604]  }
0x78d: {  	(v2sf) =	vpush v3, $0x7;
	s8 =	ssub.s32 s6, s8;
	v2 =	vsel vm6, s3, v2;
	s11 =	ssub.s32 s2, s31;
	s3 =	sld [smem:$0x677];
	v4 =	vsel vm5, s24, v4  }
0x78e: {  	(v2sf) =	vpush v3, $0x6;
	v2 =	vsel vm7, s1, v2;
	s1 =	ssub.s32 s10, s31;
	s24 =	sld [smem:$0x606];
	v4 =	vsel vm6, s5, v4;
	s2 =	sxor.u32 s30, s12  }
0x78f: {  	(v2sf) =	vpush v3, $0x5;
	v5 =	vsel vm8, s1, v2;
	s1 =	ssub.s32 s13, s30;
	v4 =	vsel vm7, s8, v4;
	s14 =	ssub.s32 s2, s30;
	s2 =	sxor.u32 s29, s15  }
0x790: {  	(v2sf) =	vpush v3, $0x4;
	v2 =	vld [tilespmem:s17+$0x2580];
	v5 =	vsel vm9, s1, v5;
	s1 =	ssub.s32 s16, s29;
	v4 =	vsel vm8, s11, v4;
	s17 =	ssub.s32 s2, s29;
	s2 =	sxor.u32 s28, s18  }
0x791: {  	(v2sf) =	vpush v3, $0x3;
	v5 =	vsel vm10, s1, v5;
	s1 =	ssub.s32 s19, s28;
	v4 =	vsel vm9, s14, v4;
	s20 =	ssub.s32 s2, s28;
	s28 =	sld [smem:$0x608]  }
0x792: {  	(v2sf) =	vpush v3, $0x2;
	s5 =	sld [smem:$0x609];
	s2 =	sxor.u32 s25, s21;
	v4 =	vsel vm10, s17, v4  }
0x793: {  	(v2sf) =	vpush v3, $0x1;
	v5 =	vsel vm11, s1, v5;
	s1 =	ssub.s32 s24, s25;
	s25 =	ssub.s32 s2, s25;
	s2 =	sxor.u32 s23, s26;
	v4 =	vsel vm11, s20, v4  }
0x794: {  	(v2sf) =	vpush v3, $0x0;
	v5 =	vsel vm12, s1, v5;
	s29 =	ssub.s32 s2, s23;
	s2 =	sxor.u32 s22, s3;
	s1 =	ssub.s32 s28, s23;
	v4 =	vsel vm12, s25, v4  }
0x795: {  	(v2sf) =	vpush v3, $0xF;
	s4 =	spop (v2sf);
	s6 =	ssub.s32 s2, s22;
	v3 =	vsel vm13, s1, v5;
	s1 =	ssub.s32 s5, s22;
	v59 =	vsel vm13, s29, v4  }
0x796: {  	s7 =	spop (v2sf);
	v60 =	vand.u32 $0x1F, v2;
	v3 =	vsel vm14, s1, v3;
	v5 =	vsel vm14, s6, v59  }
0x797: {  	s8 =	spop (v2sf);
	(v2sf) =	vpush v60, $0xE;
	v5 =	vadd.s32 v5, v3  }
0x798: {  	[smem:$0x617] =	sst s4;
	s9 =	spop (v2sf);
	(v2sf) =	vpush v60, $0xD;
	v5 =	vadd.s32 $0x1, v5  }
0x799: {  	[smem:$0x616] =	sst s7;
	s10 =	spop (v2sf);
	(v2sf) =	vpush v60, $0xC;
	v5 =	vshll.u32 v5, $0x18  }
0x79a: {  	[smem:$0x615] =	sst s8;
	s11 =	spop (v2sf);
	(v2sf) =	vpush v60, $0xB;
	v5 =	vshra.s32 v5, $0x18  }
0x79b: {  	[smem:$0x61A] =	sst s9;
	s12 =	spop (v2sf);
	(v2sf) =	vpush v5, $0xE  }
0x79c: {  	[smem:$0x619] =	sst s10;
	s13 =	spop (v2sf);
	(v2sf) =	vpush v5, $0xD  }
0x79d: {  	[smem:$0x618] =	sst s11;
	s14 =	spop (v2sf);
	(v2sf) =	vpush v5, $0xC  }
0x79e: {  	[smem:$0x61D] =	sst s12;
	s15 =	spop (v2sf);
	(v2sf) =	vpush v5, $0xB  }
0x79f: {  	[smem:$0x61C] =	sst s13  }
0x7a0: {  	[smem:$0x61B] =	sst s14;
	s16 =	spop (v2sf);
	(v2sf) =	vpush v5, $0xA  }
0x7a1: {  	[smem:$0x620] =	sst s15;
	s17 =	spop (v2sf);
	(v2sf) =	vpush v5, $0x9  }
0x7a2: {  	[smem:$0x61F] =	sst s16;
	s18 =	spop (v2sf);
	(v2sf) =	vpush v5, $0x8  }
0x7a3: {  	[smem:$0x61E] =	sst s17;
	s19 =	spop (v2sf)  }
0x7a4: {  	[smem:$0x623] =	sst s18;
	s20 =	spop (v2sf);
	(v2sf) =	vpush v5, $0x7  }
0x7a5: {  	[smem:$0x622] =	sst s19;
	s21 =	spop (v2sf);
	(v2sf) =	vpush v5, $0x6  }
0x7a6: {  	[smem:$0x621] =	sst s20;
	s22 =	spop (v2sf)  }
0x7a7: {  	[smem:$0x624] =	sst s21;
	(v2sf) =	vpush v5, $0x5;
	s23 =	spop (v2sf)  }
0x7a8: {  	[smem:$0x610] =	sst s22;
	s24 =	spop (v2sf)  }
0x7a9: {  	(v2sf) =	vpush v5, $0x4;
	[smem:$0x611] =	sst s23;
	s25 =	spop (v2sf)  }
0x7aa: {  	[smem:$0x612] =	sst s24;
	s28 =	spop (v2sf)  }
0x7ab: {  	(v2sf) =	vpush v5, $0x3;
	[smem:$0x613] =	sst s25;
	s30 =	spop (v2sf);
	s0 =	sshra.s32 s28, $0x1F  }
0x7ac: {  	(v2sf) =	vpush v5, $0x2;
	s31 =	spop (v2sf);
	s1 =	sshra.s32 s30, $0x1F;
	[smem:$0x60F] =	sst s0  }
0x7ad: {  	(v2sf) =	vpush v5, $0x1;
	s28 =	sxor.u32 s0, s28;
	s12 =	spop (v2sf);
	s9 =	sshra.s32 s31, $0x1F  }
0x7ae: {  	(v2sf) =	vpush v5, $0x0;
	s30 =	sxor.u32 s1, s30;
	s28 =	ssub.s32 s28, s0;
	s0 =	sld [smem:$0x653]  }
0x7af: {  	(v2sf) =	vpush v5, $0xF;
	s3 =	spop (v2sf);
	s2 =	sshra.s32 s12, $0x1F;
	s31 =	sxor.u32 s9, s31  }
0x7b0: {  	s30 =	ssub.s32 s30, s1;
	s13 =	spop (v2sf);
	s5 =	sshra.s32 s3, $0x1F  }
0x7b1: {  	s4 =	spop (v2sf);
	s7 =	sshra.s32 s13, $0x1F;
	s3 =	sxor.u32 s5, s3  }
0x7b2: {  	s15 =	smov.u32 s5;
	s5 =	sxor.u32 s2, s12;
	s12 =	sld [smem:$0x651]  }
0x7b3: {  	s8 =	spop (v2sf);
	s11 =	sshra.s32 s4, $0x1F;
	s13 =	sxor.u32 s7, s13  }
0x7b4: {  	s5 =	ssub.s32 s5, s2;
	s17 =	spop (v2sf);
	s10 =	sshra.s32 s8, $0x1F  }
0x7b5: {  	s4 =	sxor.u32 s11, s4;
	[smem:$0x60E] =	sst s13;
	s13 =	smov.u32 s1  }
0x7b6: {  	s18 =	spop (v2sf);
	s14 =	sshra.s32 s17, $0x1F;
	[smem:$0x60D] =	sst s4  }
0x7b7: {  	s8 =	sxor.u32 s10, s8;
	(drf) =	srem.u32 s28, s12;
	s12 =	smov.u32 s2  }
0x7b8: {  	s26 =	spop (v2sf);
	s24 =	sshra.s32 s18, $0x1F;
	[smem:$0x60C] =	sst s8  }
0x7b9: {  	s1 =	sxor.u32 s14, s17;
	(drf) =	srem.u32 s30, s0;
	s30 =	sld [smem:$0x655]  }
0x7ba: {  	s17 =	ssub.s32 s31, s9;
	s8 =	sld [smem:$0x657];
	s29 =	spop (v2sf)  }
0x7bb: {  	[smem:$0x60B] =	sst s26;
	s21 =	sshra.s32 s26, $0x1F;
	s23 =	spop (v2sf)  }
0x7bc: {  	s4 =	sxor.u32 s24, s18;
	[smem:$0x60A] =	sst s29;
	s19 =	spop (v2sf)  }
0x7bd: {  	s20 =	sshra.s32 s29, $0x1F;
	(drf) =	srem.u32 s17, s30;
	s16 =	spop (v2sf)  }
0x7be: {  	s22 =	sshra.s32 s23, $0x1F;
	s17 =	sld [smem:$0x659];
	s6 =	spop (v2sf)  }
0x7bf: {  	(drf) =	srem.u32 s5, s8;
	s26 =	sshra.s32 s16, $0x1F;
	s29 =	sshra.s32 s6, $0x1F  }
0x7c0: {  	s2 =	sxor.u32 s29, s6;
	s6 =	ssub.s32 s3, s15;
	s3 =	sld [smem:$0x670]  }
0x7c1: {  	s16 =	sxor.u32 s26, s16;
	(drf) =	srem.u32 s6, s17;
	s17 =	sld [smem:$0x66E]  }
0x7c2: {  	s5 =	rddreg [dreg:$0x18];
	s18 =	ssub.s32 s16, s26;
	s0 =	ssub.s32 s2, s29  }
0x7c3: {  	s16 =	sxor.u32 s22, s23;
	s23 =	sld [smem:$0x66B];
	(drf) =	srem.u32 s0, s3  }
0x7c4: {  	s25 =	sshra.s32 s19, $0x1F;
	(drf) =	srem.u32 s18, s17;
	s18 =	sld [smem:$0x60A]  }
0x7c5: {  	s28 =	sxor.u32 s25, s19;
	s3 =	rddreg [dreg:$0x1c]  }
0x7c6: {  	s8 =	ssub.s32 s28, s25;
	s17 =	sld [smem:$0x668]  }
0x7c7: {  	(drf) =	srem.u32 s8, s23;
	s8 =	sld [smem:$0x60B];
	s19 =	sxor.u32 s20, s18  }
0x7c8: {  	s2 =	ssub.s32 s16, s22;
	s28 =	ssub.s32 s19, s20;
	s19 =	sld [smem:$0x666]  }
0x7c9: {  	s6 =	spop (drf);
	s23 =	ssub.s32 s4, s24;
	s4 =	sld [smem:$0x60C]  }
0x7ca: {  	(drf) =	srem.u32 s2, s17;
	s17 =	rddreg [dreg:$0x14]  }
0x7cb: {  	(v2sf) =	vpush v60, $0xA;
	(drf) =	srem.u32 s28, s19;
	s28 =	sld [smem:$0x664]  }
0x7cc: {  	(v2sf) =	vpush v60, $0x9;
	s16 =	sxor.u32 s21, s8;
	s0 =	ssub.s32 s4, s10;
	s4 =	rddreg [dreg:$0x10]  }
0x7cd: {  	s8 =	spop (drf);
	s18 =	ssub.s32 s16, s21;
	s16 =	sld [smem:$0x60D]  }
0x7ce: {  	(drf) =	srem.u32 s18, s28;
	s18 =	sld [smem:$0x60E]  }
0x7cf: {  	s1 =	ssub.s32 s1, s14;
	(drf) =	srem.u32 s23, s3;
	s23 =	spop (drf)  }
0x7d0: {  	(v2sf) =	vpush v60, $0x8;
	(drf) =	srem.u32 s1, s5;
	s28 =	spop (drf)  }
0x7d1: {  	(v2sf) =	vpush v60, $0x7;
	(drf) =	srem.u32 s0, s17;
	s30 =	spop (drf)  }
0x7d2: {  	s1 =	ssub.s32 s16, s11;
	s17 =	rddreg [dreg:$0xc];
	s19 =	spop (drf)  }
0x7d3: {  	(v2sf) =	vpush v60, $0x6;
	s0 =	ssub.s32 s18, s7;
	(drf) =	srem.u32 s1, s4;
	s16 =	spop (drf)  }
0x7d4: {  	s5 =	sxor.u32 s29, s19;
	(drf) =	srem.u32 s0, s17;
	s19 =	spop (drf)  }
0x7d5: {  	s18 =	sxor.u32 s26, s16;
	s1 =	ssub.s32 s5, s29;
	s29 =	spop (drf)  }
0x7d6: {  	(v2sf) =	vpush v60, $0x5;
	s0 =	ssub.s32 s18, s26;
	s26 =	sxor.u32 s25, s19;
	s5 =	spop (drf)  }
0x7d7: {  	s3 =	ssub.s32 s26, s25;
	s4 =	sxor.u32 s22, s29;
	s18 =	spop (drf)  }
0x7d8: {  	(v2sf) =	vpush v60, $0x4;
	s16 =	ssub.s32 s4, s22;
	s17 =	sxor.u32 s20, s5;
	s22 =	spop (drf)  }
0x7d9: {  	v61 =	vmov s1;
	s19 =	ssub.s32 s17, s20;
	s20 =	sxor.u32 s21, s18;
	s29 =	spop (drf)  }
0x7da: {  	v5 =	vsel vm0, s0, v61;
	s25 =	ssub.s32 s20, s21;
	s26 =	sxor.u32 s24, s22;
	s20 =	spop (v2sf)  }
0x7db: {  	v5 =	vsel vm1, s3, v5;
	s1 =	ssub.s32 s26, s24;
	[smem:$0x659] =	sst s20;
	s24 =	spop (v2sf)  }
0x7dc: {  	(v2sf) =	vpush v60, $0x3;
	v5 =	vsel vm2, s16, v5;
	s3 =	sxor.u32 s14, s29;
	s4 =	spop (drf);
	[dreg:$0xc] =	wrdreg s24  }
0x7dd: {  	v62 =	vsel vm3, s19, v5;
	s26 =	sxor.u32 s15, s30;
	s5 =	ssub.s32 s3, s14;
	s24 =	sld [smem:$0x611]  }
0x7de: {  	v4 =	vsel vm4, s25, v62;
	s16 =	spop (drf);
	s2 =	ssub.s32 s26, s15;
	s26 =	sld [smem:$0x612]  }
0x7df: {  	v4 =	vsel vm5, s1, v4;
	s14 =	sxor.u32 s10, s4;
	s29 =	spop (v2sf);
	s1 =	sld [smem:$0x613]  }
0x7e0: {  	(v2sf) =	vpush v60, $0x2;
	v4 =	vsel vm6, s5, v4;
	s17 =	ssub.s32 s14, s10;
	[dreg:$0x10] =	wrdreg s29;
	s5 =	spop (v2sf)  }
0x7e1: {  	(v2sf) =	vpush v60, $0x1;
	s18 =	sxor.u32 s11, s16;
	s19 =	spop (drf);
	[dreg:$0x14] =	wrdreg s5  }
0x7e2: {  	v4 =	vsel vm7, s17, v4;
	s21 =	ssub.s32 s18, s11;
	s11 =	spop (v2sf);
	s17 =	sld [smem:$0x60F]  }
0x7e3: {  	s22 =	sxor.u32 s7, s19;
	[dreg:$0x18] =	wrdreg s11  }
0x7e4: {  	(v2sf) =	vpush v60, $0x0;
	s4 =	sxor.u32 s12, s28;
	v4 =	vsel vm8, s21, v4;
	s25 =	ssub.s32 s22, s7;
	s21 =	sld [smem:$0x610]  }
0x7e5: {  	s7 =	ssub.s32 s4, s12;
	s15 =	spop (v2sf);
	s4 =	rddreg [dreg:$0x8]  }
0x7e6: {  	s28 =	smov.u32 s26;
	[dreg:$0x1c] =	wrdreg s15  }
0x7e7: {  	(v2sf) =	vpush v60, $0xF;
	s19 =	spop (v2sf);
	[smem:$0x655] =	sst s28  }
0x7e8: {  	v4 =	vsel vm9, s25, v4;
	s25 =	smov.u32 s24;
	[smem:$0x664] =	sst s19  }
0x7e9: {  	v6 =	vmax.u32 v60, $0x2;
	[smem:$0x653] =	sst s25  }
0x7ea: {  	v6 =	vadd.s32 $0xFFFFFFFF, v6;
	s10 =	sxor.u32 s9, s23;
	s18 =	sxor.u32 s17, s6;
	s6 =	sld [smem:$0x614]  }
0x7eb: {  	(v2sf) =	vpush v6, $0xE;
	v4 =	vsel vm10, s2, v4;
	s23 =	spop (v2sf);
	s2 =	smov.u32 s1;
	s1 =	sld [smem:$0x617]  }
0x7ec: {  	[smem:$0x666] =	sst s23  }
0x7ed: {  	(v2sf) =	vpush v6, $0xD;
	[smem:$0x657] =	sst s2  }
0x7ee: {  	s22 =	smov.u32 s21;
	s2 =	sld [smem:$0x616]  }
0x7ef: {  	s29 =	spop (v2sf);
	[smem:$0x651] =	sst s22  }
0x7f0: {  	[smem:$0x668] =	sst s29;
	s3 =	spop (v2sf)  }
0x7f1: {  	[smem:$0x66B] =	sst s3  }
0x7f2: {  	(v2sf) =	vpush v6, $0xC;
	v4 =	vsel vm11, s7, v4;
	s7 =	smov.u32 s6;
	s6 =	sld [smem:$0x61B]  }
0x7f3: {  	s5 =	spop (v2sf);
	s3 =	sld [smem:$0x61C]  }
0x7f4: {  	(v2sf) =	vpush v6, $0xB;
	[smem:$0x66E] =	sst s5  }
0x7f5: {  	[dreg:$0x8] =	wrdreg s7  }
0x7f6: {  	s14 =	sxor.u32 s13, s8;
	s8 =	spop (v2sf);
	s5 =	sld [smem:$0x620]  }
0x7f7: {  	s12 =	ssub.s32 s10, s9;
	[smem:$0x670] =	sst s8  }
0x7f8: {  	(v2sf) =	vpush v6, $0xA;
	s16 =	ssub.s32 s14, s13;
	v4 =	vsel vm12, s12, v4;
	s7 =	sshra.s32 s1, $0x1F;
	s8 =	sld [smem:$0x61A]  }
0x7f9: {  	v63 =	vshrl.u32 v1, $0x5;
	s20 =	ssub.s32 s18, s17;
	v4 =	vsel vm13, s16, v4;
	s25 =	sshra.s32 s2, $0x1F;
	[smem:$0x64F] =	sst s7  }
0x7fa: {  	v1 =	vmov v2;
	v2 =	vadd.s32 v63, v3;
	v4 =	vsel vm14, s20, v4;
	s9 =	spop (v2sf);
	[smem:$0x650] =	sst s25  }
0x7fb: {  	[tilespmem:s4+$0x3E80] =	vst v2;
	v3 =	vadd.s32 v4, v63;
	[smem:$0x626] =	sst s9  }
0x7fc: {  	[tilespmem:s4+$0x4B00] =	vst v3;
	s10 =	spop (v2sf);
	s4 =	sld [smem:$0x615]  }
0x7fd: {  	(v2sf) =	vpush v6, $0x9;
	s1 =	sxor.u32 s7, s1;
	[smem:$0x625] =	sst s10  }
0x7fe: {  	s1 =	ssub.s32 s1, s7;
	s10 =	sld [smem:$0x61F]  }
0x7ff: {  	s2 =	sxor.u32 s25, s2;
	s9 =	sshra.s32 s3, $0x1F;
	[smem:$0x635] =	sst s1  }
0x800: {  	s7 =	sxor.u32 s9, s3;
	s3 =	ssub.s32 s2, s25;
	s25 =	sld [smem:$0x651]  }
0x801: {  	(v2sf) =	vpush v6, $0x8;
	s11 =	spop (v2sf);
	[smem:$0x65D] =	sst s9  }
0x802: {  	[smem:$0x628] =	sst s11  }
0x803: {  	s12 =	spop (v2sf);
	[smem:$0x636] =	sst s3  }
0x804: {  	s28 =	sshra.s32 s8, $0x1F;
	[smem:$0x627] =	sst s12  }
0x805: {  	(v2sf) =	vpush v6, $0x7;
	s9 =	ssub.s32 s7, s9;
	[smem:$0x654] =	sst s28  }
0x806: {  	s11 =	sshra.s32 s5, $0x1F;
	[smem:$0x63F] =	sst s9  }
0x807: {  	s13 =	spop (v2sf);
	[smem:$0x660] =	sst s11  }
0x808: {  	[smem:$0x62A] =	sst s13  }
0x809: {  	s26 =	sshra.s32 s4, $0x1F;
	s13 =	sld [smem:$0x618]  }
0x80a: {  	(v2sf) =	vpush v6, $0x6;
	[smem:$0x652] =	sst s26  }
0x80b: {  	s12 =	sshra.s32 s6, $0x1F;
	(drf) =	srem.u32 s1, s25;
	s25 =	sld [smem:$0x653]  }
0x80c: {  	(v2sf) =	vpush v6, $0x5;
	s14 =	spop (v2sf);
	[smem:$0x65E] =	sst s12  }
0x80d: {  	s8 =	sxor.u32 s28, s8;
	[smem:$0x629] =	sst s14  }
0x80e: {  	s4 =	sxor.u32 s26, s4;
	s2 =	sxor.u32 s12, s6;
	s14 =	sld [smem:$0x623]  }
0x80f: {  	s6 =	ssub.s32 s4, s26;
	s26 =	ssub.s32 s8, s28;
	s28 =	sld [smem:$0x655]  }
0x810: {  	s15 =	spop (v2sf);
	s8 =	sld [smem:$0x657]  }
0x811: {  	[smem:$0x62C] =	sst s15  }
0x812: {  	[smem:$0x637] =	sst s6  }
0x813: {  	(v2sf) =	vpush v6, $0x4;
	s4 =	sxor.u32 s11, s5;
	[smem:$0x638] =	sst s26  }
0x814: {  	s16 =	spop (v2sf);
	s4 =	ssub.s32 s4, s11;
	s11 =	rddreg [dreg:$0x18]  }
0x815: {  	[smem:$0x62B] =	sst s16  }
0x816: {  	(v2sf) =	vpush v6, $0x3;
	s16 =	sld [smem:$0x61E]  }
0x817: {  	(drf) =	srem.u32 s3, s25;
	s25 =	rddreg [dreg:$0x10]  }
0x818: {  	(v2sf) =	vpush v6, $0x2;
	s15 =	sshra.s32 s10, $0x1F;
	[smem:$0x643] =	sst s4  }
0x819: {  	(v2sf) =	vpush v6, $0x1;
	s17 =	spop (v2sf);
	[smem:$0x661] =	sst s15  }
0x81a: {  	s30 =	sshra.s32 s13, $0x1F;
	[smem:$0x62E] =	sst s17  }
0x81b: {  	s18 =	spop (v2sf);
	[smem:$0x658] =	sst s30  }
0x81c: {  	(drf) =	srem.u32 s6, s28;
	s28 =	ssub.s32 s2, s12;
	s2 =	sld [smem:$0x62B]  }
0x81d: {  	[smem:$0x62D] =	sst s18  }
0x81e: {  	s13 =	sxor.u32 s30, s13;
	s18 =	sld [smem:$0x619]  }
0x81f: {  	(v2sf) =	vpush v6, $0x0;
	s1 =	sxor.u32 s15, s10;
	s10 =	ssub.s32 s13, s30;
	s13 =	sld [smem:$0x659]  }
0x820: {  	s12 =	ssub.s32 s1, s15;
	[smem:$0x642] =	sst s28  }
0x821: {  	[smem:$0x646] =	sst s12  }
0x822: {  	(v2sf) =	vpush v6, $0xF;
	s19 =	spop (v2sf);
	s1 =	sld [smem:$0x62E]  }
0x823: {  	[smem:$0x630] =	sst s19  }
0x824: {  	s19 =	sld [smem:$0x622]  }
0x825: {  	s20 =	spop (v2sf);
	[smem:$0x63A] =	sst s10  }
0x826: {  	s17 =	sshra.s32 s16, $0x1F;
	[smem:$0x62F] =	sst s20  }
0x827: {  	s21 =	spop (v2sf);
	[smem:$0x662] =	sst s17  }
0x828: {  	[smem:$0x633] =	sst s21;
	s22 =	spop (v2sf)  }
0x829: {  	[smem:$0x632] =	sst s22  }
0x82a: {  	s21 =	sshra.s32 s14, $0x1F;
	s22 =	sld [smem:$0x621]  }
0x82b: {  	[smem:$0x665] =	sst s21  }
0x82c: {  	s5 =	sxor.u32 s17, s16;
	s29 =	sshra.s32 s18, $0x1F;
	s21 =	sld [smem:$0x624]  }
0x82d: {  	s15 =	ssub.s32 s5, s17;
	[smem:$0x656] =	sst s29  }
0x82e: {  	s23 =	spop (v2sf);
	[smem:$0x648] =	sst s15  }
0x82f: {  	s18 =	sxor.u32 s29, s18;
	[smem:$0x631] =	sst s23  }
0x830: {  	s20 =	sshra.s32 s19, $0x1F;
	s29 =	ssub.s32 s18, s29;
	s18 =	rddreg [dreg:$0xc]  }
0x831: {  	s24 =	spop (v2sf);
	[smem:$0x667] =	sst s20  }
0x832: {  	[smem:$0x634] =	sst s24  }
0x833: {  	s24 =	sld [smem:$0x61D]  }
0x834: {  	(drf) =	srem.u32 s26, s8;
	[smem:$0x639] =	sst s29  }
0x835: {  	(drf) =	srem.u32 s29, s13;
	s29 =	rddreg [dreg:$0x14]  }
0x836: {  	s13 =	rddreg [dreg:$0x1c];
	s31 =	sshra.s32 s21, $0x1F  }
0x837: {  	[smem:$0x66C] =	sst s31  }
0x838: {  	s23 =	sshra.s32 s22, $0x1F;
	s31 =	sld [smem:$0x665]  }
0x839: {  	s26 =	sxor.u32 s23, s22;
	[smem:$0x669] =	sst s23  }
0x83a: {  	s0 =	sshra.s32 s24, $0x1F;
	s26 =	ssub.s32 s26, s23;
	s23 =	sld [smem:$0x62A]  }
0x83b: {  	[smem:$0x63E] =	sst s0  }
0x83c: {  	s24 =	sxor.u32 s0, s24;
	[smem:$0x64C] =	sst s26  }
0x83d: {  	s16 =	ssub.s32 s24, s0;
	s0 =	sld [smem:$0x66C]  }
0x83e: {  	s24 =	sxor.u32 s20, s19;
	s19 =	sld [smem:$0x666]  }
0x83f: {  	s6 =	sxor.u32 s31, s14;
	s14 =	spop (drf);
	[smem:$0x63C] =	sst s16  }
0x840: {  	(drf) =	srem.u32 s10, s18;
	[smem:$0x663] =	sst s14  }
0x841: {  	(drf) =	srem.u32 s16, s25;
	s16 =	sld [smem:$0x664]  }
0x842: {  	s22 =	ssub.s32 s24, s20;
	s24 =	sld [smem:$0x668]  }
0x843: {  	s17 =	spop (drf);
	s18 =	ssub.s32 s6, s31;
	s6 =	sld [smem:$0x670]  }
0x844: {  	[smem:$0x647] =	sst s17  }
0x845: {  	(drf) =	srem.u32 s9, s29;
	[smem:$0x649] =	sst s18  }
0x846: {  	[smem:$0x64A] =	sst s22;
	(drf) =	srem.u32 s28, s11  }
0x847: {  	s10 =	sxor.u32 s0, s21;
	s21 =	spop (drf);
	s28 =	sld [smem:$0x66B]  }
0x848: {  	[smem:$0x641] =	sst s21  }
0x849: {  	(drf) =	srem.u32 s4, s13;
	s4 =	sld [smem:$0x66E]  }
0x84a: {  	s21 =	sld [smem:$0x627]  }
0x84b: {  	s25 =	spop (drf);
	s3 =	ssub.s32 s10, s0;
	s0 =	sld [smem:$0x630]  }
0x84c: {  	(drf) =	srem.u32 s12, s16;
	[smem:$0x66A] =	sst s25  }
0x84d: {  	s29 =	spop (drf);
	[smem:$0x64D] =	sst s3  }
0x84e: {  	[smem:$0x66D] =	sst s29;
	s5 =	spop (drf)  }
0x84f: {  	(drf) =	srem.u32 s15, s19;
	[smem:$0x66F] =	sst s5  }
0x850: {  	(drf) =	srem.u32 s18, s24;
	s18 =	sld [smem:$0x625]  }
0x851: {  	s16 =	sshra.s32 s21, $0x1F;
	(drf) =	srem.u32 s22, s28;
	s22 =	sld [smem:$0x628]  }
0x852: {  	s21 =	sxor.u32 s16, s21;
	(drf) =	srem.u32 s26, s4;
	s4 =	sld [smem:$0x62C]  }
0x853: {  	s16 =	ssub.s32 s21, s16;
	s21 =	sld [smem:$0x639]  }
0x854: {  	(drf) =	srem.u32 s3, s6;
	s3 =	sld [smem:$0x629]  }
0x855: {  	s7 =	spop (drf);
	s6 =	sld [smem:$0x62D]  }
0x856: {  	[smem:$0x63B] =	sst s7  }
0x857: {  	s25 =	sshra.s32 s18, $0x1F;
	s8 =	spop (drf);
	s7 =	sld [smem:$0x633]  }
0x858: {  	s18 =	sxor.u32 s25, s18;
	[smem:$0x671] =	sst s8  }
0x859: {  	s9 =	spop (drf);
	s18 =	ssub.s32 s18, s25;
	s25 =	sld [smem:$0x635]  }
0x85a: {  	[smem:$0x672] =	sst s9;
	s10 =	spop (drf)  }
0x85b: {  	[smem:$0x673] =	sst s10  }
0x85c: {  	s10 =	sld [smem:$0x626];
	s11 =	spop (drf)  }
0x85d: {  	[smem:$0x644] =	sst s11  }
0x85e: {  	s12 =	spop (drf);
	s11 =	sld [smem:$0x62F]  }
0x85f: {  	[smem:$0x645] =	sst s12  }
0x860: {  	s13 =	spop (drf);
	s12 =	sld [smem:$0x634]  }
0x861: {  	[smem:$0x674] =	sst s13  }
0x862: {  	s31 =	sshra.s32 s1, $0x1F;
	s14 =	spop (drf);
	s13 =	sld [smem:$0x632]  }
0x863: {  	s15 =	sshra.s32 s2, $0x1F;
	s8 =	sshra.s32 s22, $0x1F;
	[smem:$0x675] =	sst s14  }
0x864: {  	s29 =	sshra.s32 s4, $0x1F;
	s17 =	spop (drf);
	s14 =	sld [smem:$0x631]  }
0x865: {  	s22 =	sxor.u32 s8, s22;
	[smem:$0x676] =	sst s17;
	s19 =	spop (drf)  }
0x866: {  	s8 =	ssub.s32 s22, s8;
	[smem:$0x64B] =	sst s19;
	s19 =	sshra.s32 s7, $0x1F  }
0x867: {  	s20 =	sshra.s32 s14, $0x1F;
	s22 =	sxor.u32 s19, s7;
	s7 =	sld [smem:$0x63F]  }
0x868: {  	s5 =	sshra.s32 s10, $0x1F;
	[smem:$0x63D] =	sst s20;
	s20 =	sshra.s32 s12, $0x1F  }
0x869: {  	s28 =	sshra.s32 s3, $0x1F;
	[smem:$0x640] =	sst s20;
	s20 =	sxor.u32 s5, s10  }
0x86a: {  	s10 =	sxor.u32 s29, s4;
	s4 =	sxor.u32 s28, s3;
	s3 =	sld [smem:$0x637]  }
0x86b: {  	s5 =	ssub.s32 s20, s5;
	s20 =	sxor.u32 s15, s2;
	s2 =	sld [smem:$0x636]  }
0x86c: {  	(drf) =	srem.u32 s25, s5;
	s5 =	sxor.u32 s31, s1;
	s1 =	sld [smem:$0x63D]  }
0x86d: {  	s30 =	sshra.s32 s6, $0x1F;
	s5 =	ssub.s32 s5, s31;
	s31 =	sld [smem:$0x63E]  }
0x86e: {  	(drf) =	srem.u32 s2, s18;
	s18 =	sxor.u32 s30, s6;
	s6 =	sld [smem:$0x638]  }
0x86f: {  	(drf) =	srem.u32 s3, s8;
	s3 =	ssub.s32 s10, s29;
	s29 =	sld [smem:$0x63C]  }
0x870: {  	s9 =	sshra.s32 s23, $0x1F;
	s24 =	sshra.s32 s11, $0x1F;
	s10 =	sld [smem:$0x640]  }
0x871: {  	s25 =	sxor.u32 s1, s14;
	s14 =	sld [smem:$0x648];
	(drf) =	srem.u32 s6, s16  }
0x872: {  	s16 =	sxor.u32 s24, s11;
	s11 =	ssub.s32 s4, s28;
	s4 =	sld [smem:$0x63A]  }
0x873: {  	s23 =	sxor.u32 s9, s23;
	s28 =	ssub.s32 s20, s15;
	s20 =	sld [smem:$0x63B]  }
0x874: {  	s9 =	ssub.s32 s23, s9;
	s26 =	sshra.s32 s13, $0x1F;
	s15 =	sld [smem:$0x649]  }
0x875: {  	s6 =	sxor.u32 s26, s13;
	s13 =	ssub.s32 s22, s19;
	s19 =	sld [smem:$0x64A]  }
0x876: {  	s17 =	sshra.s32 s0, $0x1F;
	s23 =	sxor.u32 s10, s12;
	s12 =	sld [smem:$0x646]  }
0x877: {  	s8 =	sxor.u32 s17, s0;
	s0 =	ssub.s32 s6, s26;
	s26 =	sld [smem:$0x64C]  }
0x878: {  	(drf) =	srem.u32 s21, s9;
	s23 =	ssub.s32 s23, s10;
	s10 =	sld [smem:$0x64B]  }
0x879: {  	(drf) =	srem.u32 s4, s11;
	s4 =	sld [smem:$0x643]  }
0x87a: {  	s11 =	ssub.s32 s16, s24;
	s16 =	sld [smem:$0x644]  }
0x87b: {  	(drf) =	srem.u32 s29, s3;
	s29 =	sld [smem:$0x642]  }
0x87c: {  	s3 =	ssub.s32 s8, s17;
	s8 =	spop (drf);
	s17 =	sld [smem:$0x647]  }
0x87d: {  	(drf) =	srem.u32 s7, s28;
	s28 =	ssub.s32 s18, s30;
	s30 =	sld [smem:$0x641]  }
0x87e: {  	[smem:$0x677] =	sst s8;
	(drf) =	srem.u32 s29, s5  }
0x87f: {  	s18 =	sld [smem:$0x645];
	(drf) =	srem.u32 s4, s28  }
0x880: {  	s21 =	spop (drf);
	(drf) =	srem.u32 s12, s3  }
0x881: {  	s22 =	spop (drf);
	(drf) =	srem.u32 s14, s11  }
0x882: {  	s29 =	sld [smem:$0x64E];
	(drf) =	srem.u32 s15, s13  }
.Ltmp7:
0x883: {  	s15 =	spop (drf);
	(pc) =	sbr.rel @p0 .LBB2_17-.Ltmp7, $4  }
0x884: {  	s1 =	ssub.s32 s25, s1;
	s28 =	sld [smem:$0x64D];
	s25 =	spop (drf)  }
0x885: {  	(drf) =	srem.u32 s19, s0;
	s24 =	spop (drf)  }
0x886: {  	(drf) =	srem.u32 s26, s1;
	s26 =	spop (drf)  }
0x887: {  	s0 =	sadd.s32 $0x40, s29;
	(drf) =	srem.u32 s28, s23;
	s6 =	spop (drf)  }
0x888: {  	s2 =	sld [smem:$0x66C]  }
0x889: {  	s12 =	sld [smem:$0x669]  }
0x88a: {  	s19 =	sld [smem:$0x676]  }
0x88b: {  	s0 =	spop (drf);
	s23 =	sld [smem:$0x667]  }
0x88c: {  	s11 =	sld [smem:$0x675];
	s1 =	spop (drf)  }
0x88d: {  	s3 =	spop (drf)  }
0x88e: {  	s29 =	sld [smem:$0x665];
	s4 =	spop (drf)  }
0x88f: {  	s10 =	sxor.u32 s2, s10;
	s8 =	sxor.u32 s12, s19;
	s11 =	sxor.u32 s23, s11  }
0x890: {  	s5 =	spop (drf);
	s10 =	ssub.s32 s10, s2;
	s8 =	ssub.s32 s8, s12  }
0x891: {  	s11 =	ssub.s32 s11, s23;
	v2 =	vmov s10;
	s10 =	sld [smem:$0x673];
	s13 =	spop (drf)  }
0x892: {  	s5 =	sxor.u32 s29, s5;
	v2 =	vsel vm0, s8, v2;
	s28 =	sxor.u32 s23, s13;
	s13 =	sld [smem:$0x674]  }
0x893: {  	s5 =	ssub.s32 s5, s29;
	s7 =	spop (drf);
	v2 =	vsel vm1, s11, v2;
	s11 =	sld [smem:$0x652]  }
0x894: {  	s9 =	spop (drf);
	s19 =	ssub.s32 s28, s23;
	s23 =	sld [smem:$0x662]  }
0x895: {  	s7 =	sxor.u32 s12, s7;
	s28 =	sld [smem:$0x661];
	s9 =	sxor.u32 s2, s9  }
0x896: {  	s7 =	ssub.s32 s7, s12;
	s9 =	ssub.s32 s9, s2;
	s14 =	sxor.u32 s29, s13  }
0x897: {  	s13 =	ssub.s32 s14, s29;
	s14 =	sxor.u32 s23, s18;
	s29 =	sld [smem:$0x660]  }
0x898: {  	s16 =	sxor.u32 s28, s16;
	s3 =	sxor.u32 s28, s3;
	s18 =	sld [smem:$0x65E]  }
0x899: {  	v3 =	vmov s9;
	s9 =	ssub.s32 s16, s28;
	s3 =	ssub.s32 s3, s28;
	s28 =	sld [smem:$0x65D]  }
0x89a: {  	s4 =	sxor.u32 s23, s4;
	v3 =	vsel vm0, s7, v3;
	v2 =	vsel vm2, s13, v2;
	s13 =	sld [smem:$0x658]  }
0x89b: {  	s14 =	ssub.s32 s14, s23;
	s4 =	ssub.s32 s4, s23;
	v3 =	vsel vm1, s19, v3;
	s19 =	sld [smem:$0x672]  }
0x89c: {  	v2 =	vsel vm3, s14, v2;
	s14 =	sld [smem:$0x66F];
	s12 =	sxor.u32 s29, s10;
	s1 =	sxor.u32 s29, s1  }
0x89d: {  	s0 =	sxor.u32 s18, s0;
	v2 =	vsel vm4, s9, v2;
	s9 =	sxor.u32 s31, s20;
	s10 =	sxor.u32 s31, s26  }
0x89e: {  	s26 =	sld [smem:$0x66A];
	s16 =	ssub.s32 s12, s29;
	s1 =	ssub.s32 s1, s29  }
0x89f: {  	s29 =	sld [smem:$0x671];
	s0 =	ssub.s32 s0, s18;
	s6 =	sxor.u32 s28, s6  }
0x8a0: {  	v3 =	vsel vm2, s5, v3;
	s12 =	ssub.s32 s9, s31;
	s9 =	sld [smem:$0x64F];
	s23 =	sxor.u32 s18, s19  }
0x8a1: {  	v3 =	vsel vm3, s4, v3;
	s8 =	ssub.s32 s6, s28;
	v2 =	vsel vm5, s16, v2;
	s4 =	sxor.u32 s13, s14;
	s16 =	sld [smem:$0x656]  }
0x8a2: {  	s19 =	sxor.u32 s13, s24;
	s7 =	ssub.s32 s23, s18;
	s18 =	sld [smem:$0x66D]  }
0x8a3: {  	v3 =	vsel vm4, s3, v3;
	s4 =	ssub.s32 s4, s13;
	s20 =	ssub.s32 s19, s13;
	s13 =	sxor.u32 s11, s22  }
0x8a4: {  	v3 =	vsel vm5, s1, v3;
	s2 =	sxor.u32 s28, s29;
	s23 =	sxor.u32 s16, s25;
	s25 =	sld [smem:$0x654]  }
0x8a5: {  	v2 =	vsel vm6, s7, v2;
	v3 =	vsel vm6, s0, v3;
	s5 =	ssub.s32 s2, s28;
	s2 =	ssub.s32 s10, s31;
	s31 =	sld [smem:$0x650]  }
0x8a6: {  	s14 =	ssub.s32 s13, s11;
	v3 =	vsel vm7, s8, v3;
	s10 =	sld [smem:$0x663];
	s0 =	sxor.u32 s16, s18;
	v2 =	vsel vm7, s5, v2  }
0x8a7: {  	v3 =	vsel vm8, s2, v3;
	s24 =	ssub.s32 s23, s16;
	s18 =	sld [smem:$0x677];
	s0 =	ssub.s32 s0, s16;
	v2 =	vsel vm8, s12, v2  }
0x8a8: {  	v3 =	vsel vm9, s20, v3;
	s12 =	sxor.u32 s11, s30;
	s2 =	sxor.u32 s25, s26;
	s28 =	sxor.u32 s25, s15;
	v2 =	vsel vm9, s4, v2  }
0x8a9: {  	s6 =	sxor.u32 s31, s17;
	v3 =	vsel vm10, s24, v3;
	s2 =	ssub.s32 s2, s25;
	s29 =	ssub.s32 s28, s25;
	v2 =	vsel vm10, s0, v2  }
0x8aa: {  	s1 =	ssub.s32 s12, s11;
	s15 =	sxor.u32 s31, s21;
	s0 =	sxor.u32 s9, s10;
	v2 =	vsel vm11, s2, v2;
	v3 =	vsel vm11, s29, v3  }
0x8ab: {  	s16 =	ssub.s32 s6, s31;
	s17 =	ssub.s32 s15, s31;
	s3 =	sxor.u32 s9, s18;
	v2 =	vsel vm12, s1, v2;
	v3 =	vsel vm12, s14, v3  }
0x8ac: {  	s0 =	ssub.s32 s0, s9;
	s19 =	ssub.s32 s3, s9;
	v2 =	vsel vm13, s16, v2;
	v3 =	vsel vm13, s17, v3  }
0x8ad: {  	v2 =	vsel vm14, s0, v2;
	v3 =	vsel vm14, s19, v3  }
0x8ae: {  	v3 =	vadd.s32 v3, v2  }
0x8af: {  	v3 =	vadd.s32 $0x1, v3  }
0x8b0: {  	v3 =	vshll.u32 v3, $0x18  }
0x8b1: {  	v3 =	vshra.s32 v3, $0x18  }
0x8b2: {  	(v2sf) =	vpush v3, $0xE  }
0x8b3: {  	(v2sf) =	vpush v3, $0xD  }
0x8b4: {  	(v2sf) =	vpush v3, $0xC  }
0x8b5: {  	(v2sf) =	vpush v3, $0xB  }
0x8b6: {  	(v2sf) =	vpush v3, $0xA  }
0x8b7: {  	(v2sf) =	vpush v3, $0x9  }
0x8b8: {  	(v2sf) =	vpush v3, $0x8;
	_ =	sdelay $0x1  }
0x8b9: {  	(v2sf) =	vpush v3, $0x7  }
0x8ba: {  	(v2sf) =	vpush v3, $0x6  }
0x8bb: {  	(v2sf) =	vpush v3, $0x5  }
0x8bc: {  	(v2sf) =	vpush v3, $0x4  }
0x8bd: {  	(v2sf) =	vpush v3, $0x3  }
0x8be: {  	(v2sf) =	vpush v3, $0x2  }
0x8bf: {  	(v2sf) =	vpush v3, $0x1  }
0x8c0: {  	(v2sf) =	vpush v3, $0x0;
	s20 =	spop (v2sf)  }
0x8c1: {  	s26 =	sld [smem:$0x651];
	(v2sf) =	vpush v3, $0xF;
	s21 =	spop (v2sf)  }
0x8c2: {  	s29 =	sld [smem:$0x653];
	s0 =	sshra.s32 s20, $0x1F;
	s22 =	spop (v2sf)  }
0x8c3: {  	s19 =	sld [smem:$0x655];
	s1 =	sxor.u32 s0, s20;
	s23 =	spop (v2sf)  }
0x8c4: {  	s25 =	ssub.s32 s1, s0;
	s1 =	sshra.s32 s21, $0x1F;
	s24 =	spop (v2sf)  }
0x8c5: {  	(drf) =	srem.u32 s25, s26;
	s2 =	sxor.u32 s1, s21;
	s6 =	spop (v2sf)  }
0x8c6: {  	s28 =	ssub.s32 s2, s1;
	s2 =	sshra.s32 s22, $0x1F;
	s7 =	spop (v2sf)  }
0x8c7: {  	(drf) =	srem.u32 s28, s29;
	s3 =	sxor.u32 s2, s22;
	s28 =	sld [smem:$0x670]  }
0x8c8: {  	s29 =	sld [smem:$0x66E];
	s9 =	spop (v2sf);
	s30 =	ssub.s32 s3, s2  }
0x8c9: {  	s3 =	sshra.s32 s23, $0x1F;
	s8 =	spop (v2sf);
	(drf) =	srem.u32 s30, s19  }
0x8ca: {  	s4 =	sxor.u32 s3, s23;
	s23 =	sld [smem:$0x657];
	s11 =	spop (v2sf)  }
0x8cb: {  	s21 =	ssub.s32 s4, s3;
	s4 =	sshra.s32 s24, $0x1F;
	s10 =	spop (v2sf)  }
0x8cc: {  	s5 =	sxor.u32 s4, s24;
	s24 =	sld [smem:$0x659];
	s13 =	spop (v2sf)  }
0x8cd: {  	(drf) =	srem.u32 s21, s23;
	s12 =	spop (v2sf)  }
0x8ce: {  	s5 =	ssub.s32 s5, s4;
	s23 =	sld [smem:$0x664];
	s31 =	spop (v2sf)  }
0x8cf: {  	(drf) =	srem.u32 s5, s24;
	s15 =	sshra.s32 s12, $0x1F;
	s20 =	spop (v2sf)  }
0x8d0: {  	s14 =	sshra.s32 s31, $0x1F;
	s12 =	sxor.u32 s15, s12;
	s22 =	spop (v2sf)  }
0x8d1: {  	s18 =	sshra.s32 s20, $0x1F;
	s30 =	sxor.u32 s14, s31;
	s31 =	sld [smem:$0x66B]  }
0x8d2: {  	s12 =	ssub.s32 s12, s15;
	s16 =	sshra.s32 s22, $0x1F;
	s25 =	sxor.u32 s18, s20  }
0x8d3: {  	s20 =	sld [smem:$0x668];
	s17 =	sxor.u32 s16, s22;
	s5 =	ssub.s32 s25, s18  }
0x8d4: {  	s22 =	sld [smem:$0x666];
	s26 =	ssub.s32 s17, s16;
	s17 =	sshra.s32 s13, $0x1F  }
0x8d5: {  	s25 =	rddreg [dreg:$0x1c];
	(drf) =	srem.u32 s26, s28;
	s19 =	sxor.u32 s17, s13  }
0x8d6: {  	s13 =	sshra.s32 s10, $0x1F;
	s28 =	rddreg [dreg:$0x18];
	(drf) =	srem.u32 s5, s29  }
0x8d7: {  	s5 =	ssub.s32 s30, s14;
	s21 =	ssub.s32 s19, s17;
	s10 =	sxor.u32 s13, s10  }
0x8d8: {  	s29 =	rddreg [dreg:$0x14];
	(drf) =	srem.u32 s5, s31;
	s10 =	ssub.s32 s10, s13  }
0x8d9: {  	s5 =	spop (drf);
	(drf) =	srem.u32 s12, s20;
	s12 =	sshra.s32 s11, $0x1F  }
0x8da: {  	s31 =	rddreg [dreg:$0xc];
	(drf) =	srem.u32 s21, s22;
	s11 =	sxor.u32 s12, s11  }
0x8db: {  	(drf) =	srem.u32 s10, s23;
	s10 =	sshra.s32 s8, $0x1F;
	s11 =	ssub.s32 s11, s12  }
0x8dc: {  	s23 =	rddreg [dreg:$0x10];
	s24 =	sxor.u32 s10, s8;
	s8 =	spop (drf)  }
0x8dd: {  	(drf) =	srem.u32 s11, s25;
	s11 =	sshra.s32 s9, $0x1F;
	s19 =	ssub.s32 s24, s10  }
0x8de: {  	s26 =	sxor.u32 s11, s9;
	s9 =	spop (drf);
	(drf) =	srem.u32 s19, s28  }
0x8df: {  	s19 =	sshra.s32 s7, $0x1F;
	s20 =	ssub.s32 s26, s11;
	s21 =	spop (drf)  }
0x8e0: {  	(drf) =	srem.u32 s20, s29;
	s20 =	sshra.s32 s6, $0x1F;
	s7 =	sxor.u32 s19, s7  }
0x8e1: {  	s22 =	spop (drf);
	s6 =	sxor.u32 s20, s6;
	s7 =	ssub.s32 s7, s19  }
0x8e2: {  	s30 =	spop (drf);
	(drf) =	srem.u32 s7, s23;
	s6 =	ssub.s32 s6, s20  }
0x8e3: {  	s24 =	sxor.u32 s16, s30;
	s25 =	spop (drf);
	(drf) =	srem.u32 s6, s31  }
0x8e4: {  	s7 =	sxor.u32 s18, s25;
	s6 =	ssub.s32 s24, s16;
	s26 =	spop (drf)  }
0x8e5: {  	s7 =	ssub.s32 s7, s18;
	v3 =	vmov s6;
	s28 =	sxor.u32 s14, s26;
	s29 =	spop (drf)  }
0x8e6: {  	v3 =	vsel vm0, s7, v3;
	s6 =	ssub.s32 s28, s14;
	s30 =	sxor.u32 s15, s29;
	s31 =	spop (drf)  }
0x8e7: {  	v3 =	vsel vm1, s6, v3;
	s7 =	ssub.s32 s30, s15;
	s15 =	sxor.u32 s17, s31;
	s16 =	spop (drf)  }
0x8e8: {  	v3 =	vsel vm2, s7, v3;
	s18 =	ssub.s32 s15, s17;
	s23 =	sxor.u32 s13, s16;
	s24 =	spop (drf)  }
0x8e9: {  	v3 =	vsel vm3, s18, v3;
	s25 =	ssub.s32 s23, s13;
	s26 =	sxor.u32 s12, s24;
	s28 =	spop (drf)  }
0x8ea: {  	v3 =	vsel vm4, s25, v3;
	s29 =	ssub.s32 s26, s12;
	s30 =	sxor.u32 s10, s28;
	s31 =	spop (drf)  }
0x8eb: {  	v3 =	vsel vm5, s29, v3;
	s7 =	ssub.s32 s30, s10;
	s10 =	sxor.u32 s11, s31;
	s12 =	spop (drf)  }
0x8ec: {  	v3 =	vsel vm6, s7, v3;
	s13 =	ssub.s32 s10, s11;
	s14 =	sxor.u32 s19, s12;
	s15 =	spop (drf)  }
0x8ed: {  	v3 =	vsel vm7, s13, v3;
	s16 =	ssub.s32 s14, s19;
	s17 =	sxor.u32 s20, s15  }
0x8ee: {  	s19 =	sxor.u32 s4, s22;
	v3 =	vsel vm8, s16, v3;
	s18 =	ssub.s32 s17, s20  }
0x8ef: {  	s4 =	ssub.s32 s19, s4;
	s20 =	sxor.u32 s3, s21;
	v3 =	vsel vm9, s18, v3  }
0x8f0: {  	s21 =	sxor.u32 s2, s9;
	s3 =	ssub.s32 s20, s3;
	v3 =	vsel vm10, s4, v3  }
0x8f1: {  	s22 =	sxor.u32 s1, s8;
	s2 =	ssub.s32 s21, s2;
	v3 =	vsel vm11, s3, v3  }
0x8f2: {  	s23 =	sxor.u32 s0, s5;
	s1 =	ssub.s32 s22, s1;
	v3 =	vsel vm12, s2, v3  }
0x8f3: {  	s0 =	ssub.s32 s23, s0;
	v3 =	vsel vm13, s1, v3  }
0x8f4: {  	v1 =	vshrl.u32 v1, $0x5;
	v3 =	vsel vm14, s0, v3  }
0x8f5: {  	s24 =	rddreg [dreg:$0x8];
	v3 =	vadd.s32 v3, v1  }
0x8f6: {  	s25 =	rddreg [dreg:$0x0];
	v1 =	vadd.s32 v1, v2;
	[tilespmem:s24+$0x4B00] =	vst v3  }
0x8f7: {  	s26 =	simm.s32 $0x3E80;
	s28 =	simm.s32 $0x5780;
	s3 =	simm.s32 $0xC80;
	[tilespmem:s24+$0x3E80] =	vst v1  }
0x8f8: {  	[tilespmem:s28], [sflag:$0x1] =	stream.indirect.gather [hbm4b:s25+s3], $0x1, s26, s3, $0xb8;
	[tilespmem:$0x7080] =	vst v63  }
0x8f9: {  	s29 =	simm.s32 $0x4B00;
	s30 =	simm.s32 $0x6400;
	s4 =	simm.s32 $0x1  }
0x8fa: {  	[tilespmem:s30], [sflag:$0x1] =	stream.indirect.gather [hbm4b:s25+s3], $0x1, s29, s3, $0xb8;
	[tilespmem:$0x7080] =	vst v63  }
0x8fb: {  	_ =	swait.ge [sflag:s4], $0xC80  }
0x8fc: {  	[sflag:s4] =	ssyncset.done $0x0  }
0x8fd: {  	[sflag:s4] =	ssyncadd.s32 $0xFFFFF380  }
0x8fe: {  	_ =	swait.ge [sflag:s4], $0xC80  }
0x8ff: {  	[sflag:s4] =	ssyncset.done $0x0  }
0x900: {  	s31 =	simm.s32 $0x2;
	[sflag:s4] =	ssyncadd.s32 $0xFFFFF380  }
0x901: {  	_ =	swait.ge [sflag:s31], $0xC80  }
0x902: {  	[sflag:s31] =	ssyncset.done $0x0  }
0x903: {  	s0 =	simm.s32 $0x0;
	[sflag:s31] =	ssyncadd.s32 $0xFFFFF380  }
0x904: {  	s1 =	simm.s32 $0x40;
	v1 =	vld [tilespmem:s0+$0x5780]  }
.LBB2_19:
0x905: {  	p0 =	sne.s32 s1, $0x31C0;
	v2 =	vld [tilespmem:s0+$0xC80]  }
0x906: {  	v3 =	vld [tilespmem:s0+$0x6400];
	_ =	sdelay $0x1  }
.Ltmp8:
0x907: {  	(pc) =	sbr.rel @p0 .LBB2_19-.Ltmp8, $4  }
0x908: {  	_ = 	snop  }
0x909: {  	vm15 =	veq.s32 v1, v2  }
0x90a: {  	s2 =	sshra.s32 s1, $0x2;
	v2 =	vsel vm15, v3, v1  }
0x90b: {  	s1 =	sadd.s32 $0x40, s1;
	v1 =	vld [tilespmem:s2+$0x5780];
	[tilespmem:s0+$0xC80] =	vst v2;
	s0 =	smov.u32 s2  }
0x90c: {  	s5 =	sld [smem:$0x6CE]  }
0x90d: {  	v2 =	vld [tilespmem:s0+$0xC80]  }
0x90e: {  	v3 =	vld [tilespmem:s0+$0x6400]  }
0x90f: {  	s2 =	sld [smem:$0x7F7];
	s1 =	smul.u32 $0x32000, s5;
	s5 =	sadd.s32 $0x1, s5  }
0x910: {  	p0 =	sne.s32 s5, $0x8  }
.Ltmp9:
0x911: {  	s30 =	sld [smem:$0x7FA];
	(pc) =	sbr.rel @p0 .LBB2_12-.Ltmp9, $4  }
0x912: {  	vm15 =	veq.s32 v1, v2;
	s1 =	sadd.s32 s1, s2  }
0x913: {  	v1 =	vsel vm15, v3, v1;
	s1 =	sshrl.u32 s1, $0x3  }
0x914: {  	s31 =	simm.s32 $0x0;
	[tilespmem:s0+$0xC80] =	vst v1;
	s0 =	sadd.s32 s30, s1  }
0x915: {  	[hbm4b:s0+s31] =	stream.linear.scatter [tilespmem:s3], [sflag:$0x2], $0xC80, $0x38;
	[tilespmem:$0x7080] =	vst v63  }
0x916: {  	s1 =	simm.s32 $0x2  }
0x917: {  	_ =	swait.ge [sflag:s1], $0xC80  }
0x918: {  	[sflag:s1] =	ssyncset.done $0x0  }
0x919: {  	[sflag:s1] =	ssyncadd.s32 $0xFFFFF380  }
0x91a: {  	_ =	swait.ge [sflag:s1], $0xC80  }
0x91b: {  	[sflag:s1] =	ssyncset.done $0x0  }
0x91c: {  	[sflag:s1] =	ssyncadd.s32 $0xFFFFF380  }
0x91d: {  	_ =	swait.ge [sflag:s1], $0xC80  }
0x91e: {  	s2 =	sld [smem:$0x7F3]  }
0x91f: {  	s0 =	sld [smem:$0x7FC];
	_ =	sdelay $0x1  }
0x920: {  	s2 =	sadd.s32 $0x1, s2  }
0x921: {  	p0 =	sne.s32 s2, s0  }
.Ltmp10:
0x922: {  	_ = 	snop;
	(pc) =	sbr.rel @p0 .LBB2_1-.Ltmp10, $3  }
0x923: {  	_ =	sdelay $0x1  }
0x924: {  	[sflag:s1] =	ssyncset.done $0x0  }
0x925: {  	[sflag:s1] =	ssyncadd.s32 $0xFFFFF380  }
0x926: {  	_ =	sfence.sel $0x180000  }
0x927: {  	[bflag:$0x0] =	sbarrier.arrive $0xFFFF  }
0x928: {  	_ =	strace $0x90000047  }
0x929: {  	s0 =	stileid.u32;
	[bflag:$0x2] =	sbarrier.arrive $0xFFFF  }
0x92a: {  	p0 =	sne.s32 s0, $0x0;
	s0 =	rddreg [dreg:$0x4]  }
0x92b: {  	s0 =	sadd.s32 @!p0 $0x100000, s0  }
0x92c: {  	[sflag:s0] =	ssyncadd.tile.s32 @!p0 $0x1;
	_ =	shalt  }
.Lfunc_end2:
_tile_overlayer_lowered:
.L_overlay_start_2:
0x92d: {  	(tag) =	ssettag $0x2  }
0x92e: {  	s0 =	rddreg [dreg:$0x0];
	s2 =	stileid.u32  }
0x92f: {  	s1 =	rddreg [dreg:$0x1];
	p0 =	sne.s32 s2, $0x0  }
0x930: {  	s3 =	rddreg [dreg:$0x2];
	[bflag:$0x3] =	sbarrier.arrive $0xFFFF;
	s2 =	simm.s32 @!p0 $0x1C03  }
0x931: {  	[timem:s3], [sflag:s2] =	dma.local @!p0 [hbm:s0], s1  }
0x932: {  	s0 =	simm.s32 @!p0 $0x3  }
0x933: {  	_ =	swait.ge @!p0 [sflag:s0], s1  }
0x934: {  	s1 =	ssub.s32 @!p0 $0x0, s1;
	[sflag:s0] =	ssyncset.done @!p0 $0x0  }
0x935: {  	[sflag:s0] =	ssyncadd.s32 @!p0 s1  }
0x936: {  	[bflag:$0x3] =	sbarrier.arrive $0xFFFF  }
0x937: {  	_ =	shalt  }

// kernel: kernel.9.cloned.1.call-start
scs
__scs_entry_jumppad:
0x0: {  	(pc) =	sbr.rel $0x88, $3  }
0x1: {  	(tag) =	ssettag $0x0;
	lr =	simm.s32 $0x1  }
0x2: {  	[smem:$0x3F9C] =	sst lr;
	_ =	strace $0xD0000000  }
0x3: {  	_ = 	snop  }
0x4: {  	_ = 	snop  }
0x5: {  	_ = 	snop  }
0x6: {  	_ = 	snop  }
0x7: {  	_ = 	snop  }
__scs_overlays_trampoline_lowered:
0x8: {  	[smem:$0x3FAB] =	sst s0  }
0x9: {  	[smem:$0x3FAC] =	sst s1  }
0xa: {  	[smem:$0x3FAD] =	sst s2  }
0xb: {  	[smem:$0x3FAE] =	sst s3  }
0xc: {  	[smem:$0x3FAF] =	sst s4  }
0xd: {  	[smem:$0x3FB0] =	sst s5  }
0xe: {  	[smem:$0x3FB1] =	sst s6  }
0xf: {  	[smem:$0x3FB2] =	sst s7  }
0x10: {  	[smem:$0x3FB3] =	sst s8  }
0x11: {  	[smem:$0x3FB4] =	sst s9;
	s0 =	simm.s32 @!p0 $0x0  }
0x12: {  	s1 =	sld [smem:$0x3F9A];
	s0 =	simm.s32 @p0 $0x1  }
0x13: {  	[smem:$0x3FB5] =	sst s0;
	s0 =	simm.s32 @!p1 $0x0  }
0x14: {  	s2 =	sld [smem:$0x3F99];
	s0 =	simm.s32 @p1 $0x1  }
0x15: {  	[smem:$0x3FB6] =	sst s0;
	s0 =	simm.s32 @!p2 $0x0  }
0x16: {  	s3 =	sld [smem:$0x3FDB];
	s0 =	simm.s32 @p2 $0x1  }
0x17: {  	s4 =	simm.s32 $0x1BF5;
	[smem:$0x3FB8] =	sst s0  }
0x18: {  	s0 =	sld [smem:$0x3F9B];
	_ =	swait.ge [sflag:s4], $0x0  }
0x19: {  	s7 =	sld [smem:$0x3F9C]  }
0x1a: {  	s8 =	sadd.s32 $0xFFFFE003, lr  }
0x1b: {  	s9 =	sadd.s32 $0xFFFFFEF7, lr;
	s5 =	simm.s32 $0xFFFFFFFF;
	p2 =	slt.u32 s8, $0xFFFFF086  }
0x1c: {  	p1 =	slt.u32 s9, $0xF7A;
	s5 =	simm.s32 @!p2 $0x0  }
0x1d: {  	s5 =	simm.s32 @p1 $0x1;
	p0 =	seq.s32 s7, s2  }
0x1e: {  	s7 =	smul.u32 @!p0 $0xF7A, s2;
	p2 =	seq.s32 @!p0 s5, $0x0  }
0x1f: {  	s9 =	smul.u32 $0xF7A, s1;
	s8 =	simm.s32 @!p0 $0x1BF5;
	p2 =	por !p2, p0  }
0x20: {  	[sflag:s8] =	ssyncset.s32 @!p0 $0xFFFFF086;
	s6 =	sadd.s32 @!p0 s3, s7;
	s7 =	simm.s32 @!p0 $0x108  }
0x21: {  	s3 =	sadd.s32 s3, s9;
	s6 =	sadd.s32 @!p0 $0x88, s6;
	s7 =	simm.s32 @p2 $0x1082  }
0x22: {  	[simem:s7], [sflag:s8] =	dma.local @!p0 [hbm:s6], $0xF7A  }
0x23: {  	s9 =	sor.u32 $0xD0000000, s2;
	s6 =	simm.s32 $0x108;
	_ =	swait.ge @!p0 [sflag:s8], $0x0  }
0x24: {  	s3 =	sadd.s32 $0x88, s3;
	s6 =	simm.s32 @!p1 $0x1082;
	[sflag:s4] =	ssyncset.s32 $0xFFFFF086  }
0x25: {  	[simem:s6], [sflag:s4] =	dma.local [hbm:s3], $0xF7A  }
0x26: {  	[smem:$0x3F9C] =	sst s1;
	(tag) =	ssettag s2;
	_ =	strace s9  }
0x27: {  	s1 =	sld [smem:$0x3FAC]  }
0x28: {  	s2 =	sld [smem:$0x3FAD]  }
0x29: {  	s4 =	sld [smem:$0x3FAF]  }
0x2a: {  	p0 =	seq.s32 s5, $0x0;
	s5 =	sld [smem:$0x3FB0]  }
0x2b: {  	s6 =	sld [smem:$0x3FB1]  }
0x2c: {  	s7 =	sld [smem:$0x3FB2]  }
0x2d: {  	s3 =	simm.s32 $0x108;
	s8 =	sld [smem:$0x3FB3]  }
0x2e: {  	s3 =	simm.s32 @!p0 $0x1082;
	s9 =	sld [smem:$0x3FB4]  }
0x2f: {  	lr =	sadd.s32 s0, s3;
	s0 =	sld [smem:$0x3FAB]  }
0x30: {  	s3 =	sld [smem:$0x3FAE]  }
0x31: {  	[smem:$0x3FB7] =	sst s10  }
0x32: {  	s10 =	sld [smem:$0x3FB5];
	_ =	sdelay $0x3  }
0x33: {  	p0 =	seq.s32 s10, $0x1;
	s10 =	sld [smem:$0x3FB7];
	_ =	sdelay $0x3  }
0x34: {  	[smem:$0x3FB7] =	sst s10  }
0x35: {  	s10 =	sld [smem:$0x3FB6];
	_ =	sdelay $0x3  }
0x36: {  	p1 =	seq.s32 s10, $0x1;
	s10 =	sld [smem:$0x3FB7];
	_ =	sdelay $0x3  }
0x37: {  	[smem:$0x3FB7] =	sst s10  }
0x38: {  	s10 =	sld [smem:$0x3FB8]  }
0x39: {  	_ = 	snop;
	(pc) =	sbr.ind lr, $3  }
0x3a: {  	_ = 	snop  }
0x3b: {  	_ = 	snop  }
0x3c: {  	p2 =	seq.s32 s10, $0x1;
	s10 =	sld [smem:$0x3FB7]  }
0x3d: {  	_ =	shalt  }
0x3e: {  	_ =	shalt  }
0x3f: {  	_ =	shalt  }
0x40: {  	_ =	shalt  }
0x41: {  	_ =	shalt  }
0x42: {  	_ =	shalt  }
0x43: {  	_ =	shalt  }
0x44: {  	_ =	shalt  }
0x45: {  	_ =	shalt  }
0x46: {  	_ =	shalt  }
0x47: {  	_ =	shalt  }
0x48: {  	_ =	shalt  }
0x49: {  	_ =	shalt  }
0x4a: {  	_ =	shalt  }
0x4b: {  	_ =	shalt  }
0x4c: {  	_ =	shalt  }
0x4d: {  	_ =	shalt  }
0x4e: {  	_ =	shalt  }
0x4f: {  	_ =	shalt  }
0x50: {  	_ =	shalt  }
0x51: {  	_ =	shalt  }
0x52: {  	_ =	shalt  }
0x53: {  	_ =	shalt  }
0x54: {  	_ =	shalt  }
0x55: {  	_ =	shalt  }
0x56: {  	_ =	shalt  }
0x57: {  	_ =	shalt  }
0x58: {  	_ =	shalt  }
0x59: {  	_ =	shalt  }
0x5a: {  	_ =	shalt  }
0x5b: {  	_ =	shalt  }
0x5c: {  	_ =	shalt  }
0x5d: {  	_ =	shalt  }
0x5e: {  	_ =	shalt  }
0x5f: {  	_ =	shalt  }
0x60: {  	_ =	shalt  }
0x61: {  	_ =	shalt  }
0x62: {  	_ =	shalt  }
0x63: {  	_ =	shalt  }
0x64: {  	_ =	shalt  }
0x65: {  	_ =	shalt  }
0x66: {  	_ =	shalt  }
0x67: {  	_ =	shalt  }
0x68: {  	_ =	shalt  }
0x69: {  	_ =	shalt  }
0x6a: {  	_ =	shalt  }
0x6b: {  	_ =	shalt  }
0x6c: {  	_ =	shalt  }
0x6d: {  	_ =	shalt  }
0x6e: {  	_ =	shalt  }
0x6f: {  	_ =	shalt  }
0x70: {  	_ =	shalt  }
0x71: {  	_ =	shalt  }
0x72: {  	_ =	shalt  }
0x73: {  	_ =	shalt  }
0x74: {  	_ =	shalt  }
0x75: {  	_ =	shalt  }
0x76: {  	_ =	shalt  }
0x77: {  	_ =	shalt  }
0x78: {  	_ =	shalt  }
0x79: {  	_ =	shalt  }
0x7a: {  	_ =	shalt  }
0x7b: {  	_ =	shalt  }
0x7c: {  	_ =	shalt  }
0x7d: {  	_ =	shalt  }
0x7e: {  	_ =	shalt  }
0x7f: {  	_ =	shalt  }
0x80: {  	_ =	shalt  }
0x81: {  	_ =	shalt  }
0x82: {  	_ =	shalt  }
0x83: {  	_ =	shalt  }
0x84: {  	_ =	shalt  }
0x85: {  	_ =	shalt  }
0x86: {  	_ =	shalt  }
0x87: {  	_ =	shalt  }
.Lfunc_end0:
.L_simem_size_0:
called_computation.1_lowered:
.L_overlay_start_0:
0x88: {  	s2 =	sld [smem:$0x3FD9]  }
0x89: {  	s3 =	sld [smem:$0x3FFE];
	_ =	sdelay $0x1  }
0x8a: {  	s1 =	srdreg.scid  }
0x8b: {  	s0 =	sand.u32 $0x1, s1  }
0x8c: {  	s14 =	sshll.u32 s0, $0xA;
	s2 =	sadd.s32 s3, s2  }
0x8d: {  	s2 =	sadd.s32 s2, s14  }
0x8e: {  	[smem:$0x3FC3] =	sst s2  }
0x8f: {  	_ = 	snop  }
0x90: {  	s2 =	sld [smem:$0x3FD0];
	_ =	sdelay $0x2  }
0x91: {  	s15 =	simm.s32 $0xA;
	s4 =	simm.s32 $0x10  }
0x92: {  	[smem:s4], [sflag:s15] =	dma.local [hbm:s2], $0x1  }
0x93: {  	_ =	swait.eq [sflag:s15], $0x1  }
0x94: {  	[sflag:s15] =	ssyncset.done $0x0  }
0x95: {  	[sflag:s15] =	ssyncadd.s32 $0xFFFFFFFF  }
0x96: {  	s16 =	sld [smem:$0x10];
	(tm) =	ssettm $0x1  }
0x97: {  	s17 =	sld [smem:$0x3FFB];
	_ =	sdelay $0x3  }
0x98: {  	_ =	strace s17  }
0x99: {  	s3 =	sld [smem:$0x3FFC];
	_ =	sdelay $0x3  }
0x9a: {  	_ =	strace s3  }
0x9b: {  	s3 =	sld [smem:$0x3FFD];
	_ =	sdelay $0x3  }
0x9c: {  	_ =	strace s3  }
0x9d: {  	_ =	strace $0x8FFFFFFF  }
0x9e: {  	s18 =	sld [smem:$0x3FDB];
	_ =	sdelay $0x1  }
0x9f: {  	s19 =	simm.s32 $_scs_section_size  }
0xa0: {  	s5 =	simm.s32 $_size__tile_overlayer_lowered;
	s6 =	simm.s32 $_tile_overlayer_lowered  }
0xa1: {  	s22 =	simm.s32 $0x1BFF;
	s21 =	sshll.u32 s6, $0x1;
	s3 =	sadd.s32 s19, s18  }
0xa2: {  	s7 =	simm.s32 $0x0;
	s20 =	sshll.u32 s5, $0x1;
	s5 =	sadd.s32 s21, s3  }
0xa3: {  	[timem:s7], [sflag:s22] =	dma.local [hbm:s5], s20  }
0xa4: {  	_ =	swait.ge [sflag:s22], s20  }
0xa5: {  	s4 =	ssub.s32 $0x0, s20;
	[sflag:s22] =	ssyncset.done $0x0  }
0xa6: {  	[sflag:s22] =	ssyncadd.s32 s4;
	_ =	sdelay $0x1  }
0xa7: {  	s23 =	simm.s32 $0x1B8B  }
0xa8: {  	_ =	swait.ge [sflag:s23], $0x1  }
0xa9: {  	[sflag:s23] =	ssyncset.done $0x0  }
0xaa: {  	s25 =	simm.s32 $0x1B8E;
	s24 =	sld [smem:$0x3FFE];
	[sflag:s23] =	ssyncadd.s32 $0xFFFFFFFF  }
0xab: {  	s26 =	simm.s32 $execute0_lowered;
	[smem:$0x3FD2] =	sst s25  }
0xac: {  	s5 =	sshll.u32 s26, $0x1;
	_ =	strace $0x80000049;
	[dreg:$0x1] =	wrdreg $0xFFFFFFFF  }
0xad: {  	s28 =	simm.s32 $_size_execute0_lowered;
	s3 =	sadd.s32 s3, s5;
	[dreg:$0x0] =	wrdreg $0x0  }
0xae: {  	s5 =	sshll.u32 s28, $0x1;
	[dreg:$0x2] =	wrdreg s3  }
0xaf: {  	[dreg:$0x3] =	wrdreg s5  }
0xb0: {  	[dreg:$0x4] =	wrdreg $0xC0  }
0xb1: {  	_ =	task [dreg:s7], $0x5FFFF  }
0xb2: {  	[dreg:$0x1] =	wrdreg $0xFFFFFFFF  }
0xb3: {  	[dreg:$0x0] =	wrdreg $0x60  }
0xb4: {  	[dreg:$0x2] =	wrdreg s16  }
0xb5: {  	[dreg:$0x3] =	wrdreg s24  }
0xb6: {  	[dreg:$0x4] =	wrdreg $0x1AC800  }
0xb7: {  	[dreg:$0x5] =	wrdreg $0x9  }
0xb8: {  	_ =	task.clear_ibuf [dreg:s7], $0x6FFFF;
	_ =	strace $0x90000049  }
0xb9: {  	s29 =	simm.s32 $0x9;
	_ =	strace $0x8000004B  }
0xba: {  	_ =	swait.ge [sflag:s29], $0x1  }
0xbb: {  	[sflag:s29] =	ssyncadd.s32 $0xFFFFFFFF  }
0xbc: {  	_ =	strace $0x9000004B  }
0xbd: {  	_ =	sfence  }
0xbe: {  	s30 =	sld [smem:$0x0];
	_ =	sdelay $0x2  }
0xbf: {  	s31 =	sshll.u32 s1, $0xD;
	s1 =	sshrl.u32 s1, $0x2  }
0xc0: {  	s3 =	sand.u32 $0x4000, s31;
	s1 =	sadd.s32 s1, s30  }
0xc1: {  	s0 =	sor.u32 s3, s0;
	s1 =	sshll.u32 s1, $0x11  }
0xc2: {  	s0 =	sor.u32 s1, s0  }
0xc3: {  	s0 =	sadd.s32 $0x8F2B, s0  }
0xc4: {  	[sflag:s0] =	ssyncadd.remote.s32 $0x1  }
0xc5: {  	_ =	sfence.sel $0xFFFF  }
0xc6: {  	[dreg:$0x0] =	wrdreg $0xFFFFFFFF;
	(pc) =	sbr.abs _section_cstart, $3  }
0xc7: {  	[dreg:$0x1] =	wrdreg $0xFFFFFFFF  }
0xc8: {  	_ =	task.clear_ibuf [dreg:s7], $0x2FFFF;
	_ =	strace $0x9FFFFFFF  }
0xc9: {  	(tm) =	ssettm $0x7FFFFFFF  }
tec
execute0_lowered:
.L_overlay_start_1:
0x0: {  	(tag) =	ssettag $0x1  }
0x1: {  	s1 =	rddreg [dreg:$0x0]  }
0x2: {  	s0 =	rddreg [dreg:$0x1]  }
0x3: {  	s2 =	rddreg [dreg:$0x2];
	s4 =	simm.s32 $0x0;
	s10 =	stileid.u32  }
0x4: {  	s3 =	srdreg.scid;
	s11 =	simm.s32 $0x40;
	s12 =	simm.s32 $0x12C00  }
0x5: {  	s13 =	simm.s32 $0x14C00;
	s14 =	simm.s32 $0x16C00;
	s15 =	simm.s32 $0x2  }
0x6: {  	s16 =	simm.s32 $0x1AC00;
	s17 =	simm.s32 $0x6;
	s18 =	simm.s32 $0x18C00  }
0x7: {  	s19 =	simm.s32 $0x3;
	s20 =	simm.s32 $0x4;
	s21 =	simm.s32 $0x7  }
0x8: {  	s22 =	simm.s32 $0x5;
	s23 =	simm.s32 $0x8;
	[smem:$0x7FF] =	sst s4  }
0x9: {  	s6 =	smul.u32 $0x19000, s10;
	s3 =	sand.u32 $0x1, s3;
	s7 =	sshll.u32 s10, $0x1  }
0xa: {  	s5 =	sadd.s32 $0xA00, s0;
	s26 =	sshll.u32 s10, $0xD;
	s25 =	sshll.u32 s10, $0x6  }
0xb: {  	s10 =	simm.s32 $0x1;
	_ =	strace $0x8000004A;
	s8 =	ssub.s32 $0x2, s3  }
0xc: {  	s7 =	sor.u32 s3, s7;
	s3 =	smul.u32 $0xC800, s3;
	s28 =	sor.u32 $0x10, s25  }
0xd: {  	s29 =	sor.u32 $0x20, s25;
	s30 =	sor.u32 $0x30, s25;
	s9 =	sshrl.u32 s8, $0x1  }
0xe: {  	[dreg:$0x5] =	wrdreg s25;
	s0 =	sadd.s32 s6, s0;
	s24 =	ssub.s32 s8, s9  }
0xf: {  	v3 =	vlaneseq.u32;
	s6 =	smul.u32 $0xC80, s7;
	s0 =	sadd.s32 s3, s0;
	s7 =	smax.u32 s24, $0x1  }
0x10: {  	v0 =	vor.u32 s28, v3;
	s8 =	sadd.s32 s26, s2;
	s0 =	sadd.s32 $0x35C00, s0;
	[dreg:$0x6] =	wrdreg s7  }
0x11: {  	v1 =	vor.u32 s29, v3;
	v2 =	vor.u32 s30, v3;
	v3 =	vor.u32 s25, v3;
	s25 =	simm.s32 $0xA;
	s31 =	sshrl.u32 s8, $0x3;
	[dreg:$0x7] =	wrdreg s0  }
0x12: {  	s3 =	simm.s32 $0x0;
	s24 =	simm.s32 $0x9;
	[dreg:$0x4] =	wrdreg s31  }
.LBB2_1:
0x13: {  	[dreg:$0x8] =	wrdreg s3;
	s0 =	simm.s32 $0x0;
	s3 =	simm.s32 $0x0  }
.LBB2_2:
0x14: {  	s7 =	sshrl.u32 s3, $0x3;
	s8 =	smul.u32 $0x19000, s3  }
0x15: {  	s9 =	sand.u32 $0x7, s0;
	s7 =	smul.u32 $0x19000, s7  }
0x16: {  	s9 =	sshll.u32 s9, $0x9;
	s8 =	sadd.s32 s6, s8  }
0x17: {  	s7 =	sor.u32 s9, s7;
	s8 =	sshrl.u32 s8, $0x3  }
0x18: {  	s7 =	sshra.s32 s7, $0x2;
	s8 =	sadd.s32 s5, s8  }
0x19: {  	s9 =	simm.s32 $0x10;
	s29 =	sadd.s32 $0x0, s8;
	s28 =	sadd.s32 $0x400, s7  }
.LBB2_3:
0x1a: {  	[tilespmem:s7], [sflag:$0x1] =	stream.linear.gather [hbm4b:s29+s4], $0x80, $0x38;
	[tilespmem:$0x1CC80] =	vst v63  }
0x1b: {  	s29 =	smov.u32 s9;
	s7 =	smov.u32 s28;
	p0 =	sne.s32 s9, $0x180  }
.Ltmp0:
0x1c: {  	s9 =	sadd.s32 $0x10, s9;
	(pc) =	sbr.rel @p0 .LBB2_3-.Ltmp0, $2  }
0x1d: {  	_ =	sdelay $0x2  }
0x1e: {  	s28 =	sadd.s32 $0x400, s28;
	s29 =	sadd.s32 s29, s8  }
0x1f: {  	s3 =	sadd.s32 $0x1, s3  }
0x20: {  	p0 =	sne.s32 s3, $0x11  }
.Ltmp1:
0x21: {  	_ = 	snop;
	(pc) =	sbr.rel @p0 .LBB2_2-.Ltmp1, $3  }
0x22: {  	_ =	sdelay $0x1  }
0x23: {  	[tilespmem:s7], [sflag:$0x1] =	stream.linear.gather [hbm4b:s29+s4], $0x80, $0x38;
	[tilespmem:$0x1CC80] =	vst v63  }
0x24: {  	s0 =	sadd.s32 $0x1, s0  }
0x25: {  	[tilespmem:$0x1AC00] =	vst v3  }
0x26: {  	[tilespmem:$0x1AC10] =	vst v0  }
0x27: {  	[tilespmem:$0x1AC20] =	vst v1  }
0x28: {  	[tilespmem:$0x1AC30] =	vst v2  }
0x29: {  	_ =	swait.ge [sflag:s10], $0xC80  }
0x2a: {  	[sflag:s10] =	ssyncset.done $0x0  }
0x2b: {  	[sflag:s10] =	ssyncadd.s32 $0xFFFFF380  }
0x2c: {  	_ =	swait.ge [sflag:s10], $0xC80  }
0x2d: {  	[sflag:s10] =	ssyncset.done $0x0  }
0x2e: {  	[sflag:s10] =	ssyncadd.s32 $0xFFFFF380  }
0x2f: {  	_ =	swait.ge [sflag:s10], $0xC80  }
0x30: {  	[sflag:s10] =	ssyncset.done $0x0  }
0x31: {  	[sflag:s10] =	ssyncadd.s32 $0xFFFFF380  }
0x32: {  	_ =	swait.ge [sflag:s10], $0xC80  }
0x33: {  	[sflag:s10] =	ssyncset.done $0x0  }
0x34: {  	[sflag:s10] =	ssyncadd.s32 $0xFFFFF380  }
0x35: {  	_ =	swait.ge [sflag:s10], $0xC80  }
0x36: {  	[sflag:s10] =	ssyncset.done $0x0  }
0x37: {  	[sflag:s10] =	ssyncadd.s32 $0xFFFFF380  }
0x38: {  	_ =	swait.ge [sflag:s10], $0xC80  }
0x39: {  	[sflag:s10] =	ssyncset.done $0x0  }
0x3a: {  	[sflag:s10] =	ssyncadd.s32 $0xFFFFF380  }
0x3b: {  	_ =	swait.ge [sflag:s10], $0xC80  }
0x3c: {  	[sflag:s10] =	ssyncset.done $0x0  }
0x3d: {  	[sflag:s10] =	ssyncadd.s32 $0xFFFFF380  }
0x3e: {  	_ =	swait.ge [sflag:s10], $0xC80  }
0x3f: {  	[sflag:s10] =	ssyncset.done $0x0  }
0x40: {  	[sflag:s10] =	ssyncadd.s32 $0xFFFFF380  }
0x41: {  	_ =	swait.ge [sflag:s10], $0xC80  }
0x42: {  	[sflag:s10] =	ssyncset.done $0x0  }
0x43: {  	[sflag:s10] =	ssyncadd.s32 $0xFFFFF380  }
0x44: {  	_ =	swait.ge [sflag:s10], $0xC80  }
0x45: {  	[sflag:s10] =	ssyncset.done $0x0  }
0x46: {  	[sflag:s10] =	ssyncadd.s32 $0xFFFFF380  }
0x47: {  	_ =	swait.ge [sflag:s10], $0xC80  }
0x48: {  	[sflag:s10] =	ssyncset.done $0x0  }
0x49: {  	[sflag:s10] =	ssyncadd.s32 $0xFFFFF380  }
0x4a: {  	_ =	swait.ge [sflag:s10], $0xC80  }
0x4b: {  	[sflag:s10] =	ssyncset.done $0x0  }
0x4c: {  	[sflag:s10] =	ssyncadd.s32 $0xFFFFF380  }
0x4d: {  	_ =	swait.ge [sflag:s10], $0xC80  }
0x4e: {  	[sflag:s10] =	ssyncset.done $0x0  }
0x4f: {  	[sflag:s10] =	ssyncadd.s32 $0xFFFFF380  }
0x50: {  	_ =	swait.ge [sflag:s10], $0xC80  }
0x51: {  	[sflag:s10] =	ssyncset.done $0x0  }
0x52: {  	[sflag:s10] =	ssyncadd.s32 $0xFFFFF380  }
0x53: {  	_ =	swait.ge [sflag:s10], $0xC80  }
0x54: {  	[sflag:s10] =	ssyncset.done $0x0  }
0x55: {  	[sflag:s10] =	ssyncadd.s32 $0xFFFFF380  }
0x56: {  	_ =	swait.ge [sflag:s10], $0xC80  }
0x57: {  	[sflag:s10] =	ssyncset.done $0x0  }
0x58: {  	[sflag:s10] =	ssyncadd.s32 $0xFFFFF380  }
0x59: {  	s0 =	simm.s32 $0x0;
	_ =	swait.ge [sflag:s10], $0xC80  }
0x5a: {  	s3 =	sand.u32 $0x40, s0;
	s0 =	sand.u32 $0x7C00, s0;
	[sflag:s10] =	ssyncset.done $0x0  }
0x5b: {  	s0 =	sor.u32 s3, s0;
	[sflag:s10] =	ssyncadd.s32 $0xFFFFF380  }
0x5c: {  	[tilespmem:s12], [sflag:$0x2] =	stream.indirect.gather [hbm4b:s1+s11], $0x80, s0, s11, $0xb8;
	[tilespmem:$0x1CC80] =	vst v63  }
0x5d: {  	s3 =	sor.u32 $0x80, s0  }
0x5e: {  	[tilespmem:s13], [sflag:$0x3] =	stream.indirect.gather [hbm4b:s1+s11], $0x80, s3, s11, $0xb8;
	[tilespmem:$0x1CC80] =	vst v63  }
0x5f: {  	s9 =	sor.u32 $0x100, s0  }
0x60: {  	[tilespmem:s14], [sflag:$0x4] =	stream.indirect.gather [hbm4b:s1+s11], $0x80, s9, s11, $0xb8;
	[tilespmem:$0x1CC80] =	vst v63  }
0x61: {  	_ =	swait.ge [sflag:s15], $0x2000  }
0x62: {  	[sflag:s15] =	ssyncset.done $0x0  }
0x63: {  	[sflag:s15] =	ssyncadd.s32 $0xFFFFE000  }
0x64: {  	[spmem:s2] =	stream.indirect.scatter [tilespmem:s12], [sflag:$0x6], $0x80, s16, s11, $0xb8;
	[tilespmem:$0x1CC80] =	vst v63  }
0x65: {  	_ =	swait.ge [sflag:s17], $0x2000  }
0x66: {  	p0 =	por $0x0, $0x0;
	[sflag:s17] =	ssyncset.done $0x0  }
0x67: {  	s7 =	sor.u32 $0x180, s0;
	s3 =	simm.s32 $0x1;
	[sflag:s17] =	ssyncadd.s32 $0xFFFFE000  }
0x68: {  	[tilespmem:s18], [sflag:$0x5] =	stream.indirect.gather [hbm4b:s1+s11], $0x80, s7, s11, $0xb8;
	[tilespmem:$0x1CC80] =	vst v63  }
0x69: {  	s3 =	simm.s32 @!p0 $0x0;
	_ =	swait.ge [sflag:s19], $0x2000  }
0x6a: {  	s3 =	sshll.u32 s3, $0x6;
	[sflag:s19] =	ssyncset.done $0x0  }
0x6b: {  	s3 =	sadd.s32 $0x0, s3;
	[sflag:s19] =	ssyncadd.s32 $0xFFFFE000  }
0x6c: {  	[spmem:s2] =	stream.indirect.scatter.add.f32 [tilespmem:s13], [sflag:$0x7], $0x80, s16, s11, $0xb8;
	[tilespmem:$0x1CC80] =	vst v63  }
0x6d: {  	s26 =	sor.u32 $0x200, s3  }
0x6e: {  	[tilespmem:s12], [sflag:$0x2] =	stream.indirect.gather [hbm4b:s1+s11], $0x80, s26, s11, $0xb8;
	[tilespmem:$0x1CC80] =	vst v63  }
0x6f: {  	_ =	swait.ge [sflag:s20], $0x2000  }
0x70: {  	[sflag:s20] =	ssyncset.done $0x0  }
0x71: {  	[sflag:s20] =	ssyncadd.s32 $0xFFFFE000  }
0x72: {  	[spmem:s2] =	stream.indirect.scatter.add.f32 [tilespmem:s14], [sflag:$0x8], $0x80, s16, s11, $0xb8;
	[tilespmem:$0x1CC80] =	vst v63  }
0x73: {  	_ =	swait.ge [sflag:s21], $0x2000  }
0x74: {  	[sflag:s21] =	ssyncset.done $0x0  }
0x75: {  	s8 =	sor.u32 $0x280, s3;
	[sflag:s21] =	ssyncadd.s32 $0xFFFFE000  }
0x76: {  	[tilespmem:s13], [sflag:$0x3] =	stream.indirect.gather [hbm4b:s1+s11], $0x80, s8, s11, $0xb8;
	[tilespmem:$0x1CC80] =	vst v63  }
0x77: {  	_ =	swait.ge [sflag:s22], $0x2000  }
0x78: {  	[sflag:s22] =	ssyncset.done $0x0  }
0x79: {  	[sflag:s22] =	ssyncadd.s32 $0xFFFFE000  }
0x7a: {  	[spmem:s2] =	stream.indirect.scatter.add.f32 [tilespmem:s18], [sflag:$0x9], $0x80, s16, s11, $0xb8;
	[tilespmem:$0x1CC80] =	vst v63  }
0x7b: {  	_ =	swait.ge [sflag:s23], $0x2000  }
0x7c: {  	[sflag:s23] =	ssyncset.done $0x0  }
0x7d: {  	s9 =	sor.u32 $0x300, s3;
	[sflag:s23] =	ssyncadd.s32 $0xFFFFE000  }
0x7e: {  	[tilespmem:s14], [sflag:$0x4] =	stream.indirect.gather [hbm4b:s1+s11], $0x80, s9, s11, $0xb8;
	[tilespmem:$0x1CC80] =	vst v63  }
0x7f: {  	_ =	swait.ge [sflag:s15], $0x2000  }
0x80: {  	[sflag:s15] =	ssyncset.done $0x0  }
0x81: {  	[sflag:s15] =	ssyncadd.s32 $0xFFFFE000  }
0x82: {  	[spmem:s2] =	stream.indirect.scatter.add.f32 [tilespmem:s12], [sflag:$0x6], $0x80, s16, s11, $0xb8;
	[tilespmem:$0x1CC80] =	vst v63  }
0x83: {  	_ =	swait.ge [sflag:s24], $0x2000  }
0x84: {  	[sflag:s24] =	ssyncset.done $0x0  }
0x85: {  	s3 =	sor.u32 $0x380, s3;
	[sflag:s24] =	ssyncadd.s32 $0xFFFFE000  }
0x86: {  	[tilespmem:s18], [sflag:$0x5] =	stream.indirect.gather [hbm4b:s1+s11], $0x80, s3, s11, $0xb8;
	[tilespmem:$0x1CC80] =	vst v63  }
0x87: {  	_ =	swait.ge [sflag:s19], $0x2000  }
0x88: {  	[sflag:s19] =	ssyncset.done $0x0  }
0x89: {  	[sflag:s19] =	ssyncadd.s32 $0xFFFFE000  }
0x8a: {  	[spmem:s2] =	stream.indirect.scatter.add.f32 [tilespmem:s13], [sflag:$0x7], $0x80, s16, s11, $0xb8;
	[tilespmem:$0x1CC80] =	vst v63  }
0x8b: {  	_ =	swait.ge [sflag:s17], $0x2000  }
0x8c: {  	[sflag:s17] =	ssyncset.done $0x0  }
0x8d: {  	s26 =	sadd.s32 $0x6400, s0;
	[sflag:s17] =	ssyncadd.s32 $0xFFFFE000  }
0x8e: {  	[tilespmem:s12], [sflag:$0x2] =	stream.indirect.gather [hbm4b:s1+s11], $0x80, s26, s11, $0xb8;
	[tilespmem:$0x1CC80] =	vst v63  }
0x8f: {  	_ =	swait.ge [sflag:s20], $0x2000  }
0x90: {  	[sflag:s20] =	ssyncset.done $0x0  }
0x91: {  	[sflag:s20] =	ssyncadd.s32 $0xFFFFE000  }
0x92: {  	[spmem:s2] =	stream.indirect.scatter.add.f32 [tilespmem:s14], [sflag:$0x8], $0x80, s16, s11, $0xb8;
	[tilespmem:$0x1CC80] =	vst v63  }
0x93: {  	_ =	swait.ge [sflag:s21], $0x2000  }
0x94: {  	[sflag:s21] =	ssyncset.done $0x0  }
0x95: {  	s7 =	sadd.s32 $0x6480, s0;
	[sflag:s21] =	ssyncadd.s32 $0xFFFFE000  }
0x96: {  	[tilespmem:s13], [sflag:$0x3] =	stream.indirect.gather [hbm4b:s1+s11], $0x80, s7, s11, $0xb8;
	[tilespmem:$0x1CC80] =	vst v63  }
0x97: {  	_ =	swait.ge [sflag:s22], $0x2000  }
0x98: {  	[sflag:s22] =	ssyncset.done $0x0  }
0x99: {  	[sflag:s22] =	ssyncadd.s32 $0xFFFFE000  }
0x9a: {  	[spmem:s2] =	stream.indirect.scatter.add.f32 [tilespmem:s18], [sflag:$0x9], $0x80, s16, s11, $0xb8;
	[tilespmem:$0x1CC80] =	vst v63  }
0x9b: {  	_ =	swait.ge [sflag:s23], $0x2000  }
0x9c: {  	[sflag:s23] =	ssyncset.done $0x0  }
0x9d: {  	s8 =	sadd.s32 $0x6500, s0;
	[sflag:s23] =	ssyncadd.s32 $0xFFFFE000  }
0x9e: {  	[tilespmem:s14], [sflag:$0x4] =	stream.indirect.gather [hbm4b:s1+s11], $0x80, s8, s11, $0xb8;
	[tilespmem:$0x1CC80] =	vst v63  }
0x9f: {  	_ =	swait.ge [sflag:s15], $0x2000  }
0xa0: {  	[sflag:s15] =	ssyncset.done $0x0  }
0xa1: {  	[sflag:s15] =	ssyncadd.s32 $0xFFFFE000  }
0xa2: {  	[spmem:s2] =	stream.indirect.scatter.add.f32 [tilespmem:s12], [sflag:$0x6], $0x80, s16, s11, $0xb8;
	[tilespmem:$0x1CC80] =	vst v63  }
0xa3: {  	_ =	swait.ge [sflag:s24], $0x2000  }
0xa4: {  	[sflag:s24] =	ssyncset.done $0x0  }
0xa5: {  	s9 =	sadd.s32 $0x6580, s0;
	[sflag:s24] =	ssyncadd.s32 $0xFFFFE000  }
0xa6: {  	[tilespmem:s18], [sflag:$0x5] =	stream.indirect.gather [hbm4b:s1+s11], $0x80, s9, s11, $0xb8;
	[tilespmem:$0x1CC80] =	vst v63  }
0xa7: {  	_ =	swait.ge [sflag:s19], $0x2000  }
0xa8: {  	[sflag:s19] =	ssyncset.done $0x0  }
0xa9: {  	[sflag:s19] =	ssyncadd.s32 $0xFFFFE000  }
0xaa: {  	[spmem:s2] =	stream.indirect.scatter.add.f32 [tilespmem:s13], [sflag:$0x7], $0x80, s16, s11, $0xb8;
	[tilespmem:$0x1CC80] =	vst v63  }
0xab: {  	_ =	swait.ge [sflag:s17], $0x2000  }
0xac: {  	[sflag:s17] =	ssyncset.done $0x0  }
0xad: {  	s26 =	sadd.s32 $0x6600, s0;
	[sflag:s17] =	ssyncadd.s32 $0xFFFFE000  }
0xae: {  	[tilespmem:s12], [sflag:$0x2] =	stream.indirect.gather [hbm4b:s1+s11], $0x80, s26, s11, $0xb8;
	[tilespmem:$0x1CC80] =	vst v63  }
0xaf: {  	_ =	swait.ge [sflag:s20], $0x2000  }
0xb0: {  	[sflag:s20] =	ssyncset.done $0x0  }
0xb1: {  	[sflag:s20] =	ssyncadd.s32 $0xFFFFE000  }
0xb2: {  	[spmem:s2] =	stream.indirect.scatter.add.f32 [tilespmem:s14], [sflag:$0x8], $0x80, s16, s11, $0xb8;
	[tilespmem:$0x1CC80] =	vst v63  }
0xb3: {  	_ =	swait.ge [sflag:s21], $0x2000  }
0xb4: {  	[sflag:s21] =	ssyncset.done $0x0  }
0xb5: {  	s7 =	sadd.s32 $0x6680, s0;
	[sflag:s21] =	ssyncadd.s32 $0xFFFFE000  }
0xb6: {  	[tilespmem:s13], [sflag:$0x3] =	stream.indirect.gather [hbm4b:s1+s11], $0x80, s7, s11, $0xb8;
	[tilespmem:$0x1CC80] =	vst v63  }
0xb7: {  	_ =	swait.ge [sflag:s22], $0x2000  }
0xb8: {  	[sflag:s22] =	ssyncset.done $0x0  }
0xb9: {  	[sflag:s22] =	ssyncadd.s32 $0xFFFFE000  }
0xba: {  	[spmem:s2] =	stream.indirect.scatter.add.f32 [tilespmem:s18], [sflag:$0x9], $0x80, s16, s11, $0xb8;
	[tilespmem:$0x1CC80] =	vst v63  }
0xbb: {  	_ =	swait.ge [sflag:s23], $0x2000  }
0xbc: {  	[sflag:s23] =	ssyncset.done $0x0  }
0xbd: {  	s8 =	sadd.s32 $0x6700, s0;
	[sflag:s23] =	ssyncadd.s32 $0xFFFFE000  }
0xbe: {  	[tilespmem:s14], [sflag:$0x4] =	stream.indirect.gather [hbm4b:s1+s11], $0x80, s8, s11, $0xb8;
	[tilespmem:$0x1CC80] =	vst v63  }
0xbf: {  	_ =	swait.ge [sflag:s15], $0x2000  }
0xc0: {  	[sflag:s15] =	ssyncset.done $0x0  }
0xc1: {  	[sflag:s15] =	ssyncadd.s32 $0xFFFFE000  }
0xc2: {  	[spmem:s2] =	stream.indirect.scatter.add.f32 [tilespmem:s12], [sflag:$0x6], $0x80, s16, s11, $0xb8;
	[tilespmem:$0x1CC80] =	vst v63  }
0xc3: {  	_ =	swait.ge [sflag:s24], $0x2000  }
0xc4: {  	[sflag:s24] =	ssyncset.done $0x0  }
0xc5: {  	s9 =	sadd.s32 $0x6780, s0;
	[sflag:s24] =	ssyncadd.s32 $0xFFFFE000  }
0xc6: {  	[tilespmem:s18], [sflag:$0x5] =	stream.indirect.gather [hbm4b:s1+s11], $0x80, s9, s11, $0xb8;
	[tilespmem:$0x1CC80] =	vst v63  }
0xc7: {  	_ =	swait.ge [sflag:s19], $0x2000  }
0xc8: {  	[sflag:s19] =	ssyncset.done $0x0  }
0xc9: {  	[sflag:s19] =	ssyncadd.s32 $0xFFFFE000  }
0xca: {  	[spmem:s2] =	stream.indirect.scatter.add.f32 [tilespmem:s13], [sflag:$0x7], $0x80, s16, s11, $0xb8;
	[tilespmem:$0x1CC80] =	vst v63  }
0xcb: {  	_ =	swait.ge [sflag:s17], $0x2000  }
0xcc: {  	[sflag:s17] =	ssyncset.done $0x0  }
0xcd: {  	s0 =	sadd.s32 $0xC800, s0;
	[sflag:s17] =	ssyncadd.s32 $0xFFFFE000  }
0xce: {  	[tilespmem:s12], [sflag:$0x2] =	stream.indirect.gather [hbm4b:s1+s11], $0x80, s0, s11, $0xb8;
	[tilespmem:$0x1CC80] =	vst v63  }
0xcf: {  	_ =	swait.ge [sflag:s20], $0x2000  }
0xd0: {  	[sflag:s20] =	ssyncset.done $0x0  }
0xd1: {  	[sflag:s20] =	ssyncadd.s32 $0xFFFFE000  }
0xd2: {  	[spmem:s2] =	stream.indirect.scatter.add.f32 [tilespmem:s14], [sflag:$0x8], $0x80, s16, s11, $0xb8;
	[tilespmem:$0x1CC80] =	vst v63  }
0xd3: {  	_ =	swait.ge [sflag:s22], $0x2000  }
0xd4: {  	[sflag:s22] =	ssyncset.done $0x0  }
0xd5: {  	[sflag:s22] =	ssyncadd.s32 $0xFFFFE000  }
0xd6: {  	[spmem:s2] =	stream.indirect.scatter.add.f32 [tilespmem:s18], [sflag:$0x9], $0x80, s16, s11, $0xb8;
	[tilespmem:$0x1CC80] =	vst v63  }
0xd7: {  	_ =	swait.ge [sflag:s15], $0x2000  }
0xd8: {  	[sflag:s15] =	ssyncset.done $0x0  }
0xd9: {  	[sflag:s15] =	ssyncadd.s32 $0xFFFFE000  }
0xda: {  	[spmem:s2] =	stream.indirect.scatter.add.f32 [tilespmem:s12], [sflag:$0x6], $0x80, s16, s11, $0xb8;
	[tilespmem:$0x1CC80] =	vst v63  }
0xdb: {  	_ =	swait.ge [sflag:s21], $0x2000  }
0xdc: {  	[sflag:s21] =	ssyncset.done $0x0  }
0xdd: {  	[sflag:s21] =	ssyncadd.s32 $0xFFFFE000  }
0xde: {  	_ =	swait.ge [sflag:s23], $0x2000  }
0xdf: {  	[sflag:s23] =	ssyncset.done $0x0  }
0xe0: {  	[sflag:s23] =	ssyncadd.s32 $0xFFFFE000  }
0xe1: {  	_ =	swait.ge [sflag:s24], $0x2000  }
0xe2: {  	[sflag:s24] =	ssyncset.done $0x0  }
0xe3: {  	s31 =	simm.s32 $0x200;
	p0 =	por !p0, !p0;
	[sflag:s24] =	ssyncadd.s32 $0xFFFFE000  }
0xe4: {  	s3 =	simm.s32 $0x80;
	s0 =	simm.s32 $0x1;
	_ =	swait.ge [sflag:s17], $0x2000  }
0xe5: {  	s7 =	simm.s32 $0x40;
	s0 =	simm.s32 @!p0 $0x0;
	s8 =	rddreg [dreg:$0x4]  }
0xe6: {  	s0 =	sshll.u32 s0, $0x6;
	[sflag:s17] =	ssyncset.done $0x0;
	s9 =	rddreg [dreg:$0x5]  }
0xe7: {  	s26 =	rddreg [dreg:$0x7];
	[sflag:s17] =	ssyncadd.s32 $0xFFFFE000;
	s28 =	sor.u32 $0x1C0A, s9  }
0xe8: {  	[hbm:s26], [sflag:s28] =	dma.local [spmem:s8], $0x400  }
0xe9: {  	s30 =	sadd.s32 $0x200, s0;
	s0 =	sand.u32 $0x40, s7;
	_ =	swait.ge [sflag:s25], $0x400  }
0xea: {  	s7 =	sand.u32 $0x7C00, s31;
	s29 =	sadd.s32 $0x400, s26;
	[sflag:s25] =	ssyncset.done $0x0  }
.LBB2_6:
0xeb: {  	s8 =	sor.u32 s0, s7;
	[sflag:s25] =	ssyncadd.s32 $0xFFFFFC00  }
0xec: {  	[tilespmem:s12], [sflag:$0x2] =	stream.indirect.gather [hbm4b:s1+s11], $0x80, s8, s11, $0xb8;
	[tilespmem:$0x1CC80] =	vst v63  }
0xed: {  	s9 =	sor.u32 $0x80, s8  }
0xee: {  	[tilespmem:s13], [sflag:$0x3] =	stream.indirect.gather [hbm4b:s1+s11], $0x80, s9, s11, $0xb8;
	[tilespmem:$0x1CC80] =	vst v63  }
0xef: {  	s26 =	sor.u32 $0x100, s8  }
0xf0: {  	[tilespmem:s14], [sflag:$0x4] =	stream.indirect.gather [hbm4b:s1+s11], $0x80, s26, s11, $0xb8;
	[tilespmem:$0x1CC80] =	vst v63  }
0xf1: {  	_ =	swait.ge [sflag:s15], $0x2000  }
0xf2: {  	[sflag:s15] =	ssyncset.done $0x0  }
0xf3: {  	[sflag:s15] =	ssyncadd.s32 $0xFFFFE000  }
0xf4: {  	[spmem:s2] =	stream.indirect.scatter [tilespmem:s12], [sflag:$0x6], $0x80, s16, s11, $0xb8;
	[tilespmem:$0x1CC80] =	vst v63  }
0xf5: {  	_ =	swait.ge [sflag:s17], $0x2000  }
0xf6: {  	[sflag:s17] =	ssyncset.done $0x0  }
0xf7: {  	s26 =	sor.u32 $0x180, s8;
	[sflag:s17] =	ssyncadd.s32 $0xFFFFE000  }
0xf8: {  	[tilespmem:s18], [sflag:$0x5] =	stream.indirect.gather [hbm4b:s1+s11], $0x80, s26, s11, $0xb8;
	[tilespmem:$0x1CC80] =	vst v63  }
0xf9: {  	_ =	swait.ge [sflag:s19], $0x2000  }
0xfa: {  	[sflag:s19] =	ssyncset.done $0x0  }
0xfb: {  	[sflag:s19] =	ssyncadd.s32 $0xFFFFE000  }
0xfc: {  	[spmem:s2] =	stream.indirect.scatter.add.f32 [tilespmem:s13], [sflag:$0x7], $0x80, s16, s11, $0xb8;
	[tilespmem:$0x1CC80] =	vst v63  }
0xfd: {  	s26 =	sor.u32 $0x200, s30  }
0xfe: {  	[tilespmem:s12], [sflag:$0x2] =	stream.indirect.gather [hbm4b:s1+s11], $0x80, s26, s11, $0xb8;
	[tilespmem:$0x1CC80] =	vst v63  }
0xff: {  	_ =	swait.ge [sflag:s20], $0x2000  }
0x100: {  	[sflag:s20] =	ssyncset.done $0x0  }
0x101: {  	[sflag:s20] =	ssyncadd.s32 $0xFFFFE000  }
0x102: {  	[spmem:s2] =	stream.indirect.scatter.add.f32 [tilespmem:s14], [sflag:$0x8], $0x80, s16, s11, $0xb8;
	[tilespmem:$0x1CC80] =	vst v63  }
0x103: {  	_ =	swait.ge [sflag:s21], $0x2000  }
0x104: {  	[sflag:s21] =	ssyncset.done $0x0  }
0x105: {  	s26 =	sor.u32 $0x280, s30;
	[sflag:s21] =	ssyncadd.s32 $0xFFFFE000  }
0x106: {  	[tilespmem:s13], [sflag:$0x3] =	stream.indirect.gather [hbm4b:s1+s11], $0x80, s26, s11, $0xb8;
	[tilespmem:$0x1CC80] =	vst v63  }
0x107: {  	_ =	swait.ge [sflag:s22], $0x2000  }
0x108: {  	[sflag:s22] =	ssyncset.done $0x0  }
0x109: {  	[sflag:s22] =	ssyncadd.s32 $0xFFFFE000  }
0x10a: {  	[spmem:s2] =	stream.indirect.scatter.add.f32 [tilespmem:s18], [sflag:$0x9], $0x80, s16, s11, $0xb8;
	[tilespmem:$0x1CC80] =	vst v63  }
0x10b: {  	_ =	swait.ge [sflag:s23], $0x2000  }
0x10c: {  	[sflag:s23] =	ssyncset.done $0x0  }
0x10d: {  	s26 =	sor.u32 $0x300, s30;
	[sflag:s23] =	ssyncadd.s32 $0xFFFFE000  }
0x10e: {  	[tilespmem:s14], [sflag:$0x4] =	stream.indirect.gather [hbm4b:s1+s11], $0x80, s26, s11, $0xb8;
	[tilespmem:$0x1CC80] =	vst v63  }
0x10f: {  	_ =	swait.ge [sflag:s15], $0x2000  }
0x110: {  	[sflag:s15] =	ssyncset.done $0x0  }
0x111: {  	[sflag:s15] =	ssyncadd.s32 $0xFFFFE000  }
0x112: {  	[spmem:s2] =	stream.indirect.scatter.add.f32 [tilespmem:s12], [sflag:$0x6], $0x80, s16, s11, $0xb8;
	[tilespmem:$0x1CC80] =	vst v63  }
0x113: {  	_ =	swait.ge [sflag:s24], $0x2000  }
0x114: {  	[sflag:s24] =	ssyncset.done $0x0  }
0x115: {  	s26 =	sor.u32 $0x380, s30;
	[sflag:s24] =	ssyncadd.s32 $0xFFFFE000  }
0x116: {  	[tilespmem:s18], [sflag:$0x5] =	stream.indirect.gather [hbm4b:s1+s11], $0x80, s26, s11, $0xb8;
	[tilespmem:$0x1CC80] =	vst v63  }
0x117: {  	_ =	swait.ge [sflag:s19], $0x2000  }
0x118: {  	[sflag:s19] =	ssyncset.done $0x0  }
0x119: {  	[sflag:s19] =	ssyncadd.s32 $0xFFFFE000  }
0x11a: {  	[spmem:s2] =	stream.indirect.scatter.add.f32 [tilespmem:s13], [sflag:$0x7], $0x80, s16, s11, $0xb8;
	[tilespmem:$0x1CC80] =	vst v63  }
0x11b: {  	_ =	swait.ge [sflag:s17], $0x2000  }
0x11c: {  	[sflag:s17] =	ssyncset.done $0x0  }
0x11d: {  	s26 =	sadd.s32 $0x6400, s8;
	[sflag:s17] =	ssyncadd.s32 $0xFFFFE000  }
0x11e: {  	[tilespmem:s12], [sflag:$0x2] =	stream.indirect.gather [hbm4b:s1+s11], $0x80, s26, s11, $0xb8;
	[tilespmem:$0x1CC80] =	vst v63  }
0x11f: {  	_ =	swait.ge [sflag:s20], $0x2000  }
0x120: {  	p0 =	por !p0, !p0;
	s7 =	simm.s32 $0x1;
	[sflag:s20] =	ssyncset.done $0x0  }
0x121: {  	s7 =	simm.s32 @!p0 $0x0;
	[sflag:s20] =	ssyncadd.s32 $0xFFFFE000  }
0x122: {  	[spmem:s2] =	stream.indirect.scatter.add.f32 [tilespmem:s14], [sflag:$0x8], $0x80, s16, s11, $0xb8;
	[tilespmem:$0x1CC80] =	vst v63  }
0x123: {  	s31 =	sadd.s32 $0x200, s31;
	s7 =	sshll.u32 s7, $0x6;
	_ =	swait.ge [sflag:s21], $0x2000  }
0x124: {  	s7 =	sadd.s32 s7, s31;
	[sflag:s21] =	ssyncset.done $0x0  }
0x125: {  	s30 =	smov.u32 s7;
	s7 =	sadd.s32 $0x6480, s8;
	[sflag:s21] =	ssyncadd.s32 $0xFFFFE000  }
0x126: {  	[tilespmem:s13], [sflag:$0x3] =	stream.indirect.gather [hbm4b:s1+s11], $0x80, s7, s11, $0xb8;
	[tilespmem:$0x1CC80] =	vst v63  }
0x127: {  	_ =	swait.ge [sflag:s22], $0x2000  }
0x128: {  	[sflag:s22] =	ssyncset.done $0x0  }
0x129: {  	[sflag:s22] =	ssyncadd.s32 $0xFFFFE000  }
0x12a: {  	[spmem:s2] =	stream.indirect.scatter.add.f32 [tilespmem:s18], [sflag:$0x9], $0x80, s16, s11, $0xb8;
	[tilespmem:$0x1CC80] =	vst v63  }
0x12b: {  	_ =	swait.ge [sflag:s23], $0x2000  }
0x12c: {  	[sflag:s23] =	ssyncset.done $0x0  }
0x12d: {  	s26 =	sadd.s32 $0x6500, s8;
	[sflag:s23] =	ssyncadd.s32 $0xFFFFE000  }
0x12e: {  	[tilespmem:s14], [sflag:$0x4] =	stream.indirect.gather [hbm4b:s1+s11], $0x80, s26, s11, $0xb8;
	[tilespmem:$0x1CC80] =	vst v63  }
0x12f: {  	_ =	swait.ge [sflag:s15], $0x2000  }
0x130: {  	[sflag:s15] =	ssyncset.done $0x0  }
0x131: {  	[sflag:s15] =	ssyncadd.s32 $0xFFFFE000  }
0x132: {  	[spmem:s2] =	stream.indirect.scatter.add.f32 [tilespmem:s12], [sflag:$0x6], $0x80, s16, s11, $0xb8;
	[tilespmem:$0x1CC80] =	vst v63  }
0x133: {  	_ =	swait.ge [sflag:s24], $0x2000  }
0x134: {  	[sflag:s24] =	ssyncset.done $0x0  }
0x135: {  	s7 =	sadd.s32 $0x6580, s8;
	[sflag:s24] =	ssyncadd.s32 $0xFFFFE000  }
0x136: {  	[tilespmem:s18], [sflag:$0x5] =	stream.indirect.gather [hbm4b:s1+s11], $0x80, s7, s11, $0xb8;
	[tilespmem:$0x1CC80] =	vst v63  }
0x137: {  	_ =	swait.ge [sflag:s19], $0x2000  }
0x138: {  	[sflag:s19] =	ssyncset.done $0x0  }
0x139: {  	[sflag:s19] =	ssyncadd.s32 $0xFFFFE000  }
0x13a: {  	[spmem:s2] =	stream.indirect.scatter.add.f32 [tilespmem:s13], [sflag:$0x7], $0x80, s16, s11, $0xb8;
	[tilespmem:$0x1CC80] =	vst v63  }
0x13b: {  	_ =	swait.ge [sflag:s17], $0x2000  }
0x13c: {  	[sflag:s17] =	ssyncset.done $0x0  }
0x13d: {  	s26 =	sadd.s32 $0x6600, s8;
	[sflag:s17] =	ssyncadd.s32 $0xFFFFE000  }
0x13e: {  	[tilespmem:s12], [sflag:$0x2] =	stream.indirect.gather [hbm4b:s1+s11], $0x80, s26, s11, $0xb8;
	[tilespmem:$0x1CC80] =	vst v63  }
0x13f: {  	_ =	swait.ge [sflag:s20], $0x2000  }
0x140: {  	[sflag:s20] =	ssyncset.done $0x0  }
0x141: {  	[sflag:s20] =	ssyncadd.s32 $0xFFFFE000  }
0x142: {  	[spmem:s2] =	stream.indirect.scatter.add.f32 [tilespmem:s14], [sflag:$0x8], $0x80, s16, s11, $0xb8;
	[tilespmem:$0x1CC80] =	vst v63  }
0x143: {  	_ =	swait.ge [sflag:s21], $0x2000  }
0x144: {  	[sflag:s21] =	ssyncset.done $0x0  }
0x145: {  	s7 =	sadd.s32 $0x6680, s8;
	[sflag:s21] =	ssyncadd.s32 $0xFFFFE000  }
0x146: {  	[tilespmem:s13], [sflag:$0x3] =	stream.indirect.gather [hbm4b:s1+s11], $0x80, s7, s11, $0xb8;
	[tilespmem:$0x1CC80] =	vst v63  }
0x147: {  	_ =	swait.ge [sflag:s22], $0x2000  }
0x148: {  	[sflag:s22] =	ssyncset.done $0x0  }
0x149: {  	[sflag:s22] =	ssyncadd.s32 $0xFFFFE000  }
0x14a: {  	[spmem:s2] =	stream.indirect.scatter.add.f32 [tilespmem:s18], [sflag:$0x9], $0x80, s16, s11, $0xb8;
	[tilespmem:$0x1CC80] =	vst v63  }
0x14b: {  	_ =	swait.ge [sflag:s23], $0x2000  }
0x14c: {  	[sflag:s23] =	ssyncset.done $0x0  }
0x14d: {  	s26 =	sadd.s32 $0x6700, s8;
	[sflag:s23] =	ssyncadd.s32 $0xFFFFE000  }
0x14e: {  	[tilespmem:s14], [sflag:$0x4] =	stream.indirect.gather [hbm4b:s1+s11], $0x80, s26, s11, $0xb8;
	[tilespmem:$0x1CC80] =	vst v63  }
0x14f: {  	_ =	swait.ge [sflag:s15], $0x2000  }
0x150: {  	[sflag:s15] =	ssyncset.done $0x0  }
0x151: {  	[sflag:s15] =	ssyncadd.s32 $0xFFFFE000  }
0x152: {  	[spmem:s2] =	stream.indirect.scatter.add.f32 [tilespmem:s12], [sflag:$0x6], $0x80, s16, s11, $0xb8;
	[tilespmem:$0x1CC80] =	vst v63  }
0x153: {  	_ =	swait.ge [sflag:s24], $0x2000  }
0x154: {  	[sflag:s24] =	ssyncset.done $0x0  }
0x155: {  	s7 =	sadd.s32 $0x6780, s8;
	[sflag:s24] =	ssyncadd.s32 $0xFFFFE000  }
0x156: {  	[tilespmem:s18], [sflag:$0x5] =	stream.indirect.gather [hbm4b:s1+s11], $0x80, s7, s11, $0xb8;
	[tilespmem:$0x1CC80] =	vst v63  }
0x157: {  	_ =	swait.ge [sflag:s19], $0x2000  }
0x158: {  	[sflag:s19] =	ssyncset.done $0x0  }
0x159: {  	[sflag:s19] =	ssyncadd.s32 $0xFFFFE000  }
0x15a: {  	[spmem:s2] =	stream.indirect.scatter.add.f32 [tilespmem:s13], [sflag:$0x7], $0x80, s16, s11, $0xb8;
	[tilespmem:$0x1CC80] =	vst v63  }
0x15b: {  	_ =	swait.ge [sflag:s17], $0x2000  }
0x15c: {  	[sflag:s17] =	ssyncset.done $0x0  }
0x15d: {  	s8 =	sadd.s32 $0xC800, s8;
	[sflag:s17] =	ssyncadd.s32 $0xFFFFE000  }
0x15e: {  	[tilespmem:s12], [sflag:$0x2] =	stream.indirect.gather [hbm4b:s1+s11], $0x80, s8, s11, $0xb8;
	[tilespmem:$0x1CC80] =	vst v63  }
0x15f: {  	_ =	swait.ge [sflag:s20], $0x2000  }
0x160: {  	[sflag:s20] =	ssyncset.done $0x0  }
0x161: {  	[sflag:s20] =	ssyncadd.s32 $0xFFFFE000  }
0x162: {  	[spmem:s2] =	stream.indirect.scatter.add.f32 [tilespmem:s14], [sflag:$0x8], $0x80, s16, s11, $0xb8;
	[tilespmem:$0x1CC80] =	vst v63  }
0x163: {  	_ =	swait.ge [sflag:s22], $0x2000  }
0x164: {  	[sflag:s22] =	ssyncset.done $0x0  }
0x165: {  	[sflag:s22] =	ssyncadd.s32 $0xFFFFE000  }
0x166: {  	[spmem:s2] =	stream.indirect.scatter.add.f32 [tilespmem:s18], [sflag:$0x9], $0x80, s16, s11, $0xb8;
	[tilespmem:$0x1CC80] =	vst v63  }
0x167: {  	_ =	swait.ge [sflag:s15], $0x2000  }
0x168: {  	[sflag:s15] =	ssyncset.done $0x0  }
0x169: {  	[sflag:s15] =	ssyncadd.s32 $0xFFFFE000  }
0x16a: {  	[spmem:s2] =	stream.indirect.scatter.add.f32 [tilespmem:s12], [sflag:$0x6], $0x80, s16, s11, $0xb8;
	[tilespmem:$0x1CC80] =	vst v63  }
0x16b: {  	_ =	swait.ge [sflag:s21], $0x2000  }
0x16c: {  	[sflag:s21] =	ssyncset.done $0x0  }
0x16d: {  	[sflag:s21] =	ssyncadd.s32 $0xFFFFE000  }
0x16e: {  	_ =	swait.ge [sflag:s23], $0x2000  }
0x16f: {  	[sflag:s23] =	ssyncset.done $0x0  }
0x170: {  	[sflag:s23] =	ssyncadd.s32 $0xFFFFE000  }
0x171: {  	_ =	swait.ge [sflag:s24], $0x2000  }
0x172: {  	[sflag:s24] =	ssyncset.done $0x0  }
0x173: {  	[sflag:s24] =	ssyncadd.s32 $0xFFFFE000  }
0x174: {  	p1 =	sne.s32 s3, $0xC40;
	_ =	swait.ge [sflag:s17], $0x2000  }
.Ltmp2:
0x175: {  	s0 =	smov.u32 s3;
	[sflag:s17] =	ssyncset.done $0x0;
	(pc) =	sbr.rel @p1 .LBB2_6-.Ltmp2, $4  }
0x176: {  	s9 =	sadd.s32 $0x40, s3;
	s26 =	rddreg [dreg:$0x4];
	[sflag:s17] =	ssyncadd.s32 $0xFFFFE000  }
0x177: {  	[hbm:s29], [sflag:s28] =	dma.local [spmem:s26], $0x400  }
0x178: {  	s0 =	sand.u32 $0x40, s0;
	s3 =	smov.u32 s9;
	_ =	swait.ge [sflag:s25], $0x400  }
0x179: {  	s7 =	sand.u32 $0x7C00, s31;
	s29 =	sadd.s32 $0x400, s29;
	[sflag:s25] =	ssyncset.done $0x0  }
0x17a: {  	s0 =	sor.u32 s0, s7;
	[sflag:s25] =	ssyncadd.s32 $0xFFFFFC00  }
0x17b: {  	[tilespmem:s12], [sflag:$0x2] =	stream.indirect.gather [hbm4b:s1+s11], $0x80, s0, s11, $0xb8;
	[tilespmem:$0x1CC80] =	vst v63  }
0x17c: {  	s3 =	sor.u32 $0x80, s0  }
0x17d: {  	[tilespmem:s13], [sflag:$0x3] =	stream.indirect.gather [hbm4b:s1+s11], $0x80, s3, s11, $0xb8;
	[tilespmem:$0x1CC80] =	vst v63  }
0x17e: {  	s7 =	sor.u32 $0x100, s0  }
0x17f: {  	[tilespmem:s14], [sflag:$0x4] =	stream.indirect.gather [hbm4b:s1+s11], $0x80, s7, s11, $0xb8;
	[tilespmem:$0x1CC80] =	vst v63  }
0x180: {  	_ =	swait.ge [sflag:s15], $0x2000  }
0x181: {  	[sflag:s15] =	ssyncset.done $0x0  }
0x182: {  	[sflag:s15] =	ssyncadd.s32 $0xFFFFE000  }
0x183: {  	[spmem:s2] =	stream.indirect.scatter [tilespmem:s12], [sflag:$0x6], $0x80, s16, s11, $0xb8;
	[tilespmem:$0x1CC80] =	vst v63  }
0x184: {  	_ =	swait.ge [sflag:s17], $0x2000  }
0x185: {  	[sflag:s17] =	ssyncset.done $0x0  }
0x186: {  	s8 =	sor.u32 $0x180, s0;
	[sflag:s17] =	ssyncadd.s32 $0xFFFFE000  }
0x187: {  	[tilespmem:s18], [sflag:$0x5] =	stream.indirect.gather [hbm4b:s1+s11], $0x80, s8, s11, $0xb8;
	[tilespmem:$0x1CC80] =	vst v63  }
0x188: {  	_ =	swait.ge [sflag:s19], $0x2000  }
0x189: {  	[sflag:s19] =	ssyncset.done $0x0  }
0x18a: {  	[sflag:s19] =	ssyncadd.s32 $0xFFFFE000  }
0x18b: {  	[spmem:s2] =	stream.indirect.scatter.add.f32 [tilespmem:s13], [sflag:$0x7], $0x80, s16, s11, $0xb8;
	[tilespmem:$0x1CC80] =	vst v63  }
0x18c: {  	s9 =	sor.u32 $0x200, s30  }
0x18d: {  	[tilespmem:s12], [sflag:$0x2] =	stream.indirect.gather [hbm4b:s1+s11], $0x80, s9, s11, $0xb8;
	[tilespmem:$0x1CC80] =	vst v63  }
0x18e: {  	_ =	swait.ge [sflag:s20], $0x2000  }
0x18f: {  	[sflag:s20] =	ssyncset.done $0x0  }
0x190: {  	[sflag:s20] =	ssyncadd.s32 $0xFFFFE000  }
0x191: {  	[spmem:s2] =	stream.indirect.scatter.add.f32 [tilespmem:s14], [sflag:$0x8], $0x80, s16, s11, $0xb8;
	[tilespmem:$0x1CC80] =	vst v63  }
0x192: {  	_ =	swait.ge [sflag:s21], $0x2000  }
0x193: {  	[sflag:s21] =	ssyncset.done $0x0  }
0x194: {  	s26 =	sor.u32 $0x280, s30;
	[sflag:s21] =	ssyncadd.s32 $0xFFFFE000  }
0x195: {  	[tilespmem:s13], [sflag:$0x3] =	stream.indirect.gather [hbm4b:s1+s11], $0x80, s26, s11, $0xb8;
	[tilespmem:$0x1CC80] =	vst v63  }
0x196: {  	_ =	swait.ge [sflag:s22], $0x2000  }
0x197: {  	[sflag:s22] =	ssyncset.done $0x0  }
0x198: {  	[sflag:s22] =	ssyncadd.s32 $0xFFFFE000  }
0x199: {  	[spmem:s2] =	stream.indirect.scatter.add.f32 [tilespmem:s18], [sflag:$0x9], $0x80, s16, s11, $0xb8;
	[tilespmem:$0x1CC80] =	vst v63  }
0x19a: {  	_ =	swait.ge [sflag:s23], $0x2000  }
0x19b: {  	[sflag:s23] =	ssyncset.done $0x0  }
0x19c: {  	s31 =	sor.u32 $0x300, s30;
	[sflag:s23] =	ssyncadd.s32 $0xFFFFE000  }
0x19d: {  	[tilespmem:s14], [sflag:$0x4] =	stream.indirect.gather [hbm4b:s1+s11], $0x80, s31, s11, $0xb8;
	[tilespmem:$0x1CC80] =	vst v63  }
0x19e: {  	_ =	swait.ge [sflag:s15], $0x2000  }
0x19f: {  	[sflag:s15] =	ssyncset.done $0x0  }
0x1a0: {  	[sflag:s15] =	ssyncadd.s32 $0xFFFFE000  }
0x1a1: {  	[spmem:s2] =	stream.indirect.scatter.add.f32 [tilespmem:s12], [sflag:$0x6], $0x80, s16, s11, $0xb8;
	[tilespmem:$0x1CC80] =	vst v63  }
0x1a2: {  	_ =	swait.ge [sflag:s24], $0x2000  }
0x1a3: {  	[sflag:s24] =	ssyncset.done $0x0  }
0x1a4: {  	s7 =	sor.u32 $0x380, s30;
	[sflag:s24] =	ssyncadd.s32 $0xFFFFE000  }
0x1a5: {  	[tilespmem:s18], [sflag:$0x5] =	stream.indirect.gather [hbm4b:s1+s11], $0x80, s7, s11, $0xb8;
	[tilespmem:$0x1CC80] =	vst v63  }
0x1a6: {  	_ =	swait.ge [sflag:s19], $0x2000  }
0x1a7: {  	[sflag:s19] =	ssyncset.done $0x0  }
0x1a8: {  	[sflag:s19] =	ssyncadd.s32 $0xFFFFE000  }
0x1a9: {  	[spmem:s2] =	stream.indirect.scatter.add.f32 [tilespmem:s13], [sflag:$0x7], $0x80, s16, s11, $0xb8;
	[tilespmem:$0x1CC80] =	vst v63  }
0x1aa: {  	_ =	swait.ge [sflag:s17], $0x2000  }
0x1ab: {  	[sflag:s17] =	ssyncset.done $0x0  }
0x1ac: {  	s8 =	sadd.s32 $0x6400, s0;
	[sflag:s17] =	ssyncadd.s32 $0xFFFFE000  }
0x1ad: {  	[tilespmem:s12], [sflag:$0x2] =	stream.indirect.gather [hbm4b:s1+s11], $0x80, s8, s11, $0xb8;
	[tilespmem:$0x1CC80] =	vst v63  }
0x1ae: {  	_ =	swait.ge [sflag:s20], $0x2000  }
0x1af: {  	[sflag:s20] =	ssyncset.done $0x0  }
0x1b0: {  	[sflag:s20] =	ssyncadd.s32 $0xFFFFE000  }
0x1b1: {  	[spmem:s2] =	stream.indirect.scatter.add.f32 [tilespmem:s14], [sflag:$0x8], $0x80, s16, s11, $0xb8;
	[tilespmem:$0x1CC80] =	vst v63  }
0x1b2: {  	_ =	swait.ge [sflag:s21], $0x2000  }
0x1b3: {  	[sflag:s21] =	ssyncset.done $0x0  }
0x1b4: {  	s9 =	sadd.s32 $0x6480, s0;
	[sflag:s21] =	ssyncadd.s32 $0xFFFFE000  }
0x1b5: {  	[tilespmem:s13], [sflag:$0x3] =	stream.indirect.gather [hbm4b:s1+s11], $0x80, s9, s11, $0xb8;
	[tilespmem:$0x1CC80] =	vst v63  }
0x1b6: {  	_ =	swait.ge [sflag:s22], $0x2000  }
0x1b7: {  	[sflag:s22] =	ssyncset.done $0x0  }
0x1b8: {  	[sflag:s22] =	ssyncadd.s32 $0xFFFFE000  }
0x1b9: {  	[spmem:s2] =	stream.indirect.scatter.add.f32 [tilespmem:s18], [sflag:$0x9], $0x80, s16, s11, $0xb8;
	[tilespmem:$0x1CC80] =	vst v63  }
0x1ba: {  	_ =	swait.ge [sflag:s23], $0x2000  }
0x1bb: {  	[sflag:s23] =	ssyncset.done $0x0  }
0x1bc: {  	s26 =	sadd.s32 $0x6500, s0;
	[sflag:s23] =	ssyncadd.s32 $0xFFFFE000  }
0x1bd: {  	[tilespmem:s14], [sflag:$0x4] =	stream.indirect.gather [hbm4b:s1+s11], $0x80, s26, s11, $0xb8;
	[tilespmem:$0x1CC80] =	vst v63  }
0x1be: {  	_ =	swait.ge [sflag:s15], $0x2000  }
0x1bf: {  	[sflag:s15] =	ssyncset.done $0x0  }
0x1c0: {  	[sflag:s15] =	ssyncadd.s32 $0xFFFFE000  }
0x1c1: {  	[spmem:s2] =	stream.indirect.scatter.add.f32 [tilespmem:s12], [sflag:$0x6], $0x80, s16, s11, $0xb8;
	[tilespmem:$0x1CC80] =	vst v63  }
0x1c2: {  	_ =	swait.ge [sflag:s24], $0x2000  }
0x1c3: {  	[sflag:s24] =	ssyncset.done $0x0  }
0x1c4: {  	s30 =	sadd.s32 $0x6580, s0;
	[sflag:s24] =	ssyncadd.s32 $0xFFFFE000  }
0x1c5: {  	[tilespmem:s18], [sflag:$0x5] =	stream.indirect.gather [hbm4b:s1+s11], $0x80, s30, s11, $0xb8;
	[tilespmem:$0x1CC80] =	vst v63  }
0x1c6: {  	_ =	swait.ge [sflag:s19], $0x2000  }
0x1c7: {  	[sflag:s19] =	ssyncset.done $0x0  }
0x1c8: {  	[sflag:s19] =	ssyncadd.s32 $0xFFFFE000  }
0x1c9: {  	[spmem:s2] =	stream.indirect.scatter.add.f32 [tilespmem:s13], [sflag:$0x7], $0x80, s16, s11, $0xb8;
	[tilespmem:$0x1CC80] =	vst v63  }
0x1ca: {  	_ =	swait.ge [sflag:s17], $0x2000  }
0x1cb: {  	[sflag:s17] =	ssyncset.done $0x0  }
0x1cc: {  	s31 =	sadd.s32 $0x6600, s0;
	[sflag:s17] =	ssyncadd.s32 $0xFFFFE000  }
0x1cd: {  	[tilespmem:s12], [sflag:$0x2] =	stream.indirect.gather [hbm4b:s1+s11], $0x80, s31, s11, $0xb8;
	[tilespmem:$0x1CC80] =	vst v63  }
0x1ce: {  	_ =	swait.ge [sflag:s20], $0x2000  }
0x1cf: {  	[sflag:s20] =	ssyncset.done $0x0  }
0x1d0: {  	[sflag:s20] =	ssyncadd.s32 $0xFFFFE000  }
0x1d1: {  	[spmem:s2] =	stream.indirect.scatter.add.f32 [tilespmem:s14], [sflag:$0x8], $0x80, s16, s11, $0xb8;
	[tilespmem:$0x1CC80] =	vst v63  }
0x1d2: {  	_ =	swait.ge [sflag:s21], $0x2000  }
0x1d3: {  	[sflag:s21] =	ssyncset.done $0x0  }
0x1d4: {  	s7 =	sadd.s32 $0x6680, s0;
	[sflag:s21] =	ssyncadd.s32 $0xFFFFE000  }
0x1d5: {  	[tilespmem:s13], [sflag:$0x3] =	stream.indirect.gather [hbm4b:s1+s11], $0x80, s7, s11, $0xb8;
	[tilespmem:$0x1CC80] =	vst v63  }
0x1d6: {  	_ =	swait.ge [sflag:s22], $0x2000  }
0x1d7: {  	[sflag:s22] =	ssyncset.done $0x0  }
0x1d8: {  	[sflag:s22] =	ssyncadd.s32 $0xFFFFE000  }
0x1d9: {  	[spmem:s2] =	stream.indirect.scatter.add.f32 [tilespmem:s18], [sflag:$0x9], $0x80, s16, s11, $0xb8;
	[tilespmem:$0x1CC80] =	vst v63  }
0x1da: {  	_ =	swait.ge [sflag:s23], $0x2000  }
0x1db: {  	[sflag:s23] =	ssyncset.done $0x0  }
0x1dc: {  	s8 =	sadd.s32 $0x6700, s0;
	[sflag:s23] =	ssyncadd.s32 $0xFFFFE000  }
0x1dd: {  	[tilespmem:s14], [sflag:$0x4] =	stream.indirect.gather [hbm4b:s1+s11], $0x80, s8, s11, $0xb8;
	[tilespmem:$0x1CC80] =	vst v63  }
0x1de: {  	_ =	swait.ge [sflag:s15], $0x2000  }
0x1df: {  	[sflag:s15] =	ssyncset.done $0x0  }
0x1e0: {  	[sflag:s15] =	ssyncadd.s32 $0xFFFFE000  }
0x1e1: {  	[spmem:s2] =	stream.indirect.scatter.add.f32 [tilespmem:s12], [sflag:$0x6], $0x80, s16, s11, $0xb8;
	[tilespmem:$0x1CC80] =	vst v63  }
0x1e2: {  	_ =	swait.ge [sflag:s24], $0x2000  }
0x1e3: {  	[sflag:s24] =	ssyncset.done $0x0  }
0x1e4: {  	s9 =	sadd.s32 $0x6780, s0;
	[sflag:s24] =	ssyncadd.s32 $0xFFFFE000  }
0x1e5: {  	[tilespmem:s18], [sflag:$0x5] =	stream.indirect.gather [hbm4b:s1+s11], $0x80, s9, s11, $0xb8;
	[tilespmem:$0x1CC80] =	vst v63  }
0x1e6: {  	_ =	swait.ge [sflag:s19], $0x2000  }
0x1e7: {  	[sflag:s19] =	ssyncset.done $0x0  }
0x1e8: {  	[sflag:s19] =	ssyncadd.s32 $0xFFFFE000  }
0x1e9: {  	[spmem:s2] =	stream.indirect.scatter.add.f32 [tilespmem:s13], [sflag:$0x7], $0x80, s16, s11, $0xb8;
	[tilespmem:$0x1CC80] =	vst v63  }
0x1ea: {  	_ =	swait.ge [sflag:s17], $0x2000  }
0x1eb: {  	[sflag:s17] =	ssyncset.done $0x0  }
0x1ec: {  	s0 =	sadd.s32 $0xC800, s0;
	[sflag:s17] =	ssyncadd.s32 $0xFFFFE000  }
0x1ed: {  	[tilespmem:s12], [sflag:$0x2] =	stream.indirect.gather [hbm4b:s1+s11], $0x80, s0, s11, $0xb8;
	[tilespmem:$0x1CC80] =	vst v63  }
0x1ee: {  	_ =	swait.ge [sflag:s20], $0x2000  }
0x1ef: {  	[sflag:s20] =	ssyncset.done $0x0  }
0x1f0: {  	[sflag:s20] =	ssyncadd.s32 $0xFFFFE000  }
0x1f1: {  	[spmem:s2] =	stream.indirect.scatter.add.f32 [tilespmem:s14], [sflag:$0x8], $0x80, s16, s11, $0xb8;
	[tilespmem:$0x1CC80] =	vst v63  }
0x1f2: {  	_ =	swait.ge [sflag:s22], $0x2000  }
0x1f3: {  	[sflag:s22] =	ssyncset.done $0x0  }
0x1f4: {  	[sflag:s22] =	ssyncadd.s32 $0xFFFFE000  }
0x1f5: {  	[spmem:s2] =	stream.indirect.scatter.add.f32 [tilespmem:s18], [sflag:$0x9], $0x80, s16, s11, $0xb8;
	[tilespmem:$0x1CC80] =	vst v63  }
0x1f6: {  	_ =	swait.ge [sflag:s15], $0x2000  }
0x1f7: {  	[sflag:s15] =	ssyncset.done $0x0  }
0x1f8: {  	[sflag:s15] =	ssyncadd.s32 $0xFFFFE000  }
0x1f9: {  	[spmem:s2] =	stream.indirect.scatter.add.f32 [tilespmem:s12], [sflag:$0x6], $0x80, s16, s11, $0xb8;
	[tilespmem:$0x1CC80] =	vst v63  }
0x1fa: {  	_ =	swait.ge [sflag:s21], $0x2000  }
0x1fb: {  	[sflag:s21] =	ssyncset.done $0x0  }
0x1fc: {  	[sflag:s21] =	ssyncadd.s32 $0xFFFFE000  }
0x1fd: {  	_ =	swait.ge [sflag:s23], $0x2000  }
0x1fe: {  	[sflag:s23] =	ssyncset.done $0x0  }
0x1ff: {  	[sflag:s23] =	ssyncadd.s32 $0xFFFFE000  }
0x200: {  	_ =	swait.ge [sflag:s24], $0x2000  }
0x201: {  	[sflag:s24] =	ssyncset.done $0x0  }
0x202: {  	[sflag:s24] =	ssyncadd.s32 $0xFFFFE000  }
0x203: {  	_ =	swait.ge [sflag:s17], $0x2000  }
0x204: {  	[sflag:s17] =	ssyncset.done $0x0  }
0x205: {  	s26 =	rddreg [dreg:$0x4];
	[sflag:s17] =	ssyncadd.s32 $0xFFFFE000  }
0x206: {  	[hbm:s29], [sflag:s28] =	dma.local [spmem:s26], $0x400  }
0x207: {  	_ =	swait.ge [sflag:s25], $0x400  }
0x208: {  	s30 =	rddreg [dreg:$0x8]  }
0x209: {  	s31 =	rddreg [dreg:$0x6];
	s3 =	sadd.s32 $0x1, s30  }
0x20a: {  	p0 =	sne.s32 s3, s31  }
.Ltmp3:
0x20b: {  	_ = 	snop;
	(pc) =	sbr.rel @p0 .LBB2_1-.Ltmp3, $3  }
0x20c: {  	_ =	sdelay $0x1  }
0x20d: {  	[sflag:s25] =	ssyncset.done $0x0  }
0x20e: {  	[sflag:s25] =	ssyncadd.s32 $0xFFFFFC00  }
0x20f: {  	_ =	sfence.sel $0x180000  }
0x210: {  	[bflag:$0x0] =	sbarrier.arrive $0xFFFF  }
0x211: {  	_ =	strace $0x9000004A  }
0x212: {  	s0 =	stileid.u32;
	[bflag:$0x2] =	sbarrier.arrive $0xFFFF  }
0x213: {  	p0 =	sne.s32 s0, $0x0;
	s0 =	rddreg [dreg:$0x3]  }
0x214: {  	s0 =	sadd.s32 @!p0 $0x100000, s0  }
0x215: {  	[sflag:s0] =	ssyncadd.tile.s32 @!p0 $0x1;
	_ =	shalt  }
.Lfunc_end2:
_tile_overlayer_lowered:
.L_overlay_start_2:
0x216: {  	(tag) =	ssettag $0x2  }
0x217: {  	s0 =	rddreg [dreg:$0x0];
	s2 =	stileid.u32  }
0x218: {  	s1 =	rddreg [dreg:$0x1];
	p0 =	sne.s32 s2, $0x0  }
0x219: {  	s3 =	rddreg [dreg:$0x2];
	[bflag:$0x3] =	sbarrier.arrive $0xFFFF;
	s2 =	simm.s32 @!p0 $0x1C0B  }
0x21a: {  	[timem:s3], [sflag:s2] =	dma.local @!p0 [hbm:s0], s1  }
0x21b: {  	s0 =	simm.s32 @!p0 $0xB  }
0x21c: {  	_ =	swait.ge @!p0 [sflag:s0], s1  }
0x21d: {  	s1 =	ssub.s32 @!p0 $0x0, s1;
	[sflag:s0] =	ssyncset.done @!p0 $0x0  }
0x21e: {  	[sflag:s0] =	ssyncadd.s32 @!p0 s1  }
0x21f: {  	[bflag:$0x3] =	sbarrier.arrive $0xFFFF  }
0x220: {  	_ =	shalt  }

</sc_bundles>
